<compile_context>
chip_gen: v7x
topology: tpu7x:2x2x1
jax: 0.10.2.dev20260603
libtpu: 0.0.44.dev20260713+nightly
codegen_flags: <defaults>
</compile_context>

<pallas_src>
import functools

import jax
import jax.numpy as jnp
from jax import lax
from jax.experimental import pallas as pl
from jax.experimental.pallas import tpu as pltpu
from jax.experimental.pallas import tpu_sc as plsc

N = 10000
NP = N
E = 320000
NW = 32
TOT = E // 128
RPT = NP // 16
RING = 8
RING_D = 4
CMAX = 79

_SELU_ALPHA = 1.6732632423543772
_SELU_SCALE = 1.0507009873554805


def _selu(z):
    return _SELU_SCALE * jnp.where(z > 0, z, _SELU_ALPHA * (jnp.exp(z) - 1.0))


def _sc_mesh():
    return plsc.VectorSubcoreMesh(core_axis_name="c", subcore_axis_name="s")


def _edge_range(c, s):
    base = 156 * s + jnp.minimum(s, 4)
    cnt0 = jnp.where(s < 4, 79, 78)
    start = jnp.where(c == 0, base, base + cnt0)
    cnt = jnp.where(c == 0, cnt0, 78)
    return start, cnt


def _load_idx(src_hbm, dst_hbm, src_v, dst_v, start, big):
    @pl.when(big)
    def _big():
        pltpu.sync_copy(src_hbm.at[pl.ds(start, 79)], src_v.at[pl.ds(0, 79)])
        pltpu.sync_copy(dst_hbm.at[pl.ds(start, 79)], dst_v.at[pl.ds(0, 79)])

    @pl.when(jnp.logical_not(big))
    def _small():
        pltpu.sync_copy(src_hbm.at[pl.ds(start, 78)], src_v.at[pl.ds(0, 78)])
        pltpu.sync_copy(dst_hbm.at[pl.ds(start, 78)], dst_v.at[pl.ds(0, 78)])


def _deg_kernel(dst_r, ones_blk, zeros_blk):
    @functools.partial(
        pl.kernel,
        mesh=_sc_mesh(),
        compiler_params=pltpu.CompilerParams(use_tc_tiling_on_sc=False),
        out_type=jax.ShapeDtypeStruct((2, NP, 8), jnp.float32),
        scratch_types=[
            pltpu.VMEM((CMAX, 128), jnp.int32),
            pltpu.VMEM((128, 8), jnp.float32),
            pltpu.VMEM((RPT, 8), jnp.float32),
            pltpu.VMEM_SHARED((NP, 8), jnp.float32),
        ],
    )
    def k(dst_hbm, ones_hbm, zeros_hbm, out_hbm, dst_v, ones_v, stage_v, acc_sh):
        c = lax.axis_index("c")
        s = lax.axis_index("s")
        wid = c * 16 + s
        cnt = jnp.where(wid < 4, 79, 78)
        start = 78 * wid + jnp.minimum(wid, 4)
        pltpu.sync_copy(zeros_hbm, stage_v)
        pltpu.sync_copy(stage_v, acc_sh.at[pl.ds(s * RPT, RPT)])
        pltpu.sync_copy(ones_hbm, ones_v)

        @pl.when(wid < 4)
        def _big():
            pltpu.sync_copy(dst_hbm.at[pl.ds(start, 79)],
                            dst_v.at[pl.ds(0, 79)])

        @pl.when(wid >= 4)
        def _small():
            pltpu.sync_copy(dst_hbm.at[pl.ds(start, 78)],
                            dst_v.at[pl.ds(0, 78)])

        plsc.subcore_barrier()

        def body(j, carry):
            pltpu.sync_copy(ones_v, acc_sh.at[dst_v.at[j]], add=True)
            return carry

        lax.fori_loop(0, cnt, body, 0)
        plsc.subcore_barrier()
        pltpu.sync_copy(acc_sh.at[pl.ds(s * RPT, RPT)], stage_v)
        pltpu.sync_copy(stage_v, out_hbm.at[c, pl.ds(s * RPT, RPT)])

    return k(dst_r, ones_blk, zeros_blk)


def _make_agg(fp, spmem_g):
    scratch = [
        pltpu.VMEM((CMAX, 128), jnp.int32),
        pltpu.VMEM((CMAX, 128), jnp.int32),
        pltpu.VMEM((RING, 128, fp), jnp.float32),
        pltpu.VMEM((RPT, fp), jnp.float32),
        pltpu.VMEM_SHARED((NP, fp), jnp.float32),
        pltpu.SemaphoreType.DMA((RING,)),
        pltpu.SemaphoreType.DMA((RING,)),
    ]
    if spmem_g:
        scratch.append(pltpu.VMEM_SHARED((NP, fp), jnp.float32))

    @functools.partial(
        pl.kernel,
        mesh=_sc_mesh(),
        compiler_params=pltpu.CompilerParams(use_tc_tiling_on_sc=False),
        out_type=jax.ShapeDtypeStruct((2, NP, fp), jnp.float32),
        scratch_types=scratch,
    )
    def k(src_hbm, dst_hbm, g_hbm, zeros_hbm, out_hbm,
          src_v, dst_v, rows_v, stage_v, acc_sh, gsem, ssem, *maybe_gsh):
        c = lax.axis_index("c")
        s = lax.axis_index("s")
        start, cnt = _edge_range(c, s)
        if spmem_g:
            g_sh = maybe_gsh[0]
            pltpu.sync_copy(g_hbm.at[pl.ds(s * RPT, RPT)], stage_v)
            pltpu.sync_copy(stage_v, g_sh.at[pl.ds(s * RPT, RPT)])

            @pl.when(c == 0)
            def _seed0():
                pltpu.sync_copy(stage_v, acc_sh.at[pl.ds(s * RPT, RPT)])
        else:
            g_sh = g_hbm

            @pl.when(c == 0)
            def _seed0():
                pltpu.sync_copy(g_hbm.at[pl.ds(s * RPT, RPT)], stage_v)
                pltpu.sync_copy(stage_v, acc_sh.at[pl.ds(s * RPT, RPT)])

        @pl.when(c == 1)
        def _seed1():
            pltpu.sync_copy(zeros_hbm, stage_v)
            pltpu.sync_copy(stage_v, acc_sh.at[pl.ds(s * RPT, RPT)])

        _load_idx(src_hbm, dst_hbm, src_v, dst_v, start, (c == 0) & (s < 4))
        plsc.subcore_barrier()

        for t in range(RING - 1):
            pltpu.async_copy(g_sh.at[src_v.at[t]], rows_v.at[t], gsem.at[t])

        def body(j, carry):
            slot = lax.rem(j, RING)
            pltpu.make_async_copy(
                g_sh.at[src_v.at[j]], rows_v.at[slot], gsem.at[slot]).wait()
            pltpu.async_copy(
                rows_v.at[slot], acc_sh.at[dst_v.at[j]], ssem.at[slot], add=True)
            f = j + RING - 1

            @pl.when(f < cnt)
            def _fire():
                fslot = lax.rem(f, RING)

                @pl.when(j >= 1)
                def _drain_prev():
                    pltpu.make_async_copy(
                        rows_v.at[fslot], acc_sh.at[dst_v.at[j - 1]],
                        ssem.at[fslot]).wait()

                pltpu.async_copy(
                    g_sh.at[src_v.at[f]], rows_v.at[fslot], gsem.at[fslot])

            return carry

        lax.fori_loop(0, cnt, body, 0)

        def drain(i, carry):
            t = cnt - RING + i
            st = lax.rem(t, RING)
            pltpu.make_async_copy(
                rows_v.at[st], acc_sh.at[dst_v.at[t]], ssem.at[st]).wait()
            return carry

        lax.fori_loop(0, RING, drain, 0)
        plsc.subcore_barrier()
        pltpu.sync_copy(acc_sh.at[pl.ds(s * RPT, RPT)], stage_v)
        pltpu.sync_copy(stage_v, out_hbm.at[c, pl.ds(s * RPT, RPT)])

    return k


def _agg48_dual():
    @functools.partial(
        pl.kernel,
        mesh=_sc_mesh(),
        compiler_params=pltpu.CompilerParams(use_tc_tiling_on_sc=False),
        out_type=(
            jax.ShapeDtypeStruct((2, NP, 32), jnp.float32),
            jax.ShapeDtypeStruct((2, NP, 16), jnp.float32),
        ),
        scratch_types=[
            pltpu.VMEM((CMAX, 128), jnp.int32),
            pltpu.VMEM((CMAX, 128), jnp.int32),
            pltpu.VMEM((RING_D, 128, 32), jnp.float32),
            pltpu.VMEM((RING_D, 128, 16), jnp.float32),
            pltpu.VMEM((RPT, 32), jnp.float32),
            pltpu.VMEM((RPT, 16), jnp.float32),
            pltpu.VMEM_SHARED((NP, 32), jnp.float32),
            pltpu.VMEM_SHARED((NP, 16), jnp.float32),
            pltpu.VMEM_SHARED((NP, 32), jnp.float32),
            pltpu.SemaphoreType.DMA((RING_D,)),
            pltpu.SemaphoreType.DMA((RING_D,)),
            pltpu.SemaphoreType.DMA((RING_D,)),
            pltpu.SemaphoreType.DMA((RING_D,)),
        ],
    )
    def k(src_hbm, dst_hbm, ga_hbm, gb_hbm, za_hbm, zb_hbm, outa_hbm, outb_hbm,
          src_v, dst_v, rows_a, rows_b, stage_a, stage_b,
          acc_a, acc_b, g_sh, gsa, gsb, ssa, ssb):
        c = lax.axis_index("c")
        s = lax.axis_index("s")
        start, cnt = _edge_range(c, s)
        pltpu.sync_copy(ga_hbm.at[pl.ds(s * RPT, RPT)], stage_a)
        pltpu.sync_copy(stage_a, g_sh.at[pl.ds(s * RPT, RPT)])

        @pl.when(c == 0)
        def _seed0():
            pltpu.sync_copy(stage_a, acc_a.at[pl.ds(s * RPT, RPT)])
            pltpu.sync_copy(gb_hbm.at[pl.ds(s * RPT, RPT)], stage_b)
            pltpu.sync_copy(stage_b, acc_b.at[pl.ds(s * RPT, RPT)])

        @pl.when(c == 1)
        def _seed1():
            pltpu.sync_copy(za_hbm, stage_a)
            pltpu.sync_copy(stage_a, acc_a.at[pl.ds(s * RPT, RPT)])
            pltpu.sync_copy(zb_hbm, stage_b)
            pltpu.sync_copy(stage_b, acc_b.at[pl.ds(s * RPT, RPT)])

        _load_idx(src_hbm, dst_hbm, src_v, dst_v, start, (c == 0) & (s < 4))
        plsc.subcore_barrier()

        for t in range(RING_D - 1):
            pltpu.async_copy(g_sh.at[src_v.at[t]], rows_a.at[t], gsa.at[t])
            pltpu.async_copy(gb_hbm.at[src_v.at[t]], rows_b.at[t], gsb.at[t])

        def body(j, carry):
            slot = lax.rem(j, RING_D)
            pltpu.make_async_copy(
                g_sh.at[src_v.at[j]], rows_a.at[slot], gsa.at[slot]).wait()
            pltpu.async_copy(
                rows_a.at[slot], acc_a.at[dst_v.at[j]], ssa.at[slot], add=True)
            pltpu.make_async_copy(
                gb_hbm.at[src_v.at[j]], rows_b.at[slot], gsb.at[slot]).wait()
            pltpu.async_copy(
                rows_b.at[slot], acc_b.at[dst_v.at[j]], ssb.at[slot], add=True)
            f = j + RING_D - 1

            @pl.when(f < cnt)
            def _fire():
                fslot = lax.rem(f, RING_D)

                @pl.when(j >= 1)
                def _drain_prev():
                    pltpu.make_async_copy(
                        rows_a.at[fslot], acc_a.at[dst_v.at[j - 1]],
                        ssa.at[fslot]).wait()
                    pltpu.make_async_copy(
                        rows_b.at[fslot], acc_b.at[dst_v.at[j - 1]],
                        ssb.at[fslot]).wait()

                pltpu.async_copy(
                    g_sh.at[src_v.at[f]], rows_a.at[fslot], gsa.at[fslot])
                pltpu.async_copy(
                    gb_hbm.at[src_v.at[f]], rows_b.at[fslot], gsb.at[fslot])

            return carry

        lax.fori_loop(0, cnt, body, 0)

        def drain(i, carry):
            t = cnt - RING_D + i
            st = lax.rem(t, RING_D)
            pltpu.make_async_copy(
                rows_a.at[st], acc_a.at[dst_v.at[t]], ssa.at[st]).wait()
            pltpu.make_async_copy(
                rows_b.at[st], acc_b.at[dst_v.at[t]], ssb.at[st]).wait()
            return carry

        lax.fori_loop(0, RING_D, drain, 0)
        plsc.subcore_barrier()
        pltpu.sync_copy(acc_a.at[pl.ds(s * RPT, RPT)], stage_a)
        pltpu.sync_copy(stage_a, outa_hbm.at[c, pl.ds(s * RPT, RPT)])
        pltpu.sync_copy(acc_b.at[pl.ds(s * RPT, RPT)], stage_b)
        pltpu.sync_copy(stage_b, outb_hbm.at[c, pl.ds(s * RPT, RPT)])

    return k


def _tc_first(degp, xp, w1p):
    def body(p_ref, x_ref, w_ref, g_ref, dis_ref):
        deg = (p_ref[0] + p_ref[1])[:, 0:1] + 1.0
        dis = lax.rsqrt(deg)
        dis_ref[...] = dis
        h = jnp.dot(x_ref[...], w_ref[...], preferred_element_type=jnp.float32)
        g_ref[...] = h * dis

    return pl.pallas_call(
        body,
        out_shape=(
            jax.ShapeDtypeStruct((NP, 16), jnp.float32),
            jax.ShapeDtypeStruct((NP, 1), jnp.float32),
        ),
    )(degp, xp, w1p)


def _tc_mid(parts, dis, bp, wp, fout):
    def body(p_ref, dis_ref, b_ref, w_ref, gout_ref):
        agg = p_ref[0] + p_ref[1]
        a = _selu(dis_ref[...] * agg + b_ref[...])
        h = jnp.dot(a, w_ref[...], preferred_element_type=jnp.float32)
        gout_ref[...] = h * dis_ref[...]

    return pl.pallas_call(
        body,
        out_shape=jax.ShapeDtypeStruct((NP, fout), jnp.float32),
    )(parts, dis, bp, wp)


def _tc_mid_split(parts, dis, bp, wp):
    def body(p_ref, dis_ref, b_ref, w_ref, ga_ref, gb_ref):
        agg = p_ref[0] + p_ref[1]
        a = _selu(dis_ref[...] * agg + b_ref[...])
        h = jnp.dot(a, w_ref[...], preferred_element_type=jnp.float32)
        g = h * dis_ref[...]
        ga_ref[...] = g[:, :32]
        gb_ref[...] = g[:, 32:]

    return pl.pallas_call(
        body,
        out_shape=(
            jax.ShapeDtypeStruct((NP, 32), jnp.float32),
            jax.ShapeDtypeStruct((NP, 16), jnp.float32),
        ),
    )(parts, dis, bp, wp)


def _tc_last(parts_a, parts_b, dis, bp):
    def body(pa_ref, pb_ref, dis_ref, b_ref, out_ref):
        agg = jnp.concatenate(
            [pa_ref[0] + pa_ref[1], pb_ref[0] + pb_ref[1]], axis=1)
        out_ref[...] = _selu(dis_ref[...] * agg + b_ref[...])[:, :36]

    return pl.pallas_call(
        body,
        out_shape=jax.ShapeDtypeStruct((N, 36), jnp.float32),
    )(parts_a, parts_b, dis, bp)


def _pad2(a, r, c):
    return jnp.pad(a, ((0, r - a.shape[0]), (0, c - a.shape[1])))


def kernel(x, edge_index, W1, b1, W2, b2, W3, b3, W4, b4):
    src_r = edge_index[0].reshape(TOT, 128)
    dst_r = edge_index[1].reshape(TOT, 128)
    w1p = _pad2(W1, 128, 16)
    w2p = _pad2(W2, 16, 32)
    w3p = _pad2(W3, 32, 32)
    w4p = _pad2(W4, 32, 48)
    b1p = jnp.pad(b1, (0, 16 - 15)).reshape(1, 16)
    b2p = jnp.pad(b2, (0, 32 - 20)).reshape(1, 32)
    b3p = jnp.pad(b3, (0, 32 - 27)).reshape(1, 32)
    b4p = jnp.pad(b4, (0, 48 - 36)).reshape(1, 48)

    ones8 = jnp.ones((128, 8), jnp.float32)
    zeros8 = jnp.zeros((RPT, 8), jnp.float32)
    zeros = {f: jnp.zeros((RPT, f), jnp.float32) for f in (16, 32)}

    degp = _deg_kernel(dst_r, ones8, zeros8)
    g1, dis = _tc_first(degp, x, w1p)

    p1 = _make_agg(16, True)(src_r, dst_r, g1, zeros[16])
    g2 = _tc_mid(p1, dis, b1p, w2p, 32)
    p2 = _make_agg(32, True)(src_r, dst_r, g2, zeros[32])
    g3 = _tc_mid(p2, dis, b2p, w3p, 32)
    p3 = _make_agg(32, True)(src_r, dst_r, g3, zeros[32])
    g4a, g4b = _tc_mid_split(p3, dis, b3p, w4p)
    p4a, p4b = _agg48_dual()(src_r, dst_r, g4a, g4b, zeros[32], zeros[16])
    return _tc_last(p4a, p4b, dis, b4p)

# --- scband reference (transcript-rebuilt; emitter-appended) ---
"""Pipeline reference for scband-gcn-45277545235000 (READ-ONLY COPY).

The authoritative reference and input builder live on the scoring server;
editing this copy changes nothing except your own understanding.
"""

import jax, jax.numpy as jnp
import numpy as np

N = 10000
E = 320000
D_IN = 128
LAYER_DIMS = [(D_IN, 15), (15, 20), (20, 27), (27, 36)]


def setup_inputs(seed: int = 0) -> dict:
    key = jax.random.key(seed)
    ks = jax.random.split(key, 2 + 2 * len(LAYER_DIMS))
    x = jax.random.normal(ks[0], (N, D_IN), dtype=jnp.float32)
    edge_index = jax.random.randint(ks[1], (2, E), 0, N, dtype=jnp.int32)
    inp = {"x": x, "edge_index": edge_index}
    for i, (fin, fout) in enumerate(LAYER_DIMS):
        W = jax.random.normal(ks[2 + 2 * i], (fin, fout), dtype=jnp.float32) * (1.0 / np.sqrt(fin))
        b = jnp.zeros((fout,), dtype=jnp.float32)
        inp[f"W{i+1}"] = W
        inp[f"b{i+1}"] = b
    return inp


def gcn_conv(x, edge_index, W, b):
    # Faithful PyG GCNConv: add self-loops, symmetric normalization D^-1/2 (A+I) D^-1/2 X W + b
    n = x.shape[0]
    loop = jnp.arange(n, dtype=edge_index.dtype)
    src = jnp.concatenate([edge_index[0], loop])
    dst = jnp.concatenate([edge_index[1], loop])
    deg = jnp.zeros((n,), dtype=x.dtype).at[dst].add(1.0)
    deg_inv_sqrt = jnp.where(deg > 0, jax.lax.rsqrt(jnp.maximum(deg, 1e-12)), 0.0)
    norm = deg_inv_sqrt[src] * deg_inv_sqrt[dst]
    h = x @ W
    msg = h[src] * norm[:, None]
    out = jax.ops.segment_sum(msg, dst, num_segments=n)
    return out + b


def reference(x, edge_index, W1, b1, W2, b2, W3, b3, W4, b4):
    h = jax.nn.selu(gcn_conv(x, edge_index, W1, b1))
    h = jax.nn.selu(gcn_conv(h, edge_index, W2, b2))
    h = jax.nn.selu(gcn_conv(h, edge_index, W3, b3))
    h = jax.nn.selu(gcn_conv(h, edge_index, W4, b4))
    return h

if __name__ == "__main__":
    import jax
    _d = setup_inputs()
    print(jax.jit(kernel)(*tuple(_d.values())))

</pallas_src>

<mosaic_0001>
#map = affine_map<(d0, d1) -> (0, 0)>
#map1 = affine_map<(d0, d1) -> (0, 0, 0)>
module attributes {stable_mosaic.version = 14 : i64} {
  func.func @k(%arg0: i32, %arg1: i32, %arg2: memref<2500x128xi32, #tpu.memory_space<hbm>>, %arg3: memref<2500x128xi32, #tpu.memory_space<hbm>>, %arg4: memref<10000x32xf32, #tpu.memory_space<hbm>>, %arg5: memref<625x32xf32, #tpu.memory_space<hbm>>, %arg6: memref<2x10000x32xf32, #tpu.memory_space<hbm>>, %arg7: memref<79x128xi32, #tpu.memory_space<vmem>>, %arg8: memref<79x128xi32, #tpu.memory_space<vmem>>, %arg9: memref<8x128x32xf32, #tpu.memory_space<vmem>>, %arg10: memref<625x32xf32, #tpu.memory_space<vmem>>, %arg11: memref<10000x32xf32, #tpu.memory_space<vmem_shared>>, %arg12: memref<8x!tpu.dma_semaphore, #tpu.memory_space<semaphore_mem>>, %arg13: memref<8x!tpu.dma_semaphore, #tpu.memory_space<semaphore_mem>>, %arg14: memref<10000x32xf32, #tpu.memory_space<vmem_shared>>) attributes {dimension_semantics = [#tpu.dimension_semantics<core_parallel>, #tpu.dimension_semantics<subcore_parallel>], iteration_bounds = array<i64: 2, 16>, scalar_prefetch = 0 : i64, scratch_operands = 8 : i64, tpu.core_type = #tpu.core_type<sc_vector_subcore>, window_params = [{transform_indices = #map}, {transform_indices = #map}, {transform_indices = #map}, {transform_indices = #map}, {transform_indices = #map1}]} {
    %mul3A = arith.constant 156 : i32
    %mul3A_0 = arith.muli %mul3A, %arg1 : i32
    %min3A = arith.constant 4 : i32
    %min3A_1 = arith.minsi %arg1, %min3A : i32
    %add3A = arith.addi %mul3A_0, %min3A_1 : i32
    %lt3A = arith.constant 4 : i32
    %lt3A_2 = arith.cmpi slt, %arg1, %lt3A : i32
    %jit3A = arith.constant 79 : i32
    %jit3A_3 = arith.constant 78 : i32
    %select_n3A = arith.select %lt3A_2, %jit3A, %jit3A_3 : i32
    %eq3A = arith.constant 0 : i32
    %eq3A_4 = arith.cmpi eq, %arg0, %eq3A : i32
    %add3A_5 = arith.addi %add3A, %select_n3A : i32
    %select_n3A_6 = arith.select %eq3A_4, %add3A, %add3A_5 : i32
    %eq3A_7 = arith.constant 0 : i32
    %eq3A_8 = arith.cmpi eq, %arg0, %eq3A_7 : i32
    %jit3A_9 = arith.constant 78 : i32
    %select_n3A_10 = arith.select %eq3A_8, %select_n3A, %jit3A_9 : i32
    %mul3A_11 = arith.constant 625 : i32
    %mul3A_12 = arith.muli %arg1, %mul3A_11 : i32
    "tpu.region"() ({
      %run_scoped3A = tpu.sem_alloc : memref<!tpu.dma_semaphore, #tpu.memory_space<semaphore_mem>>
      %dma_start3A_157 = arith.constant 0 : i32
      %dma_start3A_158 = tpu.memref_slice %arg4[%mul3A_12, %dma_start3A_157] : memref<10000x32xf32, #tpu.memory_space<hbm>> -> memref<625x32xf32, #tpu.memory_space<hbm>>
      %dma_start3A_159 = arith.constant 0 : i32
      %dma_start3A_160 = tpu.memref_slice %arg4[%mul3A_12, %dma_start3A_159] : memref<10000x32xf32, #tpu.memory_space<hbm>> -> memref<625x32xf32, #tpu.memory_space<hbm>>
      tpu.enqueue_dma source(%dma_start3A_160 : memref<625x32xf32, #tpu.memory_space<hbm>>) target(%arg10 : memref<625x32xf32, #tpu.memory_space<vmem>>) target_semaphore(%run_scoped3A : memref<!tpu.dma_semaphore, #tpu.memory_space<semaphore_mem>>)
      %dma_wait3A = arith.constant 0 : i32
      %dma_wait3A_161 = tpu.memref_slice %arg4[%mul3A_12, %dma_wait3A] : memref<10000x32xf32, #tpu.memory_space<hbm>> -> memref<625x32xf32, #tpu.memory_space<hbm>>
      %dma_wait3A_162 = arith.constant 0 : i32
      %dma_wait3A_163 = tpu.memref_slice %arg4[%mul3A_12, %dma_wait3A_162] : memref<10000x32xf32, #tpu.memory_space<hbm>> -> memref<625x32xf32, #tpu.memory_space<hbm>>
      tpu.wait_dma2 semaphore(%run_scoped3A : memref<!tpu.dma_semaphore, #tpu.memory_space<semaphore_mem>>) src(%dma_wait3A_163 : memref<625x32xf32, #tpu.memory_space<hbm>>) dst(%arg10 : memref<625x32xf32, #tpu.memory_space<vmem>>)
      tpu.yield
    }) : () -> ()
    %mul3A_13 = arith.constant 625 : i32
    %mul3A_14 = arith.muli %arg1, %mul3A_13 : i32
    "tpu.region"() ({
      %run_scoped3A = tpu.sem_alloc : memref<!tpu.dma_semaphore, #tpu.memory_space<semaphore_mem>>
      %dma_start3A_157 = arith.constant 0 : i32
      %dma_start3A_158 = tpu.memref_slice %arg14[%mul3A_14, %dma_start3A_157] : memref<10000x32xf32, #tpu.memory_space<vmem_shared>> -> memref<625x32xf32, #tpu.memory_space<vmem_shared>>
      %dma_start3A_159 = arith.constant 0 : i32
      %dma_start3A_160 = tpu.memref_slice %arg14[%mul3A_14, %dma_start3A_159] : memref<10000x32xf32, #tpu.memory_space<vmem_shared>> -> memref<625x32xf32, #tpu.memory_space<vmem_shared>>
      tpu.enqueue_dma source(%arg10 : memref<625x32xf32, #tpu.memory_space<vmem>>) target(%dma_start3A_160 : memref<625x32xf32, #tpu.memory_space<vmem_shared>>) target_semaphore(%run_scoped3A : memref<!tpu.dma_semaphore, #tpu.memory_space<semaphore_mem>>)
      %dma_wait3A = arith.constant 0 : i32
      %dma_wait3A_161 = tpu.memref_slice %arg14[%mul3A_14, %dma_wait3A] : memref<10000x32xf32, #tpu.memory_space<vmem_shared>> -> memref<625x32xf32, #tpu.memory_space<vmem_shared>>
      %dma_wait3A_162 = arith.constant 0 : i32
      %dma_wait3A_163 = tpu.memref_slice %arg14[%mul3A_14, %dma_wait3A_162] : memref<10000x32xf32, #tpu.memory_space<vmem_shared>> -> memref<625x32xf32, #tpu.memory_space<vmem_shared>>
      tpu.wait_dma2 semaphore(%run_scoped3A : memref<!tpu.dma_semaphore, #tpu.memory_space<semaphore_mem>>) src(%arg10 : memref<625x32xf32, #tpu.memory_space<vmem>>) dst(%dma_wait3A_163 : memref<625x32xf32, #tpu.memory_space<vmem_shared>>)
      tpu.yield
    }) : () -> ()
    %eq3A_15 = arith.constant 0 : i32
    %eq3A_16 = arith.cmpi eq, %arg0, %eq3A_15 : i32
    %convert_element_type3A = arith.extui %eq3A_16 : i1 to i32
    %cond3A = arith.constant 0 : i32
    %cond3A_17 = arith.cmpi ne, %convert_element_type3A, %cond3A : i32
    scf.if %cond3A_17 {
      %mul3A_157 = arith.constant 625 : i32
      %mul3A_158 = arith.muli %arg1, %mul3A_157 : i32
      "tpu.region"() ({
        %run_scoped3A = tpu.sem_alloc : memref<!tpu.dma_semaphore, #tpu.memory_space<semaphore_mem>>
        %dma_start3A_159 = arith.constant 0 : i32
        %dma_start3A_160 = tpu.memref_slice %arg11[%mul3A_158, %dma_start3A_159] : memref<10000x32xf32, #tpu.memory_space<vmem_shared>> -> memref<625x32xf32, #tpu.memory_space<vmem_shared>>
        %dma_start3A_161 = arith.constant 0 : i32
        %dma_start3A_162 = tpu.memref_slice %arg11[%mul3A_158, %dma_start3A_161] : memref<10000x32xf32, #tpu.memory_space<vmem_shared>> -> memref<625x32xf32, #tpu.memory_space<vmem_shared>>
        tpu.enqueue_dma source(%arg10 : memref<625x32xf32, #tpu.memory_space<vmem>>) target(%dma_start3A_162 : memref<625x32xf32, #tpu.memory_space<vmem_shared>>) target_semaphore(%run_scoped3A : memref<!tpu.dma_semaphore, #tpu.memory_space<semaphore_mem>>)
        %dma_wait3A = arith.constant 0 : i32
        %dma_wait3A_163 = tpu.memref_slice %arg11[%mul3A_158, %dma_wait3A] : memref<10000x32xf32, #tpu.memory_space<vmem_shared>> -> memref<625x32xf32, #tpu.memory_space<vmem_shared>>
        %dma_wait3A_164 = arith.constant 0 : i32
        %dma_wait3A_165 = tpu.memref_slice %arg11[%mul3A_158, %dma_wait3A_164] : memref<10000x32xf32, #tpu.memory_space<vmem_shared>> -> memref<625x32xf32, #tpu.memory_space<vmem_shared>>
        tpu.wait_dma2 semaphore(%run_scoped3A : memref<!tpu.dma_semaphore, #tpu.memory_space<semaphore_mem>>) src(%arg10 : memref<625x32xf32, #tpu.memory_space<vmem>>) dst(%dma_wait3A_165 : memref<625x32xf32, #tpu.memory_space<vmem_shared>>)
        tpu.yield
      }) : () -> ()
    } else {
    }
    %eq3A_18 = arith.constant 1 : i32
    %eq3A_19 = arith.cmpi eq, %arg0, %eq3A_18 : i32
    %convert_element_type3A_20 = arith.extui %eq3A_19 : i1 to i32
    %cond3A_21 = arith.constant 0 : i32
    %cond3A_22 = arith.cmpi ne, %convert_element_type3A_20, %cond3A_21 : i32
    scf.if %cond3A_22 {
      "tpu.region"() ({
        %run_scoped3A = tpu.sem_alloc : memref<!tpu.dma_semaphore, #tpu.memory_space<semaphore_mem>>
        tpu.enqueue_dma source(%arg5 : memref<625x32xf32, #tpu.memory_space<hbm>>) target(%arg10 : memref<625x32xf32, #tpu.memory_space<vmem>>) target_semaphore(%run_scoped3A : memref<!tpu.dma_semaphore, #tpu.memory_space<semaphore_mem>>)
        tpu.wait_dma2 semaphore(%run_scoped3A : memref<!tpu.dma_semaphore, #tpu.memory_space<semaphore_mem>>) src(%arg5 : memref<625x32xf32, #tpu.memory_space<hbm>>) dst(%arg10 : memref<625x32xf32, #tpu.memory_space<vmem>>)
        tpu.yield
      }) : () -> ()
      %mul3A_157 = arith.constant 625 : i32
      %mul3A_158 = arith.muli %arg1, %mul3A_157 : i32
      "tpu.region"() ({
        %run_scoped3A = tpu.sem_alloc : memref<!tpu.dma_semaphore, #tpu.memory_space<semaphore_mem>>
        %dma_start3A_159 = arith.constant 0 : i32
        %dma_start3A_160 = tpu.memref_slice %arg11[%mul3A_158, %dma_start3A_159] : memref<10000x32xf32, #tpu.memory_space<vmem_shared>> -> memref<625x32xf32, #tpu.memory_space<vmem_shared>>
        %dma_start3A_161 = arith.constant 0 : i32
        %dma_start3A_162 = tpu.memref_slice %arg11[%mul3A_158, %dma_start3A_161] : memref<10000x32xf32, #tpu.memory_space<vmem_shared>> -> memref<625x32xf32, #tpu.memory_space<vmem_shared>>
        tpu.enqueue_dma source(%arg10 : memref<625x32xf32, #tpu.memory_space<vmem>>) target(%dma_start3A_162 : memref<625x32xf32, #tpu.memory_space<vmem_shared>>) target_semaphore(%run_scoped3A : memref<!tpu.dma_semaphore, #tpu.memory_space<semaphore_mem>>)
        %dma_wait3A = arith.constant 0 : i32
        %dma_wait3A_163 = tpu.memref_slice %arg11[%mul3A_158, %dma_wait3A] : memref<10000x32xf32, #tpu.memory_space<vmem_shared>> -> memref<625x32xf32, #tpu.memory_space<vmem_shared>>
        %dma_wait3A_164 = arith.constant 0 : i32
        %dma_wait3A_165 = tpu.memref_slice %arg11[%mul3A_158, %dma_wait3A_164] : memref<10000x32xf32, #tpu.memory_space<vmem_shared>> -> memref<625x32xf32, #tpu.memory_space<vmem_shared>>
        tpu.wait_dma2 semaphore(%run_scoped3A : memref<!tpu.dma_semaphore, #tpu.memory_space<semaphore_mem>>) src(%arg10 : memref<625x32xf32, #tpu.memory_space<vmem>>) dst(%dma_wait3A_165 : memref<625x32xf32, #tpu.memory_space<vmem_shared>>)
        tpu.yield
      }) : () -> ()
    } else {
    }
    %eq3A_23 = arith.constant 0 : i32
    %eq3A_24 = arith.cmpi eq, %arg0, %eq3A_23 : i32
    %lt3A_25 = arith.constant 4 : i32
    %lt3A_26 = arith.cmpi slt, %arg1, %lt3A_25 : i32
    %and3A = arith.andi %eq3A_24, %lt3A_26 : i1
    %convert_element_type3A_27 = arith.extui %and3A : i1 to i32
    %cond3A_28 = arith.constant 0 : i32
    %cond3A_29 = arith.cmpi ne, %convert_element_type3A_27, %cond3A_28 : i32
    scf.if %cond3A_29 {
      "tpu.region"() ({
        %run_scoped3A = tpu.sem_alloc : memref<!tpu.dma_semaphore, #tpu.memory_space<semaphore_mem>>
        %dma_start3A_157 = arith.constant 0 : i32
        %dma_start3A_158 = arith.constant 0 : i32
        %dma_start3A_159 = tpu.memref_slice %arg7[%dma_start3A_157, %dma_start3A_158] : memref<79x128xi32, #tpu.memory_space<vmem>> -> memref<79x128xi32, #tpu.memory_space<vmem>>
        %dma_start3A_160 = arith.constant 0 : i32
        %dma_start3A_161 = tpu.memref_slice %arg2[%select_n3A_6, %dma_start3A_160] : memref<2500x128xi32, #tpu.memory_space<hbm>> -> memref<79x128xi32, #tpu.memory_space<hbm>>
        %dma_start3A_162 = arith.constant 0 : i32
        %dma_start3A_163 = arith.constant 0 : i32
        %dma_start3A_164 = tpu.memref_slice %arg7[%dma_start3A_162, %dma_start3A_163] : memref<79x128xi32, #tpu.memory_space<vmem>> -> memref<79x128xi32, #tpu.memory_space<vmem>>
        %dma_start3A_165 = arith.constant 0 : i32
        %dma_start3A_166 = tpu.memref_slice %arg2[%select_n3A_6, %dma_start3A_165] : memref<2500x128xi32, #tpu.memory_space<hbm>> -> memref<79x128xi32, #tpu.memory_space<hbm>>
        tpu.enqueue_dma source(%dma_start3A_166 : memref<79x128xi32, #tpu.memory_space<hbm>>) target(%dma_start3A_164 : memref<79x128xi32, #tpu.memory_space<vmem>>) target_semaphore(%run_scoped3A : memref<!tpu.dma_semaphore, #tpu.memory_space<semaphore_mem>>)
        %dma_wait3A = arith.constant 0 : i32
        %dma_wait3A_167 = arith.constant 0 : i32
        %dma_wait3A_168 = tpu.memref_slice %arg7[%dma_wait3A, %dma_wait3A_167] : memref<79x128xi32, #tpu.memory_space<vmem>> -> memref<79x128xi32, #tpu.memory_space<vmem>>
        %dma_wait3A_169 = arith.constant 0 : i32
        %dma_wait3A_170 = tpu.memref_slice %arg2[%select_n3A_6, %dma_wait3A_169] : memref<2500x128xi32, #tpu.memory_space<hbm>> -> memref<79x128xi32, #tpu.memory_space<hbm>>
        %dma_wait3A_171 = arith.constant 0 : i32
        %dma_wait3A_172 = arith.constant 0 : i32
        %dma_wait3A_173 = tpu.memref_slice %arg7[%dma_wait3A_171, %dma_wait3A_172] : memref<79x128xi32, #tpu.memory_space<vmem>> -> memref<79x128xi32, #tpu.memory_space<vmem>>
        %dma_wait3A_174 = arith.constant 0 : i32
        %dma_wait3A_175 = tpu.memref_slice %arg2[%select_n3A_6, %dma_wait3A_174] : memref<2500x128xi32, #tpu.memory_space<hbm>> -> memref<79x128xi32, #tpu.memory_space<hbm>>
        tpu.wait_dma2 semaphore(%run_scoped3A : memref<!tpu.dma_semaphore, #tpu.memory_space<semaphore_mem>>) src(%dma_wait3A_175 : memref<79x128xi32, #tpu.memory_space<hbm>>) dst(%dma_wait3A_173 : memref<79x128xi32, #tpu.memory_space<vmem>>)
        tpu.yield
      }) : () -> ()
      "tpu.region"() ({
        %run_scoped3A = tpu.sem_alloc : memref<!tpu.dma_semaphore, #tpu.memory_space<semaphore_mem>>
        %dma_start3A_157 = arith.constant 0 : i32
        %dma_start3A_158 = arith.constant 0 : i32
        %dma_start3A_159 = tpu.memref_slice %arg8[%dma_start3A_157, %dma_start3A_158] : memref<79x128xi32, #tpu.memory_space<vmem>> -> memref<79x128xi32, #tpu.memory_space<vmem>>
        %dma_start3A_160 = arith.constant 0 : i32
        %dma_start3A_161 = tpu.memref_slice %arg3[%select_n3A_6, %dma_start3A_160] : memref<2500x128xi32, #tpu.memory_space<hbm>> -> memref<79x128xi32, #tpu.memory_space<hbm>>
        %dma_start3A_162 = arith.constant 0 : i32
        %dma_start3A_163 = arith.constant 0 : i32
        %dma_start3A_164 = tpu.memref_slice %arg8[%dma_start3A_162, %dma_start3A_163] : memref<79x128xi32, #tpu.memory_space<vmem>> -> memref<79x128xi32, #tpu.memory_space<vmem>>
        %dma_start3A_165 = arith.constant 0 : i32
        %dma_start3A_166 = tpu.memref_slice %arg3[%select_n3A_6, %dma_start3A_165] : memref<2500x128xi32, #tpu.memory_space<hbm>> -> memref<79x128xi32, #tpu.memory_space<hbm>>
        tpu.enqueue_dma source(%dma_start3A_166 : memref<79x128xi32, #tpu.memory_space<hbm>>) target(%dma_start3A_164 : memref<79x128xi32, #tpu.memory_space<vmem>>) target_semaphore(%run_scoped3A : memref<!tpu.dma_semaphore, #tpu.memory_space<semaphore_mem>>)
        %dma_wait3A = arith.constant 0 : i32
        %dma_wait3A_167 = arith.constant 0 : i32
        %dma_wait3A_168 = tpu.memref_slice %arg8[%dma_wait3A, %dma_wait3A_167] : memref<79x128xi32, #tpu.memory_space<vmem>> -> memref<79x128xi32, #tpu.memory_space<vmem>>
        %dma_wait3A_169 = arith.constant 0 : i32
        %dma_wait3A_170 = tpu.memref_slice %arg3[%select_n3A_6, %dma_wait3A_169] : memref<2500x128xi32, #tpu.memory_space<hbm>> -> memref<79x128xi32, #tpu.memory_space<hbm>>
        %dma_wait3A_171 = arith.constant 0 : i32
        %dma_wait3A_172 = arith.constant 0 : i32
        %dma_wait3A_173 = tpu.memref_slice %arg8[%dma_wait3A_171, %dma_wait3A_172] : memref<79x128xi32, #tpu.memory_space<vmem>> -> memref<79x128xi32, #tpu.memory_space<vmem>>
        %dma_wait3A_174 = arith.constant 0 : i32
        %dma_wait3A_175 = tpu.memref_slice %arg3[%select_n3A_6, %dma_wait3A_174] : memref<2500x128xi32, #tpu.memory_space<hbm>> -> memref<79x128xi32, #tpu.memory_space<hbm>>
        tpu.wait_dma2 semaphore(%run_scoped3A : memref<!tpu.dma_semaphore, #tpu.memory_space<semaphore_mem>>) src(%dma_wait3A_175 : memref<79x128xi32, #tpu.memory_space<hbm>>) dst(%dma_wait3A_173 : memref<79x128xi32, #tpu.memory_space<vmem>>)
        tpu.yield
      }) : () -> ()
    } else {
    }
    %not3A = arith.constant true
    %not3A_30 = arith.xori %and3A, %not3A : i1
    %convert_element_type3A_31 = arith.extui %not3A_30 : i1 to i32
    %cond3A_32 = arith.constant 0 : i32
    %cond3A_33 = arith.cmpi ne, %convert_element_type3A_31, %cond3A_32 : i32
    scf.if %cond3A_33 {
      "tpu.region"() ({
        %run_scoped3A = tpu.sem_alloc : memref<!tpu.dma_semaphore, #tpu.memory_space<semaphore_mem>>
        %dma_start3A_157 = arith.constant 0 : i32
        %dma_start3A_158 = arith.constant 0 : i32
        %dma_start3A_159 = tpu.memref_slice %arg7[%dma_start3A_157, %dma_start3A_158] : memref<79x128xi32, #tpu.memory_space<vmem>> -> memref<78x128xi32, #tpu.memory_space<vmem>>
        %dma_start3A_160 = arith.constant 0 : i32
        %dma_start3A_161 = tpu.memref_slice %arg2[%select_n3A_6, %dma_start3A_160] : memref<2500x128xi32, #tpu.memory_space<hbm>> -> memref<78x128xi32, #tpu.memory_space<hbm>>
        %dma_start3A_162 = arith.constant 0 : i32
        %dma_start3A_163 = arith.constant 0 : i32
        %dma_start3A_164 = tpu.memref_slice %arg7[%dma_start3A_162, %dma_start3A_163] : memref<79x128xi32, #tpu.memory_space<vmem>> -> memref<78x128xi32, #tpu.memory_space<vmem>>
        %dma_start3A_165 = arith.constant 0 : i32
        %dma_start3A_166 = tpu.memref_slice %arg2[%select_n3A_6, %dma_start3A_165] : memref<2500x128xi32, #tpu.memory_space<hbm>> -> memref<78x128xi32, #tpu.memory_space<hbm>>
        tpu.enqueue_dma source(%dma_start3A_166 : memref<78x128xi32, #tpu.memory_space<hbm>>) target(%dma_start3A_164 : memref<78x128xi32, #tpu.memory_space<vmem>>) target_semaphore(%run_scoped3A : memref<!tpu.dma_semaphore, #tpu.memory_space<semaphore_mem>>)
        %dma_wait3A = arith.constant 0 : i32
        %dma_wait3A_167 = arith.constant 0 : i32
        %dma_wait3A_168 = tpu.memref_slice %arg7[%dma_wait3A, %dma_wait3A_167] : memref<79x128xi32, #tpu.memory_space<vmem>> -> memref<78x128xi32, #tpu.memory_space<vmem>>
        %dma_wait3A_169 = arith.constant 0 : i32
        %dma_wait3A_170 = tpu.memref_slice %arg2[%select_n3A_6, %dma_wait3A_169] : memref<2500x128xi32, #tpu.memory_space<hbm>> -> memref<78x128xi32, #tpu.memory_space<hbm>>
        %dma_wait3A_171 = arith.constant 0 : i32
        %dma_wait3A_172 = arith.constant 0 : i32
        %dma_wait3A_173 = tpu.memref_slice %arg7[%dma_wait3A_171, %dma_wait3A_172] : memref<79x128xi32, #tpu.memory_space<vmem>> -> memref<78x128xi32, #tpu.memory_space<vmem>>
        %dma_wait3A_174 = arith.constant 0 : i32
        %dma_wait3A_175 = tpu.memref_slice %arg2[%select_n3A_6, %dma_wait3A_174] : memref<2500x128xi32, #tpu.memory_space<hbm>> -> memref<78x128xi32, #tpu.memory_space<hbm>>
        tpu.wait_dma2 semaphore(%run_scoped3A : memref<!tpu.dma_semaphore, #tpu.memory_space<semaphore_mem>>) src(%dma_wait3A_175 : memref<78x128xi32, #tpu.memory_space<hbm>>) dst(%dma_wait3A_173 : memref<78x128xi32, #tpu.memory_space<vmem>>)
        tpu.yield
      }) : () -> ()
      "tpu.region"() ({
        %run_scoped3A = tpu.sem_alloc : memref<!tpu.dma_semaphore, #tpu.memory_space<semaphore_mem>>
        %dma_start3A_157 = arith.constant 0 : i32
        %dma_start3A_158 = arith.constant 0 : i32
        %dma_start3A_159 = tpu.memref_slice %arg8[%dma_start3A_157, %dma_start3A_158] : memref<79x128xi32, #tpu.memory_space<vmem>> -> memref<78x128xi32, #tpu.memory_space<vmem>>
        %dma_start3A_160 = arith.constant 0 : i32
        %dma_start3A_161 = tpu.memref_slice %arg3[%select_n3A_6, %dma_start3A_160] : memref<2500x128xi32, #tpu.memory_space<hbm>> -> memref<78x128xi32, #tpu.memory_space<hbm>>
        %dma_start3A_162 = arith.constant 0 : i32
        %dma_start3A_163 = arith.constant 0 : i32
        %dma_start3A_164 = tpu.memref_slice %arg8[%dma_start3A_162, %dma_start3A_163] : memref<79x128xi32, #tpu.memory_space<vmem>> -> memref<78x128xi32, #tpu.memory_space<vmem>>
        %dma_start3A_165 = arith.constant 0 : i32
        %dma_start3A_166 = tpu.memref_slice %arg3[%select_n3A_6, %dma_start3A_165] : memref<2500x128xi32, #tpu.memory_space<hbm>> -> memref<78x128xi32, #tpu.memory_space<hbm>>
        tpu.enqueue_dma source(%dma_start3A_166 : memref<78x128xi32, #tpu.memory_space<hbm>>) target(%dma_start3A_164 : memref<78x128xi32, #tpu.memory_space<vmem>>) target_semaphore(%run_scoped3A : memref<!tpu.dma_semaphore, #tpu.memory_space<semaphore_mem>>)
        %dma_wait3A = arith.constant 0 : i32
        %dma_wait3A_167 = arith.constant 0 : i32
        %dma_wait3A_168 = tpu.memref_slice %arg8[%dma_wait3A, %dma_wait3A_167] : memref<79x128xi32, #tpu.memory_space<vmem>> -> memref<78x128xi32, #tpu.memory_space<vmem>>
        %dma_wait3A_169 = arith.constant 0 : i32
        %dma_wait3A_170 = tpu.memref_slice %arg3[%select_n3A_6, %dma_wait3A_169] : memref<2500x128xi32, #tpu.memory_space<hbm>> -> memref<78x128xi32, #tpu.memory_space<hbm>>
        %dma_wait3A_171 = arith.constant 0 : i32
        %dma_wait3A_172 = arith.constant 0 : i32
        %dma_wait3A_173 = tpu.memref_slice %arg8[%dma_wait3A_171, %dma_wait3A_172] : memref<79x128xi32, #tpu.memory_space<vmem>> -> memref<78x128xi32, #tpu.memory_space<vmem>>
        %dma_wait3A_174 = arith.constant 0 : i32
        %dma_wait3A_175 = tpu.memref_slice %arg3[%select_n3A_6, %dma_wait3A_174] : memref<2500x128xi32, #tpu.memory_space<hbm>> -> memref<78x128xi32, #tpu.memory_space<hbm>>
        tpu.wait_dma2 semaphore(%run_scoped3A : memref<!tpu.dma_semaphore, #tpu.memory_space<semaphore_mem>>) src(%dma_wait3A_175 : memref<78x128xi32, #tpu.memory_space<hbm>>) dst(%dma_wait3A_173 : memref<78x128xi32, #tpu.memory_space<vmem>>)
        tpu.yield
      }) : () -> ()
    } else {
    }
    %barrier3A = arith.constant 0 : index
    tpu.barrier barrier_id(%barrier3A)
    %dma_start3A = arith.constant 0 : i32
    %dma_start3A_34 = arith.constant 0 : i32
    %dma_start3A_35 = arith.constant 0 : i32
    %dma_start3A_36 = arith.constant 0 : i32
    %dma_start3A_37 = arith.constant 0 : i32
    %dma_start3A_38 = tpu.memref_slice %arg9[%dma_start3A_34, %dma_start3A_36, %dma_start3A_37] : memref<8x128x32xf32, #tpu.memory_space<vmem>> -> memref<1x128x32xf32, #tpu.memory_space<vmem>>
    %dma_start3A_39 = tpu.memref_squeeze %dma_start3A_38 : memref<1x128x32xf32, #tpu.memory_space<vmem>> -> memref<128x32xf32, #tpu.memory_space<vmem>>
    %dma_start3A_40 = arith.constant 0 : i32
    %dma_start3A_41 = tpu.memref_slice %arg7[%dma_start3A, %dma_start3A_40] : memref<79x128xi32, #tpu.memory_space<vmem>> -> memref<1x128xi32, #tpu.memory_space<vmem>>
    %dma_start3A_42 = tpu.memref_squeeze %dma_start3A_41 : memref<1x128xi32, #tpu.memory_space<vmem>> -> memref<128xi32, #tpu.memory_space<vmem>>
    %dma_start3A_43 = arith.constant 0 : i32
    %dma_start3A_44 = arith.constant 0 : i32
    %dma_start3A_45 = tpu.memref_slice %arg14[%dma_start3A_43, %dma_start3A_44] : memref<10000x32xf32, #tpu.memory_space<vmem_shared>> -> memref<10000x32xf32, #tpu.memory_space<vmem_shared>>
    %dma_start3A_46 = tpu.memref_slice %arg12[%dma_start3A_35] : memref<8x!tpu.dma_semaphore, #tpu.memory_space<semaphore_mem>> -> memref<1x!tpu.dma_semaphore, #tpu.memory_space<semaphore_mem>>
    %dma_start3A_47 = tpu.memref_squeeze %dma_start3A_46 : memref<1x!tpu.dma_semaphore, #tpu.memory_space<semaphore_mem>> -> memref<!tpu.dma_semaphore, #tpu.memory_space<semaphore_mem>>
    tpu.enqueue_indirect_dma source(%dma_start3A_45 : memref<10000x32xf32, #tpu.memory_space<vmem_shared>>) target(%dma_start3A_39 : memref<128x32xf32, #tpu.memory_space<vmem>>) offsets(%dma_start3A_42 : memref<128xi32, #tpu.memory_space<vmem>>) semaphore(%dma_start3A_47 : memref<!tpu.dma_semaphore, #tpu.memory_space<semaphore_mem>>)
    %dma_start3A_48 = arith.constant 1 : i32
    %dma_start3A_49 = arith.constant 1 : i32
    %dma_start3A_50 = arith.constant 1 : i32
    %dma_start3A_51 = arith.constant 0 : i32
    %dma_start3A_52 = arith.constant 0 : i32
    %dma_start3A_53 = tpu.memref_slice %arg9[%dma_start3A_49, %dma_start3A_51, %dma_start3A_52] : memref<8x128x32xf32, #tpu.memory_space<vmem>> -> memref<1x128x32xf32, #tpu.memory_space<vmem>>
    %dma_start3A_54 = tpu.memref_squeeze %dma_start3A_53 : memref<1x128x32xf32, #tpu.memory_space<vmem>> -> memref<128x32xf32, #tpu.memory_space<vmem>>
    %dma_start3A_55 = arith.constant 0 : i32
    %dma_start3A_56 = tpu.memref_slice %arg7[%dma_start3A_48, %dma_start3A_55] : memref<79x128xi32, #tpu.memory_space<vmem>> -> memref<1x128xi32, #tpu.memory_space<vmem>>
    %dma_start3A_57 = tpu.memref_squeeze %dma_start3A_56 : memref<1x128xi32, #tpu.memory_space<vmem>> -> memref<128xi32, #tpu.memory_space<vmem>>
    %dma_start3A_58 = arith.constant 0 : i32
    %dma_start3A_59 = arith.constant 0 : i32
    %dma_start3A_60 = tpu.memref_slice %arg14[%dma_start3A_58, %dma_start3A_59] : memref<10000x32xf32, #tpu.memory_space<vmem_shared>> -> memref<10000x32xf32, #tpu.memory_space<vmem_shared>>
    %dma_start3A_61 = tpu.memref_slice %arg12[%dma_start3A_50] : memref<8x!tpu.dma_semaphore, #tpu.memory_space<semaphore_mem>> -> memref<1x!tpu.dma_semaphore, #tpu.memory_space<semaphore_mem>>
    %dma_start3A_62 = tpu.memref_squeeze %dma_start3A_61 : memref<1x!tpu.dma_semaphore, #tpu.memory_space<semaphore_mem>> -> memref<!tpu.dma_semaphore, #tpu.memory_space<semaphore_mem>>
    tpu.enqueue_indirect_dma source(%dma_start3A_60 : memref<10000x32xf32, #tpu.memory_space<vmem_shared>>) target(%dma_start3A_54 : memref<128x32xf32, #tpu.memory_space<vmem>>) offsets(%dma_start3A_57 : memref<128xi32, #tpu.memory_space<vmem>>) semaphore(%dma_start3A_62 : memref<!tpu.dma_semaphore, #tpu.memory_space<semaphore_mem>>)
    %dma_start3A_63 = arith.constant 2 : i32
    %dma_start3A_64 = arith.constant 2 : i32
    %dma_start3A_65 = arith.constant 2 : i32
    %dma_start3A_66 = arith.constant 0 : i32
    %dma_start3A_67 = arith.constant 0 : i32
    %dma_start3A_68 = tpu.memref_slice %arg9[%dma_start3A_64, %dma_start3A_66, %dma_start3A_67] : memref<8x128x32xf32, #tpu.memory_space<vmem>> -> memref<1x128x32xf32, #tpu.memory_space<vmem>>
    %dma_start3A_69 = tpu.memref_squeeze %dma_start3A_68 : memref<1x128x32xf32, #tpu.memory_space<vmem>> -> memref<128x32xf32, #tpu.memory_space<vmem>>
    %dma_start3A_70 = arith.constant 0 : i32
    %dma_start3A_71 = tpu.memref_slice %arg7[%dma_start3A_63, %dma_start3A_70] : memref<79x128xi32, #tpu.memory_space<vmem>> -> memref<1x128xi32, #tpu.memory_space<vmem>>
    %dma_start3A_72 = tpu.memref_squeeze %dma_start3A_71 : memref<1x128xi32, #tpu.memory_space<vmem>> -> memref<128xi32, #tpu.memory_space<vmem>>
    %dma_start3A_73 = arith.constant 0 : i32
    %dma_start3A_74 = arith.constant 0 : i32
    %dma_start3A_75 = tpu.memref_slice %arg14[%dma_start3A_73, %dma_start3A_74] : memref<10000x32xf32, #tpu.memory_space<vmem_shared>> -> memref<10000x32xf32, #tpu.memory_space<vmem_shared>>
    %dma_start3A_76 = tpu.memref_slice %arg12[%dma_start3A_65] : memref<8x!tpu.dma_semaphore, #tpu.memory_space<semaphore_mem>> -> memref<1x!tpu.dma_semaphore, #tpu.memory_space<semaphore_mem>>
    %dma_start3A_77 = tpu.memref_squeeze %dma_start3A_76 : memref<1x!tpu.dma_semaphore, #tpu.memory_space<semaphore_mem>> -> memref<!tpu.dma_semaphore, #tpu.memory_space<semaphore_mem>>
    tpu.enqueue_indirect_dma source(%dma_start3A_75 : memref<10000x32xf32, #tpu.memory_space<vmem_shared>>) target(%dma_start3A_69 : memref<128x32xf32, #tpu.memory_space<vmem>>) offsets(%dma_start3A_72 : memref<128xi32, #tpu.memory_space<vmem>>) semaphore(%dma_start3A_77 : memref<!tpu.dma_semaphore, #tpu.memory_space<semaphore_mem>>)
    %dma_start3A_78 = arith.constant 3 : i32
    %dma_start3A_79 = arith.constant 3 : i32
    %dma_start3A_80 = arith.constant 3 : i32
    %dma_start3A_81 = arith.constant 0 : i32
    %dma_start3A_82 = arith.constant 0 : i32
    %dma_start3A_83 = tpu.memref_slice %arg9[%dma_start3A_79, %dma_start3A_81, %dma_start3A_82] : memref<8x128x32xf32, #tpu.memory_space<vmem>> -> memref<1x128x32xf32, #tpu.memory_space<vmem>>
    %dma_start3A_84 = tpu.memref_squeeze %dma_start3A_83 : memref<1x128x32xf32, #tpu.memory_space<vmem>> -> memref<128x32xf32, #tpu.memory_space<vmem>>
    %dma_start3A_85 = arith.constant 0 : i32
    %dma_start3A_86 = tpu.memref_slice %arg7[%dma_start3A_78, %dma_start3A_85] : memref<79x128xi32, #tpu.memory_space<vmem>> -> memref<1x128xi32, #tpu.memory_space<vmem>>
    %dma_start3A_87 = tpu.memref_squeeze %dma_start3A_86 : memref<1x128xi32, #tpu.memory_space<vmem>> -> memref<128xi32, #tpu.memory_space<vmem>>
    %dma_start3A_88 = arith.constant 0 : i32
    %dma_start3A_89 = arith.constant 0 : i32
    %dma_start3A_90 = tpu.memref_slice %arg14[%dma_start3A_88, %dma_start3A_89] : memref<10000x32xf32, #tpu.memory_space<vmem_shared>> -> memref<10000x32xf32, #tpu.memory_space<vmem_shared>>
    %dma_start3A_91 = tpu.memref_slice %arg12[%dma_start3A_80] : memref<8x!tpu.dma_semaphore, #tpu.memory_space<semaphore_mem>> -> memref<1x!tpu.dma_semaphore, #tpu.memory_space<semaphore_mem>>
    %dma_start3A_92 = tpu.memref_squeeze %dma_start3A_91 : memref<1x!tpu.dma_semaphore, #tpu.memory_space<semaphore_mem>> -> memref<!tpu.dma_semaphore, #tpu.memory_space<semaphore_mem>>
    tpu.enqueue_indirect_dma source(%dma_start3A_90 : memref<10000x32xf32, #tpu.memory_space<vmem_shared>>) target(%dma_start3A_84 : memref<128x32xf32, #tpu.memory_space<vmem>>) offsets(%dma_start3A_87 : memref<128xi32, #tpu.memory_space<vmem>>) semaphore(%dma_start3A_92 : memref<!tpu.dma_semaphore, #tpu.memory_space<semaphore_mem>>)
    %dma_start3A_93 = arith.constant 4 : i32
    %dma_start3A_94 = arith.constant 4 : i32
    %dma_start3A_95 = arith.constant 4 : i32
    %dma_start3A_96 = arith.constant 0 : i32
    %dma_start3A_97 = arith.constant 0 : i32
    %dma_start3A_98 = tpu.memref_slice %arg9[%dma_start3A_94, %dma_start3A_96, %dma_start3A_97] : memref<8x128x32xf32, #tpu.memory_space<vmem>> -> memref<1x128x32xf32, #tpu.memory_space<vmem>>
    %dma_start3A_99 = tpu.memref_squeeze %dma_start3A_98 : memref<1x128x32xf32, #tpu.memory_space<vmem>> -> memref<128x32xf32, #tpu.memory_space<vmem>>
    %dma_start3A_100 = arith.constant 0 : i32
    %dma_start3A_101 = tpu.memref_slice %arg7[%dma_start3A_93, %dma_start3A_100] : memref<79x128xi32, #tpu.memory_space<vmem>> -> memref<1x128xi32, #tpu.memory_space<vmem>>
    %dma_start3A_102 = tpu.memref_squeeze %dma_start3A_101 : memref<1x128xi32, #tpu.memory_space<vmem>> -> memref<128xi32, #tpu.memory_space<vmem>>
    %dma_start3A_103 = arith.constant 0 : i32
    %dma_start3A_104 = arith.constant 0 : i32
    %dma_start3A_105 = tpu.memref_slice %arg14[%dma_start3A_103, %dma_start3A_104] : memref<10000x32xf32, #tpu.memory_space<vmem_shared>> -> memref<10000x32xf32, #tpu.memory_space<vmem_shared>>
    %dma_start3A_106 = tpu.memref_slice %arg12[%dma_start3A_95] : memref<8x!tpu.dma_semaphore, #tpu.memory_space<semaphore_mem>> -> memref<1x!tpu.dma_semaphore, #tpu.memory_space<semaphore_mem>>
    %dma_start3A_107 = tpu.memref_squeeze %dma_start3A_106 : memref<1x!tpu.dma_semaphore, #tpu.memory_space<semaphore_mem>> -> memref<!tpu.dma_semaphore, #tpu.memory_space<semaphore_mem>>
    tpu.enqueue_indirect_dma source(%dma_start3A_105 : memref<10000x32xf32, #tpu.memory_space<vmem_shared>>) target(%dma_start3A_99 : memref<128x32xf32, #tpu.memory_space<vmem>>) offsets(%dma_start3A_102 : memref<128xi32, #tpu.memory_space<vmem>>) semaphore(%dma_start3A_107 : memref<!tpu.dma_semaphore, #tpu.memory_space<semaphore_mem>>)
    %dma_start3A_108 = arith.constant 5 : i32
    %dma_start3A_109 = arith.constant 5 : i32
    %dma_start3A_110 = arith.constant 5 : i32
    %dma_start3A_111 = arith.constant 0 : i32
    %dma_start3A_112 = arith.constant 0 : i32
    %dma_start3A_113 = tpu.memref_slice %arg9[%dma_start3A_109, %dma_start3A_111, %dma_start3A_112] : memref<8x128x32xf32, #tpu.memory_space<vmem>> -> memref<1x128x32xf32, #tpu.memory_space<vmem>>
    %dma_start3A_114 = tpu.memref_squeeze %dma_start3A_113 : memref<1x128x32xf32, #tpu.memory_space<vmem>> -> memref<128x32xf32, #tpu.memory_space<vmem>>
    %dma_start3A_115 = arith.constant 0 : i32
    %dma_start3A_116 = tpu.memref_slice %arg7[%dma_start3A_108, %dma_start3A_115] : memref<79x128xi32, #tpu.memory_space<vmem>> -> memref<1x128xi32, #tpu.memory_space<vmem>>
    %dma_start3A_117 = tpu.memref_squeeze %dma_start3A_116 : memref<1x128xi32, #tpu.memory_space<vmem>> -> memref<128xi32, #tpu.memory_space<vmem>>
    %dma_start3A_118 = arith.constant 0 : i32
    %dma_start3A_119 = arith.constant 0 : i32
    %dma_start3A_120 = tpu.memref_slice %arg14[%dma_start3A_118, %dma_start3A_119] : memref<10000x32xf32, #tpu.memory_space<vmem_shared>> -> memref<10000x32xf32, #tpu.memory_space<vmem_shared>>
    %dma_start3A_121 = tpu.memref_slice %arg12[%dma_start3A_110] : memref<8x!tpu.dma_semaphore, #tpu.memory_space<semaphore_mem>> -> memref<1x!tpu.dma_semaphore, #tpu.memory_space<semaphore_mem>>
    %dma_start3A_122 = tpu.memref_squeeze %dma_start3A_121 : memref<1x!tpu.dma_semaphore, #tpu.memory_space<semaphore_mem>> -> memref<!tpu.dma_semaphore, #tpu.memory_space<semaphore_mem>>
    tpu.enqueue_indirect_dma source(%dma_start3A_120 : memref<10000x32xf32, #tpu.memory_space<vmem_shared>>) target(%dma_start3A_114 : memref<128x32xf32, #tpu.memory_space<vmem>>) offsets(%dma_start3A_117 : memref<128xi32, #tpu.memory_space<vmem>>) semaphore(%dma_start3A_122 : memref<!tpu.dma_semaphore, #tpu.memory_space<semaphore_mem>>)
    %dma_start3A_123 = arith.constant 6 : i32
    %dma_start3A_124 = arith.constant 6 : i32
    %dma_start3A_125 = arith.constant 6 : i32
    %dma_start3A_126 = arith.constant 0 : i32
    %dma_start3A_127 = arith.constant 0 : i32
    %dma_start3A_128 = tpu.memref_slice %arg9[%dma_start3A_124, %dma_start3A_126, %dma_start3A_127] : memref<8x128x32xf32, #tpu.memory_space<vmem>> -> memref<1x128x32xf32, #tpu.memory_space<vmem>>
    %dma_start3A_129 = tpu.memref_squeeze %dma_start3A_128 : memref<1x128x32xf32, #tpu.memory_space<vmem>> -> memref<128x32xf32, #tpu.memory_space<vmem>>
    %dma_start3A_130 = arith.constant 0 : i32
    %dma_start3A_131 = tpu.memref_slice %arg7[%dma_start3A_123, %dma_start3A_130] : memref<79x128xi32, #tpu.memory_space<vmem>> -> memref<1x128xi32, #tpu.memory_space<vmem>>
    %dma_start3A_132 = tpu.memref_squeeze %dma_start3A_131 : memref<1x128xi32, #tpu.memory_space<vmem>> -> memref<128xi32, #tpu.memory_space<vmem>>
    %dma_start3A_133 = arith.constant 0 : i32
    %dma_start3A_134 = arith.constant 0 : i32
    %dma_start3A_135 = tpu.memref_slice %arg14[%dma_start3A_133, %dma_start3A_134] : memref<10000x32xf32, #tpu.memory_space<vmem_shared>> -> memref<10000x32xf32, #tpu.memory_space<vmem_shared>>
    %dma_start3A_136 = tpu.memref_slice %arg12[%dma_start3A_125] : memref<8x!tpu.dma_semaphore, #tpu.memory_space<semaphore_mem>> -> memref<1x!tpu.dma_semaphore, #tpu.memory_space<semaphore_mem>>
    %dma_start3A_137 = tpu.memref_squeeze %dma_start3A_136 : memref<1x!tpu.dma_semaphore, #tpu.memory_space<semaphore_mem>> -> memref<!tpu.dma_semaphore, #tpu.memory_space<semaphore_mem>>
    tpu.enqueue_indirect_dma source(%dma_start3A_135 : memref<10000x32xf32, #tpu.memory_space<vmem_shared>>) target(%dma_start3A_129 : memref<128x32xf32, #tpu.memory_space<vmem>>) offsets(%dma_start3A_132 : memref<128xi32, #tpu.memory_space<vmem>>) semaphore(%dma_start3A_137 : memref<!tpu.dma_semaphore, #tpu.memory_space<semaphore_mem>>)
    %while3A = arith.constant 0 : i32
    %while3A_138 = arith.constant 0 : i32
    %while3A_139 = arith.subi %select_n3A_10, %while3A_138 : i32
    %while3A_140 = arith.addi %while3A_138, %while3A_139 : i32
    %while3A_141 = arith.constant 1 : i32
    %while3A_142 = arith.divsi %while3A_139, %while3A_141 : i32
    %while3A_143 = arith.muli %while3A_142, %while3A_141 : i32
    %while3A_144 = arith.addi %while3A_138, %while3A_143 : i32
    %while3A_145 = arith.constant 1 : i32
    scf.for %while3A_157 = %while3A_138 to %while3A_144 step %while3A_145  : i32 {
      %rem3A = arith.constant 8 : i32
      %rem3A_158 = arith.remsi %while3A_157, %rem3A : i32
      %dma_wait3A = arith.constant 0 : i32
      %dma_wait3A_159 = arith.constant 0 : i32
      %dma_wait3A_160 = tpu.memref_slice %arg9[%rem3A_158, %dma_wait3A, %dma_wait3A_159] : memref<8x128x32xf32, #tpu.memory_space<vmem>> -> memref<1x128x32xf32, #tpu.memory_space<vmem>>
      %dma_wait3A_161 = tpu.memref_squeeze %dma_wait3A_160 : memref<1x128x32xf32, #tpu.memory_space<vmem>> -> memref<128x32xf32, #tpu.memory_space<vmem>>
      %dma_wait3A_162 = arith.constant 0 : i32
      %dma_wait3A_163 = tpu.memref_slice %arg7[%while3A_157, %dma_wait3A_162] : memref<79x128xi32, #tpu.memory_space<vmem>> -> memref<1x128xi32, #tpu.memory_space<vmem>>
      %dma_wait3A_164 = tpu.memref_squeeze %dma_wait3A_163 : memref<1x128xi32, #tpu.memory_space<vmem>> -> memref<128xi32, #tpu.memory_space<vmem>>
      %dma_wait3A_165 = arith.constant 0 : i32
      %dma_wait3A_166 = arith.constant 0 : i32
      %dma_wait3A_167 = tpu.memref_slice %arg14[%dma_wait3A_165, %dma_wait3A_166] : memref<10000x32xf32, #tpu.memory_space<vmem_shared>> -> memref<10000x32xf32, #tpu.memory_space<vmem_shared>>
      %dma_wait3A_168 = tpu.memref_slice %arg12[%rem3A_158] : memref<8x!tpu.dma_semaphore, #tpu.memory_space<semaphore_mem>> -> memref<1x!tpu.dma_semaphore, #tpu.memory_space<semaphore_mem>>
      %dma_wait3A_169 = tpu.memref_squeeze %dma_wait3A_168 : memref<1x!tpu.dma_semaphore, #tpu.memory_space<semaphore_mem>> -> memref<!tpu.dma_semaphore, #tpu.memory_space<semaphore_mem>>
      tpu.wait_indirect_dma semaphore(%dma_wait3A_169 : memref<!tpu.dma_semaphore, #tpu.memory_space<semaphore_mem>>) src(%dma_wait3A_167 : memref<10000x32xf32, #tpu.memory_space<vmem_shared>>) dst(%dma_wait3A_161 : memref<128x32xf32, #tpu.memory_space<vmem>>)
      %dma_start3A_170 = arith.constant 0 : i32
      %dma_start3A_171 = arith.constant 0 : i32
      %dma_start3A_172 = tpu.memref_slice %arg9[%rem3A_158, %dma_start3A_170, %dma_start3A_171] : memref<8x128x32xf32, #tpu.memory_space<vmem>> -> memref<1x128x32xf32, #tpu.memory_space<vmem>>
      %dma_start3A_173 = tpu.memref_squeeze %dma_start3A_172 : memref<1x128x32xf32, #tpu.memory_space<vmem>> -> memref<128x32xf32, #tpu.memory_space<vmem>>
      %dma_start3A_174 = arith.constant 0 : i32
      %dma_start3A_175 = tpu.memref_slice %arg8[%while3A_157, %dma_start3A_174] : memref<79x128xi32, #tpu.memory_space<vmem>> -> memref<1x128xi32, #tpu.memory_space<vmem>>
      %dma_start3A_176 = tpu.memref_squeeze %dma_start3A_175 : memref<1x128xi32, #tpu.memory_space<vmem>> -> memref<128xi32, #tpu.memory_space<vmem>>
      %dma_start3A_177 = arith.constant 0 : i32
      %dma_start3A_178 = arith.constant 0 : i32
      %dma_start3A_179 = tpu.memref_slice %arg11[%dma_start3A_177, %dma_start3A_178] : memref<10000x32xf32, #tpu.memory_space<vmem_shared>> -> memref<10000x32xf32, #tpu.memory_space<vmem_shared>>
      %dma_start3A_180 = tpu.memref_slice %arg13[%rem3A_158] : memref<8x!tpu.dma_semaphore, #tpu.memory_space<semaphore_mem>> -> memref<1x!tpu.dma_semaphore, #tpu.memory_space<semaphore_mem>>
      %dma_start3A_181 = tpu.memref_squeeze %dma_start3A_180 : memref<1x!tpu.dma_semaphore, #tpu.memory_space<semaphore_mem>> -> memref<!tpu.dma_semaphore, #tpu.memory_space<semaphore_mem>>
      tpu.enqueue_indirect_dma source(%dma_start3A_173 : memref<128x32xf32, #tpu.memory_space<vmem>>) target(%dma_start3A_179 : memref<10000x32xf32, #tpu.memory_space<vmem_shared>>) offsets(%dma_start3A_176 : memref<128xi32, #tpu.memory_space<vmem>>) semaphore(%dma_start3A_181 : memref<!tpu.dma_semaphore, #tpu.memory_space<semaphore_mem>>) {add = true}
      %add3A_182 = arith.constant 8 : i32
      %add3A_183 = arith.addi %while3A_157, %add3A_182 : i32
      %sub3A = arith.constant 1 : i32
      %sub3A_184 = arith.subi %add3A_183, %sub3A : i32
      %lt3A_185 = arith.cmpi slt, %sub3A_184, %select_n3A_10 : i32
      %convert_element_type3A_186 = arith.extui %lt3A_185 : i1 to i32
      %cond3A_187 = arith.constant 0 : i32
      %cond3A_188 = arith.cmpi ne, %convert_element_type3A_186, %cond3A_187 : i32
      scf.if %cond3A_188 {
        %rem3A_189 = arith.constant 8 : i32
        %rem3A_190 = arith.remsi %sub3A_184, %rem3A_189 : i32
        %ge3A = arith.constant 1 : i32
        %ge3A_191 = arith.cmpi sge, %while3A_157, %ge3A : i32
        %convert_element_type3A_192 = arith.extui %ge3A_191 : i1 to i32
        %cond3A_193 = arith.constant 0 : i32
        %cond3A_194 = arith.cmpi ne, %convert_element_type3A_192, %cond3A_193 : i32
        scf.if %cond3A_194 {
          %sub3A_207 = arith.constant 1 : i32
          %sub3A_208 = arith.subi %while3A_157, %sub3A_207 : i32
          %dma_wait3A_209 = arith.constant 0 : i32
          %dma_wait3A_210 = arith.constant 0 : i32
          %dma_wait3A_211 = tpu.memref_slice %arg9[%rem3A_190, %dma_wait3A_209, %dma_wait3A_210] : memref<8x128x32xf32, #tpu.memory_space<vmem>> -> memref<1x128x32xf32, #tpu.memory_space<vmem>>
          %dma_wait3A_212 = tpu.memref_squeeze %dma_wait3A_211 : memref<1x128x32xf32, #tpu.memory_space<vmem>> -> memref<128x32xf32, #tpu.memory_space<vmem>>
          %dma_wait3A_213 = arith.constant 0 : i32
          %dma_wait3A_214 = tpu.memref_slice %arg8[%sub3A_208, %dma_wait3A_213] : memref<79x128xi32, #tpu.memory_space<vmem>> -> memref<1x128xi32, #tpu.memory_space<vmem>>
          %dma_wait3A_215 = tpu.memref_squeeze %dma_wait3A_214 : memref<1x128xi32, #tpu.memory_space<vmem>> -> memref<128xi32, #tpu.memory_space<vmem>>
          %dma_wait3A_216 = arith.constant 0 : i32
          %dma_wait3A_217 = arith.constant 0 : i32
          %dma_wait3A_218 = tpu.memref_slice %arg11[%dma_wait3A_216, %dma_wait3A_217] : memref<10000x32xf32, #tpu.memory_space<vmem_shared>> -> memref<10000x32xf32, #tpu.memory_space<vmem_shared>>
          %dma_wait3A_219 = tpu.memref_slice %arg13[%rem3A_190] : memref<8x!tpu.dma_semaphore, #tpu.memory_space<semaphore_mem>> -> memref<1x!tpu.dma_semaphore, #tpu.memory_space<semaphore_mem>>
          %dma_wait3A_220 = tpu.memref_squeeze %dma_wait3A_219 : memref<1x!tpu.dma_semaphore, #tpu.memory_space<semaphore_mem>> -> memref<!tpu.dma_semaphore, #tpu.memory_space<semaphore_mem>>
          tpu.wait_indirect_dma semaphore(%dma_wait3A_220 : memref<!tpu.dma_semaphore, #tpu.memory_space<semaphore_mem>>) src(%dma_wait3A_212 : memref<128x32xf32, #tpu.memory_space<vmem>>) dst(%dma_wait3A_218 : memref<10000x32xf32, #tpu.memory_space<vmem_shared>>)
        } else {
        }
        %dma_start3A_195 = arith.constant 0 : i32
        %dma_start3A_196 = arith.constant 0 : i32
        %dma_start3A_197 = tpu.memref_slice %arg9[%rem3A_190, %dma_start3A_195, %dma_start3A_196] : memref<8x128x32xf32, #tpu.memory_space<vmem>> -> memref<1x128x32xf32, #tpu.memory_space<vmem>>
        %dma_start3A_198 = tpu.memref_squeeze %dma_start3A_197 : memref<1x128x32xf32, #tpu.memory_space<vmem>> -> memref<128x32xf32, #tpu.memory_space<vmem>>
        %dma_start3A_199 = arith.constant 0 : i32
        %dma_start3A_200 = tpu.memref_slice %arg7[%sub3A_184, %dma_start3A_199] : memref<79x128xi32, #tpu.memory_space<vmem>> -> memref<1x128xi32, #tpu.memory_space<vmem>>
        %dma_start3A_201 = tpu.memref_squeeze %dma_start3A_200 : memref<1x128xi32, #tpu.memory_space<vmem>> -> memref<128xi32, #tpu.memory_space<vmem>>
        %dma_start3A_202 = arith.constant 0 : i32
        %dma_start3A_203 = arith.constant 0 : i32
        %dma_start3A_204 = tpu.memref_slice %arg14[%dma_start3A_202, %dma_start3A_203] : memref<10000x32xf32, #tpu.memory_space<vmem_shared>> -> memref<10000x32xf32, #tpu.memory_space<vmem_shared>>
        %dma_start3A_205 = tpu.memref_slice %arg12[%rem3A_190] : memref<8x!tpu.dma_semaphore, #tpu.memory_space<semaphore_mem>> -> memref<1x!tpu.dma_semaphore, #tpu.memory_space<semaphore_mem>>
        %dma_start3A_206 = tpu.memref_squeeze %dma_start3A_205 : memref<1x!tpu.dma_semaphore, #tpu.memory_space<semaphore_mem>> -> memref<!tpu.dma_semaphore, #tpu.memory_space<semaphore_mem>>
        tpu.enqueue_indirect_dma source(%dma_start3A_204 : memref<10000x32xf32, #tpu.memory_space<vmem_shared>>) target(%dma_start3A_198 : memref<128x32xf32, #tpu.memory_space<vmem>>) offsets(%dma_start3A_201 : memref<128xi32, #tpu.memory_space<vmem>>) semaphore(%dma_start3A_206 : memref<!tpu.dma_semaphore, #tpu.memory_space<semaphore_mem>>)
      } else {
      }
    }
    %while3A_146 = arith.constant 1 : i32
    scf.for %while3A_157 = %while3A_144 to %while3A_140 step %while3A_146  : i32 {
      %rem3A = arith.constant 8 : i32
      %rem3A_158 = arith.remsi %while3A_157, %rem3A : i32
      %dma_wait3A = arith.constant 0 : i32
      %dma_wait3A_159 = arith.constant 0 : i32
      %dma_wait3A_160 = tpu.memref_slice %arg9[%rem3A_158, %dma_wait3A, %dma_wait3A_159] : memref<8x128x32xf32, #tpu.memory_space<vmem>> -> memref<1x128x32xf32, #tpu.memory_space<vmem>>
      %dma_wait3A_161 = tpu.memref_squeeze %dma_wait3A_160 : memref<1x128x32xf32, #tpu.memory_space<vmem>> -> memref<128x32xf32, #tpu.memory_space<vmem>>
      %dma_wait3A_162 = arith.constant 0 : i32
      %dma_wait3A_163 = tpu.memref_slice %arg7[%while3A_157, %dma_wait3A_162] : memref<79x128xi32, #tpu.memory_space<vmem>> -> memref<1x128xi32, #tpu.memory_space<vmem>>
      %dma_wait3A_164 = tpu.memref_squeeze %dma_wait3A_163 : memref<1x128xi32, #tpu.memory_space<vmem>> -> memref<128xi32, #tpu.memory_space<vmem>>
      %dma_wait3A_165 = arith.constant 0 : i32
      %dma_wait3A_166 = arith.constant 0 : i32
      %dma_wait3A_167 = tpu.memref_slice %arg14[%dma_wait3A_165, %dma_wait3A_166] : memref<10000x32xf32, #tpu.memory_space<vmem_shared>> -> memref<10000x32xf32, #tpu.memory_space<vmem_shared>>
      %dma_wait3A_168 = tpu.memref_slice %arg12[%rem3A_158] : memref<8x!tpu.dma_semaphore, #tpu.memory_space<semaphore_mem>> -> memref<1x!tpu.dma_semaphore, #tpu.memory_space<semaphore_mem>>
      %dma_wait3A_169 = tpu.memref_squeeze %dma_wait3A_168 : memref<1x!tpu.dma_semaphore, #tpu.memory_space<semaphore_mem>> -> memref<!tpu.dma_semaphore, #tpu.memory_space<semaphore_mem>>
      tpu.wait_indirect_dma semaphore(%dma_wait3A_169 : memref<!tpu.dma_semaphore, #tpu.memory_space<semaphore_mem>>) src(%dma_wait3A_167 : memref<10000x32xf32, #tpu.memory_space<vmem_shared>>) dst(%dma_wait3A_161 : memref<128x32xf32, #tpu.memory_space<vmem>>)
      %dma_start3A_170 = arith.constant 0 : i32
      %dma_start3A_171 = arith.constant 0 : i32
      %dma_start3A_172 = tpu.memref_slice %arg9[%rem3A_158, %dma_start3A_170, %dma_start3A_171] : memref<8x128x32xf32, #tpu.memory_space<vmem>> -> memref<1x128x32xf32, #tpu.memory_space<vmem>>
      %dma_start3A_173 = tpu.memref_squeeze %dma_start3A_172 : memref<1x128x32xf32, #tpu.memory_space<vmem>> -> memref<128x32xf32, #tpu.memory_space<vmem>>
      %dma_start3A_174 = arith.constant 0 : i32
      %dma_start3A_175 = tpu.memref_slice %arg8[%while3A_157, %dma_start3A_174] : memref<79x128xi32, #tpu.memory_space<vmem>> -> memref<1x128xi32, #tpu.memory_space<vmem>>
      %dma_start3A_176 = tpu.memref_squeeze %dma_start3A_175 : memref<1x128xi32, #tpu.memory_space<vmem>> -> memref<128xi32, #tpu.memory_space<vmem>>
      %dma_start3A_177 = arith.constant 0 : i32
      %dma_start3A_178 = arith.constant 0 : i32
      %dma_start3A_179 = tpu.memref_slice %arg11[%dma_start3A_177, %dma_start3A_178] : memref<10000x32xf32, #tpu.memory_space<vmem_shared>> -> memref<10000x32xf32, #tpu.memory_space<vmem_shared>>
      %dma_start3A_180 = tpu.memref_slice %arg13[%rem3A_158] : memref<8x!tpu.dma_semaphore, #tpu.memory_space<semaphore_mem>> -> memref<1x!tpu.dma_semaphore, #tpu.memory_space<semaphore_mem>>
      %dma_start3A_181 = tpu.memref_squeeze %dma_start3A_180 : memref<1x!tpu.dma_semaphore, #tpu.memory_space<semaphore_mem>> -> memref<!tpu.dma_semaphore, #tpu.memory_space<semaphore_mem>>
      tpu.enqueue_indirect_dma source(%dma_start3A_173 : memref<128x32xf32, #tpu.memory_space<vmem>>) target(%dma_start3A_179 : memref<10000x32xf32, #tpu.memory_space<vmem_shared>>) offsets(%dma_start3A_176 : memref<128xi32, #tpu.memory_space<vmem>>) semaphore(%dma_start3A_181 : memref<!tpu.dma_semaphore, #tpu.memory_space<semaphore_mem>>) {add = true}
      %add3A_182 = arith.constant 8 : i32
      %add3A_183 = arith.addi %while3A_157, %add3A_182 : i32
      %sub3A = arith.constant 1 : i32
      %sub3A_184 = arith.subi %add3A_183, %sub3A : i32
      %lt3A_185 = arith.cmpi slt, %sub3A_184, %select_n3A_10 : i32
      %convert_element_type3A_186 = arith.extui %lt3A_185 : i1 to i32
      %cond3A_187 = arith.constant 0 : i32
      %cond3A_188 = arith.cmpi ne, %convert_element_type3A_186, %cond3A_187 : i32
      scf.if %cond3A_188 {
        %rem3A_189 = arith.constant 8 : i32
        %rem3A_190 = arith.remsi %sub3A_184, %rem3A_189 : i32
        %ge3A = arith.constant 1 : i32
        %ge3A_191 = arith.cmpi sge, %while3A_157, %ge3A : i32
        %convert_element_type3A_192 = arith.extui %ge3A_191 : i1 to i32
        %cond3A_193 = arith.constant 0 : i32
        %cond3A_194 = arith.cmpi ne, %convert_element_type3A_192, %cond3A_193 : i32
        scf.if %cond3A_194 {
          %sub3A_207 = arith.constant 1 : i32
          %sub3A_208 = arith.subi %while3A_157, %sub3A_207 : i32
          %dma_wait3A_209 = arith.constant 0 : i32
          %dma_wait3A_210 = arith.constant 0 : i32
          %dma_wait3A_211 = tpu.memref_slice %arg9[%rem3A_190, %dma_wait3A_209, %dma_wait3A_210] : memref<8x128x32xf32, #tpu.memory_space<vmem>> -> memref<1x128x32xf32, #tpu.memory_space<vmem>>
          %dma_wait3A_212 = tpu.memref_squeeze %dma_wait3A_211 : memref<1x128x32xf32, #tpu.memory_space<vmem>> -> memref<128x32xf32, #tpu.memory_space<vmem>>
          %dma_wait3A_213 = arith.constant 0 : i32
          %dma_wait3A_214 = tpu.memref_slice %arg8[%sub3A_208, %dma_wait3A_213] : memref<79x128xi32, #tpu.memory_space<vmem>> -> memref<1x128xi32, #tpu.memory_space<vmem>>
          %dma_wait3A_215 = tpu.memref_squeeze %dma_wait3A_214 : memref<1x128xi32, #tpu.memory_space<vmem>> -> memref<128xi32, #tpu.memory_space<vmem>>
          %dma_wait3A_216 = arith.constant 0 : i32
          %dma_wait3A_217 = arith.constant 0 : i32
          %dma_wait3A_218 = tpu.memref_slice %arg11[%dma_wait3A_216, %dma_wait3A_217] : memref<10000x32xf32, #tpu.memory_space<vmem_shared>> -> memref<10000x32xf32, #tpu.memory_space<vmem_shared>>
          %dma_wait3A_219 = tpu.memref_slice %arg13[%rem3A_190] : memref<8x!tpu.dma_semaphore, #tpu.memory_space<semaphore_mem>> -> memref<1x!tpu.dma_semaphore, #tpu.memory_space<semaphore_mem>>
          %dma_wait3A_220 = tpu.memref_squeeze %dma_wait3A_219 : memref<1x!tpu.dma_semaphore, #tpu.memory_space<semaphore_mem>> -> memref<!tpu.dma_semaphore, #tpu.memory_space<semaphore_mem>>
          tpu.wait_indirect_dma semaphore(%dma_wait3A_220 : memref<!tpu.dma_semaphore, #tpu.memory_space<semaphore_mem>>) src(%dma_wait3A_212 : memref<128x32xf32, #tpu.memory_space<vmem>>) dst(%dma_wait3A_218 : memref<10000x32xf32, #tpu.memory_space<vmem_shared>>)
        } else {
        }
        %dma_start3A_195 = arith.constant 0 : i32
        %dma_start3A_196 = arith.constant 0 : i32
        %dma_start3A_197 = tpu.memref_slice %arg9[%rem3A_190, %dma_start3A_195, %dma_start3A_196] : memref<8x128x32xf32, #tpu.memory_space<vmem>> -> memref<1x128x32xf32, #tpu.memory_space<vmem>>
        %dma_start3A_198 = tpu.memref_squeeze %dma_start3A_197 : memref<1x128x32xf32, #tpu.memory_space<vmem>> -> memref<128x32xf32, #tpu.memory_space<vmem>>
        %dma_start3A_199 = arith.constant 0 : i32
        %dma_start3A_200 = tpu.memref_slice %arg7[%sub3A_184, %dma_start3A_199] : memref<79x128xi32, #tpu.memory_space<vmem>> -> memref<1x128xi32, #tpu.memory_space<vmem>>
        %dma_start3A_201 = tpu.memref_squeeze %dma_start3A_200 : memref<1x128xi32, #tpu.memory_space<vmem>> -> memref<128xi32, #tpu.memory_space<vmem>>
        %dma_start3A_202 = arith.constant 0 : i32
        %dma_start3A_203 = arith.constant 0 : i32
        %dma_start3A_204 = tpu.memref_slice %arg14[%dma_start3A_202, %dma_start3A_203] : memref<10000x32xf32, #tpu.memory_space<vmem_shared>> -> memref<10000x32xf32, #tpu.memory_space<vmem_shared>>
        %dma_start3A_205 = tpu.memref_slice %arg12[%rem3A_190] : memref<8x!tpu.dma_semaphore, #tpu.memory_space<semaphore_mem>> -> memref<1x!tpu.dma_semaphore, #tpu.memory_space<semaphore_mem>>
        %dma_start3A_206 = tpu.memref_squeeze %dma_start3A_205 : memref<1x!tpu.dma_semaphore, #tpu.memory_space<semaphore_mem>> -> memref<!tpu.dma_semaphore, #tpu.memory_space<semaphore_mem>>
        tpu.enqueue_indirect_dma source(%dma_start3A_204 : memref<10000x32xf32, #tpu.memory_space<vmem_shared>>) target(%dma_start3A_198 : memref<128x32xf32, #tpu.memory_space<vmem>>) offsets(%dma_start3A_201 : memref<128xi32, #tpu.memory_space<vmem>>) semaphore(%dma_start3A_206 : memref<!tpu.dma_semaphore, #tpu.memory_space<semaphore_mem>>)
      } else {
      }
    }
    %scan3A = arith.constant 0 : i32
    %scan3A_147 = arith.constant 0 : i32
    %scan3A_148 = arith.constant 8 : i32
    %scan3A_149 = arith.addi %scan3A_147, %scan3A_148 : i32
    %scan3A_150 = arith.constant 1 : i32
    scf.for %scan3A_157 = %scan3A_147 to %scan3A_149 step %scan3A_150  : i32 {
      %sub3A = arith.constant 8 : i32
      %sub3A_158 = arith.subi %select_n3A_10, %sub3A : i32
      %add3A_159 = arith.addi %sub3A_158, %scan3A_157 : i32
      %rem3A = arith.constant 8 : i32
      %rem3A_160 = arith.remsi %add3A_159, %rem3A : i32
      %dma_wait3A = arith.constant 0 : i32
      %dma_wait3A_161 = arith.constant 0 : i32
      %dma_wait3A_162 = tpu.memref_slice %arg9[%rem3A_160, %dma_wait3A, %dma_wait3A_161] : memref<8x128x32xf32, #tpu.memory_space<vmem>> -> memref<1x128x32xf32, #tpu.memory_space<vmem>>
      %dma_wait3A_163 = tpu.memref_squeeze %dma_wait3A_162 : memref<1x128x32xf32, #tpu.memory_space<vmem>> -> memref<128x32xf32, #tpu.memory_space<vmem>>
      %dma_wait3A_164 = arith.constant 0 : i32
      %dma_wait3A_165 = tpu.memref_slice %arg8[%add3A_159, %dma_wait3A_164] : memref<79x128xi32, #tpu.memory_space<vmem>> -> memref<1x128xi32, #tpu.memory_space<vmem>>
      %dma_wait3A_166 = tpu.memref_squeeze %dma_wait3A_165 : memref<1x128xi32, #tpu.memory_space<vmem>> -> memref<128xi32, #tpu.memory_space<vmem>>
      %dma_wait3A_167 = arith.constant 0 : i32
      %dma_wait3A_168 = arith.constant 0 : i32
      %dma_wait3A_169 = tpu.memref_slice %arg11[%dma_wait3A_167, %dma_wait3A_168] : memref<10000x32xf32, #tpu.memory_space<vmem_shared>> -> memref<10000x32xf32, #tpu.memory_space<vmem_shared>>
      %dma_wait3A_170 = tpu.memref_slice %arg13[%rem3A_160] : memref<8x!tpu.dma_semaphore, #tpu.memory_space<semaphore_mem>> -> memref<1x!tpu.dma_semaphore, #tpu.memory_space<semaphore_mem>>
      %dma_wait3A_171 = tpu.memref_squeeze %dma_wait3A_170 : memref<1x!tpu.dma_semaphore, #tpu.memory_space<semaphore_mem>> -> memref<!tpu.dma_semaphore, #tpu.memory_space<semaphore_mem>>
      tpu.wait_indirect_dma semaphore(%dma_wait3A_171 : memref<!tpu.dma_semaphore, #tpu.memory_space<semaphore_mem>>) src(%dma_wait3A_163 : memref<128x32xf32, #tpu.memory_space<vmem>>) dst(%dma_wait3A_169 : memref<10000x32xf32, #tpu.memory_space<vmem_shared>>)
    }
    %scan3A_151 = arith.constant 8 : i32
    %barrier3A_152 = arith.constant 0 : index
    tpu.barrier barrier_id(%barrier3A_152)
    %mul3A_153 = arith.constant 625 : i32
    %mul3A_154 = arith.muli %arg1, %mul3A_153 : i32
    "tpu.region"() ({
      %run_scoped3A = tpu.sem_alloc : memref<!tpu.dma_semaphore, #tpu.memory_space<semaphore_mem>>
      %dma_start3A_157 = arith.constant 0 : i32
      %dma_start3A_158 = tpu.memref_slice %arg11[%mul3A_154, %dma_start3A_157] : memref<10000x32xf32, #tpu.memory_space<vmem_shared>> -> memref<625x32xf32, #tpu.memory_space<vmem_shared>>
      %dma_start3A_159 = arith.constant 0 : i32
      %dma_start3A_160 = tpu.memref_slice %arg11[%mul3A_154, %dma_start3A_159] : memref<10000x32xf32, #tpu.memory_space<vmem_shared>> -> memref<625x32xf32, #tpu.memory_space<vmem_shared>>
      tpu.enqueue_dma source(%dma_start3A_160 : memref<625x32xf32, #tpu.memory_space<vmem_shared>>) target(%arg10 : memref<625x32xf32, #tpu.memory_space<vmem>>) target_semaphore(%run_scoped3A : memref<!tpu.dma_semaphore, #tpu.memory_space<semaphore_mem>>)
      %dma_wait3A = arith.constant 0 : i32
      %dma_wait3A_161 = tpu.memref_slice %arg11[%mul3A_154, %dma_wait3A] : memref<10000x32xf32, #tpu.memory_space<vmem_shared>> -> memref<625x32xf32, #tpu.memory_space<vmem_shared>>
      %dma_wait3A_162 = arith.constant 0 : i32
      %dma_wait3A_163 = tpu.memref_slice %arg11[%mul3A_154, %dma_wait3A_162] : memref<10000x32xf32, #tpu.memory_space<vmem_shared>> -> memref<625x32xf32, #tpu.memory_space<vmem_shared>>
      tpu.wait_dma2 semaphore(%run_scoped3A : memref<!tpu.dma_semaphore, #tpu.memory_space<semaphore_mem>>) src(%dma_wait3A_163 : memref<625x32xf32, #tpu.memory_space<vmem_shared>>) dst(%arg10 : memref<625x32xf32, #tpu.memory_space<vmem>>)
      tpu.yield
    }) : () -> ()
    %mul3A_155 = arith.constant 625 : i32
    %mul3A_156 = arith.muli %arg1, %mul3A_155 : i32
    "tpu.region"() ({
      %run_scoped3A = tpu.sem_alloc : memref<!tpu.dma_semaphore, #tpu.memory_space<semaphore_mem>>
      %dma_start3A_157 = arith.constant 0 : i32
      %dma_start3A_158 = tpu.memref_slice %arg6[%arg0, %mul3A_156, %dma_start3A_157] : memref<2x10000x32xf32, #tpu.memory_space<hbm>> -> memref<1x625x32xf32, #tpu.memory_space<hbm>>
      %dma_start3A_159 = tpu.memref_squeeze %dma_start3A_158 : memref<1x625x32xf32, #tpu.memory_space<hbm>> -> memref<625x32xf32, #tpu.memory_space<hbm>>
      %dma_start3A_160 = arith.constant 0 : i32
      %dma_start3A_161 = tpu.memref_slice %arg6[%arg0, %mul3A_156, %dma_start3A_160] : memref<2x10000x32xf32, #tpu.memory_space<hbm>> -> memref<1x625x32xf32, #tpu.memory_space<hbm>>
      %dma_start3A_162 = tpu.memref_squeeze %dma_start3A_161 : memref<1x625x32xf32, #tpu.memory_space<hbm>> -> memref<625x32xf32, #tpu.memory_space<hbm>>
      tpu.enqueue_dma source(%arg10 : memref<625x32xf32, #tpu.memory_space<vmem>>) target(%dma_start3A_162 : memref<625x32xf32, #tpu.memory_space<hbm>>) target_semaphore(%run_scoped3A : memref<!tpu.dma_semaphore, #tpu.memory_space<semaphore_mem>>)
      %dma_wait3A = arith.constant 0 : i32
      %dma_wait3A_163 = tpu.memref_slice %arg6[%arg0, %mul3A_156, %dma_wait3A] : memref<2x10000x32xf32, #tpu.memory_space<hbm>> -> memref<1x625x32xf32, #tpu.memory_space<hbm>>
      %dma_wait3A_164 = tpu.memref_squeeze %dma_wait3A_163 : memref<1x625x32xf32, #tpu.memory_space<hbm>> -> memref<625x32xf32, #tpu.memory_space<hbm>>
      %dma_wait3A_165 = arith.constant 0 : i32
      %dma_wait3A_166 = tpu.memref_slice %arg6[%arg0, %mul3A_156, %dma_wait3A_165] : memref<2x10000x32xf32, #tpu.memory_space<hbm>> -> memref<1x625x32xf32, #tpu.memory_space<hbm>>
      %dma_wait3A_167 = tpu.memref_squeeze %dma_wait3A_166 : memref<1x625x32xf32, #tpu.memory_space<hbm>> -> memref<625x32xf32, #tpu.memory_space<hbm>>
      tpu.wait_dma2 semaphore(%run_scoped3A : memref<!tpu.dma_semaphore, #tpu.memory_space<semaphore_mem>>) src(%arg10 : memref<625x32xf32, #tpu.memory_space<vmem>>) dst(%dma_wait3A_167 : memref<625x32xf32, #tpu.memory_space<hbm>>)
      tpu.yield
    }) : () -> ()
    return
  }
}

#map = affine_map<(d0, d1) -> (0, 0)>
#map1 = affine_map<(d0, d1) -> (0, 0, 0)>
module attributes {stable_mosaic.version = 14 : i64} {
  func.func @k(%arg0: i32, %arg1: i32, %arg2: memref<2500x128xi32, #tpu.memory_space<hbm>>, %arg3: memref<128x8xf32, #tpu.memory_space<hbm>>, %arg4: memref<625x8xf32, #tpu.memory_space<hbm>>, %arg5: memref<2x10000x8xf32, #tpu.memory_space<hbm>>, %arg6: memref<79x128xi32, #tpu.memory_space<vmem>>, %arg7: memref<128x8xf32, #tpu.memory_space<vmem>>, %arg8: memref<625x8xf32, #tpu.memory_space<vmem>>, %arg9: memref<10000x8xf32, #tpu.memory_space<vmem_shared>>) attributes {dimension_semantics = [#tpu.dimension_semantics<core_parallel>, #tpu.dimension_semantics<subcore_parallel>], iteration_bounds = array<i64: 2, 16>, scalar_prefetch = 0 : i64, scratch_operands = 4 : i64, tpu.core_type = #tpu.core_type<sc_vector_subcore>, window_params = [{transform_indices = #map}, {transform_indices = #map}, {transform_indices = #map}, {transform_indices = #map1}]} {
    %mul3A = arith.constant 16 : i32
    %mul3A_0 = arith.muli %arg0, %mul3A : i32
    %add3A = arith.addi %mul3A_0, %arg1 : i32
    %lt3A = arith.constant 4 : i32
    %lt3A_1 = arith.cmpi slt, %add3A, %lt3A : i32
    %jit3A = arith.constant 79 : i32
    %jit3A_2 = arith.constant 78 : i32
    %select_n3A = arith.select %lt3A_1, %jit3A, %jit3A_2 : i32
    %mul3A_3 = arith.constant 78 : i32
    %mul3A_4 = arith.muli %mul3A_3, %add3A : i32
    %min3A = arith.constant 4 : i32
    %min3A_5 = arith.minsi %add3A, %min3A : i32
    %add3A_6 = arith.addi %mul3A_4, %min3A_5 : i32
    "tpu.region"() ({
      %run_scoped3A = tpu.sem_alloc : memref<!tpu.dma_semaphore, #tpu.memory_space<semaphore_mem>>
      tpu.enqueue_dma source(%arg4 : memref<625x8xf32, #tpu.memory_space<hbm>>) target(%arg8 : memref<625x8xf32, #tpu.memory_space<vmem>>) target_semaphore(%run_scoped3A : memref<!tpu.dma_semaphore, #tpu.memory_space<semaphore_mem>>)
      tpu.wait_dma2 semaphore(%run_scoped3A : memref<!tpu.dma_semaphore, #tpu.memory_space<semaphore_mem>>) src(%arg4 : memref<625x8xf32, #tpu.memory_space<hbm>>) dst(%arg8 : memref<625x8xf32, #tpu.memory_space<vmem>>)
      tpu.yield
    }) : () -> ()
    %mul3A_7 = arith.constant 625 : i32
    %mul3A_8 = arith.muli %arg1, %mul3A_7 : i32
    "tpu.region"() ({
      %run_scoped3A = tpu.sem_alloc : memref<!tpu.dma_semaphore, #tpu.memory_space<semaphore_mem>>
      %dma_start3A = arith.constant 0 : i32
      %dma_start3A_30 = tpu.memref_slice %arg9[%mul3A_8, %dma_start3A] : memref<10000x8xf32, #tpu.memory_space<vmem_shared>> -> memref<625x8xf32, #tpu.memory_space<vmem_shared>>
      %dma_start3A_31 = arith.constant 0 : i32
      %dma_start3A_32 = tpu.memref_slice %arg9[%mul3A_8, %dma_start3A_31] : memref<10000x8xf32, #tpu.memory_space<vmem_shared>> -> memref<625x8xf32, #tpu.memory_space<vmem_shared>>
      tpu.enqueue_dma source(%arg8 : memref<625x8xf32, #tpu.memory_space<vmem>>) target(%dma_start3A_32 : memref<625x8xf32, #tpu.memory_space<vmem_shared>>) target_semaphore(%run_scoped3A : memref<!tpu.dma_semaphore, #tpu.memory_space<semaphore_mem>>)
      %dma_wait3A = arith.constant 0 : i32
      %dma_wait3A_33 = tpu.memref_slice %arg9[%mul3A_8, %dma_wait3A] : memref<10000x8xf32, #tpu.memory_space<vmem_shared>> -> memref<625x8xf32, #tpu.memory_space<vmem_shared>>
      %dma_wait3A_34 = arith.constant 0 : i32
      %dma_wait3A_35 = tpu.memref_slice %arg9[%mul3A_8, %dma_wait3A_34] : memref<10000x8xf32, #tpu.memory_space<vmem_shared>> -> memref<625x8xf32, #tpu.memory_space<vmem_shared>>
      tpu.wait_dma2 semaphore(%run_scoped3A : memref<!tpu.dma_semaphore, #tpu.memory_space<semaphore_mem>>) src(%arg8 : memref<625x8xf32, #tpu.memory_space<vmem>>) dst(%dma_wait3A_35 : memref<625x8xf32, #tpu.memory_space<vmem_shared>>)
      tpu.yield
    }) : () -> ()
    "tpu.region"() ({
      %run_scoped3A = tpu.sem_alloc : memref<!tpu.dma_semaphore, #tpu.memory_space<semaphore_mem>>
      tpu.enqueue_dma source(%arg3 : memref<128x8xf32, #tpu.memory_space<hbm>>) target(%arg7 : memref<128x8xf32, #tpu.memory_space<vmem>>) target_semaphore(%run_scoped3A : memref<!tpu.dma_semaphore, #tpu.memory_space<semaphore_mem>>)
      tpu.wait_dma2 semaphore(%run_scoped3A : memref<!tpu.dma_semaphore, #tpu.memory_space<semaphore_mem>>) src(%arg3 : memref<128x8xf32, #tpu.memory_space<hbm>>) dst(%arg7 : memref<128x8xf32, #tpu.memory_space<vmem>>)
      tpu.yield
    }) : () -> ()
    %lt3A_9 = arith.constant 4 : i32
    %lt3A_10 = arith.cmpi slt, %add3A, %lt3A_9 : i32
    %convert_element_type3A = arith.extui %lt3A_10 : i1 to i32
    %cond3A = arith.constant 0 : i32
    %cond3A_11 = arith.cmpi ne, %convert_element_type3A, %cond3A : i32
    scf.if %cond3A_11 {
      "tpu.region"() ({
        %run_scoped3A = tpu.sem_alloc : memref<!tpu.dma_semaphore, #tpu.memory_space<semaphore_mem>>
        %dma_start3A = arith.constant 0 : i32
        %dma_start3A_30 = arith.constant 0 : i32
        %dma_start3A_31 = tpu.memref_slice %arg6[%dma_start3A, %dma_start3A_30] : memref<79x128xi32, #tpu.memory_space<vmem>> -> memref<79x128xi32, #tpu.memory_space<vmem>>
        %dma_start3A_32 = arith.constant 0 : i32
        %dma_start3A_33 = tpu.memref_slice %arg2[%add3A_6, %dma_start3A_32] : memref<2500x128xi32, #tpu.memory_space<hbm>> -> memref<79x128xi32, #tpu.memory_space<hbm>>
        %dma_start3A_34 = arith.constant 0 : i32
        %dma_start3A_35 = arith.constant 0 : i32
        %dma_start3A_36 = tpu.memref_slice %arg6[%dma_start3A_34, %dma_start3A_35] : memref<79x128xi32, #tpu.memory_space<vmem>> -> memref<79x128xi32, #tpu.memory_space<vmem>>
        %dma_start3A_37 = arith.constant 0 : i32
        %dma_start3A_38 = tpu.memref_slice %arg2[%add3A_6, %dma_start3A_37] : memref<2500x128xi32, #tpu.memory_space<hbm>> -> memref<79x128xi32, #tpu.memory_space<hbm>>
        tpu.enqueue_dma source(%dma_start3A_38 : memref<79x128xi32, #tpu.memory_space<hbm>>) target(%dma_start3A_36 : memref<79x128xi32, #tpu.memory_space<vmem>>) target_semaphore(%run_scoped3A : memref<!tpu.dma_semaphore, #tpu.memory_space<semaphore_mem>>)
        %dma_wait3A = arith.constant 0 : i32
        %dma_wait3A_39 = arith.constant 0 : i32
        %dma_wait3A_40 = tpu.memref_slice %arg6[%dma_wait3A, %dma_wait3A_39] : memref<79x128xi32, #tpu.memory_space<vmem>> -> memref<79x128xi32, #tpu.memory_space<vmem>>
        %dma_wait3A_41 = arith.constant 0 : i32
        %dma_wait3A_42 = tpu.memref_slice %arg2[%add3A_6, %dma_wait3A_41] : memref<2500x128xi32, #tpu.memory_space<hbm>> -> memref<79x128xi32, #tpu.memory_space<hbm>>
        %dma_wait3A_43 = arith.constant 0 : i32
        %dma_wait3A_44 = arith.constant 0 : i32
        %dma_wait3A_45 = tpu.memref_slice %arg6[%dma_wait3A_43, %dma_wait3A_44] : memref<79x128xi32, #tpu.memory_space<vmem>> -> memref<79x128xi32, #tpu.memory_space<vmem>>
        %dma_wait3A_46 = arith.constant 0 : i32
        %dma_wait3A_47 = tpu.memref_slice %arg2[%add3A_6, %dma_wait3A_46] : memref<2500x128xi32, #tpu.memory_space<hbm>> -> memref<79x128xi32, #tpu.memory_space<hbm>>
        tpu.wait_dma2 semaphore(%run_scoped3A : memref<!tpu.dma_semaphore, #tpu.memory_space<semaphore_mem>>) src(%dma_wait3A_47 : memref<79x128xi32, #tpu.memory_space<hbm>>) dst(%dma_wait3A_45 : memref<79x128xi32, #tpu.memory_space<vmem>>)
        tpu.yield
      }) : () -> ()
    } else {
    }
    %ge3A = arith.constant 4 : i32
    %ge3A_12 = arith.cmpi sge, %add3A, %ge3A : i32
    %convert_element_type3A_13 = arith.extui %ge3A_12 : i1 to i32
    %cond3A_14 = arith.constant 0 : i32
    %cond3A_15 = arith.cmpi ne, %convert_element_type3A_13, %cond3A_14 : i32
    scf.if %cond3A_15 {
      "tpu.region"() ({
        %run_scoped3A = tpu.sem_alloc : memref<!tpu.dma_semaphore, #tpu.memory_space<semaphore_mem>>
        %dma_start3A = arith.constant 0 : i32
        %dma_start3A_30 = arith.constant 0 : i32
        %dma_start3A_31 = tpu.memref_slice %arg6[%dma_start3A, %dma_start3A_30] : memref<79x128xi32, #tpu.memory_space<vmem>> -> memref<78x128xi32, #tpu.memory_space<vmem>>
        %dma_start3A_32 = arith.constant 0 : i32
        %dma_start3A_33 = tpu.memref_slice %arg2[%add3A_6, %dma_start3A_32] : memref<2500x128xi32, #tpu.memory_space<hbm>> -> memref<78x128xi32, #tpu.memory_space<hbm>>
        %dma_start3A_34 = arith.constant 0 : i32
        %dma_start3A_35 = arith.constant 0 : i32
        %dma_start3A_36 = tpu.memref_slice %arg6[%dma_start3A_34, %dma_start3A_35] : memref<79x128xi32, #tpu.memory_space<vmem>> -> memref<78x128xi32, #tpu.memory_space<vmem>>
        %dma_start3A_37 = arith.constant 0 : i32
        %dma_start3A_38 = tpu.memref_slice %arg2[%add3A_6, %dma_start3A_37] : memref<2500x128xi32, #tpu.memory_space<hbm>> -> memref<78x128xi32, #tpu.memory_space<hbm>>
        tpu.enqueue_dma source(%dma_start3A_38 : memref<78x128xi32, #tpu.memory_space<hbm>>) target(%dma_start3A_36 : memref<78x128xi32, #tpu.memory_space<vmem>>) target_semaphore(%run_scoped3A : memref<!tpu.dma_semaphore, #tpu.memory_space<semaphore_mem>>)
        %dma_wait3A = arith.constant 0 : i32
        %dma_wait3A_39 = arith.constant 0 : i32
        %dma_wait3A_40 = tpu.memref_slice %arg6[%dma_wait3A, %dma_wait3A_39] : memref<79x128xi32, #tpu.memory_space<vmem>> -> memref<78x128xi32, #tpu.memory_space<vmem>>
        %dma_wait3A_41 = arith.constant 0 : i32
        %dma_wait3A_42 = tpu.memref_slice %arg2[%add3A_6, %dma_wait3A_41] : memref<2500x128xi32, #tpu.memory_space<hbm>> -> memref<78x128xi32, #tpu.memory_space<hbm>>
        %dma_wait3A_43 = arith.constant 0 : i32
        %dma_wait3A_44 = arith.constant 0 : i32
        %dma_wait3A_45 = tpu.memref_slice %arg6[%dma_wait3A_43, %dma_wait3A_44] : memref<79x128xi32, #tpu.memory_space<vmem>> -> memref<78x128xi32, #tpu.memory_space<vmem>>
        %dma_wait3A_46 = arith.constant 0 : i32
        %dma_wait3A_47 = tpu.memref_slice %arg2[%add3A_6, %dma_wait3A_46] : memref<2500x128xi32, #tpu.memory_space<hbm>> -> memref<78x128xi32, #tpu.memory_space<hbm>>
        tpu.wait_dma2 semaphore(%run_scoped3A : memref<!tpu.dma_semaphore, #tpu.memory_space<semaphore_mem>>) src(%dma_wait3A_47 : memref<78x128xi32, #tpu.memory_space<hbm>>) dst(%dma_wait3A_45 : memref<78x128xi32, #tpu.memory_space<vmem>>)
        tpu.yield
      }) : () -> ()
    } else {
    }
    %barrier3A = arith.constant 0 : index
    tpu.barrier barrier_id(%barrier3A)
    %while3A = arith.constant 0 : i32
    %while3A_16 = arith.constant 0 : i32
    %while3A_17 = arith.subi %select_n3A, %while3A_16 : i32
    %while3A_18 = arith.addi %while3A_16, %while3A_17 : i32
    %while3A_19 = arith.constant 1 : i32
    %while3A_20 = arith.divsi %while3A_17, %while3A_19 : i32
    %while3A_21 = arith.muli %while3A_20, %while3A_19 : i32
    %while3A_22 = arith.addi %while3A_16, %while3A_21 : i32
    %while3A_23 = arith.constant 1 : i32
    scf.for %while3A_30 = %while3A_16 to %while3A_22 step %while3A_23  : i32 {
      "tpu.region"() ({
        %run_scoped3A = tpu.sem_alloc : memref<!tpu.dma_semaphore, #tpu.memory_space<semaphore_mem>>
        %dma_start3A = arith.constant 0 : i32
        %dma_start3A_31 = tpu.memref_slice %arg6[%while3A_30, %dma_start3A] : memref<79x128xi32, #tpu.memory_space<vmem>> -> memref<1x128xi32, #tpu.memory_space<vmem>>
        %dma_start3A_32 = tpu.memref_squeeze %dma_start3A_31 : memref<1x128xi32, #tpu.memory_space<vmem>> -> memref<128xi32, #tpu.memory_space<vmem>>
        %dma_start3A_33 = arith.constant 0 : i32
        %dma_start3A_34 = arith.constant 0 : i32
        %dma_start3A_35 = tpu.memref_slice %arg9[%dma_start3A_33, %dma_start3A_34] : memref<10000x8xf32, #tpu.memory_space<vmem_shared>> -> memref<10000x8xf32, #tpu.memory_space<vmem_shared>>
        tpu.enqueue_indirect_dma source(%arg7 : memref<128x8xf32, #tpu.memory_space<vmem>>) target(%dma_start3A_35 : memref<10000x8xf32, #tpu.memory_space<vmem_shared>>) offsets(%dma_start3A_32 : memref<128xi32, #tpu.memory_space<vmem>>) semaphore(%run_scoped3A : memref<!tpu.dma_semaphore, #tpu.memory_space<semaphore_mem>>) {add = true}
        %dma_wait3A = arith.constant 0 : i32
        %dma_wait3A_36 = tpu.memref_slice %arg6[%while3A_30, %dma_wait3A] : memref<79x128xi32, #tpu.memory_space<vmem>> -> memref<1x128xi32, #tpu.memory_space<vmem>>
        %dma_wait3A_37 = tpu.memref_squeeze %dma_wait3A_36 : memref<1x128xi32, #tpu.memory_space<vmem>> -> memref<128xi32, #tpu.memory_space<vmem>>
        %dma_wait3A_38 = arith.constant 0 : i32
        %dma_wait3A_39 = arith.constant 0 : i32
        %dma_wait3A_40 = tpu.memref_slice %arg9[%dma_wait3A_38, %dma_wait3A_39] : memref<10000x8xf32, #tpu.memory_space<vmem_shared>> -> memref<10000x8xf32, #tpu.memory_space<vmem_shared>>
        tpu.wait_indirect_dma semaphore(%run_scoped3A : memref<!tpu.dma_semaphore, #tpu.memory_space<semaphore_mem>>) src(%arg7 : memref<128x8xf32, #tpu.memory_space<vmem>>) dst(%dma_wait3A_40 : memref<10000x8xf32, #tpu.memory_space<vmem_shared>>)
        tpu.yield
      }) : () -> ()
    }
    %while3A_24 = arith.constant 1 : i32
    scf.for %while3A_30 = %while3A_22 to %while3A_18 step %while3A_24  : i32 {
      "tpu.region"() ({
        %run_scoped3A = tpu.sem_alloc : memref<!tpu.dma_semaphore, #tpu.memory_space<semaphore_mem>>
        %dma_start3A = arith.constant 0 : i32
        %dma_start3A_31 = tpu.memref_slice %arg6[%while3A_30, %dma_start3A] : memref<79x128xi32, #tpu.memory_space<vmem>> -> memref<1x128xi32, #tpu.memory_space<vmem>>
        %dma_start3A_32 = tpu.memref_squeeze %dma_start3A_31 : memref<1x128xi32, #tpu.memory_space<vmem>> -> memref<128xi32, #tpu.memory_space<vmem>>
        %dma_start3A_33 = arith.constant 0 : i32
        %dma_start3A_34 = arith.constant 0 : i32
        %dma_start3A_35 = tpu.memref_slice %arg9[%dma_start3A_33, %dma_start3A_34] : memref<10000x8xf32, #tpu.memory_space<vmem_shared>> -> memref<10000x8xf32, #tpu.memory_space<vmem_shared>>
        tpu.enqueue_indirect_dma source(%arg7 : memref<128x8xf32, #tpu.memory_space<vmem>>) target(%dma_start3A_35 : memref<10000x8xf32, #tpu.memory_space<vmem_shared>>) offsets(%dma_start3A_32 : memref<128xi32, #tpu.memory_space<vmem>>) semaphore(%run_scoped3A : memref<!tpu.dma_semaphore, #tpu.memory_space<semaphore_mem>>) {add = true}
        %dma_wait3A = arith.constant 0 : i32
        %dma_wait3A_36 = tpu.memref_slice %arg6[%while3A_30, %dma_wait3A] : memref<79x128xi32, #tpu.memory_space<vmem>> -> memref<1x128xi32, #tpu.memory_space<vmem>>
        %dma_wait3A_37 = tpu.memref_squeeze %dma_wait3A_36 : memref<1x128xi32, #tpu.memory_space<vmem>> -> memref<128xi32, #tpu.memory_space<vmem>>
        %dma_wait3A_38 = arith.constant 0 : i32
        %dma_wait3A_39 = arith.constant 0 : i32
        %dma_wait3A_40 = tpu.memref_slice %arg9[%dma_wait3A_38, %dma_wait3A_39] : memref<10000x8xf32, #tpu.memory_space<vmem_shared>> -> memref<10000x8xf32, #tpu.memory_space<vmem_shared>>
        tpu.wait_indirect_dma semaphore(%run_scoped3A : memref<!tpu.dma_semaphore, #tpu.memory_space<semaphore_mem>>) src(%arg7 : memref<128x8xf32, #tpu.memory_space<vmem>>) dst(%dma_wait3A_40 : memref<10000x8xf32, #tpu.memory_space<vmem_shared>>)
        tpu.yield
      }) : () -> ()
    }
    %barrier3A_25 = arith.constant 0 : index
    tpu.barrier barrier_id(%barrier3A_25)
    %mul3A_26 = arith.constant 625 : i32
    %mul3A_27 = arith.muli %arg1, %mul3A_26 : i32
    "tpu.region"() ({
      %run_scoped3A = tpu.sem_alloc : memref<!tpu.dma_semaphore, #tpu.memory_space<semaphore_mem>>
      %dma_start3A = arith.constant 0 : i32
      %dma_start3A_30 = tpu.memref_slice %arg9[%mul3A_27, %dma_start3A] : memref<10000x8xf32, #tpu.memory_space<vmem_shared>> -> memref<625x8xf32, #tpu.memory_space<vmem_shared>>
      %dma_start3A_31 = arith.constant 0 : i32
      %dma_start3A_32 = tpu.memref_slice %arg9[%mul3A_27, %dma_start3A_31] : memref<10000x8xf32, #tpu.memory_space<vmem_shared>> -> memref<625x8xf32, #tpu.memory_space<vmem_shared>>
      tpu.enqueue_dma source(%dma_start3A_32 : memref<625x8xf32, #tpu.memory_space<vmem_shared>>) target(%arg8 : memref<625x8xf32, #tpu.memory_space<vmem>>) target_semaphore(%run_scoped3A : memref<!tpu.dma_semaphore, #tpu.memory_space<semaphore_mem>>)
      %dma_wait3A = arith.constant 0 : i32
      %dma_wait3A_33 = tpu.memref_slice %arg9[%mul3A_27, %dma_wait3A] : memref<10000x8xf32, #tpu.memory_space<vmem_shared>> -> memref<625x8xf32, #tpu.memory_space<vmem_shared>>
      %dma_wait3A_34 = arith.constant 0 : i32
      %dma_wait3A_35 = tpu.memref_slice %arg9[%mul3A_27, %dma_wait3A_34] : memref<10000x8xf32, #tpu.memory_space<vmem_shared>> -> memref<625x8xf32, #tpu.memory_space<vmem_shared>>
      tpu.wait_dma2 semaphore(%run_scoped3A : memref<!tpu.dma_semaphore, #tpu.memory_space<semaphore_mem>>) src(%dma_wait3A_35 : memref<625x8xf32, #tpu.memory_space<vmem_shared>>) dst(%arg8 : memref<625x8xf32, #tpu.memory_space<vmem>>)
      tpu.yield
    }) : () -> ()
    %mul3A_28 = arith.constant 625 : i32
    %mul3A_29 = arith.muli %arg1, %mul3A_28 : i32
    "tpu.region"() ({
      %run_scoped3A = tpu.sem_alloc : memref<!tpu.dma_semaphore, #tpu.memory_space<semaphore_mem>>
      %dma_start3A = arith.constant 0 : i32
      %dma_start3A_30 = tpu.memref_slice %arg5[%arg0, %mul3A_29, %dma_start3A] : memref<2x10000x8xf32, #tpu.memory_space<hbm>> -> memref<1x625x8xf32, #tpu.memory_space<hbm>>
      %dma_start3A_31 = tpu.memref_squeeze %dma_start3A_30 : memref<1x625x8xf32, #tpu.memory_space<hbm>> -> memref<625x8xf32, #tpu.memory_space<hbm>>
      %dma_start3A_32 = arith.constant 0 : i32
      %dma_start3A_33 = tpu.memref_slice %arg5[%arg0, %mul3A_29, %dma_start3A_32] : memref<2x10000x8xf32, #tpu.memory_space<hbm>> -> memref<1x625x8xf32, #tpu.memory_space<hbm>>
      %dma_start3A_34 = tpu.memref_squeeze %dma_start3A_33 : memref<1x625x8xf32, #tpu.memory_space<hbm>> -> memref<625x8xf32, #tpu.memory_space<hbm>>
      tpu.enqueue_dma source(%arg8 : memref<625x8xf32, #tpu.memory_space<vmem>>) target(%dma_start3A_34 : memref<625x8xf32, #tpu.memory_space<hbm>>) target_semaphore(%run_scoped3A : memref<!tpu.dma_semaphore, #tpu.memory_space<semaphore_mem>>)
      %dma_wait3A = arith.constant 0 : i32
      %dma_wait3A_35 = tpu.memref_slice %arg5[%arg0, %mul3A_29, %dma_wait3A] : memref<2x10000x8xf32, #tpu.memory_space<hbm>> -> memref<1x625x8xf32, #tpu.memory_space<hbm>>
      %dma_wait3A_36 = tpu.memref_squeeze %dma_wait3A_35 : memref<1x625x8xf32, #tpu.memory_space<hbm>> -> memref<625x8xf32, #tpu.memory_space<hbm>>
      %dma_wait3A_37 = arith.constant 0 : i32
      %dma_wait3A_38 = tpu.memref_slice %arg5[%arg0, %mul3A_29, %dma_wait3A_37] : memref<2x10000x8xf32, #tpu.memory_space<hbm>> -> memref<1x625x8xf32, #tpu.memory_space<hbm>>
      %dma_wait3A_39 = tpu.memref_squeeze %dma_wait3A_38 : memref<1x625x8xf32, #tpu.memory_space<hbm>> -> memref<625x8xf32, #tpu.memory_space<hbm>>
      tpu.wait_dma2 semaphore(%run_scoped3A : memref<!tpu.dma_semaphore, #tpu.memory_space<semaphore_mem>>) src(%arg8 : memref<625x8xf32, #tpu.memory_space<vmem>>) dst(%dma_wait3A_39 : memref<625x8xf32, #tpu.memory_space<hbm>>)
      tpu.yield
    }) : () -> ()
    return
  }
}

#map = affine_map<(d0, d1) -> (0, 0)>
#map1 = affine_map<(d0, d1) -> (0, 0, 0)>
module attributes {stable_mosaic.version = 14 : i64} {
  func.func @k(%arg0: i32, %arg1: i32, %arg2: memref<2500x128xi32, #tpu.memory_space<hbm>>, %arg3: memref<2500x128xi32, #tpu.memory_space<hbm>>, %arg4: memref<10000x16xf32, #tpu.memory_space<hbm>>, %arg5: memref<625x16xf32, #tpu.memory_space<hbm>>, %arg6: memref<2x10000x16xf32, #tpu.memory_space<hbm>>, %arg7: memref<79x128xi32, #tpu.memory_space<vmem>>, %arg8: memref<79x128xi32, #tpu.memory_space<vmem>>, %arg9: memref<8x128x16xf32, #tpu.memory_space<vmem>>, %arg10: memref<625x16xf32, #tpu.memory_space<vmem>>, %arg11: memref<10000x16xf32, #tpu.memory_space<vmem_shared>>, %arg12: memref<8x!tpu.dma_semaphore, #tpu.memory_space<semaphore_mem>>, %arg13: memref<8x!tpu.dma_semaphore, #tpu.memory_space<semaphore_mem>>, %arg14: memref<10000x16xf32, #tpu.memory_space<vmem_shared>>) attributes {dimension_semantics = [#tpu.dimension_semantics<core_parallel>, #tpu.dimension_semantics<subcore_parallel>], iteration_bounds = array<i64: 2, 16>, scalar_prefetch = 0 : i64, scratch_operands = 8 : i64, tpu.core_type = #tpu.core_type<sc_vector_subcore>, window_params = [{transform_indices = #map}, {transform_indices = #map}, {transform_indices = #map}, {transform_indices = #map}, {transform_indices = #map1}]} {
    %mul3A = arith.constant 156 : i32
    %mul3A_0 = arith.muli %mul3A, %arg1 : i32
    %min3A = arith.constant 4 : i32
    %min3A_1 = arith.minsi %arg1, %min3A : i32
    %add3A = arith.addi %mul3A_0, %min3A_1 : i32
    %lt3A = arith.constant 4 : i32
    %lt3A_2 = arith.cmpi slt, %arg1, %lt3A : i32
    %jit3A = arith.constant 79 : i32
    %jit3A_3 = arith.constant 78 : i32
    %select_n3A = arith.select %lt3A_2, %jit3A, %jit3A_3 : i32
    %eq3A = arith.constant 0 : i32
    %eq3A_4 = arith.cmpi eq, %arg0, %eq3A : i32
    %add3A_5 = arith.addi %add3A, %select_n3A : i32
    %select_n3A_6 = arith.select %eq3A_4, %add3A, %add3A_5 : i32
    %eq3A_7 = arith.constant 0 : i32
    %eq3A_8 = arith.cmpi eq, %arg0, %eq3A_7 : i32
    %jit3A_9 = arith.constant 78 : i32
    %select_n3A_10 = arith.select %eq3A_8, %select_n3A, %jit3A_9 : i32
    %mul3A_11 = arith.constant 625 : i32
    %mul3A_12 = arith.muli %arg1, %mul3A_11 : i32
    "tpu.region"() ({
      %run_scoped3A = tpu.sem_alloc : memref<!tpu.dma_semaphore, #tpu.memory_space<semaphore_mem>>
      %dma_start3A_157 = arith.constant 0 : i32
      %dma_start3A_158 = tpu.memref_slice %arg4[%mul3A_12, %dma_start3A_157] : memref<10000x16xf32, #tpu.memory_space<hbm>> -> memref<625x16xf32, #tpu.memory_space<hbm>>
      %dma_start3A_159 = arith.constant 0 : i32
      %dma_start3A_160 = tpu.memref_slice %arg4[%mul3A_12, %dma_start3A_159] : memref<10000x16xf32, #tpu.memory_space<hbm>> -> memref<625x16xf32, #tpu.memory_space<hbm>>
      tpu.enqueue_dma source(%dma_start3A_160 : memref<625x16xf32, #tpu.memory_space<hbm>>) target(%arg10 : memref<625x16xf32, #tpu.memory_space<vmem>>) target_semaphore(%run_scoped3A : memref<!tpu.dma_semaphore, #tpu.memory_space<semaphore_mem>>)
      %dma_wait3A = arith.constant 0 : i32
      %dma_wait3A_161 = tpu.memref_slice %arg4[%mul3A_12, %dma_wait3A] : memref<10000x16xf32, #tpu.memory_space<hbm>> -> memref<625x16xf32, #tpu.memory_space<hbm>>
      %dma_wait3A_162 = arith.constant 0 : i32
      %dma_wait3A_163 = tpu.memref_slice %arg4[%mul3A_12, %dma_wait3A_162] : memref<10000x16xf32, #tpu.memory_space<hbm>> -> memref<625x16xf32, #tpu.memory_space<hbm>>
      tpu.wait_dma2 semaphore(%run_scoped3A : memref<!tpu.dma_semaphore, #tpu.memory_space<semaphore_mem>>) src(%dma_wait3A_163 : memref<625x16xf32, #tpu.memory_space<hbm>>) dst(%arg10 : memref<625x16xf32, #tpu.memory_space<vmem>>)
      tpu.yield
    }) : () -> ()
    %mul3A_13 = arith.constant 625 : i32
    %mul3A_14 = arith.muli %arg1, %mul3A_13 : i32
    "tpu.region"() ({
      %run_scoped3A = tpu.sem_alloc : memref<!tpu.dma_semaphore, #tpu.memory_space<semaphore_mem>>
      %dma_start3A_157 = arith.constant 0 : i32
      %dma_start3A_158 = tpu.memref_slice %arg14[%mul3A_14, %dma_start3A_157] : memref<10000x16xf32, #tpu.memory_space<vmem_shared>> -> memref<625x16xf32, #tpu.memory_space<vmem_shared>>
      %dma_start3A_159 = arith.constant 0 : i32
      %dma_start3A_160 = tpu.memref_slice %arg14[%mul3A_14, %dma_start3A_159] : memref<10000x16xf32, #tpu.memory_space<vmem_shared>> -> memref<625x16xf32, #tpu.memory_space<vmem_shared>>
      tpu.enqueue_dma source(%arg10 : memref<625x16xf32, #tpu.memory_space<vmem>>) target(%dma_start3A_160 : memref<625x16xf32, #tpu.memory_space<vmem_shared>>) target_semaphore(%run_scoped3A : memref<!tpu.dma_semaphore, #tpu.memory_space<semaphore_mem>>)
      %dma_wait3A = arith.constant 0 : i32
      %dma_wait3A_161 = tpu.memref_slice %arg14[%mul3A_14, %dma_wait3A] : memref<10000x16xf32, #tpu.memory_space<vmem_shared>> -> memref<625x16xf32, #tpu.memory_space<vmem_shared>>
      %dma_wait3A_162 = arith.constant 0 : i32
      %dma_wait3A_163 = tpu.memref_slice %arg14[%mul3A_14, %dma_wait3A_162] : memref<10000x16xf32, #tpu.memory_space<vmem_shared>> -> memref<625x16xf32, #tpu.memory_space<vmem_shared>>
      tpu.wait_dma2 semaphore(%run_scoped3A : memref<!tpu.dma_semaphore, #tpu.memory_space<semaphore_mem>>) src(%arg10 : memref<625x16xf32, #tpu.memory_space<vmem>>) dst(%dma_wait3A_163 : memref<625x16xf32, #tpu.memory_space<vmem_shared>>)
      tpu.yield
    }) : () -> ()
    %eq3A_15 = arith.constant 0 : i32
    %eq3A_16 = arith.cmpi eq, %arg0, %eq3A_15 : i32
    %convert_element_type3A = arith.extui %eq3A_16 : i1 to i32
    %cond3A = arith.constant 0 : i32
    %cond3A_17 = arith.cmpi ne, %convert_element_type3A, %cond3A : i32
    scf.if %cond3A_17 {
      %mul3A_157 = arith.constant 625 : i32
      %mul3A_158 = arith.muli %arg1, %mul3A_157 : i32
      "tpu.region"() ({
        %run_scoped3A = tpu.sem_alloc : memref<!tpu.dma_semaphore, #tpu.memory_space<semaphore_mem>>
        %dma_start3A_159 = arith.constant 0 : i32
        %dma_start3A_160 = tpu.memref_slice %arg11[%mul3A_158, %dma_start3A_159] : memref<10000x16xf32, #tpu.memory_space<vmem_shared>> -> memref<625x16xf32, #tpu.memory_space<vmem_shared>>
        %dma_start3A_161 = arith.constant 0 : i32
        %dma_start3A_162 = tpu.memref_slice %arg11[%mul3A_158, %dma_start3A_161] : memref<10000x16xf32, #tpu.memory_space<vmem_shared>> -> memref<625x16xf32, #tpu.memory_space<vmem_shared>>
        tpu.enqueue_dma source(%arg10 : memref<625x16xf32, #tpu.memory_space<vmem>>) target(%dma_start3A_162 : memref<625x16xf32, #tpu.memory_space<vmem_shared>>) target_semaphore(%run_scoped3A : memref<!tpu.dma_semaphore, #tpu.memory_space<semaphore_mem>>)
        %dma_wait3A = arith.constant 0 : i32
        %dma_wait3A_163 = tpu.memref_slice %arg11[%mul3A_158, %dma_wait3A] : memref<10000x16xf32, #tpu.memory_space<vmem_shared>> -> memref<625x16xf32, #tpu.memory_space<vmem_shared>>
        %dma_wait3A_164 = arith.constant 0 : i32
        %dma_wait3A_165 = tpu.memref_slice %arg11[%mul3A_158, %dma_wait3A_164] : memref<10000x16xf32, #tpu.memory_space<vmem_shared>> -> memref<625x16xf32, #tpu.memory_space<vmem_shared>>
        tpu.wait_dma2 semaphore(%run_scoped3A : memref<!tpu.dma_semaphore, #tpu.memory_space<semaphore_mem>>) src(%arg10 : memref<625x16xf32, #tpu.memory_space<vmem>>) dst(%dma_wait3A_165 : memref<625x16xf32, #tpu.memory_space<vmem_shared>>)
        tpu.yield
      }) : () -> ()
    } else {
    }
    %eq3A_18 = arith.constant 1 : i32
    %eq3A_19 = arith.cmpi eq, %arg0, %eq3A_18 : i32
    %convert_element_type3A_20 = arith.extui %eq3A_19 : i1 to i32
    %cond3A_21 = arith.constant 0 : i32
    %cond3A_22 = arith.cmpi ne, %convert_element_type3A_20, %cond3A_21 : i32
    scf.if %cond3A_22 {
      "tpu.region"() ({
        %run_scoped3A = tpu.sem_alloc : memref<!tpu.dma_semaphore, #tpu.memory_space<semaphore_mem>>
        tpu.enqueue_dma source(%arg5 : memref<625x16xf32, #tpu.memory_space<hbm>>) target(%arg10 : memref<625x16xf32, #tpu.memory_space<vmem>>) target_semaphore(%run_scoped3A : memref<!tpu.dma_semaphore, #tpu.memory_space<semaphore_mem>>)
        tpu.wait_dma2 semaphore(%run_scoped3A : memref<!tpu.dma_semaphore, #tpu.memory_space<semaphore_mem>>) src(%arg5 : memref<625x16xf32, #tpu.memory_space<hbm>>) dst(%arg10 : memref<625x16xf32, #tpu.memory_space<vmem>>)
        tpu.yield
      }) : () -> ()
      %mul3A_157 = arith.constant 625 : i32
      %mul3A_158 = arith.muli %arg1, %mul3A_157 : i32
      "tpu.region"() ({
        %run_scoped3A = tpu.sem_alloc : memref<!tpu.dma_semaphore, #tpu.memory_space<semaphore_mem>>
        %dma_start3A_159 = arith.constant 0 : i32
        %dma_start3A_160 = tpu.memref_slice %arg11[%mul3A_158, %dma_start3A_159] : memref<10000x16xf32, #tpu.memory_space<vmem_shared>> -> memref<625x16xf32, #tpu.memory_space<vmem_shared>>
        %dma_start3A_161 = arith.constant 0 : i32
        %dma_start3A_162 = tpu.memref_slice %arg11[%mul3A_158, %dma_start3A_161] : memref<10000x16xf32, #tpu.memory_space<vmem_shared>> -> memref<625x16xf32, #tpu.memory_space<vmem_shared>>
        tpu.enqueue_dma source(%arg10 : memref<625x16xf32, #tpu.memory_space<vmem>>) target(%dma_start3A_162 : memref<625x16xf32, #tpu.memory_space<vmem_shared>>) target_semaphore(%run_scoped3A : memref<!tpu.dma_semaphore, #tpu.memory_space<semaphore_mem>>)
        %dma_wait3A = arith.constant 0 : i32
        %dma_wait3A_163 = tpu.memref_slice %arg11[%mul3A_158, %dma_wait3A] : memref<10000x16xf32, #tpu.memory_space<vmem_shared>> -> memref<625x16xf32, #tpu.memory_space<vmem_shared>>
        %dma_wait3A_164 = arith.constant 0 : i32
        %dma_wait3A_165 = tpu.memref_slice %arg11[%mul3A_158, %dma_wait3A_164] : memref<10000x16xf32, #tpu.memory_space<vmem_shared>> -> memref<625x16xf32, #tpu.memory_space<vmem_shared>>
        tpu.wait_dma2 semaphore(%run_scoped3A : memref<!tpu.dma_semaphore, #tpu.memory_space<semaphore_mem>>) src(%arg10 : memref<625x16xf32, #tpu.memory_space<vmem>>) dst(%dma_wait3A_165 : memref<625x16xf32, #tpu.memory_space<vmem_shared>>)
        tpu.yield
      }) : () -> ()
    } else {
    }
    %eq3A_23 = arith.constant 0 : i32
    %eq3A_24 = arith.cmpi eq, %arg0, %eq3A_23 : i32
    %lt3A_25 = arith.constant 4 : i32
    %lt3A_26 = arith.cmpi slt, %arg1, %lt3A_25 : i32
    %and3A = arith.andi %eq3A_24, %lt3A_26 : i1
    %convert_element_type3A_27 = arith.extui %and3A : i1 to i32
    %cond3A_28 = arith.constant 0 : i32
    %cond3A_29 = arith.cmpi ne, %convert_element_type3A_27, %cond3A_28 : i32
    scf.if %cond3A_29 {
      "tpu.region"() ({
        %run_scoped3A = tpu.sem_alloc : memref<!tpu.dma_semaphore, #tpu.memory_space<semaphore_mem>>
        %dma_start3A_157 = arith.constant 0 : i32
        %dma_start3A_158 = arith.constant 0 : i32
        %dma_start3A_159 = tpu.memref_slice %arg7[%dma_start3A_157, %dma_start3A_158] : memref<79x128xi32, #tpu.memory_space<vmem>> -> memref<79x128xi32, #tpu.memory_space<vmem>>
        %dma_start3A_160 = arith.constant 0 : i32
        %dma_start3A_161 = tpu.memref_slice %arg2[%select_n3A_6, %dma_start3A_160] : memref<2500x128xi32, #tpu.memory_space<hbm>> -> memref<79x128xi32, #tpu.memory_space<hbm>>
        %dma_start3A_162 = arith.constant 0 : i32
        %dma_start3A_163 = arith.constant 0 : i32
        %dma_start3A_164 = tpu.memref_slice %arg7[%dma_start3A_162, %dma_start3A_163] : memref<79x128xi32, #tpu.memory_space<vmem>> -> memref<79x128xi32, #tpu.memory_space<vmem>>
        %dma_start3A_165 = arith.constant 0 : i32
        %dma_start3A_166 = tpu.memref_slice %arg2[%select_n3A_6, %dma_start3A_165] : memref<2500x128xi32, #tpu.memory_space<hbm>> -> memref<79x128xi32, #tpu.memory_space<hbm>>
        tpu.enqueue_dma source(%dma_start3A_166 : memref<79x128xi32, #tpu.memory_space<hbm>>) target(%dma_start3A_164 : memref<79x128xi32, #tpu.memory_space<vmem>>) target_semaphore(%run_scoped3A : memref<!tpu.dma_semaphore, #tpu.memory_space<semaphore_mem>>)
        %dma_wait3A = arith.constant 0 : i32
        %dma_wait3A_167 = arith.constant 0 : i32
        %dma_wait3A_168 = tpu.memref_slice %arg7[%dma_wait3A, %dma_wait3A_167] : memref<79x128xi32, #tpu.memory_space<vmem>> -> memref<79x128xi32, #tpu.memory_space<vmem>>
        %dma_wait3A_169 = arith.constant 0 : i32
        %dma_wait3A_170 = tpu.memref_slice %arg2[%select_n3A_6, %dma_wait3A_169] : memref<2500x128xi32, #tpu.memory_space<hbm>> -> memref<79x128xi32, #tpu.memory_space<hbm>>
        %dma_wait3A_171 = arith.constant 0 : i32
        %dma_wait3A_172 = arith.constant 0 : i32
        %dma_wait3A_173 = tpu.memref_slice %arg7[%dma_wait3A_171, %dma_wait3A_172] : memref<79x128xi32, #tpu.memory_space<vmem>> -> memref<79x128xi32, #tpu.memory_space<vmem>>
        %dma_wait3A_174 = arith.constant 0 : i32
        %dma_wait3A_175 = tpu.memref_slice %arg2[%select_n3A_6, %dma_wait3A_174] : memref<2500x128xi32, #tpu.memory_space<hbm>> -> memref<79x128xi32, #tpu.memory_space<hbm>>
        tpu.wait_dma2 semaphore(%run_scoped3A : memref<!tpu.dma_semaphore, #tpu.memory_space<semaphore_mem>>) src(%dma_wait3A_175 : memref<79x128xi32, #tpu.memory_space<hbm>>) dst(%dma_wait3A_173 : memref<79x128xi32, #tpu.memory_space<vmem>>)
        tpu.yield
      }) : () -> ()
      "tpu.region"() ({
        %run_scoped3A = tpu.sem_alloc : memref<!tpu.dma_semaphore, #tpu.memory_space<semaphore_mem>>
        %dma_start3A_157 = arith.constant 0 : i32
        %dma_start3A_158 = arith.constant 0 : i32
        %dma_start3A_159 = tpu.memref_slice %arg8[%dma_start3A_157, %dma_start3A_158] : memref<79x128xi32, #tpu.memory_space<vmem>> -> memref<79x128xi32, #tpu.memory_space<vmem>>
        %dma_start3A_160 = arith.constant 0 : i32
        %dma_start3A_161 = tpu.memref_slice %arg3[%select_n3A_6, %dma_start3A_160] : memref<2500x128xi32, #tpu.memory_space<hbm>> -> memref<79x128xi32, #tpu.memory_space<hbm>>
        %dma_start3A_162 = arith.constant 0 : i32
        %dma_start3A_163 = arith.constant 0 : i32
        %dma_start3A_164 = tpu.memref_slice %arg8[%dma_start3A_162, %dma_start3A_163] : memref<79x128xi32, #tpu.memory_space<vmem>> -> memref<79x128xi32, #tpu.memory_space<vmem>>
        %dma_start3A_165 = arith.constant 0 : i32
        %dma_start3A_166 = tpu.memref_slice %arg3[%select_n3A_6, %dma_start3A_165] : memref<2500x128xi32, #tpu.memory_space<hbm>> -> memref<79x128xi32, #tpu.memory_space<hbm>>
        tpu.enqueue_dma source(%dma_start3A_166 : memref<79x128xi32, #tpu.memory_space<hbm>>) target(%dma_start3A_164 : memref<79x128xi32, #tpu.memory_space<vmem>>) target_semaphore(%run_scoped3A : memref<!tpu.dma_semaphore, #tpu.memory_space<semaphore_mem>>)
        %dma_wait3A = arith.constant 0 : i32
        %dma_wait3A_167 = arith.constant 0 : i32
        %dma_wait3A_168 = tpu.memref_slice %arg8[%dma_wait3A, %dma_wait3A_167] : memref<79x128xi32, #tpu.memory_space<vmem>> -> memref<79x128xi32, #tpu.memory_space<vmem>>
        %dma_wait3A_169 = arith.constant 0 : i32
        %dma_wait3A_170 = tpu.memref_slice %arg3[%select_n3A_6, %dma_wait3A_169] : memref<2500x128xi32, #tpu.memory_space<hbm>> -> memref<79x128xi32, #tpu.memory_space<hbm>>
        %dma_wait3A_171 = arith.constant 0 : i32
        %dma_wait3A_172 = arith.constant 0 : i32
        %dma_wait3A_173 = tpu.memref_slice %arg8[%dma_wait3A_171, %dma_wait3A_172] : memref<79x128xi32, #tpu.memory_space<vmem>> -> memref<79x128xi32, #tpu.memory_space<vmem>>
        %dma_wait3A_174 = arith.constant 0 : i32
        %dma_wait3A_175 = tpu.memref_slice %arg3[%select_n3A_6, %dma_wait3A_174] : memref<2500x128xi32, #tpu.memory_space<hbm>> -> memref<79x128xi32, #tpu.memory_space<hbm>>
        tpu.wait_dma2 semaphore(%run_scoped3A : memref<!tpu.dma_semaphore, #tpu.memory_space<semaphore_mem>>) src(%dma_wait3A_175 : memref<79x128xi32, #tpu.memory_space<hbm>>) dst(%dma_wait3A_173 : memref<79x128xi32, #tpu.memory_space<vmem>>)
        tpu.yield
      }) : () -> ()
    } else {
    }
    %not3A = arith.constant true
    %not3A_30 = arith.xori %and3A, %not3A : i1
    %convert_element_type3A_31 = arith.extui %not3A_30 : i1 to i32
    %cond3A_32 = arith.constant 0 : i32
    %cond3A_33 = arith.cmpi ne, %convert_element_type3A_31, %cond3A_32 : i32
    scf.if %cond3A_33 {
      "tpu.region"() ({
        %run_scoped3A = tpu.sem_alloc : memref<!tpu.dma_semaphore, #tpu.memory_space<semaphore_mem>>
        %dma_start3A_157 = arith.constant 0 : i32
        %dma_start3A_158 = arith.constant 0 : i32
        %dma_start3A_159 = tpu.memref_slice %arg7[%dma_start3A_157, %dma_start3A_158] : memref<79x128xi32, #tpu.memory_space<vmem>> -> memref<78x128xi32, #tpu.memory_space<vmem>>
        %dma_start3A_160 = arith.constant 0 : i32
        %dma_start3A_161 = tpu.memref_slice %arg2[%select_n3A_6, %dma_start3A_160] : memref<2500x128xi32, #tpu.memory_space<hbm>> -> memref<78x128xi32, #tpu.memory_space<hbm>>
        %dma_start3A_162 = arith.constant 0 : i32
        %dma_start3A_163 = arith.constant 0 : i32
        %dma_start3A_164 = tpu.memref_slice %arg7[%dma_start3A_162, %dma_start3A_163] : memref<79x128xi32, #tpu.memory_space<vmem>> -> memref<78x128xi32, #tpu.memory_space<vmem>>
        %dma_start3A_165 = arith.constant 0 : i32
        %dma_start3A_166 = tpu.memref_slice %arg2[%select_n3A_6, %dma_start3A_165] : memref<2500x128xi32, #tpu.memory_space<hbm>> -> memref<78x128xi32, #tpu.memory_space<hbm>>
        tpu.enqueue_dma source(%dma_start3A_166 : memref<78x128xi32, #tpu.memory_space<hbm>>) target(%dma_start3A_164 : memref<78x128xi32, #tpu.memory_space<vmem>>) target_semaphore(%run_scoped3A : memref<!tpu.dma_semaphore, #tpu.memory_space<semaphore_mem>>)
        %dma_wait3A = arith.constant 0 : i32
        %dma_wait3A_167 = arith.constant 0 : i32
        %dma_wait3A_168 = tpu.memref_slice %arg7[%dma_wait3A, %dma_wait3A_167] : memref<79x128xi32, #tpu.memory_space<vmem>> -> memref<78x128xi32, #tpu.memory_space<vmem>>
        %dma_wait3A_169 = arith.constant 0 : i32
        %dma_wait3A_170 = tpu.memref_slice %arg2[%select_n3A_6, %dma_wait3A_169] : memref<2500x128xi32, #tpu.memory_space<hbm>> -> memref<78x128xi32, #tpu.memory_space<hbm>>
        %dma_wait3A_171 = arith.constant 0 : i32
        %dma_wait3A_172 = arith.constant 0 : i32
        %dma_wait3A_173 = tpu.memref_slice %arg7[%dma_wait3A_171, %dma_wait3A_172] : memref<79x128xi32, #tpu.memory_space<vmem>> -> memref<78x128xi32, #tpu.memory_space<vmem>>
        %dma_wait3A_174 = arith.constant 0 : i32
        %dma_wait3A_175 = tpu.memref_slice %arg2[%select_n3A_6, %dma_wait3A_174] : memref<2500x128xi32, #tpu.memory_space<hbm>> -> memref<78x128xi32, #tpu.memory_space<hbm>>
        tpu.wait_dma2 semaphore(%run_scoped3A : memref<!tpu.dma_semaphore, #tpu.memory_space<semaphore_mem>>) src(%dma_wait3A_175 : memref<78x128xi32, #tpu.memory_space<hbm>>) dst(%dma_wait3A_173 : memref<78x128xi32, #tpu.memory_space<vmem>>)
        tpu.yield
      }) : () -> ()
      "tpu.region"() ({
        %run_scoped3A = tpu.sem_alloc : memref<!tpu.dma_semaphore, #tpu.memory_space<semaphore_mem>>
        %dma_start3A_157 = arith.constant 0 : i32
        %dma_start3A_158 = arith.constant 0 : i32
        %dma_start3A_159 = tpu.memref_slice %arg8[%dma_start3A_157, %dma_start3A_158] : memref<79x128xi32, #tpu.memory_space<vmem>> -> memref<78x128xi32, #tpu.memory_space<vmem>>
        %dma_start3A_160 = arith.constant 0 : i32
        %dma_start3A_161 = tpu.memref_slice %arg3[%select_n3A_6, %dma_start3A_160] : memref<2500x128xi32, #tpu.memory_space<hbm>> -> memref<78x128xi32, #tpu.memory_space<hbm>>
        %dma_start3A_162 = arith.constant 0 : i32
        %dma_start3A_163 = arith.constant 0 : i32
        %dma_start3A_164 = tpu.memref_slice %arg8[%dma_start3A_162, %dma_start3A_163] : memref<79x128xi32, #tpu.memory_space<vmem>> -> memref<78x128xi32, #tpu.memory_space<vmem>>
        %dma_start3A_165 = arith.constant 0 : i32
        %dma_start3A_166 = tpu.memref_slice %arg3[%select_n3A_6, %dma_start3A_165] : memref<2500x128xi32, #tpu.memory_space<hbm>> -> memref<78x128xi32, #tpu.memory_space<hbm>>
        tpu.enqueue_dma source(%dma_start3A_166 : memref<78x128xi32, #tpu.memory_space<hbm>>) target(%dma_start3A_164 : memref<78x128xi32, #tpu.memory_space<vmem>>) target_semaphore(%run_scoped3A : memref<!tpu.dma_semaphore, #tpu.memory_space<semaphore_mem>>)
        %dma_wait3A = arith.constant 0 : i32
        %dma_wait3A_167 = arith.constant 0 : i32
        %dma_wait3A_168 = tpu.memref_slice %arg8[%dma_wait3A, %dma_wait3A_167] : memref<79x128xi32, #tpu.memory_space<vmem>> -> memref<78x128xi32, #tpu.memory_space<vmem>>
        %dma_wait3A_169 = arith.constant 0 : i32
        %dma_wait3A_170 = tpu.memref_slice %arg3[%select_n3A_6, %dma_wait3A_169] : memref<2500x128xi32, #tpu.memory_space<hbm>> -> memref<78x128xi32, #tpu.memory_space<hbm>>
        %dma_wait3A_171 = arith.constant 0 : i32
        %dma_wait3A_172 = arith.constant 0 : i32
        %dma_wait3A_173 = tpu.memref_slice %arg8[%dma_wait3A_171, %dma_wait3A_172] : memref<79x128xi32, #tpu.memory_space<vmem>> -> memref<78x128xi32, #tpu.memory_space<vmem>>
        %dma_wait3A_174 = arith.constant 0 : i32
        %dma_wait3A_175 = tpu.memref_slice %arg3[%select_n3A_6, %dma_wait3A_174] : memref<2500x128xi32, #tpu.memory_space<hbm>> -> memref<78x128xi32, #tpu.memory_space<hbm>>
        tpu.wait_dma2 semaphore(%run_scoped3A : memref<!tpu.dma_semaphore, #tpu.memory_space<semaphore_mem>>) src(%dma_wait3A_175 : memref<78x128xi32, #tpu.memory_space<hbm>>) dst(%dma_wait3A_173 : memref<78x128xi32, #tpu.memory_space<vmem>>)
        tpu.yield
      }) : () -> ()
    } else {
    }
    %barrier3A = arith.constant 0 : index
    tpu.barrier barrier_id(%barrier3A)
    %dma_start3A = arith.constant 0 : i32
    %dma_start3A_34 = arith.constant 0 : i32
    %dma_start3A_35 = arith.constant 0 : i32
    %dma_start3A_36 = arith.constant 0 : i32
    %dma_start3A_37 = arith.constant 0 : i32
    %dma_start3A_38 = tpu.memref_slice %arg9[%dma_start3A_34, %dma_start3A_36, %dma_start3A_37] : memref<8x128x16xf32, #tpu.memory_space<vmem>> -> memref<1x128x16xf32, #tpu.memory_space<vmem>>
    %dma_start3A_39 = tpu.memref_squeeze %dma_start3A_38 : memref<1x128x16xf32, #tpu.memory_space<vmem>> -> memref<128x16xf32, #tpu.memory_space<vmem>>
    %dma_start3A_40 = arith.constant 0 : i32
    %dma_start3A_41 = tpu.memref_slice %arg7[%dma_start3A, %dma_start3A_40] : memref<79x128xi32, #tpu.memory_space<vmem>> -> memref<1x128xi32, #tpu.memory_space<vmem>>
    %dma_start3A_42 = tpu.memref_squeeze %dma_start3A_41 : memref<1x128xi32, #tpu.memory_space<vmem>> -> memref<128xi32, #tpu.memory_space<vmem>>
    %dma_start3A_43 = arith.constant 0 : i32
    %dma_start3A_44 = arith.constant 0 : i32
    %dma_start3A_45 = tpu.memref_slice %arg14[%dma_start3A_43, %dma_start3A_44] : memref<10000x16xf32, #tpu.memory_space<vmem_shared>> -> memref<10000x16xf32, #tpu.memory_space<vmem_shared>>
    %dma_start3A_46 = tpu.memref_slice %arg12[%dma_start3A_35] : memref<8x!tpu.dma_semaphore, #tpu.memory_space<semaphore_mem>> -> memref<1x!tpu.dma_semaphore, #tpu.memory_space<semaphore_mem>>
    %dma_start3A_47 = tpu.memref_squeeze %dma_start3A_46 : memref<1x!tpu.dma_semaphore, #tpu.memory_space<semaphore_mem>> -> memref<!tpu.dma_semaphore, #tpu.memory_space<semaphore_mem>>
    tpu.enqueue_indirect_dma source(%dma_start3A_45 : memref<10000x16xf32, #tpu.memory_space<vmem_shared>>) target(%dma_start3A_39 : memref<128x16xf32, #tpu.memory_space<vmem>>) offsets(%dma_start3A_42 : memref<128xi32, #tpu.memory_space<vmem>>) semaphore(%dma_start3A_47 : memref<!tpu.dma_semaphore, #tpu.memory_space<semaphore_mem>>)
    %dma_start3A_48 = arith.constant 1 : i32
    %dma_start3A_49 = arith.constant 1 : i32
    %dma_start3A_50 = arith.constant 1 : i32
    %dma_start3A_51 = arith.constant 0 : i32
    %dma_start3A_52 = arith.constant 0 : i32
    %dma_start3A_53 = tpu.memref_slice %arg9[%dma_start3A_49, %dma_start3A_51, %dma_start3A_52] : memref<8x128x16xf32, #tpu.memory_space<vmem>> -> memref<1x128x16xf32, #tpu.memory_space<vmem>>
    %dma_start3A_54 = tpu.memref_squeeze %dma_start3A_53 : memref<1x128x16xf32, #tpu.memory_space<vmem>> -> memref<128x16xf32, #tpu.memory_space<vmem>>
    %dma_start3A_55 = arith.constant 0 : i32
    %dma_start3A_56 = tpu.memref_slice %arg7[%dma_start3A_48, %dma_start3A_55] : memref<79x128xi32, #tpu.memory_space<vmem>> -> memref<1x128xi32, #tpu.memory_space<vmem>>
    %dma_start3A_57 = tpu.memref_squeeze %dma_start3A_56 : memref<1x128xi32, #tpu.memory_space<vmem>> -> memref<128xi32, #tpu.memory_space<vmem>>
    %dma_start3A_58 = arith.constant 0 : i32
    %dma_start3A_59 = arith.constant 0 : i32
    %dma_start3A_60 = tpu.memref_slice %arg14[%dma_start3A_58, %dma_start3A_59] : memref<10000x16xf32, #tpu.memory_space<vmem_shared>> -> memref<10000x16xf32, #tpu.memory_space<vmem_shared>>
    %dma_start3A_61 = tpu.memref_slice %arg12[%dma_start3A_50] : memref<8x!tpu.dma_semaphore, #tpu.memory_space<semaphore_mem>> -> memref<1x!tpu.dma_semaphore, #tpu.memory_space<semaphore_mem>>
    %dma_start3A_62 = tpu.memref_squeeze %dma_start3A_61 : memref<1x!tpu.dma_semaphore, #tpu.memory_space<semaphore_mem>> -> memref<!tpu.dma_semaphore, #tpu.memory_space<semaphore_mem>>
    tpu.enqueue_indirect_dma source(%dma_start3A_60 : memref<10000x16xf32, #tpu.memory_space<vmem_shared>>) target(%dma_start3A_54 : memref<128x16xf32, #tpu.memory_space<vmem>>) offsets(%dma_start3A_57 : memref<128xi32, #tpu.memory_space<vmem>>) semaphore(%dma_start3A_62 : memref<!tpu.dma_semaphore, #tpu.memory_space<semaphore_mem>>)
    %dma_start3A_63 = arith.constant 2 : i32
    %dma_start3A_64 = arith.constant 2 : i32
    %dma_start3A_65 = arith.constant 2 : i32
    %dma_start3A_66 = arith.constant 0 : i32
    %dma_start3A_67 = arith.constant 0 : i32
    %dma_start3A_68 = tpu.memref_slice %arg9[%dma_start3A_64, %dma_start3A_66, %dma_start3A_67] : memref<8x128x16xf32, #tpu.memory_space<vmem>> -> memref<1x128x16xf32, #tpu.memory_space<vmem>>
    %dma_start3A_69 = tpu.memref_squeeze %dma_start3A_68 : memref<1x128x16xf32, #tpu.memory_space<vmem>> -> memref<128x16xf32, #tpu.memory_space<vmem>>
    %dma_start3A_70 = arith.constant 0 : i32
    %dma_start3A_71 = tpu.memref_slice %arg7[%dma_start3A_63, %dma_start3A_70] : memref<79x128xi32, #tpu.memory_space<vmem>> -> memref<1x128xi32, #tpu.memory_space<vmem>>
    %dma_start3A_72 = tpu.memref_squeeze %dma_start3A_71 : memref<1x128xi32, #tpu.memory_space<vmem>> -> memref<128xi32, #tpu.memory_space<vmem>>
    %dma_start3A_73 = arith.constant 0 : i32
    %dma_start3A_74 = arith.constant 0 : i32
    %dma_start3A_75 = tpu.memref_slice %arg14[%dma_start3A_73, %dma_start3A_74] : memref<10000x16xf32, #tpu.memory_space<vmem_shared>> -> memref<10000x16xf32, #tpu.memory_space<vmem_shared>>
    %dma_start3A_76 = tpu.memref_slice %arg12[%dma_start3A_65] : memref<8x!tpu.dma_semaphore, #tpu.memory_space<semaphore_mem>> -> memref<1x!tpu.dma_semaphore, #tpu.memory_space<semaphore_mem>>
    %dma_start3A_77 = tpu.memref_squeeze %dma_start3A_76 : memref<1x!tpu.dma_semaphore, #tpu.memory_space<semaphore_mem>> -> memref<!tpu.dma_semaphore, #tpu.memory_space<semaphore_mem>>
    tpu.enqueue_indirect_dma source(%dma_start3A_75 : memref<10000x16xf32, #tpu.memory_space<vmem_shared>>) target(%dma_start3A_69 : memref<128x16xf32, #tpu.memory_space<vmem>>) offsets(%dma_start3A_72 : memref<128xi32, #tpu.memory_space<vmem>>) semaphore(%dma_start3A_77 : memref<!tpu.dma_semaphore, #tpu.memory_space<semaphore_mem>>)
    %dma_start3A_78 = arith.constant 3 : i32
    %dma_start3A_79 = arith.constant 3 : i32
    %dma_start3A_80 = arith.constant 3 : i32
    %dma_start3A_81 = arith.constant 0 : i32
    %dma_start3A_82 = arith.constant 0 : i32
    %dma_start3A_83 = tpu.memref_slice %arg9[%dma_start3A_79, %dma_start3A_81, %dma_start3A_82] : memref<8x128x16xf32, #tpu.memory_space<vmem>> -> memref<1x128x16xf32, #tpu.memory_space<vmem>>
    %dma_start3A_84 = tpu.memref_squeeze %dma_start3A_83 : memref<1x128x16xf32, #tpu.memory_space<vmem>> -> memref<128x16xf32, #tpu.memory_space<vmem>>
    %dma_start3A_85 = arith.constant 0 : i32
    %dma_start3A_86 = tpu.memref_slice %arg7[%dma_start3A_78, %dma_start3A_85] : memref<79x128xi32, #tpu.memory_space<vmem>> -> memref<1x128xi32, #tpu.memory_space<vmem>>
    %dma_start3A_87 = tpu.memref_squeeze %dma_start3A_86 : memref<1x128xi32, #tpu.memory_space<vmem>> -> memref<128xi32, #tpu.memory_space<vmem>>
    %dma_start3A_88 = arith.constant 0 : i32
    %dma_start3A_89 = arith.constant 0 : i32
    %dma_start3A_90 = tpu.memref_slice %arg14[%dma_start3A_88, %dma_start3A_89] : memref<10000x16xf32, #tpu.memory_space<vmem_shared>> -> memref<10000x16xf32, #tpu.memory_space<vmem_shared>>
    %dma_start3A_91 = tpu.memref_slice %arg12[%dma_start3A_80] : memref<8x!tpu.dma_semaphore, #tpu.memory_space<semaphore_mem>> -> memref<1x!tpu.dma_semaphore, #tpu.memory_space<semaphore_mem>>
    %dma_start3A_92 = tpu.memref_squeeze %dma_start3A_91 : memref<1x!tpu.dma_semaphore, #tpu.memory_space<semaphore_mem>> -> memref<!tpu.dma_semaphore, #tpu.memory_space<semaphore_mem>>
    tpu.enqueue_indirect_dma source(%dma_start3A_90 : memref<10000x16xf32, #tpu.memory_space<vmem_shared>>) target(%dma_start3A_84 : memref<128x16xf32, #tpu.memory_space<vmem>>) offsets(%dma_start3A_87 : memref<128xi32, #tpu.memory_space<vmem>>) semaphore(%dma_start3A_92 : memref<!tpu.dma_semaphore, #tpu.memory_space<semaphore_mem>>)
    %dma_start3A_93 = arith.constant 4 : i32
    %dma_start3A_94 = arith.constant 4 : i32
    %dma_start3A_95 = arith.constant 4 : i32
    %dma_start3A_96 = arith.constant 0 : i32
    %dma_start3A_97 = arith.constant 0 : i32
    %dma_start3A_98 = tpu.memref_slice %arg9[%dma_start3A_94, %dma_start3A_96, %dma_start3A_97] : memref<8x128x16xf32, #tpu.memory_space<vmem>> -> memref<1x128x16xf32, #tpu.memory_space<vmem>>
    %dma_start3A_99 = tpu.memref_squeeze %dma_start3A_98 : memref<1x128x16xf32, #tpu.memory_space<vmem>> -> memref<128x16xf32, #tpu.memory_space<vmem>>
    %dma_start3A_100 = arith.constant 0 : i32
    %dma_start3A_101 = tpu.memref_slice %arg7[%dma_start3A_93, %dma_start3A_100] : memref<79x128xi32, #tpu.memory_space<vmem>> -> memref<1x128xi32, #tpu.memory_space<vmem>>
    %dma_start3A_102 = tpu.memref_squeeze %dma_start3A_101 : memref<1x128xi32, #tpu.memory_space<vmem>> -> memref<128xi32, #tpu.memory_space<vmem>>
    %dma_start3A_103 = arith.constant 0 : i32
    %dma_start3A_104 = arith.constant 0 : i32
    %dma_start3A_105 = tpu.memref_slice %arg14[%dma_start3A_103, %dma_start3A_104] : memref<10000x16xf32, #tpu.memory_space<vmem_shared>> -> memref<10000x16xf32, #tpu.memory_space<vmem_shared>>
    %dma_start3A_106 = tpu.memref_slice %arg12[%dma_start3A_95] : memref<8x!tpu.dma_semaphore, #tpu.memory_space<semaphore_mem>> -> memref<1x!tpu.dma_semaphore, #tpu.memory_space<semaphore_mem>>
    %dma_start3A_107 = tpu.memref_squeeze %dma_start3A_106 : memref<1x!tpu.dma_semaphore, #tpu.memory_space<semaphore_mem>> -> memref<!tpu.dma_semaphore, #tpu.memory_space<semaphore_mem>>
    tpu.enqueue_indirect_dma source(%dma_start3A_105 : memref<10000x16xf32, #tpu.memory_space<vmem_shared>>) target(%dma_start3A_99 : memref<128x16xf32, #tpu.memory_space<vmem>>) offsets(%dma_start3A_102 : memref<128xi32, #tpu.memory_space<vmem>>) semaphore(%dma_start3A_107 : memref<!tpu.dma_semaphore, #tpu.memory_space<semaphore_mem>>)
    %dma_start3A_108 = arith.constant 5 : i32
    %dma_start3A_109 = arith.constant 5 : i32
    %dma_start3A_110 = arith.constant 5 : i32
    %dma_start3A_111 = arith.constant 0 : i32
    %dma_start3A_112 = arith.constant 0 : i32
    %dma_start3A_113 = tpu.memref_slice %arg9[%dma_start3A_109, %dma_start3A_111, %dma_start3A_112] : memref<8x128x16xf32, #tpu.memory_space<vmem>> -> memref<1x128x16xf32, #tpu.memory_space<vmem>>
    %dma_start3A_114 = tpu.memref_squeeze %dma_start3A_113 : memref<1x128x16xf32, #tpu.memory_space<vmem>> -> memref<128x16xf32, #tpu.memory_space<vmem>>
    %dma_start3A_115 = arith.constant 0 : i32
    %dma_start3A_116 = tpu.memref_slice %arg7[%dma_start3A_108, %dma_start3A_115] : memref<79x128xi32, #tpu.memory_space<vmem>> -> memref<1x128xi32, #tpu.memory_space<vmem>>
    %dma_start3A_117 = tpu.memref_squeeze %dma_start3A_116 : memref<1x128xi32, #tpu.memory_space<vmem>> -> memref<128xi32, #tpu.memory_space<vmem>>
    %dma_start3A_118 = arith.constant 0 : i32
    %dma_start3A_119 = arith.constant 0 : i32
    %dma_start3A_120 = tpu.memref_slice %arg14[%dma_start3A_118, %dma_start3A_119] : memref<10000x16xf32, #tpu.memory_space<vmem_shared>> -> memref<10000x16xf32, #tpu.memory_space<vmem_shared>>
    %dma_start3A_121 = tpu.memref_slice %arg12[%dma_start3A_110] : memref<8x!tpu.dma_semaphore, #tpu.memory_space<semaphore_mem>> -> memref<1x!tpu.dma_semaphore, #tpu.memory_space<semaphore_mem>>
    %dma_start3A_122 = tpu.memref_squeeze %dma_start3A_121 : memref<1x!tpu.dma_semaphore, #tpu.memory_space<semaphore_mem>> -> memref<!tpu.dma_semaphore, #tpu.memory_space<semaphore_mem>>
    tpu.enqueue_indirect_dma source(%dma_start3A_120 : memref<10000x16xf32, #tpu.memory_space<vmem_shared>>) target(%dma_start3A_114 : memref<128x16xf32, #tpu.memory_space<vmem>>) offsets(%dma_start3A_117 : memref<128xi32, #tpu.memory_space<vmem>>) semaphore(%dma_start3A_122 : memref<!tpu.dma_semaphore, #tpu.memory_space<semaphore_mem>>)
    %dma_start3A_123 = arith.constant 6 : i32
    %dma_start3A_124 = arith.constant 6 : i32
    %dma_start3A_125 = arith.constant 6 : i32
    %dma_start3A_126 = arith.constant 0 : i32
    %dma_start3A_127 = arith.constant 0 : i32
    %dma_start3A_128 = tpu.memref_slice %arg9[%dma_start3A_124, %dma_start3A_126, %dma_start3A_127] : memref<8x128x16xf32, #tpu.memory_space<vmem>> -> memref<1x128x16xf32, #tpu.memory_space<vmem>>
    %dma_start3A_129 = tpu.memref_squeeze %dma_start3A_128 : memref<1x128x16xf32, #tpu.memory_space<vmem>> -> memref<128x16xf32, #tpu.memory_space<vmem>>
    %dma_start3A_130 = arith.constant 0 : i32
    %dma_start3A_131 = tpu.memref_slice %arg7[%dma_start3A_123, %dma_start3A_130] : memref<79x128xi32, #tpu.memory_space<vmem>> -> memref<1x128xi32, #tpu.memory_space<vmem>>
    %dma_start3A_132 = tpu.memref_squeeze %dma_start3A_131 : memref<1x128xi32, #tpu.memory_space<vmem>> -> memref<128xi32, #tpu.memory_space<vmem>>
    %dma_start3A_133 = arith.constant 0 : i32
    %dma_start3A_134 = arith.constant 0 : i32
    %dma_start3A_135 = tpu.memref_slice %arg14[%dma_start3A_133, %dma_start3A_134] : memref<10000x16xf32, #tpu.memory_space<vmem_shared>> -> memref<10000x16xf32, #tpu.memory_space<vmem_shared>>
    %dma_start3A_136 = tpu.memref_slice %arg12[%dma_start3A_125] : memref<8x!tpu.dma_semaphore, #tpu.memory_space<semaphore_mem>> -> memref<1x!tpu.dma_semaphore, #tpu.memory_space<semaphore_mem>>
    %dma_start3A_137 = tpu.memref_squeeze %dma_start3A_136 : memref<1x!tpu.dma_semaphore, #tpu.memory_space<semaphore_mem>> -> memref<!tpu.dma_semaphore, #tpu.memory_space<semaphore_mem>>
    tpu.enqueue_indirect_dma source(%dma_start3A_135 : memref<10000x16xf32, #tpu.memory_space<vmem_shared>>) target(%dma_start3A_129 : memref<128x16xf32, #tpu.memory_space<vmem>>) offsets(%dma_start3A_132 : memref<128xi32, #tpu.memory_space<vmem>>) semaphore(%dma_start3A_137 : memref<!tpu.dma_semaphore, #tpu.memory_space<semaphore_mem>>)
    %while3A = arith.constant 0 : i32
    %while3A_138 = arith.constant 0 : i32
    %while3A_139 = arith.subi %select_n3A_10, %while3A_138 : i32
    %while3A_140 = arith.addi %while3A_138, %while3A_139 : i32
    %while3A_141 = arith.constant 1 : i32
    %while3A_142 = arith.divsi %while3A_139, %while3A_141 : i32
    %while3A_143 = arith.muli %while3A_142, %while3A_141 : i32
    %while3A_144 = arith.addi %while3A_138, %while3A_143 : i32
    %while3A_145 = arith.constant 1 : i32
    scf.for %while3A_157 = %while3A_138 to %while3A_144 step %while3A_145  : i32 {
      %rem3A = arith.constant 8 : i32
      %rem3A_158 = arith.remsi %while3A_157, %rem3A : i32
      %dma_wait3A = arith.constant 0 : i32
      %dma_wait3A_159 = arith.constant 0 : i32
      %dma_wait3A_160 = tpu.memref_slice %arg9[%rem3A_158, %dma_wait3A, %dma_wait3A_159] : memref<8x128x16xf32, #tpu.memory_space<vmem>> -> memref<1x128x16xf32, #tpu.memory_space<vmem>>
      %dma_wait3A_161 = tpu.memref_squeeze %dma_wait3A_160 : memref<1x128x16xf32, #tpu.memory_space<vmem>> -> memref<128x16xf32, #tpu.memory_space<vmem>>
      %dma_wait3A_162 = arith.constant 0 : i32
      %dma_wait3A_163 = tpu.memref_slice %arg7[%while3A_157, %dma_wait3A_162] : memref<79x128xi32, #tpu.memory_space<vmem>> -> memref<1x128xi32, #tpu.memory_space<vmem>>
      %dma_wait3A_164 = tpu.memref_squeeze %dma_wait3A_163 : memref<1x128xi32, #tpu.memory_space<vmem>> -> memref<128xi32, #tpu.memory_space<vmem>>
      %dma_wait3A_165 = arith.constant 0 : i32
      %dma_wait3A_166 = arith.constant 0 : i32
      %dma_wait3A_167 = tpu.memref_slice %arg14[%dma_wait3A_165, %dma_wait3A_166] : memref<10000x16xf32, #tpu.memory_space<vmem_shared>> -> memref<10000x16xf32, #tpu.memory_space<vmem_shared>>
      %dma_wait3A_168 = tpu.memref_slice %arg12[%rem3A_158] : memref<8x!tpu.dma_semaphore, #tpu.memory_space<semaphore_mem>> -> memref<1x!tpu.dma_semaphore, #tpu.memory_space<semaphore_mem>>
      %dma_wait3A_169 = tpu.memref_squeeze %dma_wait3A_168 : memref<1x!tpu.dma_semaphore, #tpu.memory_space<semaphore_mem>> -> memref<!tpu.dma_semaphore, #tpu.memory_space<semaphore_mem>>
      tpu.wait_indirect_dma semaphore(%dma_wait3A_169 : memref<!tpu.dma_semaphore, #tpu.memory_space<semaphore_mem>>) src(%dma_wait3A_167 : memref<10000x16xf32, #tpu.memory_space<vmem_shared>>) dst(%dma_wait3A_161 : memref<128x16xf32, #tpu.memory_space<vmem>>)
      %dma_start3A_170 = arith.constant 0 : i32
      %dma_start3A_171 = arith.constant 0 : i32
      %dma_start3A_172 = tpu.memref_slice %arg9[%rem3A_158, %dma_start3A_170, %dma_start3A_171] : memref<8x128x16xf32, #tpu.memory_space<vmem>> -> memref<1x128x16xf32, #tpu.memory_space<vmem>>
      %dma_start3A_173 = tpu.memref_squeeze %dma_start3A_172 : memref<1x128x16xf32, #tpu.memory_space<vmem>> -> memref<128x16xf32, #tpu.memory_space<vmem>>
      %dma_start3A_174 = arith.constant 0 : i32
      %dma_start3A_175 = tpu.memref_slice %arg8[%while3A_157, %dma_start3A_174] : memref<79x128xi32, #tpu.memory_space<vmem>> -> memref<1x128xi32, #tpu.memory_space<vmem>>
      %dma_start3A_176 = tpu.memref_squeeze %dma_start3A_175 : memref<1x128xi32, #tpu.memory_space<vmem>> -> memref<128xi32, #tpu.memory_space<vmem>>
      %dma_start3A_177 = arith.constant 0 : i32
      %dma_start3A_178 = arith.constant 0 : i32
      %dma_start3A_179 = tpu.memref_slice %arg11[%dma_start3A_177, %dma_start3A_178] : memref<10000x16xf32, #tpu.memory_space<vmem_shared>> -> memref<10000x16xf32, #tpu.memory_space<vmem_shared>>
      %dma_start3A_180 = tpu.memref_slice %arg13[%rem3A_158] : memref<8x!tpu.dma_semaphore, #tpu.memory_space<semaphore_mem>> -> memref<1x!tpu.dma_semaphore, #tpu.memory_space<semaphore_mem>>
      %dma_start3A_181 = tpu.memref_squeeze %dma_start3A_180 : memref<1x!tpu.dma_semaphore, #tpu.memory_space<semaphore_mem>> -> memref<!tpu.dma_semaphore, #tpu.memory_space<semaphore_mem>>
      tpu.enqueue_indirect_dma source(%dma_start3A_173 : memref<128x16xf32, #tpu.memory_space<vmem>>) target(%dma_start3A_179 : memref<10000x16xf32, #tpu.memory_space<vmem_shared>>) offsets(%dma_start3A_176 : memref<128xi32, #tpu.memory_space<vmem>>) semaphore(%dma_start3A_181 : memref<!tpu.dma_semaphore, #tpu.memory_space<semaphore_mem>>) {add = true}
      %add3A_182 = arith.constant 8 : i32
      %add3A_183 = arith.addi %while3A_157, %add3A_182 : i32
      %sub3A = arith.constant 1 : i32
      %sub3A_184 = arith.subi %add3A_183, %sub3A : i32
      %lt3A_185 = arith.cmpi slt, %sub3A_184, %select_n3A_10 : i32
      %convert_element_type3A_186 = arith.extui %lt3A_185 : i1 to i32
      %cond3A_187 = arith.constant 0 : i32
      %cond3A_188 = arith.cmpi ne, %convert_element_type3A_186, %cond3A_187 : i32
      scf.if %cond3A_188 {
        %rem3A_189 = arith.constant 8 : i32
        %rem3A_190 = arith.remsi %sub3A_184, %rem3A_189 : i32
        %ge3A = arith.constant 1 : i32
        %ge3A_191 = arith.cmpi sge, %while3A_157, %ge3A : i32
        %convert_element_type3A_192 = arith.extui %ge3A_191 : i1 to i32
        %cond3A_193 = arith.constant 0 : i32
        %cond3A_194 = arith.cmpi ne, %convert_element_type3A_192, %cond3A_193 : i32
        scf.if %cond3A_194 {
          %sub3A_207 = arith.constant 1 : i32
          %sub3A_208 = arith.subi %while3A_157, %sub3A_207 : i32
          %dma_wait3A_209 = arith.constant 0 : i32
          %dma_wait3A_210 = arith.constant 0 : i32
          %dma_wait3A_211 = tpu.memref_slice %arg9[%rem3A_190, %dma_wait3A_209, %dma_wait3A_210] : memref<8x128x16xf32, #tpu.memory_space<vmem>> -> memref<1x128x16xf32, #tpu.memory_space<vmem>>
          %dma_wait3A_212 = tpu.memref_squeeze %dma_wait3A_211 : memref<1x128x16xf32, #tpu.memory_space<vmem>> -> memref<128x16xf32, #tpu.memory_space<vmem>>
          %dma_wait3A_213 = arith.constant 0 : i32
          %dma_wait3A_214 = tpu.memref_slice %arg8[%sub3A_208, %dma_wait3A_213] : memref<79x128xi32, #tpu.memory_space<vmem>> -> memref<1x128xi32, #tpu.memory_space<vmem>>
          %dma_wait3A_215 = tpu.memref_squeeze %dma_wait3A_214 : memref<1x128xi32, #tpu.memory_space<vmem>> -> memref<128xi32, #tpu.memory_space<vmem>>
          %dma_wait3A_216 = arith.constant 0 : i32
          %dma_wait3A_217 = arith.constant 0 : i32
          %dma_wait3A_218 = tpu.memref_slice %arg11[%dma_wait3A_216, %dma_wait3A_217] : memref<10000x16xf32, #tpu.memory_space<vmem_shared>> -> memref<10000x16xf32, #tpu.memory_space<vmem_shared>>
          %dma_wait3A_219 = tpu.memref_slice %arg13[%rem3A_190] : memref<8x!tpu.dma_semaphore, #tpu.memory_space<semaphore_mem>> -> memref<1x!tpu.dma_semaphore, #tpu.memory_space<semaphore_mem>>
          %dma_wait3A_220 = tpu.memref_squeeze %dma_wait3A_219 : memref<1x!tpu.dma_semaphore, #tpu.memory_space<semaphore_mem>> -> memref<!tpu.dma_semaphore, #tpu.memory_space<semaphore_mem>>
          tpu.wait_indirect_dma semaphore(%dma_wait3A_220 : memref<!tpu.dma_semaphore, #tpu.memory_space<semaphore_mem>>) src(%dma_wait3A_212 : memref<128x16xf32, #tpu.memory_space<vmem>>) dst(%dma_wait3A_218 : memref<10000x16xf32, #tpu.memory_space<vmem_shared>>)
        } else {
        }
        %dma_start3A_195 = arith.constant 0 : i32
        %dma_start3A_196 = arith.constant 0 : i32
        %dma_start3A_197 = tpu.memref_slice %arg9[%rem3A_190, %dma_start3A_195, %dma_start3A_196] : memref<8x128x16xf32, #tpu.memory_space<vmem>> -> memref<1x128x16xf32, #tpu.memory_space<vmem>>
        %dma_start3A_198 = tpu.memref_squeeze %dma_start3A_197 : memref<1x128x16xf32, #tpu.memory_space<vmem>> -> memref<128x16xf32, #tpu.memory_space<vmem>>
        %dma_start3A_199 = arith.constant 0 : i32
        %dma_start3A_200 = tpu.memref_slice %arg7[%sub3A_184, %dma_start3A_199] : memref<79x128xi32, #tpu.memory_space<vmem>> -> memref<1x128xi32, #tpu.memory_space<vmem>>
        %dma_start3A_201 = tpu.memref_squeeze %dma_start3A_200 : memref<1x128xi32, #tpu.memory_space<vmem>> -> memref<128xi32, #tpu.memory_space<vmem>>
        %dma_start3A_202 = arith.constant 0 : i32
        %dma_start3A_203 = arith.constant 0 : i32
        %dma_start3A_204 = tpu.memref_slice %arg14[%dma_start3A_202, %dma_start3A_203] : memref<10000x16xf32, #tpu.memory_space<vmem_shared>> -> memref<10000x16xf32, #tpu.memory_space<vmem_shared>>
        %dma_start3A_205 = tpu.memref_slice %arg12[%rem3A_190] : memref<8x!tpu.dma_semaphore, #tpu.memory_space<semaphore_mem>> -> memref<1x!tpu.dma_semaphore, #tpu.memory_space<semaphore_mem>>
        %dma_start3A_206 = tpu.memref_squeeze %dma_start3A_205 : memref<1x!tpu.dma_semaphore, #tpu.memory_space<semaphore_mem>> -> memref<!tpu.dma_semaphore, #tpu.memory_space<semaphore_mem>>
        tpu.enqueue_indirect_dma source(%dma_start3A_204 : memref<10000x16xf32, #tpu.memory_space<vmem_shared>>) target(%dma_start3A_198 : memref<128x16xf32, #tpu.memory_space<vmem>>) offsets(%dma_start3A_201 : memref<128xi32, #tpu.memory_space<vmem>>) semaphore(%dma_start3A_206 : memref<!tpu.dma_semaphore, #tpu.memory_space<semaphore_mem>>)
      } else {
      }
    }
    %while3A_146 = arith.constant 1 : i32
    scf.for %while3A_157 = %while3A_144 to %while3A_140 step %while3A_146  : i32 {
      %rem3A = arith.constant 8 : i32
      %rem3A_158 = arith.remsi %while3A_157, %rem3A : i32
      %dma_wait3A = arith.constant 0 : i32
      %dma_wait3A_159 = arith.constant 0 : i32
      %dma_wait3A_160 = tpu.memref_slice %arg9[%rem3A_158, %dma_wait3A, %dma_wait3A_159] : memref<8x128x16xf32, #tpu.memory_space<vmem>> -> memref<1x128x16xf32, #tpu.memory_space<vmem>>
      %dma_wait3A_161 = tpu.memref_squeeze %dma_wait3A_160 : memref<1x128x16xf32, #tpu.memory_space<vmem>> -> memref<128x16xf32, #tpu.memory_space<vmem>>
      %dma_wait3A_162 = arith.constant 0 : i32
      %dma_wait3A_163 = tpu.memref_slice %arg7[%while3A_157, %dma_wait3A_162] : memref<79x128xi32, #tpu.memory_space<vmem>> -> memref<1x128xi32, #tpu.memory_space<vmem>>
      %dma_wait3A_164 = tpu.memref_squeeze %dma_wait3A_163 : memref<1x128xi32, #tpu.memory_space<vmem>> -> memref<128xi32, #tpu.memory_space<vmem>>
      %dma_wait3A_165 = arith.constant 0 : i32
      %dma_wait3A_166 = arith.constant 0 : i32
      %dma_wait3A_167 = tpu.memref_slice %arg14[%dma_wait3A_165, %dma_wait3A_166] : memref<10000x16xf32, #tpu.memory_space<vmem_shared>> -> memref<10000x16xf32, #tpu.memory_space<vmem_shared>>
      %dma_wait3A_168 = tpu.memref_slice %arg12[%rem3A_158] : memref<8x!tpu.dma_semaphore, #tpu.memory_space<semaphore_mem>> -> memref<1x!tpu.dma_semaphore, #tpu.memory_space<semaphore_mem>>
      %dma_wait3A_169 = tpu.memref_squeeze %dma_wait3A_168 : memref<1x!tpu.dma_semaphore, #tpu.memory_space<semaphore_mem>> -> memref<!tpu.dma_semaphore, #tpu.memory_space<semaphore_mem>>
      tpu.wait_indirect_dma semaphore(%dma_wait3A_169 : memref<!tpu.dma_semaphore, #tpu.memory_space<semaphore_mem>>) src(%dma_wait3A_167 : memref<10000x16xf32, #tpu.memory_space<vmem_shared>>) dst(%dma_wait3A_161 : memref<128x16xf32, #tpu.memory_space<vmem>>)
      %dma_start3A_170 = arith.constant 0 : i32
      %dma_start3A_171 = arith.constant 0 : i32
      %dma_start3A_172 = tpu.memref_slice %arg9[%rem3A_158, %dma_start3A_170, %dma_start3A_171] : memref<8x128x16xf32, #tpu.memory_space<vmem>> -> memref<1x128x16xf32, #tpu.memory_space<vmem>>
      %dma_start3A_173 = tpu.memref_squeeze %dma_start3A_172 : memref<1x128x16xf32, #tpu.memory_space<vmem>> -> memref<128x16xf32, #tpu.memory_space<vmem>>
      %dma_start3A_174 = arith.constant 0 : i32
      %dma_start3A_175 = tpu.memref_slice %arg8[%while3A_157, %dma_start3A_174] : memref<79x128xi32, #tpu.memory_space<vmem>> -> memref<1x128xi32, #tpu.memory_space<vmem>>
      %dma_start3A_176 = tpu.memref_squeeze %dma_start3A_175 : memref<1x128xi32, #tpu.memory_space<vmem>> -> memref<128xi32, #tpu.memory_space<vmem>>
      %dma_start3A_177 = arith.constant 0 : i32
      %dma_start3A_178 = arith.constant 0 : i32
      %dma_start3A_179 = tpu.memref_slice %arg11[%dma_start3A_177, %dma_start3A_178] : memref<10000x16xf32, #tpu.memory_space<vmem_shared>> -> memref<10000x16xf32, #tpu.memory_space<vmem_shared>>
      %dma_start3A_180 = tpu.memref_slice %arg13[%rem3A_158] : memref<8x!tpu.dma_semaphore, #tpu.memory_space<semaphore_mem>> -> memref<1x!tpu.dma_semaphore, #tpu.memory_space<semaphore_mem>>
      %dma_start3A_181 = tpu.memref_squeeze %dma_start3A_180 : memref<1x!tpu.dma_semaphore, #tpu.memory_space<semaphore_mem>> -> memref<!tpu.dma_semaphore, #tpu.memory_space<semaphore_mem>>
      tpu.enqueue_indirect_dma source(%dma_start3A_173 : memref<128x16xf32, #tpu.memory_space<vmem>>) target(%dma_start3A_179 : memref<10000x16xf32, #tpu.memory_space<vmem_shared>>) offsets(%dma_start3A_176 : memref<128xi32, #tpu.memory_space<vmem>>) semaphore(%dma_start3A_181 : memref<!tpu.dma_semaphore, #tpu.memory_space<semaphore_mem>>) {add = true}
      %add3A_182 = arith.constant 8 : i32
      %add3A_183 = arith.addi %while3A_157, %add3A_182 : i32
      %sub3A = arith.constant 1 : i32
      %sub3A_184 = arith.subi %add3A_183, %sub3A : i32
      %lt3A_185 = arith.cmpi slt, %sub3A_184, %select_n3A_10 : i32
      %convert_element_type3A_186 = arith.extui %lt3A_185 : i1 to i32
      %cond3A_187 = arith.constant 0 : i32
      %cond3A_188 = arith.cmpi ne, %convert_element_type3A_186, %cond3A_187 : i32
      scf.if %cond3A_188 {
        %rem3A_189 = arith.constant 8 : i32
        %rem3A_190 = arith.remsi %sub3A_184, %rem3A_189 : i32
        %ge3A = arith.constant 1 : i32
        %ge3A_191 = arith.cmpi sge, %while3A_157, %ge3A : i32
        %convert_element_type3A_192 = arith.extui %ge3A_191 : i1 to i32
        %cond3A_193 = arith.constant 0 : i32
        %cond3A_194 = arith.cmpi ne, %convert_element_type3A_192, %cond3A_193 : i32
        scf.if %cond3A_194 {
          %sub3A_207 = arith.constant 1 : i32
          %sub3A_208 = arith.subi %while3A_157, %sub3A_207 : i32
          %dma_wait3A_209 = arith.constant 0 : i32
          %dma_wait3A_210 = arith.constant 0 : i32
          %dma_wait3A_211 = tpu.memref_slice %arg9[%rem3A_190, %dma_wait3A_209, %dma_wait3A_210] : memref<8x128x16xf32, #tpu.memory_space<vmem>> -> memref<1x128x16xf32, #tpu.memory_space<vmem>>
          %dma_wait3A_212 = tpu.memref_squeeze %dma_wait3A_211 : memref<1x128x16xf32, #tpu.memory_space<vmem>> -> memref<128x16xf32, #tpu.memory_space<vmem>>
          %dma_wait3A_213 = arith.constant 0 : i32
          %dma_wait3A_214 = tpu.memref_slice %arg8[%sub3A_208, %dma_wait3A_213] : memref<79x128xi32, #tpu.memory_space<vmem>> -> memref<1x128xi32, #tpu.memory_space<vmem>>
          %dma_wait3A_215 = tpu.memref_squeeze %dma_wait3A_214 : memref<1x128xi32, #tpu.memory_space<vmem>> -> memref<128xi32, #tpu.memory_space<vmem>>
          %dma_wait3A_216 = arith.constant 0 : i32
          %dma_wait3A_217 = arith.constant 0 : i32
          %dma_wait3A_218 = tpu.memref_slice %arg11[%dma_wait3A_216, %dma_wait3A_217] : memref<10000x16xf32, #tpu.memory_space<vmem_shared>> -> memref<10000x16xf32, #tpu.memory_space<vmem_shared>>
          %dma_wait3A_219 = tpu.memref_slice %arg13[%rem3A_190] : memref<8x!tpu.dma_semaphore, #tpu.memory_space<semaphore_mem>> -> memref<1x!tpu.dma_semaphore, #tpu.memory_space<semaphore_mem>>
          %dma_wait3A_220 = tpu.memref_squeeze %dma_wait3A_219 : memref<1x!tpu.dma_semaphore, #tpu.memory_space<semaphore_mem>> -> memref<!tpu.dma_semaphore, #tpu.memory_space<semaphore_mem>>
          tpu.wait_indirect_dma semaphore(%dma_wait3A_220 : memref<!tpu.dma_semaphore, #tpu.memory_space<semaphore_mem>>) src(%dma_wait3A_212 : memref<128x16xf32, #tpu.memory_space<vmem>>) dst(%dma_wait3A_218 : memref<10000x16xf32, #tpu.memory_space<vmem_shared>>)
        } else {
        }
        %dma_start3A_195 = arith.constant 0 : i32
        %dma_start3A_196 = arith.constant 0 : i32
        %dma_start3A_197 = tpu.memref_slice %arg9[%rem3A_190, %dma_start3A_195, %dma_start3A_196] : memref<8x128x16xf32, #tpu.memory_space<vmem>> -> memref<1x128x16xf32, #tpu.memory_space<vmem>>
        %dma_start3A_198 = tpu.memref_squeeze %dma_start3A_197 : memref<1x128x16xf32, #tpu.memory_space<vmem>> -> memref<128x16xf32, #tpu.memory_space<vmem>>
        %dma_start3A_199 = arith.constant 0 : i32
        %dma_start3A_200 = tpu.memref_slice %arg7[%sub3A_184, %dma_start3A_199] : memref<79x128xi32, #tpu.memory_space<vmem>> -> memref<1x128xi32, #tpu.memory_space<vmem>>
        %dma_start3A_201 = tpu.memref_squeeze %dma_start3A_200 : memref<1x128xi32, #tpu.memory_space<vmem>> -> memref<128xi32, #tpu.memory_space<vmem>>
        %dma_start3A_202 = arith.constant 0 : i32
        %dma_start3A_203 = arith.constant 0 : i32
        %dma_start3A_204 = tpu.memref_slice %arg14[%dma_start3A_202, %dma_start3A_203] : memref<10000x16xf32, #tpu.memory_space<vmem_shared>> -> memref<10000x16xf32, #tpu.memory_space<vmem_shared>>
        %dma_start3A_205 = tpu.memref_slice %arg12[%rem3A_190] : memref<8x!tpu.dma_semaphore, #tpu.memory_space<semaphore_mem>> -> memref<1x!tpu.dma_semaphore, #tpu.memory_space<semaphore_mem>>
        %dma_start3A_206 = tpu.memref_squeeze %dma_start3A_205 : memref<1x!tpu.dma_semaphore, #tpu.memory_space<semaphore_mem>> -> memref<!tpu.dma_semaphore, #tpu.memory_space<semaphore_mem>>
        tpu.enqueue_indirect_dma source(%dma_start3A_204 : memref<10000x16xf32, #tpu.memory_space<vmem_shared>>) target(%dma_start3A_198 : memref<128x16xf32, #tpu.memory_space<vmem>>) offsets(%dma_start3A_201 : memref<128xi32, #tpu.memory_space<vmem>>) semaphore(%dma_start3A_206 : memref<!tpu.dma_semaphore, #tpu.memory_space<semaphore_mem>>)
      } else {
      }
    }
    %scan3A = arith.constant 0 : i32
    %scan3A_147 = arith.constant 0 : i32
    %scan3A_148 = arith.constant 8 : i32
    %scan3A_149 = arith.addi %scan3A_147, %scan3A_148 : i32
    %scan3A_150 = arith.constant 1 : i32
    scf.for %scan3A_157 = %scan3A_147 to %scan3A_149 step %scan3A_150  : i32 {
      %sub3A = arith.constant 8 : i32
      %sub3A_158 = arith.subi %select_n3A_10, %sub3A : i32
      %add3A_159 = arith.addi %sub3A_158, %scan3A_157 : i32
      %rem3A = arith.constant 8 : i32
      %rem3A_160 = arith.remsi %add3A_159, %rem3A : i32
      %dma_wait3A = arith.constant 0 : i32
      %dma_wait3A_161 = arith.constant 0 : i32
      %dma_wait3A_162 = tpu.memref_slice %arg9[%rem3A_160, %dma_wait3A, %dma_wait3A_161] : memref<8x128x16xf32, #tpu.memory_space<vmem>> -> memref<1x128x16xf32, #tpu.memory_space<vmem>>
      %dma_wait3A_163 = tpu.memref_squeeze %dma_wait3A_162 : memref<1x128x16xf32, #tpu.memory_space<vmem>> -> memref<128x16xf32, #tpu.memory_space<vmem>>
      %dma_wait3A_164 = arith.constant 0 : i32
      %dma_wait3A_165 = tpu.memref_slice %arg8[%add3A_159, %dma_wait3A_164] : memref<79x128xi32, #tpu.memory_space<vmem>> -> memref<1x128xi32, #tpu.memory_space<vmem>>
      %dma_wait3A_166 = tpu.memref_squeeze %dma_wait3A_165 : memref<1x128xi32, #tpu.memory_space<vmem>> -> memref<128xi32, #tpu.memory_space<vmem>>
      %dma_wait3A_167 = arith.constant 0 : i32
      %dma_wait3A_168 = arith.constant 0 : i32
      %dma_wait3A_169 = tpu.memref_slice %arg11[%dma_wait3A_167, %dma_wait3A_168] : memref<10000x16xf32, #tpu.memory_space<vmem_shared>> -> memref<10000x16xf32, #tpu.memory_space<vmem_shared>>
      %dma_wait3A_170 = tpu.memref_slice %arg13[%rem3A_160] : memref<8x!tpu.dma_semaphore, #tpu.memory_space<semaphore_mem>> -> memref<1x!tpu.dma_semaphore, #tpu.memory_space<semaphore_mem>>
      %dma_wait3A_171 = tpu.memref_squeeze %dma_wait3A_170 : memref<1x!tpu.dma_semaphore, #tpu.memory_space<semaphore_mem>> -> memref<!tpu.dma_semaphore, #tpu.memory_space<semaphore_mem>>
      tpu.wait_indirect_dma semaphore(%dma_wait3A_171 : memref<!tpu.dma_semaphore, #tpu.memory_space<semaphore_mem>>) src(%dma_wait3A_163 : memref<128x16xf32, #tpu.memory_space<vmem>>) dst(%dma_wait3A_169 : memref<10000x16xf32, #tpu.memory_space<vmem_shared>>)
    }
    %scan3A_151 = arith.constant 8 : i32
    %barrier3A_152 = arith.constant 0 : index
    tpu.barrier barrier_id(%barrier3A_152)
    %mul3A_153 = arith.constant 625 : i32
    %mul3A_154 = arith.muli %arg1, %mul3A_153 : i32
    "tpu.region"() ({
      %run_scoped3A = tpu.sem_alloc : memref<!tpu.dma_semaphore, #tpu.memory_space<semaphore_mem>>
      %dma_start3A_157 = arith.constant 0 : i32
      %dma_start3A_158 = tpu.memref_slice %arg11[%mul3A_154, %dma_start3A_157] : memref<10000x16xf32, #tpu.memory_space<vmem_shared>> -> memref<625x16xf32, #tpu.memory_space<vmem_shared>>
      %dma_start3A_159 = arith.constant 0 : i32
      %dma_start3A_160 = tpu.memref_slice %arg11[%mul3A_154, %dma_start3A_159] : memref<10000x16xf32, #tpu.memory_space<vmem_shared>> -> memref<625x16xf32, #tpu.memory_space<vmem_shared>>
      tpu.enqueue_dma source(%dma_start3A_160 : memref<625x16xf32, #tpu.memory_space<vmem_shared>>) target(%arg10 : memref<625x16xf32, #tpu.memory_space<vmem>>) target_semaphore(%run_scoped3A : memref<!tpu.dma_semaphore, #tpu.memory_space<semaphore_mem>>)
      %dma_wait3A = arith.constant 0 : i32
      %dma_wait3A_161 = tpu.memref_slice %arg11[%mul3A_154, %dma_wait3A] : memref<10000x16xf32, #tpu.memory_space<vmem_shared>> -> memref<625x16xf32, #tpu.memory_space<vmem_shared>>
      %dma_wait3A_162 = arith.constant 0 : i32
      %dma_wait3A_163 = tpu.memref_slice %arg11[%mul3A_154, %dma_wait3A_162] : memref<10000x16xf32, #tpu.memory_space<vmem_shared>> -> memref<625x16xf32, #tpu.memory_space<vmem_shared>>
      tpu.wait_dma2 semaphore(%run_scoped3A : memref<!tpu.dma_semaphore, #tpu.memory_space<semaphore_mem>>) src(%dma_wait3A_163 : memref<625x16xf32, #tpu.memory_space<vmem_shared>>) dst(%arg10 : memref<625x16xf32, #tpu.memory_space<vmem>>)
      tpu.yield
    }) : () -> ()
    %mul3A_155 = arith.constant 625 : i32
    %mul3A_156 = arith.muli %arg1, %mul3A_155 : i32
    "tpu.region"() ({
      %run_scoped3A = tpu.sem_alloc : memref<!tpu.dma_semaphore, #tpu.memory_space<semaphore_mem>>
      %dma_start3A_157 = arith.constant 0 : i32
      %dma_start3A_158 = tpu.memref_slice %arg6[%arg0, %mul3A_156, %dma_start3A_157] : memref<2x10000x16xf32, #tpu.memory_space<hbm>> -> memref<1x625x16xf32, #tpu.memory_space<hbm>>
      %dma_start3A_159 = tpu.memref_squeeze %dma_start3A_158 : memref<1x625x16xf32, #tpu.memory_space<hbm>> -> memref<625x16xf32, #tpu.memory_space<hbm>>
      %dma_start3A_160 = arith.constant 0 : i32
      %dma_start3A_161 = tpu.memref_slice %arg6[%arg0, %mul3A_156, %dma_start3A_160] : memref<2x10000x16xf32, #tpu.memory_space<hbm>> -> memref<1x625x16xf32, #tpu.memory_space<hbm>>
      %dma_start3A_162 = tpu.memref_squeeze %dma_start3A_161 : memref<1x625x16xf32, #tpu.memory_space<hbm>> -> memref<625x16xf32, #tpu.memory_space<hbm>>
      tpu.enqueue_dma source(%arg10 : memref<625x16xf32, #tpu.memory_space<vmem>>) target(%dma_start3A_162 : memref<625x16xf32, #tpu.memory_space<hbm>>) target_semaphore(%run_scoped3A : memref<!tpu.dma_semaphore, #tpu.memory_space<semaphore_mem>>)
      %dma_wait3A = arith.constant 0 : i32
      %dma_wait3A_163 = tpu.memref_slice %arg6[%arg0, %mul3A_156, %dma_wait3A] : memref<2x10000x16xf32, #tpu.memory_space<hbm>> -> memref<1x625x16xf32, #tpu.memory_space<hbm>>
      %dma_wait3A_164 = tpu.memref_squeeze %dma_wait3A_163 : memref<1x625x16xf32, #tpu.memory_space<hbm>> -> memref<625x16xf32, #tpu.memory_space<hbm>>
      %dma_wait3A_165 = arith.constant 0 : i32
      %dma_wait3A_166 = tpu.memref_slice %arg6[%arg0, %mul3A_156, %dma_wait3A_165] : memref<2x10000x16xf32, #tpu.memory_space<hbm>> -> memref<1x625x16xf32, #tpu.memory_space<hbm>>
      %dma_wait3A_167 = tpu.memref_squeeze %dma_wait3A_166 : memref<1x625x16xf32, #tpu.memory_space<hbm>> -> memref<625x16xf32, #tpu.memory_space<hbm>>
      tpu.wait_dma2 semaphore(%run_scoped3A : memref<!tpu.dma_semaphore, #tpu.memory_space<semaphore_mem>>) src(%arg10 : memref<625x16xf32, #tpu.memory_space<vmem>>) dst(%dma_wait3A_167 : memref<625x16xf32, #tpu.memory_space<hbm>>)
      tpu.yield
    }) : () -> ()
    return
  }
}

#map = affine_map<(d0, d1) -> (0, 0)>
#map1 = affine_map<(d0, d1) -> (0, 0, 0)>
module attributes {stable_mosaic.version = 14 : i64} {
  func.func @k(%arg0: i32, %arg1: i32, %arg2: memref<2500x128xi32, #tpu.memory_space<hbm>>, %arg3: memref<2500x128xi32, #tpu.memory_space<hbm>>, %arg4: memref<10000x32xf32, #tpu.memory_space<hbm>>, %arg5: memref<625x32xf32, #tpu.memory_space<hbm>>, %arg6: memref<2x10000x32xf32, #tpu.memory_space<hbm>>, %arg7: memref<79x128xi32, #tpu.memory_space<vmem>>, %arg8: memref<79x128xi32, #tpu.memory_space<vmem>>, %arg9: memref<8x128x32xf32, #tpu.memory_space<vmem>>, %arg10: memref<625x32xf32, #tpu.memory_space<vmem>>, %arg11: memref<10000x32xf32, #tpu.memory_space<vmem_shared>>, %arg12: memref<8x!tpu.dma_semaphore, #tpu.memory_space<semaphore_mem>>, %arg13: memref<8x!tpu.dma_semaphore, #tpu.memory_space<semaphore_mem>>, %arg14: memref<10000x32xf32, #tpu.memory_space<vmem_shared>>) attributes {dimension_semantics = [#tpu.dimension_semantics<core_parallel>, #tpu.dimension_semantics<subcore_parallel>], iteration_bounds = array<i64: 2, 16>, scalar_prefetch = 0 : i64, scratch_operands = 8 : i64, tpu.core_type = #tpu.core_type<sc_vector_subcore>, window_params = [{transform_indices = #map}, {transform_indices = #map}, {transform_indices = #map}, {transform_indices = #map}, {transform_indices = #map1}]} {
    %mul3A = arith.constant 156 : i32
    %mul3A_0 = arith.muli %mul3A, %arg1 : i32
    %min3A = arith.constant 4 : i32
    %min3A_1 = arith.minsi %arg1, %min3A : i32
    %add3A = arith.addi %mul3A_0, %min3A_1 : i32
    %lt3A = arith.constant 4 : i32
    %lt3A_2 = arith.cmpi slt, %arg1, %lt3A : i32
    %jit3A = arith.constant 79 : i32
    %jit3A_3 = arith.constant 78 : i32
    %select_n3A = arith.select %lt3A_2, %jit3A, %jit3A_3 : i32
    %eq3A = arith.constant 0 : i32
    %eq3A_4 = arith.cmpi eq, %arg0, %eq3A : i32
    %add3A_5 = arith.addi %add3A, %select_n3A : i32
    %select_n3A_6 = arith.select %eq3A_4, %add3A, %add3A_5 : i32
    %eq3A_7 = arith.constant 0 : i32
    %eq3A_8 = arith.cmpi eq, %arg0, %eq3A_7 : i32
    %jit3A_9 = arith.constant 78 : i32
    %select_n3A_10 = arith.select %eq3A_8, %select_n3A, %jit3A_9 : i32
    %mul3A_11 = arith.constant 625 : i32
    %mul3A_12 = arith.muli %arg1, %mul3A_11 : i32
    "tpu.region"() ({
      %run_scoped3A = tpu.sem_alloc : memref<!tpu.dma_semaphore, #tpu.memory_space<semaphore_mem>>
      %dma_start3A_157 = arith.constant 0 : i32
      %dma_start3A_158 = tpu.memref_slice %arg4[%mul3A_12, %dma_start3A_157] : memref<10000x32xf32, #tpu.memory_space<hbm>> -> memref<625x32xf32, #tpu.memory_space<hbm>>
      %dma_start3A_159 = arith.constant 0 : i32
      %dma_start3A_160 = tpu.memref_slice %arg4[%mul3A_12, %dma_start3A_159] : memref<10000x32xf32, #tpu.memory_space<hbm>> -> memref<625x32xf32, #tpu.memory_space<hbm>>
      tpu.enqueue_dma source(%dma_start3A_160 : memref<625x32xf32, #tpu.memory_space<hbm>>) target(%arg10 : memref<625x32xf32, #tpu.memory_space<vmem>>) target_semaphore(%run_scoped3A : memref<!tpu.dma_semaphore, #tpu.memory_space<semaphore_mem>>)
      %dma_wait3A = arith.constant 0 : i32
      %dma_wait3A_161 = tpu.memref_slice %arg4[%mul3A_12, %dma_wait3A] : memref<10000x32xf32, #tpu.memory_space<hbm>> -> memref<625x32xf32, #tpu.memory_space<hbm>>
      %dma_wait3A_162 = arith.constant 0 : i32
      %dma_wait3A_163 = tpu.memref_slice %arg4[%mul3A_12, %dma_wait3A_162] : memref<10000x32xf32, #tpu.memory_space<hbm>> -> memref<625x32xf32, #tpu.memory_space<hbm>>
      tpu.wait_dma2 semaphore(%run_scoped3A : memref<!tpu.dma_semaphore, #tpu.memory_space<semaphore_mem>>) src(%dma_wait3A_163 : memref<625x32xf32, #tpu.memory_space<hbm>>) dst(%arg10 : memref<625x32xf32, #tpu.memory_space<vmem>>)
      tpu.yield
    }) : () -> ()
    %mul3A_13 = arith.constant 625 : i32
    %mul3A_14 = arith.muli %arg1, %mul3A_13 : i32
    "tpu.region"() ({
      %run_scoped3A = tpu.sem_alloc : memref<!tpu.dma_semaphore, #tpu.memory_space<semaphore_mem>>
      %dma_start3A_157 = arith.constant 0 : i32
      %dma_start3A_158 = tpu.memref_slice %arg14[%mul3A_14, %dma_start3A_157] : memref<10000x32xf32, #tpu.memory_space<vmem_shared>> -> memref<625x32xf32, #tpu.memory_space<vmem_shared>>
      %dma_start3A_159 = arith.constant 0 : i32
      %dma_start3A_160 = tpu.memref_slice %arg14[%mul3A_14, %dma_start3A_159] : memref<10000x32xf32, #tpu.memory_space<vmem_shared>> -> memref<625x32xf32, #tpu.memory_space<vmem_shared>>
      tpu.enqueue_dma source(%arg10 : memref<625x32xf32, #tpu.memory_space<vmem>>) target(%dma_start3A_160 : memref<625x32xf32, #tpu.memory_space<vmem_shared>>) target_semaphore(%run_scoped3A : memref<!tpu.dma_semaphore, #tpu.memory_space<semaphore_mem>>)
      %dma_wait3A = arith.constant 0 : i32
      %dma_wait3A_161 = tpu.memref_slice %arg14[%mul3A_14, %dma_wait3A] : memref<10000x32xf32, #tpu.memory_space<vmem_shared>> -> memref<625x32xf32, #tpu.memory_space<vmem_shared>>
      %dma_wait3A_162 = arith.constant 0 : i32
      %dma_wait3A_163 = tpu.memref_slice %arg14[%mul3A_14, %dma_wait3A_162] : memref<10000x32xf32, #tpu.memory_space<vmem_shared>> -> memref<625x32xf32, #tpu.memory_space<vmem_shared>>
      tpu.wait_dma2 semaphore(%run_scoped3A : memref<!tpu.dma_semaphore, #tpu.memory_space<semaphore_mem>>) src(%arg10 : memref<625x32xf32, #tpu.memory_space<vmem>>) dst(%dma_wait3A_163 : memref<625x32xf32, #tpu.memory_space<vmem_shared>>)
      tpu.yield
    }) : () -> ()
    %eq3A_15 = arith.constant 0 : i32
    %eq3A_16 = arith.cmpi eq, %arg0, %eq3A_15 : i32
    %convert_element_type3A = arith.extui %eq3A_16 : i1 to i32
    %cond3A = arith.constant 0 : i32
    %cond3A_17 = arith.cmpi ne, %convert_element_type3A, %cond3A : i32
    scf.if %cond3A_17 {
      %mul3A_157 = arith.constant 625 : i32
      %mul3A_158 = arith.muli %arg1, %mul3A_157 : i32
      "tpu.region"() ({
        %run_scoped3A = tpu.sem_alloc : memref<!tpu.dma_semaphore, #tpu.memory_space<semaphore_mem>>
        %dma_start3A_159 = arith.constant 0 : i32
        %dma_start3A_160 = tpu.memref_slice %arg11[%mul3A_158, %dma_start3A_159] : memref<10000x32xf32, #tpu.memory_space<vmem_shared>> -> memref<625x32xf32, #tpu.memory_space<vmem_shared>>
        %dma_start3A_161 = arith.constant 0 : i32
        %dma_start3A_162 = tpu.memref_slice %arg11[%mul3A_158, %dma_start3A_161] : memref<10000x32xf32, #tpu.memory_space<vmem_shared>> -> memref<625x32xf32, #tpu.memory_space<vmem_shared>>
        tpu.enqueue_dma source(%arg10 : memref<625x32xf32, #tpu.memory_space<vmem>>) target(%dma_start3A_162 : memref<625x32xf32, #tpu.memory_space<vmem_shared>>) target_semaphore(%run_scoped3A : memref<!tpu.dma_semaphore, #tpu.memory_space<semaphore_mem>>)
        %dma_wait3A = arith.constant 0 : i32
        %dma_wait3A_163 = tpu.memref_slice %arg11[%mul3A_158, %dma_wait3A] : memref<10000x32xf32, #tpu.memory_space<vmem_shared>> -> memref<625x32xf32, #tpu.memory_space<vmem_shared>>
        %dma_wait3A_164 = arith.constant 0 : i32
        %dma_wait3A_165 = tpu.memref_slice %arg11[%mul3A_158, %dma_wait3A_164] : memref<10000x32xf32, #tpu.memory_space<vmem_shared>> -> memref<625x32xf32, #tpu.memory_space<vmem_shared>>
        tpu.wait_dma2 semaphore(%run_scoped3A : memref<!tpu.dma_semaphore, #tpu.memory_space<semaphore_mem>>) src(%arg10 : memref<625x32xf32, #tpu.memory_space<vmem>>) dst(%dma_wait3A_165 : memref<625x32xf32, #tpu.memory_space<vmem_shared>>)
        tpu.yield
      }) : () -> ()
    } else {
    }
    %eq3A_18 = arith.constant 1 : i32
    %eq3A_19 = arith.cmpi eq, %arg0, %eq3A_18 : i32
    %convert_element_type3A_20 = arith.extui %eq3A_19 : i1 to i32
    %cond3A_21 = arith.constant 0 : i32
    %cond3A_22 = arith.cmpi ne, %convert_element_type3A_20, %cond3A_21 : i32
    scf.if %cond3A_22 {
      "tpu.region"() ({
        %run_scoped3A = tpu.sem_alloc : memref<!tpu.dma_semaphore, #tpu.memory_space<semaphore_mem>>
        tpu.enqueue_dma source(%arg5 : memref<625x32xf32, #tpu.memory_space<hbm>>) target(%arg10 : memref<625x32xf32, #tpu.memory_space<vmem>>) target_semaphore(%run_scoped3A : memref<!tpu.dma_semaphore, #tpu.memory_space<semaphore_mem>>)
        tpu.wait_dma2 semaphore(%run_scoped3A : memref<!tpu.dma_semaphore, #tpu.memory_space<semaphore_mem>>) src(%arg5 : memref<625x32xf32, #tpu.memory_space<hbm>>) dst(%arg10 : memref<625x32xf32, #tpu.memory_space<vmem>>)
        tpu.yield
      }) : () -> ()
      %mul3A_157 = arith.constant 625 : i32
      %mul3A_158 = arith.muli %arg1, %mul3A_157 : i32
      "tpu.region"() ({
        %run_scoped3A = tpu.sem_alloc : memref<!tpu.dma_semaphore, #tpu.memory_space<semaphore_mem>>
        %dma_start3A_159 = arith.constant 0 : i32
        %dma_start3A_160 = tpu.memref_slice %arg11[%mul3A_158, %dma_start3A_159] : memref<10000x32xf32, #tpu.memory_space<vmem_shared>> -> memref<625x32xf32, #tpu.memory_space<vmem_shared>>
        %dma_start3A_161 = arith.constant 0 : i32
        %dma_start3A_162 = tpu.memref_slice %arg11[%mul3A_158, %dma_start3A_161] : memref<10000x32xf32, #tpu.memory_space<vmem_shared>> -> memref<625x32xf32, #tpu.memory_space<vmem_shared>>
        tpu.enqueue_dma source(%arg10 : memref<625x32xf32, #tpu.memory_space<vmem>>) target(%dma_start3A_162 : memref<625x32xf32, #tpu.memory_space<vmem_shared>>) target_semaphore(%run_scoped3A : memref<!tpu.dma_semaphore, #tpu.memory_space<semaphore_mem>>)
        %dma_wait3A = arith.constant 0 : i32
        %dma_wait3A_163 = tpu.memref_slice %arg11[%mul3A_158, %dma_wait3A] : memref<10000x32xf32, #tpu.memory_space<vmem_shared>> -> memref<625x32xf32, #tpu.memory_space<vmem_shared>>
        %dma_wait3A_164 = arith.constant 0 : i32
        %dma_wait3A_165 = tpu.memref_slice %arg11[%mul3A_158, %dma_wait3A_164] : memref<10000x32xf32, #tpu.memory_space<vmem_shared>> -> memref<625x32xf32, #tpu.memory_space<vmem_shared>>
        tpu.wait_dma2 semaphore(%run_scoped3A : memref<!tpu.dma_semaphore, #tpu.memory_space<semaphore_mem>>) src(%arg10 : memref<625x32xf32, #tpu.memory_space<vmem>>) dst(%dma_wait3A_165 : memref<625x32xf32, #tpu.memory_space<vmem_shared>>)
        tpu.yield
      }) : () -> ()
    } else {
    }
    %eq3A_23 = arith.constant 0 : i32
    %eq3A_24 = arith.cmpi eq, %arg0, %eq3A_23 : i32
    %lt3A_25 = arith.constant 4 : i32
    %lt3A_26 = arith.cmpi slt, %arg1, %lt3A_25 : i32
    %and3A = arith.andi %eq3A_24, %lt3A_26 : i1
    %convert_element_type3A_27 = arith.extui %and3A : i1 to i32
    %cond3A_28 = arith.constant 0 : i32
    %cond3A_29 = arith.cmpi ne, %convert_element_type3A_27, %cond3A_28 : i32
    scf.if %cond3A_29 {
      "tpu.region"() ({
        %run_scoped3A = tpu.sem_alloc : memref<!tpu.dma_semaphore, #tpu.memory_space<semaphore_mem>>
        %dma_start3A_157 = arith.constant 0 : i32
        %dma_start3A_158 = arith.constant 0 : i32
        %dma_start3A_159 = tpu.memref_slice %arg7[%dma_start3A_157, %dma_start3A_158] : memref<79x128xi32, #tpu.memory_space<vmem>> -> memref<79x128xi32, #tpu.memory_space<vmem>>
        %dma_start3A_160 = arith.constant 0 : i32
        %dma_start3A_161 = tpu.memref_slice %arg2[%select_n3A_6, %dma_start3A_160] : memref<2500x128xi32, #tpu.memory_space<hbm>> -> memref<79x128xi32, #tpu.memory_space<hbm>>
        %dma_start3A_162 = arith.constant 0 : i32
        %dma_start3A_163 = arith.constant 0 : i32
        %dma_start3A_164 = tpu.memref_slice %arg7[%dma_start3A_162, %dma_start3A_163] : memref<79x128xi32, #tpu.memory_space<vmem>> -> memref<79x128xi32, #tpu.memory_space<vmem>>
        %dma_start3A_165 = arith.constant 0 : i32
        %dma_start3A_166 = tpu.memref_slice %arg2[%select_n3A_6, %dma_start3A_165] : memref<2500x128xi32, #tpu.memory_space<hbm>> -> memref<79x128xi32, #tpu.memory_space<hbm>>
        tpu.enqueue_dma source(%dma_start3A_166 : memref<79x128xi32, #tpu.memory_space<hbm>>) target(%dma_start3A_164 : memref<79x128xi32, #tpu.memory_space<vmem>>) target_semaphore(%run_scoped3A : memref<!tpu.dma_semaphore, #tpu.memory_space<semaphore_mem>>)
        %dma_wait3A = arith.constant 0 : i32
        %dma_wait3A_167 = arith.constant 0 : i32
        %dma_wait3A_168 = tpu.memref_slice %arg7[%dma_wait3A, %dma_wait3A_167] : memref<79x128xi32, #tpu.memory_space<vmem>> -> memref<79x128xi32, #tpu.memory_space<vmem>>
        %dma_wait3A_169 = arith.constant 0 : i32
        %dma_wait3A_170 = tpu.memref_slice %arg2[%select_n3A_6, %dma_wait3A_169] : memref<2500x128xi32, #tpu.memory_space<hbm>> -> memref<79x128xi32, #tpu.memory_space<hbm>>
        %dma_wait3A_171 = arith.constant 0 : i32
        %dma_wait3A_172 = arith.constant 0 : i32
        %dma_wait3A_173 = tpu.memref_slice %arg7[%dma_wait3A_171, %dma_wait3A_172] : memref<79x128xi32, #tpu.memory_space<vmem>> -> memref<79x128xi32, #tpu.memory_space<vmem>>
        %dma_wait3A_174 = arith.constant 0 : i32
        %dma_wait3A_175 = tpu.memref_slice %arg2[%select_n3A_6, %dma_wait3A_174] : memref<2500x128xi32, #tpu.memory_space<hbm>> -> memref<79x128xi32, #tpu.memory_space<hbm>>
        tpu.wait_dma2 semaphore(%run_scoped3A : memref<!tpu.dma_semaphore, #tpu.memory_space<semaphore_mem>>) src(%dma_wait3A_175 : memref<79x128xi32, #tpu.memory_space<hbm>>) dst(%dma_wait3A_173 : memref<79x128xi32, #tpu.memory_space<vmem>>)
        tpu.yield
      }) : () -> ()
      "tpu.region"() ({
        %run_scoped3A = tpu.sem_alloc : memref<!tpu.dma_semaphore, #tpu.memory_space<semaphore_mem>>
        %dma_start3A_157 = arith.constant 0 : i32
        %dma_start3A_158 = arith.constant 0 : i32
        %dma_start3A_159 = tpu.memref_slice %arg8[%dma_start3A_157, %dma_start3A_158] : memref<79x128xi32, #tpu.memory_space<vmem>> -> memref<79x128xi32, #tpu.memory_space<vmem>>
        %dma_start3A_160 = arith.constant 0 : i32
        %dma_start3A_161 = tpu.memref_slice %arg3[%select_n3A_6, %dma_start3A_160] : memref<2500x128xi32, #tpu.memory_space<hbm>> -> memref<79x128xi32, #tpu.memory_space<hbm>>
        %dma_start3A_162 = arith.constant 0 : i32
        %dma_start3A_163 = arith.constant 0 : i32
        %dma_start3A_164 = tpu.memref_slice %arg8[%dma_start3A_162, %dma_start3A_163] : memref<79x128xi32, #tpu.memory_space<vmem>> -> memref<79x128xi32, #tpu.memory_space<vmem>>
        %dma_start3A_165 = arith.constant 0 : i32
        %dma_start3A_166 = tpu.memref_slice %arg3[%select_n3A_6, %dma_start3A_165] : memref<2500x128xi32, #tpu.memory_space<hbm>> -> memref<79x128xi32, #tpu.memory_space<hbm>>
        tpu.enqueue_dma source(%dma_start3A_166 : memref<79x128xi32, #tpu.memory_space<hbm>>) target(%dma_start3A_164 : memref<79x128xi32, #tpu.memory_space<vmem>>) target_semaphore(%run_scoped3A : memref<!tpu.dma_semaphore, #tpu.memory_space<semaphore_mem>>)
        %dma_wait3A = arith.constant 0 : i32
        %dma_wait3A_167 = arith.constant 0 : i32
        %dma_wait3A_168 = tpu.memref_slice %arg8[%dma_wait3A, %dma_wait3A_167] : memref<79x128xi32, #tpu.memory_space<vmem>> -> memref<79x128xi32, #tpu.memory_space<vmem>>
        %dma_wait3A_169 = arith.constant 0 : i32
        %dma_wait3A_170 = tpu.memref_slice %arg3[%select_n3A_6, %dma_wait3A_169] : memref<2500x128xi32, #tpu.memory_space<hbm>> -> memref<79x128xi32, #tpu.memory_space<hbm>>
        %dma_wait3A_171 = arith.constant 0 : i32
        %dma_wait3A_172 = arith.constant 0 : i32
        %dma_wait3A_173 = tpu.memref_slice %arg8[%dma_wait3A_171, %dma_wait3A_172] : memref<79x128xi32, #tpu.memory_space<vmem>> -> memref<79x128xi32, #tpu.memory_space<vmem>>
        %dma_wait3A_174 = arith.constant 0 : i32
        %dma_wait3A_175 = tpu.memref_slice %arg3[%select_n3A_6, %dma_wait3A_174] : memref<2500x128xi32, #tpu.memory_space<hbm>> -> memref<79x128xi32, #tpu.memory_space<hbm>>
        tpu.wait_dma2 semaphore(%run_scoped3A : memref<!tpu.dma_semaphore, #tpu.memory_space<semaphore_mem>>) src(%dma_wait3A_175 : memref<79x128xi32, #tpu.memory_space<hbm>>) dst(%dma_wait3A_173 : memref<79x128xi32, #tpu.memory_space<vmem>>)
        tpu.yield
      }) : () -> ()
    } else {
    }
    %not3A = arith.constant true
    %not3A_30 = arith.xori %and3A, %not3A : i1
    %convert_element_type3A_31 = arith.extui %not3A_30 : i1 to i32
    %cond3A_32 = arith.constant 0 : i32
    %cond3A_33 = arith.cmpi ne, %convert_element_type3A_31, %cond3A_32 : i32
    scf.if %cond3A_33 {
      "tpu.region"() ({
        %run_scoped3A = tpu.sem_alloc : memref<!tpu.dma_semaphore, #tpu.memory_space<semaphore_mem>>
        %dma_start3A_157 = arith.constant 0 : i32
        %dma_start3A_158 = arith.constant 0 : i32
        %dma_start3A_159 = tpu.memref_slice %arg7[%dma_start3A_157, %dma_start3A_158] : memref<79x128xi32, #tpu.memory_space<vmem>> -> memref<78x128xi32, #tpu.memory_space<vmem>>
        %dma_start3A_160 = arith.constant 0 : i32
        %dma_start3A_161 = tpu.memref_slice %arg2[%select_n3A_6, %dma_start3A_160] : memref<2500x128xi32, #tpu.memory_space<hbm>> -> memref<78x128xi32, #tpu.memory_space<hbm>>
        %dma_start3A_162 = arith.constant 0 : i32
        %dma_start3A_163 = arith.constant 0 : i32
        %dma_start3A_164 = tpu.memref_slice %arg7[%dma_start3A_162, %dma_start3A_163] : memref<79x128xi32, #tpu.memory_space<vmem>> -> memref<78x128xi32, #tpu.memory_space<vmem>>
        %dma_start3A_165 = arith.constant 0 : i32
        %dma_start3A_166 = tpu.memref_slice %arg2[%select_n3A_6, %dma_start3A_165] : memref<2500x128xi32, #tpu.memory_space<hbm>> -> memref<78x128xi32, #tpu.memory_space<hbm>>
        tpu.enqueue_dma source(%dma_start3A_166 : memref<78x128xi32, #tpu.memory_space<hbm>>) target(%dma_start3A_164 : memref<78x128xi32, #tpu.memory_space<vmem>>) target_semaphore(%run_scoped3A : memref<!tpu.dma_semaphore, #tpu.memory_space<semaphore_mem>>)
        %dma_wait3A = arith.constant 0 : i32
        %dma_wait3A_167 = arith.constant 0 : i32
        %dma_wait3A_168 = tpu.memref_slice %arg7[%dma_wait3A, %dma_wait3A_167] : memref<79x128xi32, #tpu.memory_space<vmem>> -> memref<78x128xi32, #tpu.memory_space<vmem>>
        %dma_wait3A_169 = arith.constant 0 : i32
        %dma_wait3A_170 = tpu.memref_slice %arg2[%select_n3A_6, %dma_wait3A_169] : memref<2500x128xi32, #tpu.memory_space<hbm>> -> memref<78x128xi32, #tpu.memory_space<hbm>>
        %dma_wait3A_171 = arith.constant 0 : i32
        %dma_wait3A_172 = arith.constant 0 : i32
        %dma_wait3A_173 = tpu.memref_slice %arg7[%dma_wait3A_171, %dma_wait3A_172] : memref<79x128xi32, #tpu.memory_space<vmem>> -> memref<78x128xi32, #tpu.memory_space<vmem>>
        %dma_wait3A_174 = arith.constant 0 : i32
        %dma_wait3A_175 = tpu.memref_slice %arg2[%select_n3A_6, %dma_wait3A_174] : memref<2500x128xi32, #tpu.memory_space<hbm>> -> memref<78x128xi32, #tpu.memory_space<hbm>>
        tpu.wait_dma2 semaphore(%run_scoped3A : memref<!tpu.dma_semaphore, #tpu.memory_space<semaphore_mem>>) src(%dma_wait3A_175 : memref<78x128xi32, #tpu.memory_space<hbm>>) dst(%dma_wait3A_173 : memref<78x128xi32, #tpu.memory_space<vmem>>)
        tpu.yield
      }) : () -> ()
      "tpu.region"() ({
        %run_scoped3A = tpu.sem_alloc : memref<!tpu.dma_semaphore, #tpu.memory_space<semaphore_mem>>
        %dma_start3A_157 = arith.constant 0 : i32
        %dma_start3A_158 = arith.constant 0 : i32
        %dma_start3A_159 = tpu.memref_slice %arg8[%dma_start3A_157, %dma_start3A_158] : memref<79x128xi32, #tpu.memory_space<vmem>> -> memref<78x128xi32, #tpu.memory_space<vmem>>
        %dma_start3A_160 = arith.constant 0 : i32
        %dma_start3A_161 = tpu.memref_slice %arg3[%select_n3A_6, %dma_start3A_160] : memref<2500x128xi32, #tpu.memory_space<hbm>> -> memref<78x128xi32, #tpu.memory_space<hbm>>
        %dma_start3A_162 = arith.constant 0 : i32
        %dma_start3A_163 = arith.constant 0 : i32
        %dma_start3A_164 = tpu.memref_slice %arg8[%dma_start3A_162, %dma_start3A_163] : memref<79x128xi32, #tpu.memory_space<vmem>> -> memref<78x128xi32, #tpu.memory_space<vmem>>
        %dma_start3A_165 = arith.constant 0 : i32
        %dma_start3A_166 = tpu.memref_slice %arg3[%select_n3A_6, %dma_start3A_165] : memref<2500x128xi32, #tpu.memory_space<hbm>> -> memref<78x128xi32, #tpu.memory_space<hbm>>
        tpu.enqueue_dma source(%dma_start3A_166 : memref<78x128xi32, #tpu.memory_space<hbm>>) target(%dma_start3A_164 : memref<78x128xi32, #tpu.memory_space<vmem>>) target_semaphore(%run_scoped3A : memref<!tpu.dma_semaphore, #tpu.memory_space<semaphore_mem>>)
        %dma_wait3A = arith.constant 0 : i32
        %dma_wait3A_167 = arith.constant 0 : i32
        %dma_wait3A_168 = tpu.memref_slice %arg8[%dma_wait3A, %dma_wait3A_167] : memref<79x128xi32, #tpu.memory_space<vmem>> -> memref<78x128xi32, #tpu.memory_space<vmem>>
        %dma_wait3A_169 = arith.constant 0 : i32
        %dma_wait3A_170 = tpu.memref_slice %arg3[%select_n3A_6, %dma_wait3A_169] : memref<2500x128xi32, #tpu.memory_space<hbm>> -> memref<78x128xi32, #tpu.memory_space<hbm>>
        %dma_wait3A_171 = arith.constant 0 : i32
        %dma_wait3A_172 = arith.constant 0 : i32
        %dma_wait3A_173 = tpu.memref_slice %arg8[%dma_wait3A_171, %dma_wait3A_172] : memref<79x128xi32, #tpu.memory_space<vmem>> -> memref<78x128xi32, #tpu.memory_space<vmem>>
        %dma_wait3A_174 = arith.constant 0 : i32
        %dma_wait3A_175 = tpu.memref_slice %arg3[%select_n3A_6, %dma_wait3A_174] : memref<2500x128xi32, #tpu.memory_space<hbm>> -> memref<78x128xi32, #tpu.memory_space<hbm>>
        tpu.wait_dma2 semaphore(%run_scoped3A : memref<!tpu.dma_semaphore, #tpu.memory_space<semaphore_mem>>) src(%dma_wait3A_175 : memref<78x128xi32, #tpu.memory_space<hbm>>) dst(%dma_wait3A_173 : memref<78x128xi32, #tpu.memory_space<vmem>>)
        tpu.yield
      }) : () -> ()
    } else {
    }
    %barrier3A = arith.constant 0 : index
    tpu.barrier barrier_id(%barrier3A)
    %dma_start3A = arith.constant 0 : i32
    %dma_start3A_34 = arith.constant 0 : i32
    %dma_start3A_35 = arith.constant 0 : i32
    %dma_start3A_36 = arith.constant 0 : i32
    %dma_start3A_37 = arith.constant 0 : i32
    %dma_start3A_38 = tpu.memref_slice %arg9[%dma_start3A_34, %dma_start3A_36, %dma_start3A_37] : memref<8x128x32xf32, #tpu.memory_space<vmem>> -> memref<1x128x32xf32, #tpu.memory_space<vmem>>
    %dma_start3A_39 = tpu.memref_squeeze %dma_start3A_38 : memref<1x128x32xf32, #tpu.memory_space<vmem>> -> memref<128x32xf32, #tpu.memory_space<vmem>>
    %dma_start3A_40 = arith.constant 0 : i32
    %dma_start3A_41 = tpu.memref_slice %arg7[%dma_start3A, %dma_start3A_40] : memref<79x128xi32, #tpu.memory_space<vmem>> -> memref<1x128xi32, #tpu.memory_space<vmem>>
    %dma_start3A_42 = tpu.memref_squeeze %dma_start3A_41 : memref<1x128xi32, #tpu.memory_space<vmem>> -> memref<128xi32, #tpu.memory_space<vmem>>
    %dma_start3A_43 = arith.constant 0 : i32
    %dma_start3A_44 = arith.constant 0 : i32
    %dma_start3A_45 = tpu.memref_slice %arg14[%dma_start3A_43, %dma_start3A_44] : memref<10000x32xf32, #tpu.memory_space<vmem_shared>> -> memref<10000x32xf32, #tpu.memory_space<vmem_shared>>
    %dma_start3A_46 = tpu.memref_slice %arg12[%dma_start3A_35] : memref<8x!tpu.dma_semaphore, #tpu.memory_space<semaphore_mem>> -> memref<1x!tpu.dma_semaphore, #tpu.memory_space<semaphore_mem>>
    %dma_start3A_47 = tpu.memref_squeeze %dma_start3A_46 : memref<1x!tpu.dma_semaphore, #tpu.memory_space<semaphore_mem>> -> memref<!tpu.dma_semaphore, #tpu.memory_space<semaphore_mem>>
    tpu.enqueue_indirect_dma source(%dma_start3A_45 : memref<10000x32xf32, #tpu.memory_space<vmem_shared>>) target(%dma_start3A_39 : memref<128x32xf32, #tpu.memory_space<vmem>>) offsets(%dma_start3A_42 : memref<128xi32, #tpu.memory_space<vmem>>) semaphore(%dma_start3A_47 : memref<!tpu.dma_semaphore, #tpu.memory_space<semaphore_mem>>)
    %dma_start3A_48 = arith.constant 1 : i32
    %dma_start3A_49 = arith.constant 1 : i32
    %dma_start3A_50 = arith.constant 1 : i32
    %dma_start3A_51 = arith.constant 0 : i32
    %dma_start3A_52 = arith.constant 0 : i32
    %dma_start3A_53 = tpu.memref_slice %arg9[%dma_start3A_49, %dma_start3A_51, %dma_start3A_52] : memref<8x128x32xf32, #tpu.memory_space<vmem>> -> memref<1x128x32xf32, #tpu.memory_space<vmem>>
    %dma_start3A_54 = tpu.memref_squeeze %dma_start3A_53 : memref<1x128x32xf32, #tpu.memory_space<vmem>> -> memref<128x32xf32, #tpu.memory_space<vmem>>
    %dma_start3A_55 = arith.constant 0 : i32
    %dma_start3A_56 = tpu.memref_slice %arg7[%dma_start3A_48, %dma_start3A_55] : memref<79x128xi32, #tpu.memory_space<vmem>> -> memref<1x128xi32, #tpu.memory_space<vmem>>
    %dma_start3A_57 = tpu.memref_squeeze %dma_start3A_56 : memref<1x128xi32, #tpu.memory_space<vmem>> -> memref<128xi32, #tpu.memory_space<vmem>>
    %dma_start3A_58 = arith.constant 0 : i32
    %dma_start3A_59 = arith.constant 0 : i32
    %dma_start3A_60 = tpu.memref_slice %arg14[%dma_start3A_58, %dma_start3A_59] : memref<10000x32xf32, #tpu.memory_space<vmem_shared>> -> memref<10000x32xf32, #tpu.memory_space<vmem_shared>>
    %dma_start3A_61 = tpu.memref_slice %arg12[%dma_start3A_50] : memref<8x!tpu.dma_semaphore, #tpu.memory_space<semaphore_mem>> -> memref<1x!tpu.dma_semaphore, #tpu.memory_space<semaphore_mem>>
    %dma_start3A_62 = tpu.memref_squeeze %dma_start3A_61 : memref<1x!tpu.dma_semaphore, #tpu.memory_space<semaphore_mem>> -> memref<!tpu.dma_semaphore, #tpu.memory_space<semaphore_mem>>
    tpu.enqueue_indirect_dma source(%dma_start3A_60 : memref<10000x32xf32, #tpu.memory_space<vmem_shared>>) target(%dma_start3A_54 : memref<128x32xf32, #tpu.memory_space<vmem>>) offsets(%dma_start3A_57 : memref<128xi32, #tpu.memory_space<vmem>>) semaphore(%dma_start3A_62 : memref<!tpu.dma_semaphore, #tpu.memory_space<semaphore_mem>>)
    %dma_start3A_63 = arith.constant 2 : i32
    %dma_start3A_64 = arith.constant 2 : i32
    %dma_start3A_65 = arith.constant 2 : i32
    %dma_start3A_66 = arith.constant 0 : i32
    %dma_start3A_67 = arith.constant 0 : i32
    %dma_start3A_68 = tpu.memref_slice %arg9[%dma_start3A_64, %dma_start3A_66, %dma_start3A_67] : memref<8x128x32xf32, #tpu.memory_space<vmem>> -> memref<1x128x32xf32, #tpu.memory_space<vmem>>
    %dma_start3A_69 = tpu.memref_squeeze %dma_start3A_68 : memref<1x128x32xf32, #tpu.memory_space<vmem>> -> memref<128x32xf32, #tpu.memory_space<vmem>>
    %dma_start3A_70 = arith.constant 0 : i32
    %dma_start3A_71 = tpu.memref_slice %arg7[%dma_start3A_63, %dma_start3A_70] : memref<79x128xi32, #tpu.memory_space<vmem>> -> memref<1x128xi32, #tpu.memory_space<vmem>>
    %dma_start3A_72 = tpu.memref_squeeze %dma_start3A_71 : memref<1x128xi32, #tpu.memory_space<vmem>> -> memref<128xi32, #tpu.memory_space<vmem>>
    %dma_start3A_73 = arith.constant 0 : i32
    %dma_start3A_74 = arith.constant 0 : i32
    %dma_start3A_75 = tpu.memref_slice %arg14[%dma_start3A_73, %dma_start3A_74] : memref<10000x32xf32, #tpu.memory_space<vmem_shared>> -> memref<10000x32xf32, #tpu.memory_space<vmem_shared>>
    %dma_start3A_76 = tpu.memref_slice %arg12[%dma_start3A_65] : memref<8x!tpu.dma_semaphore, #tpu.memory_space<semaphore_mem>> -> memref<1x!tpu.dma_semaphore, #tpu.memory_space<semaphore_mem>>
    %dma_start3A_77 = tpu.memref_squeeze %dma_start3A_76 : memref<1x!tpu.dma_semaphore, #tpu.memory_space<semaphore_mem>> -> memref<!tpu.dma_semaphore, #tpu.memory_space<semaphore_mem>>
    tpu.enqueue_indirect_dma source(%dma_start3A_75 : memref<10000x32xf32, #tpu.memory_space<vmem_shared>>) target(%dma_start3A_69 : memref<128x32xf32, #tpu.memory_space<vmem>>) offsets(%dma_start3A_72 : memref<128xi32, #tpu.memory_space<vmem>>) semaphore(%dma_start3A_77 : memref<!tpu.dma_semaphore, #tpu.memory_space<semaphore_mem>>)
    %dma_start3A_78 = arith.constant 3 : i32
    %dma_start3A_79 = arith.constant 3 : i32
    %dma_start3A_80 = arith.constant 3 : i32
    %dma_start3A_81 = arith.constant 0 : i32
    %dma_start3A_82 = arith.constant 0 : i32
    %dma_start3A_83 = tpu.memref_slice %arg9[%dma_start3A_79, %dma_start3A_81, %dma_start3A_82] : memref<8x128x32xf32, #tpu.memory_space<vmem>> -> memref<1x128x32xf32, #tpu.memory_space<vmem>>
    %dma_start3A_84 = tpu.memref_squeeze %dma_start3A_83 : memref<1x128x32xf32, #tpu.memory_space<vmem>> -> memref<128x32xf32, #tpu.memory_space<vmem>>
    %dma_start3A_85 = arith.constant 0 : i32
    %dma_start3A_86 = tpu.memref_slice %arg7[%dma_start3A_78, %dma_start3A_85] : memref<79x128xi32, #tpu.memory_space<vmem>> -> memref<1x128xi32, #tpu.memory_space<vmem>>
    %dma_start3A_87 = tpu.memref_squeeze %dma_start3A_86 : memref<1x128xi32, #tpu.memory_space<vmem>> -> memref<128xi32, #tpu.memory_space<vmem>>
    %dma_start3A_88 = arith.constant 0 : i32
    %dma_start3A_89 = arith.constant 0 : i32
    %dma_start3A_90 = tpu.memref_slice %arg14[%dma_start3A_88, %dma_start3A_89] : memref<10000x32xf32, #tpu.memory_space<vmem_shared>> -> memref<10000x32xf32, #tpu.memory_space<vmem_shared>>
    %dma_start3A_91 = tpu.memref_slice %arg12[%dma_start3A_80] : memref<8x!tpu.dma_semaphore, #tpu.memory_space<semaphore_mem>> -> memref<1x!tpu.dma_semaphore, #tpu.memory_space<semaphore_mem>>
    %dma_start3A_92 = tpu.memref_squeeze %dma_start3A_91 : memref<1x!tpu.dma_semaphore, #tpu.memory_space<semaphore_mem>> -> memref<!tpu.dma_semaphore, #tpu.memory_space<semaphore_mem>>
    tpu.enqueue_indirect_dma source(%dma_start3A_90 : memref<10000x32xf32, #tpu.memory_space<vmem_shared>>) target(%dma_start3A_84 : memref<128x32xf32, #tpu.memory_space<vmem>>) offsets(%dma_start3A_87 : memref<128xi32, #tpu.memory_space<vmem>>) semaphore(%dma_start3A_92 : memref<!tpu.dma_semaphore, #tpu.memory_space<semaphore_mem>>)
    %dma_start3A_93 = arith.constant 4 : i32
    %dma_start3A_94 = arith.constant 4 : i32
    %dma_start3A_95 = arith.constant 4 : i32
    %dma_start3A_96 = arith.constant 0 : i32
    %dma_start3A_97 = arith.constant 0 : i32
    %dma_start3A_98 = tpu.memref_slice %arg9[%dma_start3A_94, %dma_start3A_96, %dma_start3A_97] : memref<8x128x32xf32, #tpu.memory_space<vmem>> -> memref<1x128x32xf32, #tpu.memory_space<vmem>>
    %dma_start3A_99 = tpu.memref_squeeze %dma_start3A_98 : memref<1x128x32xf32, #tpu.memory_space<vmem>> -> memref<128x32xf32, #tpu.memory_space<vmem>>
    %dma_start3A_100 = arith.constant 0 : i32
    %dma_start3A_101 = tpu.memref_slice %arg7[%dma_start3A_93, %dma_start3A_100] : memref<79x128xi32, #tpu.memory_space<vmem>> -> memref<1x128xi32, #tpu.memory_space<vmem>>
    %dma_start3A_102 = tpu.memref_squeeze %dma_start3A_101 : memref<1x128xi32, #tpu.memory_space<vmem>> -> memref<128xi32, #tpu.memory_space<vmem>>
    %dma_start3A_103 = arith.constant 0 : i32
    %dma_start3A_104 = arith.constant 0 : i32
    %dma_start3A_105 = tpu.memref_slice %arg14[%dma_start3A_103, %dma_start3A_104] : memref<10000x32xf32, #tpu.memory_space<vmem_shared>> -> memref<10000x32xf32, #tpu.memory_space<vmem_shared>>
    %dma_start3A_106 = tpu.memref_slice %arg12[%dma_start3A_95] : memref<8x!tpu.dma_semaphore, #tpu.memory_space<semaphore_mem>> -> memref<1x!tpu.dma_semaphore, #tpu.memory_space<semaphore_mem>>
    %dma_start3A_107 = tpu.memref_squeeze %dma_start3A_106 : memref<1x!tpu.dma_semaphore, #tpu.memory_space<semaphore_mem>> -> memref<!tpu.dma_semaphore, #tpu.memory_space<semaphore_mem>>
    tpu.enqueue_indirect_dma source(%dma_start3A_105 : memref<10000x32xf32, #tpu.memory_space<vmem_shared>>) target(%dma_start3A_99 : memref<128x32xf32, #tpu.memory_space<vmem>>) offsets(%dma_start3A_102 : memref<128xi32, #tpu.memory_space<vmem>>) semaphore(%dma_start3A_107 : memref<!tpu.dma_semaphore, #tpu.memory_space<semaphore_mem>>)
    %dma_start3A_108 = arith.constant 5 : i32
    %dma_start3A_109 = arith.constant 5 : i32
    %dma_start3A_110 = arith.constant 5 : i32
    %dma_start3A_111 = arith.constant 0 : i32
    %dma_start3A_112 = arith.constant 0 : i32
    %dma_start3A_113 = tpu.memref_slice %arg9[%dma_start3A_109, %dma_start3A_111, %dma_start3A_112] : memref<8x128x32xf32, #tpu.memory_space<vmem>> -> memref<1x128x32xf32, #tpu.memory_space<vmem>>
    %dma_start3A_114 = tpu.memref_squeeze %dma_start3A_113 : memref<1x128x32xf32, #tpu.memory_space<vmem>> -> memref<128x32xf32, #tpu.memory_space<vmem>>
    %dma_start3A_115 = arith.constant 0 : i32
    %dma_start3A_116 = tpu.memref_slice %arg7[%dma_start3A_108, %dma_start3A_115] : memref<79x128xi32, #tpu.memory_space<vmem>> -> memref<1x128xi32, #tpu.memory_space<vmem>>
    %dma_start3A_117 = tpu.memref_squeeze %dma_start3A_116 : memref<1x128xi32, #tpu.memory_space<vmem>> -> memref<128xi32, #tpu.memory_space<vmem>>
    %dma_start3A_118 = arith.constant 0 : i32
    %dma_start3A_119 = arith.constant 0 : i32
    %dma_start3A_120 = tpu.memref_slice %arg14[%dma_start3A_118, %dma_start3A_119] : memref<10000x32xf32, #tpu.memory_space<vmem_shared>> -> memref<10000x32xf32, #tpu.memory_space<vmem_shared>>
    %dma_start3A_121 = tpu.memref_slice %arg12[%dma_start3A_110] : memref<8x!tpu.dma_semaphore, #tpu.memory_space<semaphore_mem>> -> memref<1x!tpu.dma_semaphore, #tpu.memory_space<semaphore_mem>>
    %dma_start3A_122 = tpu.memref_squeeze %dma_start3A_121 : memref<1x!tpu.dma_semaphore, #tpu.memory_space<semaphore_mem>> -> memref<!tpu.dma_semaphore, #tpu.memory_space<semaphore_mem>>
    tpu.enqueue_indirect_dma source(%dma_start3A_120 : memref<10000x32xf32, #tpu.memory_space<vmem_shared>>) target(%dma_start3A_114 : memref<128x32xf32, #tpu.memory_space<vmem>>) offsets(%dma_start3A_117 : memref<128xi32, #tpu.memory_space<vmem>>) semaphore(%dma_start3A_122 : memref<!tpu.dma_semaphore, #tpu.memory_space<semaphore_mem>>)
    %dma_start3A_123 = arith.constant 6 : i32
    %dma_start3A_124 = arith.constant 6 : i32
    %dma_start3A_125 = arith.constant 6 : i32
    %dma_start3A_126 = arith.constant 0 : i32
    %dma_start3A_127 = arith.constant 0 : i32
    %dma_start3A_128 = tpu.memref_slice %arg9[%dma_start3A_124, %dma_start3A_126, %dma_start3A_127] : memref<8x128x32xf32, #tpu.memory_space<vmem>> -> memref<1x128x32xf32, #tpu.memory_space<vmem>>
    %dma_start3A_129 = tpu.memref_squeeze %dma_start3A_128 : memref<1x128x32xf32, #tpu.memory_space<vmem>> -> memref<128x32xf32, #tpu.memory_space<vmem>>
    %dma_start3A_130 = arith.constant 0 : i32
    %dma_start3A_131 = tpu.memref_slice %arg7[%dma_start3A_123, %dma_start3A_130] : memref<79x128xi32, #tpu.memory_space<vmem>> -> memref<1x128xi32, #tpu.memory_space<vmem>>
    %dma_start3A_132 = tpu.memref_squeeze %dma_start3A_131 : memref<1x128xi32, #tpu.memory_space<vmem>> -> memref<128xi32, #tpu.memory_space<vmem>>
    %dma_start3A_133 = arith.constant 0 : i32
    %dma_start3A_134 = arith.constant 0 : i32
    %dma_start3A_135 = tpu.memref_slice %arg14[%dma_start3A_133, %dma_start3A_134] : memref<10000x32xf32, #tpu.memory_space<vmem_shared>> -> memref<10000x32xf32, #tpu.memory_space<vmem_shared>>
    %dma_start3A_136 = tpu.memref_slice %arg12[%dma_start3A_125] : memref<8x!tpu.dma_semaphore, #tpu.memory_space<semaphore_mem>> -> memref<1x!tpu.dma_semaphore, #tpu.memory_space<semaphore_mem>>
    %dma_start3A_137 = tpu.memref_squeeze %dma_start3A_136 : memref<1x!tpu.dma_semaphore, #tpu.memory_space<semaphore_mem>> -> memref<!tpu.dma_semaphore, #tpu.memory_space<semaphore_mem>>
    tpu.enqueue_indirect_dma source(%dma_start3A_135 : memref<10000x32xf32, #tpu.memory_space<vmem_shared>>) target(%dma_start3A_129 : memref<128x32xf32, #tpu.memory_space<vmem>>) offsets(%dma_start3A_132 : memref<128xi32, #tpu.memory_space<vmem>>) semaphore(%dma_start3A_137 : memref<!tpu.dma_semaphore, #tpu.memory_space<semaphore_mem>>)
    %while3A = arith.constant 0 : i32
    %while3A_138 = arith.constant 0 : i32
    %while3A_139 = arith.subi %select_n3A_10, %while3A_138 : i32
    %while3A_140 = arith.addi %while3A_138, %while3A_139 : i32
    %while3A_141 = arith.constant 1 : i32
    %while3A_142 = arith.divsi %while3A_139, %while3A_141 : i32
    %while3A_143 = arith.muli %while3A_142, %while3A_141 : i32
    %while3A_144 = arith.addi %while3A_138, %while3A_143 : i32
    %while3A_145 = arith.constant 1 : i32
    scf.for %while3A_157 = %while3A_138 to %while3A_144 step %while3A_145  : i32 {
      %rem3A = arith.constant 8 : i32
      %rem3A_158 = arith.remsi %while3A_157, %rem3A : i32
      %dma_wait3A = arith.constant 0 : i32
      %dma_wait3A_159 = arith.constant 0 : i32
      %dma_wait3A_160 = tpu.memref_slice %arg9[%rem3A_158, %dma_wait3A, %dma_wait3A_159] : memref<8x128x32xf32, #tpu.memory_space<vmem>> -> memref<1x128x32xf32, #tpu.memory_space<vmem>>
      %dma_wait3A_161 = tpu.memref_squeeze %dma_wait3A_160 : memref<1x128x32xf32, #tpu.memory_space<vmem>> -> memref<128x32xf32, #tpu.memory_space<vmem>>
      %dma_wait3A_162 = arith.constant 0 : i32
      %dma_wait3A_163 = tpu.memref_slice %arg7[%while3A_157, %dma_wait3A_162] : memref<79x128xi32, #tpu.memory_space<vmem>> -> memref<1x128xi32, #tpu.memory_space<vmem>>
      %dma_wait3A_164 = tpu.memref_squeeze %dma_wait3A_163 : memref<1x128xi32, #tpu.memory_space<vmem>> -> memref<128xi32, #tpu.memory_space<vmem>>
      %dma_wait3A_165 = arith.constant 0 : i32
      %dma_wait3A_166 = arith.constant 0 : i32
      %dma_wait3A_167 = tpu.memref_slice %arg14[%dma_wait3A_165, %dma_wait3A_166] : memref<10000x32xf32, #tpu.memory_space<vmem_shared>> -> memref<10000x32xf32, #tpu.memory_space<vmem_shared>>
      %dma_wait3A_168 = tpu.memref_slice %arg12[%rem3A_158] : memref<8x!tpu.dma_semaphore, #tpu.memory_space<semaphore_mem>> -> memref<1x!tpu.dma_semaphore, #tpu.memory_space<semaphore_mem>>
      %dma_wait3A_169 = tpu.memref_squeeze %dma_wait3A_168 : memref<1x!tpu.dma_semaphore, #tpu.memory_space<semaphore_mem>> -> memref<!tpu.dma_semaphore, #tpu.memory_space<semaphore_mem>>
      tpu.wait_indirect_dma semaphore(%dma_wait3A_169 : memref<!tpu.dma_semaphore, #tpu.memory_space<semaphore_mem>>) src(%dma_wait3A_167 : memref<10000x32xf32, #tpu.memory_space<vmem_shared>>) dst(%dma_wait3A_161 : memref<128x32xf32, #tpu.memory_space<vmem>>)
      %dma_start3A_170 = arith.constant 0 : i32
      %dma_start3A_171 = arith.constant 0 : i32
      %dma_start3A_172 = tpu.memref_slice %arg9[%rem3A_158, %dma_start3A_170, %dma_start3A_171] : memref<8x128x32xf32, #tpu.memory_space<vmem>> -> memref<1x128x32xf32, #tpu.memory_space<vmem>>
      %dma_start3A_173 = tpu.memref_squeeze %dma_start3A_172 : memref<1x128x32xf32, #tpu.memory_space<vmem>> -> memref<128x32xf32, #tpu.memory_space<vmem>>
      %dma_start3A_174 = arith.constant 0 : i32
      %dma_start3A_175 = tpu.memref_slice %arg8[%while3A_157, %dma_start3A_174] : memref<79x128xi32, #tpu.memory_space<vmem>> -> memref<1x128xi32, #tpu.memory_space<vmem>>
      %dma_start3A_176 = tpu.memref_squeeze %dma_start3A_175 : memref<1x128xi32, #tpu.memory_space<vmem>> -> memref<128xi32, #tpu.memory_space<vmem>>
      %dma_start3A_177 = arith.constant 0 : i32
      %dma_start3A_178 = arith.constant 0 : i32
      %dma_start3A_179 = tpu.memref_slice %arg11[%dma_start3A_177, %dma_start3A_178] : memref<10000x32xf32, #tpu.memory_space<vmem_shared>> -> memref<10000x32xf32, #tpu.memory_space<vmem_shared>>
      %dma_start3A_180 = tpu.memref_slice %arg13[%rem3A_158] : memref<8x!tpu.dma_semaphore, #tpu.memory_space<semaphore_mem>> -> memref<1x!tpu.dma_semaphore, #tpu.memory_space<semaphore_mem>>
      %dma_start3A_181 = tpu.memref_squeeze %dma_start3A_180 : memref<1x!tpu.dma_semaphore, #tpu.memory_space<semaphore_mem>> -> memref<!tpu.dma_semaphore, #tpu.memory_space<semaphore_mem>>
      tpu.enqueue_indirect_dma source(%dma_start3A_173 : memref<128x32xf32, #tpu.memory_space<vmem>>) target(%dma_start3A_179 : memref<10000x32xf32, #tpu.memory_space<vmem_shared>>) offsets(%dma_start3A_176 : memref<128xi32, #tpu.memory_space<vmem>>) semaphore(%dma_start3A_181 : memref<!tpu.dma_semaphore, #tpu.memory_space<semaphore_mem>>) {add = true}
      %add3A_182 = arith.constant 8 : i32
      %add3A_183 = arith.addi %while3A_157, %add3A_182 : i32
      %sub3A = arith.constant 1 : i32
      %sub3A_184 = arith.subi %add3A_183, %sub3A : i32
      %lt3A_185 = arith.cmpi slt, %sub3A_184, %select_n3A_10 : i32
      %convert_element_type3A_186 = arith.extui %lt3A_185 : i1 to i32
      %cond3A_187 = arith.constant 0 : i32
      %cond3A_188 = arith.cmpi ne, %convert_element_type3A_186, %cond3A_187 : i32
      scf.if %cond3A_188 {
        %rem3A_189 = arith.constant 8 : i32
        %rem3A_190 = arith.remsi %sub3A_184, %rem3A_189 : i32
        %ge3A = arith.constant 1 : i32
        %ge3A_191 = arith.cmpi sge, %while3A_157, %ge3A : i32
        %convert_element_type3A_192 = arith.extui %ge3A_191 : i1 to i32
        %cond3A_193 = arith.constant 0 : i32
        %cond3A_194 = arith.cmpi ne, %convert_element_type3A_192, %cond3A_193 : i32
        scf.if %cond3A_194 {
          %sub3A_207 = arith.constant 1 : i32
          %sub3A_208 = arith.subi %while3A_157, %sub3A_207 : i32
          %dma_wait3A_209 = arith.constant 0 : i32
          %dma_wait3A_210 = arith.constant 0 : i32
          %dma_wait3A_211 = tpu.memref_slice %arg9[%rem3A_190, %dma_wait3A_209, %dma_wait3A_210] : memref<8x128x32xf32, #tpu.memory_space<vmem>> -> memref<1x128x32xf32, #tpu.memory_space<vmem>>
          %dma_wait3A_212 = tpu.memref_squeeze %dma_wait3A_211 : memref<1x128x32xf32, #tpu.memory_space<vmem>> -> memref<128x32xf32, #tpu.memory_space<vmem>>
          %dma_wait3A_213 = arith.constant 0 : i32
          %dma_wait3A_214 = tpu.memref_slice %arg8[%sub3A_208, %dma_wait3A_213] : memref<79x128xi32, #tpu.memory_space<vmem>> -> memref<1x128xi32, #tpu.memory_space<vmem>>
          %dma_wait3A_215 = tpu.memref_squeeze %dma_wait3A_214 : memref<1x128xi32, #tpu.memory_space<vmem>> -> memref<128xi32, #tpu.memory_space<vmem>>
          %dma_wait3A_216 = arith.constant 0 : i32
          %dma_wait3A_217 = arith.constant 0 : i32
          %dma_wait3A_218 = tpu.memref_slice %arg11[%dma_wait3A_216, %dma_wait3A_217] : memref<10000x32xf32, #tpu.memory_space<vmem_shared>> -> memref<10000x32xf32, #tpu.memory_space<vmem_shared>>
          %dma_wait3A_219 = tpu.memref_slice %arg13[%rem3A_190] : memref<8x!tpu.dma_semaphore, #tpu.memory_space<semaphore_mem>> -> memref<1x!tpu.dma_semaphore, #tpu.memory_space<semaphore_mem>>
          %dma_wait3A_220 = tpu.memref_squeeze %dma_wait3A_219 : memref<1x!tpu.dma_semaphore, #tpu.memory_space<semaphore_mem>> -> memref<!tpu.dma_semaphore, #tpu.memory_space<semaphore_mem>>
          tpu.wait_indirect_dma semaphore(%dma_wait3A_220 : memref<!tpu.dma_semaphore, #tpu.memory_space<semaphore_mem>>) src(%dma_wait3A_212 : memref<128x32xf32, #tpu.memory_space<vmem>>) dst(%dma_wait3A_218 : memref<10000x32xf32, #tpu.memory_space<vmem_shared>>)
        } else {
        }
        %dma_start3A_195 = arith.constant 0 : i32
        %dma_start3A_196 = arith.constant 0 : i32
        %dma_start3A_197 = tpu.memref_slice %arg9[%rem3A_190, %dma_start3A_195, %dma_start3A_196] : memref<8x128x32xf32, #tpu.memory_space<vmem>> -> memref<1x128x32xf32, #tpu.memory_space<vmem>>
        %dma_start3A_198 = tpu.memref_squeeze %dma_start3A_197 : memref<1x128x32xf32, #tpu.memory_space<vmem>> -> memref<128x32xf32, #tpu.memory_space<vmem>>
        %dma_start3A_199 = arith.constant 0 : i32
        %dma_start3A_200 = tpu.memref_slice %arg7[%sub3A_184, %dma_start3A_199] : memref<79x128xi32, #tpu.memory_space<vmem>> -> memref<1x128xi32, #tpu.memory_space<vmem>>
        %dma_start3A_201 = tpu.memref_squeeze %dma_start3A_200 : memref<1x128xi32, #tpu.memory_space<vmem>> -> memref<128xi32, #tpu.memory_space<vmem>>
        %dma_start3A_202 = arith.constant 0 : i32
        %dma_start3A_203 = arith.constant 0 : i32
        %dma_start3A_204 = tpu.memref_slice %arg14[%dma_start3A_202, %dma_start3A_203] : memref<10000x32xf32, #tpu.memory_space<vmem_shared>> -> memref<10000x32xf32, #tpu.memory_space<vmem_shared>>
        %dma_start3A_205 = tpu.memref_slice %arg12[%rem3A_190] : memref<8x!tpu.dma_semaphore, #tpu.memory_space<semaphore_mem>> -> memref<1x!tpu.dma_semaphore, #tpu.memory_space<semaphore_mem>>
        %dma_start3A_206 = tpu.memref_squeeze %dma_start3A_205 : memref<1x!tpu.dma_semaphore, #tpu.memory_space<semaphore_mem>> -> memref<!tpu.dma_semaphore, #tpu.memory_space<semaphore_mem>>
        tpu.enqueue_indirect_dma source(%dma_start3A_204 : memref<10000x32xf32, #tpu.memory_space<vmem_shared>>) target(%dma_start3A_198 : memref<128x32xf32, #tpu.memory_space<vmem>>) offsets(%dma_start3A_201 : memref<128xi32, #tpu.memory_space<vmem>>) semaphore(%dma_start3A_206 : memref<!tpu.dma_semaphore, #tpu.memory_space<semaphore_mem>>)
      } else {
      }
    }
    %while3A_146 = arith.constant 1 : i32
    scf.for %while3A_157 = %while3A_144 to %while3A_140 step %while3A_146  : i32 {
      %rem3A = arith.constant 8 : i32
      %rem3A_158 = arith.remsi %while3A_157, %rem3A : i32
      %dma_wait3A = arith.constant 0 : i32
      %dma_wait3A_159 = arith.constant 0 : i32
      %dma_wait3A_160 = tpu.memref_slice %arg9[%rem3A_158, %dma_wait3A, %dma_wait3A_159] : memref<8x128x32xf32, #tpu.memory_space<vmem>> -> memref<1x128x32xf32, #tpu.memory_space<vmem>>
      %dma_wait3A_161 = tpu.memref_squeeze %dma_wait3A_160 : memref<1x128x32xf32, #tpu.memory_space<vmem>> -> memref<128x32xf32, #tpu.memory_space<vmem>>
      %dma_wait3A_162 = arith.constant 0 : i32
      %dma_wait3A_163 = tpu.memref_slice %arg7[%while3A_157, %dma_wait3A_162] : memref<79x128xi32, #tpu.memory_space<vmem>> -> memref<1x128xi32, #tpu.memory_space<vmem>>
      %dma_wait3A_164 = tpu.memref_squeeze %dma_wait3A_163 : memref<1x128xi32, #tpu.memory_space<vmem>> -> memref<128xi32, #tpu.memory_space<vmem>>
      %dma_wait3A_165 = arith.constant 0 : i32
      %dma_wait3A_166 = arith.constant 0 : i32
      %dma_wait3A_167 = tpu.memref_slice %arg14[%dma_wait3A_165, %dma_wait3A_166] : memref<10000x32xf32, #tpu.memory_space<vmem_shared>> -> memref<10000x32xf32, #tpu.memory_space<vmem_shared>>
      %dma_wait3A_168 = tpu.memref_slice %arg12[%rem3A_158] : memref<8x!tpu.dma_semaphore, #tpu.memory_space<semaphore_mem>> -> memref<1x!tpu.dma_semaphore, #tpu.memory_space<semaphore_mem>>
      %dma_wait3A_169 = tpu.memref_squeeze %dma_wait3A_168 : memref<1x!tpu.dma_semaphore, #tpu.memory_space<semaphore_mem>> -> memref<!tpu.dma_semaphore, #tpu.memory_space<semaphore_mem>>
      tpu.wait_indirect_dma semaphore(%dma_wait3A_169 : memref<!tpu.dma_semaphore, #tpu.memory_space<semaphore_mem>>) src(%dma_wait3A_167 : memref<10000x32xf32, #tpu.memory_space<vmem_shared>>) dst(%dma_wait3A_161 : memref<128x32xf32, #tpu.memory_space<vmem>>)
      %dma_start3A_170 = arith.constant 0 : i32
      %dma_start3A_171 = arith.constant 0 : i32
      %dma_start3A_172 = tpu.memref_slice %arg9[%rem3A_158, %dma_start3A_170, %dma_start3A_171] : memref<8x128x32xf32, #tpu.memory_space<vmem>> -> memref<1x128x32xf32, #tpu.memory_space<vmem>>
      %dma_start3A_173 = tpu.memref_squeeze %dma_start3A_172 : memref<1x128x32xf32, #tpu.memory_space<vmem>> -> memref<128x32xf32, #tpu.memory_space<vmem>>
      %dma_start3A_174 = arith.constant 0 : i32
      %dma_start3A_175 = tpu.memref_slice %arg8[%while3A_157, %dma_start3A_174] : memref<79x128xi32, #tpu.memory_space<vmem>> -> memref<1x128xi32, #tpu.memory_space<vmem>>
      %dma_start3A_176 = tpu.memref_squeeze %dma_start3A_175 : memref<1x128xi32, #tpu.memory_space<vmem>> -> memref<128xi32, #tpu.memory_space<vmem>>
      %dma_start3A_177 = arith.constant 0 : i32
      %dma_start3A_178 = arith.constant 0 : i32
      %dma_start3A_179 = tpu.memref_slice %arg11[%dma_start3A_177, %dma_start3A_178] : memref<10000x32xf32, #tpu.memory_space<vmem_shared>> -> memref<10000x32xf32, #tpu.memory_space<vmem_shared>>
      %dma_start3A_180 = tpu.memref_slice %arg13[%rem3A_158] : memref<8x!tpu.dma_semaphore, #tpu.memory_space<semaphore_mem>> -> memref<1x!tpu.dma_semaphore, #tpu.memory_space<semaphore_mem>>
      %dma_start3A_181 = tpu.memref_squeeze %dma_start3A_180 : memref<1x!tpu.dma_semaphore, #tpu.memory_space<semaphore_mem>> -> memref<!tpu.dma_semaphore, #tpu.memory_space<semaphore_mem>>
      tpu.enqueue_indirect_dma source(%dma_start3A_173 : memref<128x32xf32, #tpu.memory_space<vmem>>) target(%dma_start3A_179 : memref<10000x32xf32, #tpu.memory_space<vmem_shared>>) offsets(%dma_start3A_176 : memref<128xi32, #tpu.memory_space<vmem>>) semaphore(%dma_start3A_181 : memref<!tpu.dma_semaphore, #tpu.memory_space<semaphore_mem>>) {add = true}
      %add3A_182 = arith.constant 8 : i32
      %add3A_183 = arith.addi %while3A_157, %add3A_182 : i32
      %sub3A = arith.constant 1 : i32
      %sub3A_184 = arith.subi %add3A_183, %sub3A : i32
      %lt3A_185 = arith.cmpi slt, %sub3A_184, %select_n3A_10 : i32
      %convert_element_type3A_186 = arith.extui %lt3A_185 : i1 to i32
      %cond3A_187 = arith.constant 0 : i32
      %cond3A_188 = arith.cmpi ne, %convert_element_type3A_186, %cond3A_187 : i32
      scf.if %cond3A_188 {
        %rem3A_189 = arith.constant 8 : i32
        %rem3A_190 = arith.remsi %sub3A_184, %rem3A_189 : i32
        %ge3A = arith.constant 1 : i32
        %ge3A_191 = arith.cmpi sge, %while3A_157, %ge3A : i32
        %convert_element_type3A_192 = arith.extui %ge3A_191 : i1 to i32
        %cond3A_193 = arith.constant 0 : i32
        %cond3A_194 = arith.cmpi ne, %convert_element_type3A_192, %cond3A_193 : i32
        scf.if %cond3A_194 {
          %sub3A_207 = arith.constant 1 : i32
          %sub3A_208 = arith.subi %while3A_157, %sub3A_207 : i32
          %dma_wait3A_209 = arith.constant 0 : i32
          %dma_wait3A_210 = arith.constant 0 : i32
          %dma_wait3A_211 = tpu.memref_slice %arg9[%rem3A_190, %dma_wait3A_209, %dma_wait3A_210] : memref<8x128x32xf32, #tpu.memory_space<vmem>> -> memref<1x128x32xf32, #tpu.memory_space<vmem>>
          %dma_wait3A_212 = tpu.memref_squeeze %dma_wait3A_211 : memref<1x128x32xf32, #tpu.memory_space<vmem>> -> memref<128x32xf32, #tpu.memory_space<vmem>>
          %dma_wait3A_213 = arith.constant 0 : i32
          %dma_wait3A_214 = tpu.memref_slice %arg8[%sub3A_208, %dma_wait3A_213] : memref<79x128xi32, #tpu.memory_space<vmem>> -> memref<1x128xi32, #tpu.memory_space<vmem>>
          %dma_wait3A_215 = tpu.memref_squeeze %dma_wait3A_214 : memref<1x128xi32, #tpu.memory_space<vmem>> -> memref<128xi32, #tpu.memory_space<vmem>>
          %dma_wait3A_216 = arith.constant 0 : i32
          %dma_wait3A_217 = arith.constant 0 : i32
          %dma_wait3A_218 = tpu.memref_slice %arg11[%dma_wait3A_216, %dma_wait3A_217] : memref<10000x32xf32, #tpu.memory_space<vmem_shared>> -> memref<10000x32xf32, #tpu.memory_space<vmem_shared>>
          %dma_wait3A_219 = tpu.memref_slice %arg13[%rem3A_190] : memref<8x!tpu.dma_semaphore, #tpu.memory_space<semaphore_mem>> -> memref<1x!tpu.dma_semaphore, #tpu.memory_space<semaphore_mem>>
          %dma_wait3A_220 = tpu.memref_squeeze %dma_wait3A_219 : memref<1x!tpu.dma_semaphore, #tpu.memory_space<semaphore_mem>> -> memref<!tpu.dma_semaphore, #tpu.memory_space<semaphore_mem>>
          tpu.wait_indirect_dma semaphore(%dma_wait3A_220 : memref<!tpu.dma_semaphore, #tpu.memory_space<semaphore_mem>>) src(%dma_wait3A_212 : memref<128x32xf32, #tpu.memory_space<vmem>>) dst(%dma_wait3A_218 : memref<10000x32xf32, #tpu.memory_space<vmem_shared>>)
        } else {
        }
        %dma_start3A_195 = arith.constant 0 : i32
        %dma_start3A_196 = arith.constant 0 : i32
        %dma_start3A_197 = tpu.memref_slice %arg9[%rem3A_190, %dma_start3A_195, %dma_start3A_196] : memref<8x128x32xf32, #tpu.memory_space<vmem>> -> memref<1x128x32xf32, #tpu.memory_space<vmem>>
        %dma_start3A_198 = tpu.memref_squeeze %dma_start3A_197 : memref<1x128x32xf32, #tpu.memory_space<vmem>> -> memref<128x32xf32, #tpu.memory_space<vmem>>
        %dma_start3A_199 = arith.constant 0 : i32
        %dma_start3A_200 = tpu.memref_slice %arg7[%sub3A_184, %dma_start3A_199] : memref<79x128xi32, #tpu.memory_space<vmem>> -> memref<1x128xi32, #tpu.memory_space<vmem>>
        %dma_start3A_201 = tpu.memref_squeeze %dma_start3A_200 : memref<1x128xi32, #tpu.memory_space<vmem>> -> memref<128xi32, #tpu.memory_space<vmem>>
        %dma_start3A_202 = arith.constant 0 : i32
        %dma_start3A_203 = arith.constant 0 : i32
        %dma_start3A_204 = tpu.memref_slice %arg14[%dma_start3A_202, %dma_start3A_203] : memref<10000x32xf32, #tpu.memory_space<vmem_shared>> -> memref<10000x32xf32, #tpu.memory_space<vmem_shared>>
        %dma_start3A_205 = tpu.memref_slice %arg12[%rem3A_190] : memref<8x!tpu.dma_semaphore, #tpu.memory_space<semaphore_mem>> -> memref<1x!tpu.dma_semaphore, #tpu.memory_space<semaphore_mem>>
        %dma_start3A_206 = tpu.memref_squeeze %dma_start3A_205 : memref<1x!tpu.dma_semaphore, #tpu.memory_space<semaphore_mem>> -> memref<!tpu.dma_semaphore, #tpu.memory_space<semaphore_mem>>
        tpu.enqueue_indirect_dma source(%dma_start3A_204 : memref<10000x32xf32, #tpu.memory_space<vmem_shared>>) target(%dma_start3A_198 : memref<128x32xf32, #tpu.memory_space<vmem>>) offsets(%dma_start3A_201 : memref<128xi32, #tpu.memory_space<vmem>>) semaphore(%dma_start3A_206 : memref<!tpu.dma_semaphore, #tpu.memory_space<semaphore_mem>>)
      } else {
      }
    }
    %scan3A = arith.constant 0 : i32
    %scan3A_147 = arith.constant 0 : i32
    %scan3A_148 = arith.constant 8 : i32
    %scan3A_149 = arith.addi %scan3A_147, %scan3A_148 : i32
    %scan3A_150 = arith.constant 1 : i32
    scf.for %scan3A_157 = %scan3A_147 to %scan3A_149 step %scan3A_150  : i32 {
      %sub3A = arith.constant 8 : i32
      %sub3A_158 = arith.subi %select_n3A_10, %sub3A : i32
      %add3A_159 = arith.addi %sub3A_158, %scan3A_157 : i32
      %rem3A = arith.constant 8 : i32
      %rem3A_160 = arith.remsi %add3A_159, %rem3A : i32
      %dma_wait3A = arith.constant 0 : i32
      %dma_wait3A_161 = arith.constant 0 : i32
      %dma_wait3A_162 = tpu.memref_slice %arg9[%rem3A_160, %dma_wait3A, %dma_wait3A_161] : memref<8x128x32xf32, #tpu.memory_space<vmem>> -> memref<1x128x32xf32, #tpu.memory_space<vmem>>
      %dma_wait3A_163 = tpu.memref_squeeze %dma_wait3A_162 : memref<1x128x32xf32, #tpu.memory_space<vmem>> -> memref<128x32xf32, #tpu.memory_space<vmem>>
      %dma_wait3A_164 = arith.constant 0 : i32
      %dma_wait3A_165 = tpu.memref_slice %arg8[%add3A_159, %dma_wait3A_164] : memref<79x128xi32, #tpu.memory_space<vmem>> -> memref<1x128xi32, #tpu.memory_space<vmem>>
      %dma_wait3A_166 = tpu.memref_squeeze %dma_wait3A_165 : memref<1x128xi32, #tpu.memory_space<vmem>> -> memref<128xi32, #tpu.memory_space<vmem>>
      %dma_wait3A_167 = arith.constant 0 : i32
      %dma_wait3A_168 = arith.constant 0 : i32
      %dma_wait3A_169 = tpu.memref_slice %arg11[%dma_wait3A_167, %dma_wait3A_168] : memref<10000x32xf32, #tpu.memory_space<vmem_shared>> -> memref<10000x32xf32, #tpu.memory_space<vmem_shared>>
      %dma_wait3A_170 = tpu.memref_slice %arg13[%rem3A_160] : memref<8x!tpu.dma_semaphore, #tpu.memory_space<semaphore_mem>> -> memref<1x!tpu.dma_semaphore, #tpu.memory_space<semaphore_mem>>
      %dma_wait3A_171 = tpu.memref_squeeze %dma_wait3A_170 : memref<1x!tpu.dma_semaphore, #tpu.memory_space<semaphore_mem>> -> memref<!tpu.dma_semaphore, #tpu.memory_space<semaphore_mem>>
      tpu.wait_indirect_dma semaphore(%dma_wait3A_171 : memref<!tpu.dma_semaphore, #tpu.memory_space<semaphore_mem>>) src(%dma_wait3A_163 : memref<128x32xf32, #tpu.memory_space<vmem>>) dst(%dma_wait3A_169 : memref<10000x32xf32, #tpu.memory_space<vmem_shared>>)
    }
    %scan3A_151 = arith.constant 8 : i32
    %barrier3A_152 = arith.constant 0 : index
    tpu.barrier barrier_id(%barrier3A_152)
    %mul3A_153 = arith.constant 625 : i32
    %mul3A_154 = arith.muli %arg1, %mul3A_153 : i32
    "tpu.region"() ({
      %run_scoped3A = tpu.sem_alloc : memref<!tpu.dma_semaphore, #tpu.memory_space<semaphore_mem>>
      %dma_start3A_157 = arith.constant 0 : i32
      %dma_start3A_158 = tpu.memref_slice %arg11[%mul3A_154, %dma_start3A_157] : memref<10000x32xf32, #tpu.memory_space<vmem_shared>> -> memref<625x32xf32, #tpu.memory_space<vmem_shared>>
      %dma_start3A_159 = arith.constant 0 : i32
      %dma_start3A_160 = tpu.memref_slice %arg11[%mul3A_154, %dma_start3A_159] : memref<10000x32xf32, #tpu.memory_space<vmem_shared>> -> memref<625x32xf32, #tpu.memory_space<vmem_shared>>
      tpu.enqueue_dma source(%dma_start3A_160 : memref<625x32xf32, #tpu.memory_space<vmem_shared>>) target(%arg10 : memref<625x32xf32, #tpu.memory_space<vmem>>) target_semaphore(%run_scoped3A : memref<!tpu.dma_semaphore, #tpu.memory_space<semaphore_mem>>)
      %dma_wait3A = arith.constant 0 : i32
      %dma_wait3A_161 = tpu.memref_slice %arg11[%mul3A_154, %dma_wait3A] : memref<10000x32xf32, #tpu.memory_space<vmem_shared>> -> memref<625x32xf32, #tpu.memory_space<vmem_shared>>
      %dma_wait3A_162 = arith.constant 0 : i32
      %dma_wait3A_163 = tpu.memref_slice %arg11[%mul3A_154, %dma_wait3A_162] : memref<10000x32xf32, #tpu.memory_space<vmem_shared>> -> memref<625x32xf32, #tpu.memory_space<vmem_shared>>
      tpu.wait_dma2 semaphore(%run_scoped3A : memref<!tpu.dma_semaphore, #tpu.memory_space<semaphore_mem>>) src(%dma_wait3A_163 : memref<625x32xf32, #tpu.memory_space<vmem_shared>>) dst(%arg10 : memref<625x32xf32, #tpu.memory_space<vmem>>)
      tpu.yield
    }) : () -> ()
    %mul3A_155 = arith.constant 625 : i32
    %mul3A_156 = arith.muli %arg1, %mul3A_155 : i32
    "tpu.region"() ({
      %run_scoped3A = tpu.sem_alloc : memref<!tpu.dma_semaphore, #tpu.memory_space<semaphore_mem>>
      %dma_start3A_157 = arith.constant 0 : i32
      %dma_start3A_158 = tpu.memref_slice %arg6[%arg0, %mul3A_156, %dma_start3A_157] : memref<2x10000x32xf32, #tpu.memory_space<hbm>> -> memref<1x625x32xf32, #tpu.memory_space<hbm>>
      %dma_start3A_159 = tpu.memref_squeeze %dma_start3A_158 : memref<1x625x32xf32, #tpu.memory_space<hbm>> -> memref<625x32xf32, #tpu.memory_space<hbm>>
      %dma_start3A_160 = arith.constant 0 : i32
      %dma_start3A_161 = tpu.memref_slice %arg6[%arg0, %mul3A_156, %dma_start3A_160] : memref<2x10000x32xf32, #tpu.memory_space<hbm>> -> memref<1x625x32xf32, #tpu.memory_space<hbm>>
      %dma_start3A_162 = tpu.memref_squeeze %dma_start3A_161 : memref<1x625x32xf32, #tpu.memory_space<hbm>> -> memref<625x32xf32, #tpu.memory_space<hbm>>
      tpu.enqueue_dma source(%arg10 : memref<625x32xf32, #tpu.memory_space<vmem>>) target(%dma_start3A_162 : memref<625x32xf32, #tpu.memory_space<hbm>>) target_semaphore(%run_scoped3A : memref<!tpu.dma_semaphore, #tpu.memory_space<semaphore_mem>>)
      %dma_wait3A = arith.constant 0 : i32
      %dma_wait3A_163 = tpu.memref_slice %arg6[%arg0, %mul3A_156, %dma_wait3A] : memref<2x10000x32xf32, #tpu.memory_space<hbm>> -> memref<1x625x32xf32, #tpu.memory_space<hbm>>
      %dma_wait3A_164 = tpu.memref_squeeze %dma_wait3A_163 : memref<1x625x32xf32, #tpu.memory_space<hbm>> -> memref<625x32xf32, #tpu.memory_space<hbm>>
      %dma_wait3A_165 = arith.constant 0 : i32
      %dma_wait3A_166 = tpu.memref_slice %arg6[%arg0, %mul3A_156, %dma_wait3A_165] : memref<2x10000x32xf32, #tpu.memory_space<hbm>> -> memref<1x625x32xf32, #tpu.memory_space<hbm>>
      %dma_wait3A_167 = tpu.memref_squeeze %dma_wait3A_166 : memref<1x625x32xf32, #tpu.memory_space<hbm>> -> memref<625x32xf32, #tpu.memory_space<hbm>>
      tpu.wait_dma2 semaphore(%run_scoped3A : memref<!tpu.dma_semaphore, #tpu.memory_space<semaphore_mem>>) src(%arg10 : memref<625x32xf32, #tpu.memory_space<vmem>>) dst(%dma_wait3A_167 : memref<625x32xf32, #tpu.memory_space<hbm>>)
      tpu.yield
    }) : () -> ()
    return
  }
}

#map = affine_map<(d0, d1) -> (0, 0)>
#map1 = affine_map<(d0, d1) -> (0, 0, 0)>
module attributes {stable_mosaic.version = 14 : i64} {
  func.func @k(%arg0: i32, %arg1: i32, %arg2: memref<2500x128xi32, #tpu.memory_space<hbm>>, %arg3: memref<2500x128xi32, #tpu.memory_space<hbm>>, %arg4: memref<10000x32xf32, #tpu.memory_space<hbm>>, %arg5: memref<10000x16xf32, #tpu.memory_space<hbm>>, %arg6: memref<625x32xf32, #tpu.memory_space<hbm>>, %arg7: memref<625x16xf32, #tpu.memory_space<hbm>>, %arg8: memref<2x10000x32xf32, #tpu.memory_space<hbm>>, %arg9: memref<2x10000x16xf32, #tpu.memory_space<hbm>>, %arg10: memref<79x128xi32, #tpu.memory_space<vmem>>, %arg11: memref<79x128xi32, #tpu.memory_space<vmem>>, %arg12: memref<4x128x32xf32, #tpu.memory_space<vmem>>, %arg13: memref<4x128x16xf32, #tpu.memory_space<vmem>>, %arg14: memref<625x32xf32, #tpu.memory_space<vmem>>, %arg15: memref<625x16xf32, #tpu.memory_space<vmem>>, %arg16: memref<10000x32xf32, #tpu.memory_space<vmem_shared>>, %arg17: memref<10000x16xf32, #tpu.memory_space<vmem_shared>>, %arg18: memref<10000x32xf32, #tpu.memory_space<vmem_shared>>, %arg19: memref<4x!tpu.dma_semaphore, #tpu.memory_space<semaphore_mem>>, %arg20: memref<4x!tpu.dma_semaphore, #tpu.memory_space<semaphore_mem>>, %arg21: memref<4x!tpu.dma_semaphore, #tpu.memory_space<semaphore_mem>>, %arg22: memref<4x!tpu.dma_semaphore, #tpu.memory_space<semaphore_mem>>) attributes {dimension_semantics = [#tpu.dimension_semantics<core_parallel>, #tpu.dimension_semantics<subcore_parallel>], iteration_bounds = array<i64: 2, 16>, scalar_prefetch = 0 : i64, scratch_operands = 13 : i64, tpu.core_type = #tpu.core_type<sc_vector_subcore>, window_params = [{transform_indices = #map}, {transform_indices = #map}, {transform_indices = #map}, {transform_indices = #map}, {transform_indices = #map}, {transform_indices = #map}, {transform_indices = #map1}, {transform_indices = #map1}]} {
    %mul3A = arith.constant 156 : i32
    %mul3A_0 = arith.muli %mul3A, %arg1 : i32
    %min3A = arith.constant 4 : i32
    %min3A_1 = arith.minsi %arg1, %min3A : i32
    %add3A = arith.addi %mul3A_0, %min3A_1 : i32
    %lt3A = arith.constant 4 : i32
    %lt3A_2 = arith.cmpi slt, %arg1, %lt3A : i32
    %jit3A = arith.constant 79 : i32
    %jit3A_3 = arith.constant 78 : i32
    %select_n3A = arith.select %lt3A_2, %jit3A, %jit3A_3 : i32
    %eq3A = arith.constant 0 : i32
    %eq3A_4 = arith.cmpi eq, %arg0, %eq3A : i32
    %add3A_5 = arith.addi %add3A, %select_n3A : i32
    %select_n3A_6 = arith.select %eq3A_4, %add3A, %add3A_5 : i32
    %eq3A_7 = arith.constant 0 : i32
    %eq3A_8 = arith.cmpi eq, %arg0, %eq3A_7 : i32
    %jit3A_9 = arith.constant 78 : i32
    %select_n3A_10 = arith.select %eq3A_8, %select_n3A, %jit3A_9 : i32
    %mul3A_11 = arith.constant 625 : i32
    %mul3A_12 = arith.muli %arg1, %mul3A_11 : i32
    "tpu.region"() ({
      %run_scoped3A = tpu.sem_alloc : memref<!tpu.dma_semaphore, #tpu.memory_space<semaphore_mem>>
      %dma_start3A_146 = arith.constant 0 : i32
      %dma_start3A_147 = tpu.memref_slice %arg4[%mul3A_12, %dma_start3A_146] : memref<10000x32xf32, #tpu.memory_space<hbm>> -> memref<625x32xf32, #tpu.memory_space<hbm>>
      %dma_start3A_148 = arith.constant 0 : i32
      %dma_start3A_149 = tpu.memref_slice %arg4[%mul3A_12, %dma_start3A_148] : memref<10000x32xf32, #tpu.memory_space<hbm>> -> memref<625x32xf32, #tpu.memory_space<hbm>>
      tpu.enqueue_dma source(%dma_start3A_149 : memref<625x32xf32, #tpu.memory_space<hbm>>) target(%arg14 : memref<625x32xf32, #tpu.memory_space<vmem>>) target_semaphore(%run_scoped3A : memref<!tpu.dma_semaphore, #tpu.memory_space<semaphore_mem>>)
      %dma_wait3A = arith.constant 0 : i32
      %dma_wait3A_150 = tpu.memref_slice %arg4[%mul3A_12, %dma_wait3A] : memref<10000x32xf32, #tpu.memory_space<hbm>> -> memref<625x32xf32, #tpu.memory_space<hbm>>
      %dma_wait3A_151 = arith.constant 0 : i32
      %dma_wait3A_152 = tpu.memref_slice %arg4[%mul3A_12, %dma_wait3A_151] : memref<10000x32xf32, #tpu.memory_space<hbm>> -> memref<625x32xf32, #tpu.memory_space<hbm>>
      tpu.wait_dma2 semaphore(%run_scoped3A : memref<!tpu.dma_semaphore, #tpu.memory_space<semaphore_mem>>) src(%dma_wait3A_152 : memref<625x32xf32, #tpu.memory_space<hbm>>) dst(%arg14 : memref<625x32xf32, #tpu.memory_space<vmem>>)
      tpu.yield
    }) : () -> ()
    %mul3A_13 = arith.constant 625 : i32
    %mul3A_14 = arith.muli %arg1, %mul3A_13 : i32
    "tpu.region"() ({
      %run_scoped3A = tpu.sem_alloc : memref<!tpu.dma_semaphore, #tpu.memory_space<semaphore_mem>>
      %dma_start3A_146 = arith.constant 0 : i32
      %dma_start3A_147 = tpu.memref_slice %arg18[%mul3A_14, %dma_start3A_146] : memref<10000x32xf32, #tpu.memory_space<vmem_shared>> -> memref<625x32xf32, #tpu.memory_space<vmem_shared>>
      %dma_start3A_148 = arith.constant 0 : i32
      %dma_start3A_149 = tpu.memref_slice %arg18[%mul3A_14, %dma_start3A_148] : memref<10000x32xf32, #tpu.memory_space<vmem_shared>> -> memref<625x32xf32, #tpu.memory_space<vmem_shared>>
      tpu.enqueue_dma source(%arg14 : memref<625x32xf32, #tpu.memory_space<vmem>>) target(%dma_start3A_149 : memref<625x32xf32, #tpu.memory_space<vmem_shared>>) target_semaphore(%run_scoped3A : memref<!tpu.dma_semaphore, #tpu.memory_space<semaphore_mem>>)
      %dma_wait3A = arith.constant 0 : i32
      %dma_wait3A_150 = tpu.memref_slice %arg18[%mul3A_14, %dma_wait3A] : memref<10000x32xf32, #tpu.memory_space<vmem_shared>> -> memref<625x32xf32, #tpu.memory_space<vmem_shared>>
      %dma_wait3A_151 = arith.constant 0 : i32
      %dma_wait3A_152 = tpu.memref_slice %arg18[%mul3A_14, %dma_wait3A_151] : memref<10000x32xf32, #tpu.memory_space<vmem_shared>> -> memref<625x32xf32, #tpu.memory_space<vmem_shared>>
      tpu.wait_dma2 semaphore(%run_scoped3A : memref<!tpu.dma_semaphore, #tpu.memory_space<semaphore_mem>>) src(%arg14 : memref<625x32xf32, #tpu.memory_space<vmem>>) dst(%dma_wait3A_152 : memref<625x32xf32, #tpu.memory_space<vmem_shared>>)
      tpu.yield
    }) : () -> ()
    %eq3A_15 = arith.constant 0 : i32
    %eq3A_16 = arith.cmpi eq, %arg0, %eq3A_15 : i32
    %convert_element_type3A = arith.extui %eq3A_16 : i1 to i32
    %cond3A = arith.constant 0 : i32
    %cond3A_17 = arith.cmpi ne, %convert_element_type3A, %cond3A : i32
    scf.if %cond3A_17 {
      %mul3A_146 = arith.constant 625 : i32
      %mul3A_147 = arith.muli %arg1, %mul3A_146 : i32
      "tpu.region"() ({
        %run_scoped3A = tpu.sem_alloc : memref<!tpu.dma_semaphore, #tpu.memory_space<semaphore_mem>>
        %dma_start3A_152 = arith.constant 0 : i32
        %dma_start3A_153 = tpu.memref_slice %arg16[%mul3A_147, %dma_start3A_152] : memref<10000x32xf32, #tpu.memory_space<vmem_shared>> -> memref<625x32xf32, #tpu.memory_space<vmem_shared>>
        %dma_start3A_154 = arith.constant 0 : i32
        %dma_start3A_155 = tpu.memref_slice %arg16[%mul3A_147, %dma_start3A_154] : memref<10000x32xf32, #tpu.memory_space<vmem_shared>> -> memref<625x32xf32, #tpu.memory_space<vmem_shared>>
        tpu.enqueue_dma source(%arg14 : memref<625x32xf32, #tpu.memory_space<vmem>>) target(%dma_start3A_155 : memref<625x32xf32, #tpu.memory_space<vmem_shared>>) target_semaphore(%run_scoped3A : memref<!tpu.dma_semaphore, #tpu.memory_space<semaphore_mem>>)
        %dma_wait3A = arith.constant 0 : i32
        %dma_wait3A_156 = tpu.memref_slice %arg16[%mul3A_147, %dma_wait3A] : memref<10000x32xf32, #tpu.memory_space<vmem_shared>> -> memref<625x32xf32, #tpu.memory_space<vmem_shared>>
        %dma_wait3A_157 = arith.constant 0 : i32
        %dma_wait3A_158 = tpu.memref_slice %arg16[%mul3A_147, %dma_wait3A_157] : memref<10000x32xf32, #tpu.memory_space<vmem_shared>> -> memref<625x32xf32, #tpu.memory_space<vmem_shared>>
        tpu.wait_dma2 semaphore(%run_scoped3A : memref<!tpu.dma_semaphore, #tpu.memory_space<semaphore_mem>>) src(%arg14 : memref<625x32xf32, #tpu.memory_space<vmem>>) dst(%dma_wait3A_158 : memref<625x32xf32, #tpu.memory_space<vmem_shared>>)
        tpu.yield
      }) : () -> ()
      %mul3A_148 = arith.constant 625 : i32
      %mul3A_149 = arith.muli %arg1, %mul3A_148 : i32
      "tpu.region"() ({
        %run_scoped3A = tpu.sem_alloc : memref<!tpu.dma_semaphore, #tpu.memory_space<semaphore_mem>>
        %dma_start3A_152 = arith.constant 0 : i32
        %dma_start3A_153 = tpu.memref_slice %arg5[%mul3A_149, %dma_start3A_152] : memref<10000x16xf32, #tpu.memory_space<hbm>> -> memref<625x16xf32, #tpu.memory_space<hbm>>
        %dma_start3A_154 = arith.constant 0 : i32
        %dma_start3A_155 = tpu.memref_slice %arg5[%mul3A_149, %dma_start3A_154] : memref<10000x16xf32, #tpu.memory_space<hbm>> -> memref<625x16xf32, #tpu.memory_space<hbm>>
        tpu.enqueue_dma source(%dma_start3A_155 : memref<625x16xf32, #tpu.memory_space<hbm>>) target(%arg15 : memref<625x16xf32, #tpu.memory_space<vmem>>) target_semaphore(%run_scoped3A : memref<!tpu.dma_semaphore, #tpu.memory_space<semaphore_mem>>)
        %dma_wait3A = arith.constant 0 : i32
        %dma_wait3A_156 = tpu.memref_slice %arg5[%mul3A_149, %dma_wait3A] : memref<10000x16xf32, #tpu.memory_space<hbm>> -> memref<625x16xf32, #tpu.memory_space<hbm>>
        %dma_wait3A_157 = arith.constant 0 : i32
        %dma_wait3A_158 = tpu.memref_slice %arg5[%mul3A_149, %dma_wait3A_157] : memref<10000x16xf32, #tpu.memory_space<hbm>> -> memref<625x16xf32, #tpu.memory_space<hbm>>
        tpu.wait_dma2 semaphore(%run_scoped3A : memref<!tpu.dma_semaphore, #tpu.memory_space<semaphore_mem>>) src(%dma_wait3A_158 : memref<625x16xf32, #tpu.memory_space<hbm>>) dst(%arg15 : memref<625x16xf32, #tpu.memory_space<vmem>>)
        tpu.yield
      }) : () -> ()
      %mul3A_150 = arith.constant 625 : i32
      %mul3A_151 = arith.muli %arg1, %mul3A_150 : i32
      "tpu.region"() ({
        %run_scoped3A = tpu.sem_alloc : memref<!tpu.dma_semaphore, #tpu.memory_space<semaphore_mem>>
        %dma_start3A_152 = arith.constant 0 : i32
        %dma_start3A_153 = tpu.memref_slice %arg17[%mul3A_151, %dma_start3A_152] : memref<10000x16xf32, #tpu.memory_space<vmem_shared>> -> memref<625x16xf32, #tpu.memory_space<vmem_shared>>
        %dma_start3A_154 = arith.constant 0 : i32
        %dma_start3A_155 = tpu.memref_slice %arg17[%mul3A_151, %dma_start3A_154] : memref<10000x16xf32, #tpu.memory_space<vmem_shared>> -> memref<625x16xf32, #tpu.memory_space<vmem_shared>>
        tpu.enqueue_dma source(%arg15 : memref<625x16xf32, #tpu.memory_space<vmem>>) target(%dma_start3A_155 : memref<625x16xf32, #tpu.memory_space<vmem_shared>>) target_semaphore(%run_scoped3A : memref<!tpu.dma_semaphore, #tpu.memory_space<semaphore_mem>>)
        %dma_wait3A = arith.constant 0 : i32
        %dma_wait3A_156 = tpu.memref_slice %arg17[%mul3A_151, %dma_wait3A] : memref<10000x16xf32, #tpu.memory_space<vmem_shared>> -> memref<625x16xf32, #tpu.memory_space<vmem_shared>>
        %dma_wait3A_157 = arith.constant 0 : i32
        %dma_wait3A_158 = tpu.memref_slice %arg17[%mul3A_151, %dma_wait3A_157] : memref<10000x16xf32, #tpu.memory_space<vmem_shared>> -> memref<625x16xf32, #tpu.memory_space<vmem_shared>>
        tpu.wait_dma2 semaphore(%run_scoped3A : memref<!tpu.dma_semaphore, #tpu.memory_space<semaphore_mem>>) src(%arg15 : memref<625x16xf32, #tpu.memory_space<vmem>>) dst(%dma_wait3A_158 : memref<625x16xf32, #tpu.memory_space<vmem_shared>>)
        tpu.yield
      }) : () -> ()
    } else {
    }
    %eq3A_18 = arith.constant 1 : i32
    %eq3A_19 = arith.cmpi eq, %arg0, %eq3A_18 : i32
    %convert_element_type3A_20 = arith.extui %eq3A_19 : i1 to i32
    %cond3A_21 = arith.constant 0 : i32
    %cond3A_22 = arith.cmpi ne, %convert_element_type3A_20, %cond3A_21 : i32
    scf.if %cond3A_22 {
      "tpu.region"() ({
        %run_scoped3A = tpu.sem_alloc : memref<!tpu.dma_semaphore, #tpu.memory_space<semaphore_mem>>
        tpu.enqueue_dma source(%arg6 : memref<625x32xf32, #tpu.memory_space<hbm>>) target(%arg14 : memref<625x32xf32, #tpu.memory_space<vmem>>) target_semaphore(%run_scoped3A : memref<!tpu.dma_semaphore, #tpu.memory_space<semaphore_mem>>)
        tpu.wait_dma2 semaphore(%run_scoped3A : memref<!tpu.dma_semaphore, #tpu.memory_space<semaphore_mem>>) src(%arg6 : memref<625x32xf32, #tpu.memory_space<hbm>>) dst(%arg14 : memref<625x32xf32, #tpu.memory_space<vmem>>)
        tpu.yield
      }) : () -> ()
      %mul3A_146 = arith.constant 625 : i32
      %mul3A_147 = arith.muli %arg1, %mul3A_146 : i32
      "tpu.region"() ({
        %run_scoped3A = tpu.sem_alloc : memref<!tpu.dma_semaphore, #tpu.memory_space<semaphore_mem>>
        %dma_start3A_150 = arith.constant 0 : i32
        %dma_start3A_151 = tpu.memref_slice %arg16[%mul3A_147, %dma_start3A_150] : memref<10000x32xf32, #tpu.memory_space<vmem_shared>> -> memref<625x32xf32, #tpu.memory_space<vmem_shared>>
        %dma_start3A_152 = arith.constant 0 : i32
        %dma_start3A_153 = tpu.memref_slice %arg16[%mul3A_147, %dma_start3A_152] : memref<10000x32xf32, #tpu.memory_space<vmem_shared>> -> memref<625x32xf32, #tpu.memory_space<vmem_shared>>
        tpu.enqueue_dma source(%arg14 : memref<625x32xf32, #tpu.memory_space<vmem>>) target(%dma_start3A_153 : memref<625x32xf32, #tpu.memory_space<vmem_shared>>) target_semaphore(%run_scoped3A : memref<!tpu.dma_semaphore, #tpu.memory_space<semaphore_mem>>)
        %dma_wait3A = arith.constant 0 : i32
        %dma_wait3A_154 = tpu.memref_slice %arg16[%mul3A_147, %dma_wait3A] : memref<10000x32xf32, #tpu.memory_space<vmem_shared>> -> memref<625x32xf32, #tpu.memory_space<vmem_shared>>
        %dma_wait3A_155 = arith.constant 0 : i32
        %dma_wait3A_156 = tpu.memref_slice %arg16[%mul3A_147, %dma_wait3A_155] : memref<10000x32xf32, #tpu.memory_space<vmem_shared>> -> memref<625x32xf32, #tpu.memory_space<vmem_shared>>
        tpu.wait_dma2 semaphore(%run_scoped3A : memref<!tpu.dma_semaphore, #tpu.memory_space<semaphore_mem>>) src(%arg14 : memref<625x32xf32, #tpu.memory_space<vmem>>) dst(%dma_wait3A_156 : memref<625x32xf32, #tpu.memory_space<vmem_shared>>)
        tpu.yield
      }) : () -> ()
      "tpu.region"() ({
        %run_scoped3A = tpu.sem_alloc : memref<!tpu.dma_semaphore, #tpu.memory_space<semaphore_mem>>
        tpu.enqueue_dma source(%arg7 : memref<625x16xf32, #tpu.memory_space<hbm>>) target(%arg15 : memref<625x16xf32, #tpu.memory_space<vmem>>) target_semaphore(%run_scoped3A : memref<!tpu.dma_semaphore, #tpu.memory_space<semaphore_mem>>)
        tpu.wait_dma2 semaphore(%run_scoped3A : memref<!tpu.dma_semaphore, #tpu.memory_space<semaphore_mem>>) src(%arg7 : memref<625x16xf32, #tpu.memory_space<hbm>>) dst(%arg15 : memref<625x16xf32, #tpu.memory_space<vmem>>)
        tpu.yield
      }) : () -> ()
      %mul3A_148 = arith.constant 625 : i32
      %mul3A_149 = arith.muli %arg1, %mul3A_148 : i32
      "tpu.region"() ({
        %run_scoped3A = tpu.sem_alloc : memref<!tpu.dma_semaphore, #tpu.memory_space<semaphore_mem>>
        %dma_start3A_150 = arith.constant 0 : i32
        %dma_start3A_151 = tpu.memref_slice %arg17[%mul3A_149, %dma_start3A_150] : memref<10000x16xf32, #tpu.memory_space<vmem_shared>> -> memref<625x16xf32, #tpu.memory_space<vmem_shared>>
        %dma_start3A_152 = arith.constant 0 : i32
        %dma_start3A_153 = tpu.memref_slice %arg17[%mul3A_149, %dma_start3A_152] : memref<10000x16xf32, #tpu.memory_space<vmem_shared>> -> memref<625x16xf32, #tpu.memory_space<vmem_shared>>
        tpu.enqueue_dma source(%arg15 : memref<625x16xf32, #tpu.memory_space<vmem>>) target(%dma_start3A_153 : memref<625x16xf32, #tpu.memory_space<vmem_shared>>) target_semaphore(%run_scoped3A : memref<!tpu.dma_semaphore, #tpu.memory_space<semaphore_mem>>)
        %dma_wait3A = arith.constant 0 : i32
        %dma_wait3A_154 = tpu.memref_slice %arg17[%mul3A_149, %dma_wait3A] : memref<10000x16xf32, #tpu.memory_space<vmem_shared>> -> memref<625x16xf32, #tpu.memory_space<vmem_shared>>
        %dma_wait3A_155 = arith.constant 0 : i32
        %dma_wait3A_156 = tpu.memref_slice %arg17[%mul3A_149, %dma_wait3A_155] : memref<10000x16xf32, #tpu.memory_space<vmem_shared>> -> memref<625x16xf32, #tpu.memory_space<vmem_shared>>
        tpu.wait_dma2 semaphore(%run_scoped3A : memref<!tpu.dma_semaphore, #tpu.memory_space<semaphore_mem>>) src(%arg15 : memref<625x16xf32, #tpu.memory_space<vmem>>) dst(%dma_wait3A_156 : memref<625x16xf32, #tpu.memory_space<vmem_shared>>)
        tpu.yield
      }) : () -> ()
    } else {
    }
    %eq3A_23 = arith.constant 0 : i32
    %eq3A_24 = arith.cmpi eq, %arg0, %eq3A_23 : i32
    %lt3A_25 = arith.constant 4 : i32
    %lt3A_26 = arith.cmpi slt, %arg1, %lt3A_25 : i32
    %and3A = arith.andi %eq3A_24, %lt3A_26 : i1
    %convert_element_type3A_27 = arith.extui %and3A : i1 to i32
    %cond3A_28 = arith.constant 0 : i32
    %cond3A_29 = arith.cmpi ne, %convert_element_type3A_27, %cond3A_28 : i32
    scf.if %cond3A_29 {
      "tpu.region"() ({
        %run_scoped3A = tpu.sem_alloc : memref<!tpu.dma_semaphore, #tpu.memory_space<semaphore_mem>>
        %dma_start3A_146 = arith.constant 0 : i32
        %dma_start3A_147 = arith.constant 0 : i32
        %dma_start3A_148 = tpu.memref_slice %arg10[%dma_start3A_146, %dma_start3A_147] : memref<79x128xi32, #tpu.memory_space<vmem>> -> memref<79x128xi32, #tpu.memory_space<vmem>>
        %dma_start3A_149 = arith.constant 0 : i32
        %dma_start3A_150 = tpu.memref_slice %arg2[%select_n3A_6, %dma_start3A_149] : memref<2500x128xi32, #tpu.memory_space<hbm>> -> memref<79x128xi32, #tpu.memory_space<hbm>>
        %dma_start3A_151 = arith.constant 0 : i32
        %dma_start3A_152 = arith.constant 0 : i32
        %dma_start3A_153 = tpu.memref_slice %arg10[%dma_start3A_151, %dma_start3A_152] : memref<79x128xi32, #tpu.memory_space<vmem>> -> memref<79x128xi32, #tpu.memory_space<vmem>>
        %dma_start3A_154 = arith.constant 0 : i32
        %dma_start3A_155 = tpu.memref_slice %arg2[%select_n3A_6, %dma_start3A_154] : memref<2500x128xi32, #tpu.memory_space<hbm>> -> memref<79x128xi32, #tpu.memory_space<hbm>>
        tpu.enqueue_dma source(%dma_start3A_155 : memref<79x128xi32, #tpu.memory_space<hbm>>) target(%dma_start3A_153 : memref<79x128xi32, #tpu.memory_space<vmem>>) target_semaphore(%run_scoped3A : memref<!tpu.dma_semaphore, #tpu.memory_space<semaphore_mem>>)
        %dma_wait3A = arith.constant 0 : i32
        %dma_wait3A_156 = arith.constant 0 : i32
        %dma_wait3A_157 = tpu.memref_slice %arg10[%dma_wait3A, %dma_wait3A_156] : memref<79x128xi32, #tpu.memory_space<vmem>> -> memref<79x128xi32, #tpu.memory_space<vmem>>
        %dma_wait3A_158 = arith.constant 0 : i32
        %dma_wait3A_159 = tpu.memref_slice %arg2[%select_n3A_6, %dma_wait3A_158] : memref<2500x128xi32, #tpu.memory_space<hbm>> -> memref<79x128xi32, #tpu.memory_space<hbm>>
        %dma_wait3A_160 = arith.constant 0 : i32
        %dma_wait3A_161 = arith.constant 0 : i32
        %dma_wait3A_162 = tpu.memref_slice %arg10[%dma_wait3A_160, %dma_wait3A_161] : memref<79x128xi32, #tpu.memory_space<vmem>> -> memref<79x128xi32, #tpu.memory_space<vmem>>
        %dma_wait3A_163 = arith.constant 0 : i32
        %dma_wait3A_164 = tpu.memref_slice %arg2[%select_n3A_6, %dma_wait3A_163] : memref<2500x128xi32, #tpu.memory_space<hbm>> -> memref<79x128xi32, #tpu.memory_space<hbm>>
        tpu.wait_dma2 semaphore(%run_scoped3A : memref<!tpu.dma_semaphore, #tpu.memory_space<semaphore_mem>>) src(%dma_wait3A_164 : memref<79x128xi32, #tpu.memory_space<hbm>>) dst(%dma_wait3A_162 : memref<79x128xi32, #tpu.memory_space<vmem>>)
        tpu.yield
      }) : () -> ()
      "tpu.region"() ({
        %run_scoped3A = tpu.sem_alloc : memref<!tpu.dma_semaphore, #tpu.memory_space<semaphore_mem>>
        %dma_start3A_146 = arith.constant 0 : i32
        %dma_start3A_147 = arith.constant 0 : i32
        %dma_start3A_148 = tpu.memref_slice %arg11[%dma_start3A_146, %dma_start3A_147] : memref<79x128xi32, #tpu.memory_space<vmem>> -> memref<79x128xi32, #tpu.memory_space<vmem>>
        %dma_start3A_149 = arith.constant 0 : i32
        %dma_start3A_150 = tpu.memref_slice %arg3[%select_n3A_6, %dma_start3A_149] : memref<2500x128xi32, #tpu.memory_space<hbm>> -> memref<79x128xi32, #tpu.memory_space<hbm>>
        %dma_start3A_151 = arith.constant 0 : i32
        %dma_start3A_152 = arith.constant 0 : i32
        %dma_start3A_153 = tpu.memref_slice %arg11[%dma_start3A_151, %dma_start3A_152] : memref<79x128xi32, #tpu.memory_space<vmem>> -> memref<79x128xi32, #tpu.memory_space<vmem>>
        %dma_start3A_154 = arith.constant 0 : i32
        %dma_start3A_155 = tpu.memref_slice %arg3[%select_n3A_6, %dma_start3A_154] : memref<2500x128xi32, #tpu.memory_space<hbm>> -> memref<79x128xi32, #tpu.memory_space<hbm>>
        tpu.enqueue_dma source(%dma_start3A_155 : memref<79x128xi32, #tpu.memory_space<hbm>>) target(%dma_start3A_153 : memref<79x128xi32, #tpu.memory_space<vmem>>) target_semaphore(%run_scoped3A : memref<!tpu.dma_semaphore, #tpu.memory_space<semaphore_mem>>)
        %dma_wait3A = arith.constant 0 : i32
        %dma_wait3A_156 = arith.constant 0 : i32
        %dma_wait3A_157 = tpu.memref_slice %arg11[%dma_wait3A, %dma_wait3A_156] : memref<79x128xi32, #tpu.memory_space<vmem>> -> memref<79x128xi32, #tpu.memory_space<vmem>>
        %dma_wait3A_158 = arith.constant 0 : i32
        %dma_wait3A_159 = tpu.memref_slice %arg3[%select_n3A_6, %dma_wait3A_158] : memref<2500x128xi32, #tpu.memory_space<hbm>> -> memref<79x128xi32, #tpu.memory_space<hbm>>
        %dma_wait3A_160 = arith.constant 0 : i32
        %dma_wait3A_161 = arith.constant 0 : i32
        %dma_wait3A_162 = tpu.memref_slice %arg11[%dma_wait3A_160, %dma_wait3A_161] : memref<79x128xi32, #tpu.memory_space<vmem>> -> memref<79x128xi32, #tpu.memory_space<vmem>>
        %dma_wait3A_163 = arith.constant 0 : i32
        %dma_wait3A_164 = tpu.memref_slice %arg3[%select_n3A_6, %dma_wait3A_163] : memref<2500x128xi32, #tpu.memory_space<hbm>> -> memref<79x128xi32, #tpu.memory_space<hbm>>
        tpu.wait_dma2 semaphore(%run_scoped3A : memref<!tpu.dma_semaphore, #tpu.memory_space<semaphore_mem>>) src(%dma_wait3A_164 : memref<79x128xi32, #tpu.memory_space<hbm>>) dst(%dma_wait3A_162 : memref<79x128xi32, #tpu.memory_space<vmem>>)
        tpu.yield
      }) : () -> ()
    } else {
    }
    %not3A = arith.constant true
    %not3A_30 = arith.xori %and3A, %not3A : i1
    %convert_element_type3A_31 = arith.extui %not3A_30 : i1 to i32
    %cond3A_32 = arith.constant 0 : i32
    %cond3A_33 = arith.cmpi ne, %convert_element_type3A_31, %cond3A_32 : i32
    scf.if %cond3A_33 {
      "tpu.region"() ({
        %run_scoped3A = tpu.sem_alloc : memref<!tpu.dma_semaphore, #tpu.memory_space<semaphore_mem>>
        %dma_start3A_146 = arith.constant 0 : i32
        %dma_start3A_147 = arith.constant 0 : i32
        %dma_start3A_148 = tpu.memref_slice %arg10[%dma_start3A_146, %dma_start3A_147] : memref<79x128xi32, #tpu.memory_space<vmem>> -> memref<78x128xi32, #tpu.memory_space<vmem>>
        %dma_start3A_149 = arith.constant 0 : i32
        %dma_start3A_150 = tpu.memref_slice %arg2[%select_n3A_6, %dma_start3A_149] : memref<2500x128xi32, #tpu.memory_space<hbm>> -> memref<78x128xi32, #tpu.memory_space<hbm>>
        %dma_start3A_151 = arith.constant 0 : i32
        %dma_start3A_152 = arith.constant 0 : i32
        %dma_start3A_153 = tpu.memref_slice %arg10[%dma_start3A_151, %dma_start3A_152] : memref<79x128xi32, #tpu.memory_space<vmem>> -> memref<78x128xi32, #tpu.memory_space<vmem>>
        %dma_start3A_154 = arith.constant 0 : i32
        %dma_start3A_155 = tpu.memref_slice %arg2[%select_n3A_6, %dma_start3A_154] : memref<2500x128xi32, #tpu.memory_space<hbm>> -> memref<78x128xi32, #tpu.memory_space<hbm>>
        tpu.enqueue_dma source(%dma_start3A_155 : memref<78x128xi32, #tpu.memory_space<hbm>>) target(%dma_start3A_153 : memref<78x128xi32, #tpu.memory_space<vmem>>) target_semaphore(%run_scoped3A : memref<!tpu.dma_semaphore, #tpu.memory_space<semaphore_mem>>)
        %dma_wait3A = arith.constant 0 : i32
        %dma_wait3A_156 = arith.constant 0 : i32
        %dma_wait3A_157 = tpu.memref_slice %arg10[%dma_wait3A, %dma_wait3A_156] : memref<79x128xi32, #tpu.memory_space<vmem>> -> memref<78x128xi32, #tpu.memory_space<vmem>>
        %dma_wait3A_158 = arith.constant 0 : i32
        %dma_wait3A_159 = tpu.memref_slice %arg2[%select_n3A_6, %dma_wait3A_158] : memref<2500x128xi32, #tpu.memory_space<hbm>> -> memref<78x128xi32, #tpu.memory_space<hbm>>
        %dma_wait3A_160 = arith.constant 0 : i32
        %dma_wait3A_161 = arith.constant 0 : i32
        %dma_wait3A_162 = tpu.memref_slice %arg10[%dma_wait3A_160, %dma_wait3A_161] : memref<79x128xi32, #tpu.memory_space<vmem>> -> memref<78x128xi32, #tpu.memory_space<vmem>>
        %dma_wait3A_163 = arith.constant 0 : i32
        %dma_wait3A_164 = tpu.memref_slice %arg2[%select_n3A_6, %dma_wait3A_163] : memref<2500x128xi32, #tpu.memory_space<hbm>> -> memref<78x128xi32, #tpu.memory_space<hbm>>
        tpu.wait_dma2 semaphore(%run_scoped3A : memref<!tpu.dma_semaphore, #tpu.memory_space<semaphore_mem>>) src(%dma_wait3A_164 : memref<78x128xi32, #tpu.memory_space<hbm>>) dst(%dma_wait3A_162 : memref<78x128xi32, #tpu.memory_space<vmem>>)
        tpu.yield
      }) : () -> ()
      "tpu.region"() ({
        %run_scoped3A = tpu.sem_alloc : memref<!tpu.dma_semaphore, #tpu.memory_space<semaphore_mem>>
        %dma_start3A_146 = arith.constant 0 : i32
        %dma_start3A_147 = arith.constant 0 : i32
        %dma_start3A_148 = tpu.memref_slice %arg11[%dma_start3A_146, %dma_start3A_147] : memref<79x128xi32, #tpu.memory_space<vmem>> -> memref<78x128xi32, #tpu.memory_space<vmem>>
        %dma_start3A_149 = arith.constant 0 : i32
        %dma_start3A_150 = tpu.memref_slice %arg3[%select_n3A_6, %dma_start3A_149] : memref<2500x128xi32, #tpu.memory_space<hbm>> -> memref<78x128xi32, #tpu.memory_space<hbm>>
        %dma_start3A_151 = arith.constant 0 : i32
        %dma_start3A_152 = arith.constant 0 : i32
        %dma_start3A_153 = tpu.memref_slice %arg11[%dma_start3A_151, %dma_start3A_152] : memref<79x128xi32, #tpu.memory_space<vmem>> -> memref<78x128xi32, #tpu.memory_space<vmem>>
        %dma_start3A_154 = arith.constant 0 : i32
        %dma_start3A_155 = tpu.memref_slice %arg3[%select_n3A_6, %dma_start3A_154] : memref<2500x128xi32, #tpu.memory_space<hbm>> -> memref<78x128xi32, #tpu.memory_space<hbm>>
        tpu.enqueue_dma source(%dma_start3A_155 : memref<78x128xi32, #tpu.memory_space<hbm>>) target(%dma_start3A_153 : memref<78x128xi32, #tpu.memory_space<vmem>>) target_semaphore(%run_scoped3A : memref<!tpu.dma_semaphore, #tpu.memory_space<semaphore_mem>>)
        %dma_wait3A = arith.constant 0 : i32
        %dma_wait3A_156 = arith.constant 0 : i32
        %dma_wait3A_157 = tpu.memref_slice %arg11[%dma_wait3A, %dma_wait3A_156] : memref<79x128xi32, #tpu.memory_space<vmem>> -> memref<78x128xi32, #tpu.memory_space<vmem>>
        %dma_wait3A_158 = arith.constant 0 : i32
        %dma_wait3A_159 = tpu.memref_slice %arg3[%select_n3A_6, %dma_wait3A_158] : memref<2500x128xi32, #tpu.memory_space<hbm>> -> memref<78x128xi32, #tpu.memory_space<hbm>>
        %dma_wait3A_160 = arith.constant 0 : i32
        %dma_wait3A_161 = arith.constant 0 : i32
        %dma_wait3A_162 = tpu.memref_slice %arg11[%dma_wait3A_160, %dma_wait3A_161] : memref<79x128xi32, #tpu.memory_space<vmem>> -> memref<78x128xi32, #tpu.memory_space<vmem>>
        %dma_wait3A_163 = arith.constant 0 : i32
        %dma_wait3A_164 = tpu.memref_slice %arg3[%select_n3A_6, %dma_wait3A_163] : memref<2500x128xi32, #tpu.memory_space<hbm>> -> memref<78x128xi32, #tpu.memory_space<hbm>>
        tpu.wait_dma2 semaphore(%run_scoped3A : memref<!tpu.dma_semaphore, #tpu.memory_space<semaphore_mem>>) src(%dma_wait3A_164 : memref<78x128xi32, #tpu.memory_space<hbm>>) dst(%dma_wait3A_162 : memref<78x128xi32, #tpu.memory_space<vmem>>)
        tpu.yield
      }) : () -> ()
    } else {
    }
    %barrier3A = arith.constant 0 : index
    tpu.barrier barrier_id(%barrier3A)
    %dma_start3A = arith.constant 0 : i32
    %dma_start3A_34 = arith.constant 0 : i32
    %dma_start3A_35 = arith.constant 0 : i32
    %dma_start3A_36 = arith.constant 0 : i32
    %dma_start3A_37 = arith.constant 0 : i32
    %dma_start3A_38 = tpu.memref_slice %arg12[%dma_start3A_34, %dma_start3A_36, %dma_start3A_37] : memref<4x128x32xf32, #tpu.memory_space<vmem>> -> memref<1x128x32xf32, #tpu.memory_space<vmem>>
    %dma_start3A_39 = tpu.memref_squeeze %dma_start3A_38 : memref<1x128x32xf32, #tpu.memory_space<vmem>> -> memref<128x32xf32, #tpu.memory_space<vmem>>
    %dma_start3A_40 = arith.constant 0 : i32
    %dma_start3A_41 = tpu.memref_slice %arg10[%dma_start3A, %dma_start3A_40] : memref<79x128xi32, #tpu.memory_space<vmem>> -> memref<1x128xi32, #tpu.memory_space<vmem>>
    %dma_start3A_42 = tpu.memref_squeeze %dma_start3A_41 : memref<1x128xi32, #tpu.memory_space<vmem>> -> memref<128xi32, #tpu.memory_space<vmem>>
    %dma_start3A_43 = arith.constant 0 : i32
    %dma_start3A_44 = arith.constant 0 : i32
    %dma_start3A_45 = tpu.memref_slice %arg18[%dma_start3A_43, %dma_start3A_44] : memref<10000x32xf32, #tpu.memory_space<vmem_shared>> -> memref<10000x32xf32, #tpu.memory_space<vmem_shared>>
    %dma_start3A_46 = tpu.memref_slice %arg19[%dma_start3A_35] : memref<4x!tpu.dma_semaphore, #tpu.memory_space<semaphore_mem>> -> memref<1x!tpu.dma_semaphore, #tpu.memory_space<semaphore_mem>>
    %dma_start3A_47 = tpu.memref_squeeze %dma_start3A_46 : memref<1x!tpu.dma_semaphore, #tpu.memory_space<semaphore_mem>> -> memref<!tpu.dma_semaphore, #tpu.memory_space<semaphore_mem>>
    tpu.enqueue_indirect_dma source(%dma_start3A_45 : memref<10000x32xf32, #tpu.memory_space<vmem_shared>>) target(%dma_start3A_39 : memref<128x32xf32, #tpu.memory_space<vmem>>) offsets(%dma_start3A_42 : memref<128xi32, #tpu.memory_space<vmem>>) semaphore(%dma_start3A_47 : memref<!tpu.dma_semaphore, #tpu.memory_space<semaphore_mem>>)
    %dma_start3A_48 = arith.constant 0 : i32
    %dma_start3A_49 = arith.constant 0 : i32
    %dma_start3A_50 = arith.constant 0 : i32
    %dma_start3A_51 = arith.constant 0 : i32
    %dma_start3A_52 = arith.constant 0 : i32
    %dma_start3A_53 = tpu.memref_slice %arg13[%dma_start3A_49, %dma_start3A_51, %dma_start3A_52] : memref<4x128x16xf32, #tpu.memory_space<vmem>> -> memref<1x128x16xf32, #tpu.memory_space<vmem>>
    %dma_start3A_54 = tpu.memref_squeeze %dma_start3A_53 : memref<1x128x16xf32, #tpu.memory_space<vmem>> -> memref<128x16xf32, #tpu.memory_space<vmem>>
    %dma_start3A_55 = arith.constant 0 : i32
    %dma_start3A_56 = tpu.memref_slice %arg10[%dma_start3A_48, %dma_start3A_55] : memref<79x128xi32, #tpu.memory_space<vmem>> -> memref<1x128xi32, #tpu.memory_space<vmem>>
    %dma_start3A_57 = tpu.memref_squeeze %dma_start3A_56 : memref<1x128xi32, #tpu.memory_space<vmem>> -> memref<128xi32, #tpu.memory_space<vmem>>
    %dma_start3A_58 = arith.constant 0 : i32
    %dma_start3A_59 = arith.constant 0 : i32
    %dma_start3A_60 = tpu.memref_slice %arg5[%dma_start3A_58, %dma_start3A_59] : memref<10000x16xf32, #tpu.memory_space<hbm>> -> memref<10000x16xf32, #tpu.memory_space<hbm>>
    %dma_start3A_61 = tpu.memref_slice %arg20[%dma_start3A_50] : memref<4x!tpu.dma_semaphore, #tpu.memory_space<semaphore_mem>> -> memref<1x!tpu.dma_semaphore, #tpu.memory_space<semaphore_mem>>
    %dma_start3A_62 = tpu.memref_squeeze %dma_start3A_61 : memref<1x!tpu.dma_semaphore, #tpu.memory_space<semaphore_mem>> -> memref<!tpu.dma_semaphore, #tpu.memory_space<semaphore_mem>>
    tpu.enqueue_indirect_dma source(%dma_start3A_60 : memref<10000x16xf32, #tpu.memory_space<hbm>>) target(%dma_start3A_54 : memref<128x16xf32, #tpu.memory_space<vmem>>) offsets(%dma_start3A_57 : memref<128xi32, #tpu.memory_space<vmem>>) semaphore(%dma_start3A_62 : memref<!tpu.dma_semaphore, #tpu.memory_space<semaphore_mem>>)
    %dma_start3A_63 = arith.constant 1 : i32
    %dma_start3A_64 = arith.constant 1 : i32
    %dma_start3A_65 = arith.constant 1 : i32
    %dma_start3A_66 = arith.constant 0 : i32
    %dma_start3A_67 = arith.constant 0 : i32
    %dma_start3A_68 = tpu.memref_slice %arg12[%dma_start3A_64, %dma_start3A_66, %dma_start3A_67] : memref<4x128x32xf32, #tpu.memory_space<vmem>> -> memref<1x128x32xf32, #tpu.memory_space<vmem>>
    %dma_start3A_69 = tpu.memref_squeeze %dma_start3A_68 : memref<1x128x32xf32, #tpu.memory_space<vmem>> -> memref<128x32xf32, #tpu.memory_space<vmem>>
    %dma_start3A_70 = arith.constant 0 : i32
    %dma_start3A_71 = tpu.memref_slice %arg10[%dma_start3A_63, %dma_start3A_70] : memref<79x128xi32, #tpu.memory_space<vmem>> -> memref<1x128xi32, #tpu.memory_space<vmem>>
    %dma_start3A_72 = tpu.memref_squeeze %dma_start3A_71 : memref<1x128xi32, #tpu.memory_space<vmem>> -> memref<128xi32, #tpu.memory_space<vmem>>
    %dma_start3A_73 = arith.constant 0 : i32
    %dma_start3A_74 = arith.constant 0 : i32
    %dma_start3A_75 = tpu.memref_slice %arg18[%dma_start3A_73, %dma_start3A_74] : memref<10000x32xf32, #tpu.memory_space<vmem_shared>> -> memref<10000x32xf32, #tpu.memory_space<vmem_shared>>
    %dma_start3A_76 = tpu.memref_slice %arg19[%dma_start3A_65] : memref<4x!tpu.dma_semaphore, #tpu.memory_space<semaphore_mem>> -> memref<1x!tpu.dma_semaphore, #tpu.memory_space<semaphore_mem>>
    %dma_start3A_77 = tpu.memref_squeeze %dma_start3A_76 : memref<1x!tpu.dma_semaphore, #tpu.memory_space<semaphore_mem>> -> memref<!tpu.dma_semaphore, #tpu.memory_space<semaphore_mem>>
    tpu.enqueue_indirect_dma source(%dma_start3A_75 : memref<10000x32xf32, #tpu.memory_space<vmem_shared>>) target(%dma_start3A_69 : memref<128x32xf32, #tpu.memory_space<vmem>>) offsets(%dma_start3A_72 : memref<128xi32, #tpu.memory_space<vmem>>) semaphore(%dma_start3A_77 : memref<!tpu.dma_semaphore, #tpu.memory_space<semaphore_mem>>)
    %dma_start3A_78 = arith.constant 1 : i32
    %dma_start3A_79 = arith.constant 1 : i32
    %dma_start3A_80 = arith.constant 1 : i32
    %dma_start3A_81 = arith.constant 0 : i32
    %dma_start3A_82 = arith.constant 0 : i32
    %dma_start3A_83 = tpu.memref_slice %arg13[%dma_start3A_79, %dma_start3A_81, %dma_start3A_82] : memref<4x128x16xf32, #tpu.memory_space<vmem>> -> memref<1x128x16xf32, #tpu.memory_space<vmem>>
    %dma_start3A_84 = tpu.memref_squeeze %dma_start3A_83 : memref<1x128x16xf32, #tpu.memory_space<vmem>> -> memref<128x16xf32, #tpu.memory_space<vmem>>
    %dma_start3A_85 = arith.constant 0 : i32
    %dma_start3A_86 = tpu.memref_slice %arg10[%dma_start3A_78, %dma_start3A_85] : memref<79x128xi32, #tpu.memory_space<vmem>> -> memref<1x128xi32, #tpu.memory_space<vmem>>
    %dma_start3A_87 = tpu.memref_squeeze %dma_start3A_86 : memref<1x128xi32, #tpu.memory_space<vmem>> -> memref<128xi32, #tpu.memory_space<vmem>>
    %dma_start3A_88 = arith.constant 0 : i32
    %dma_start3A_89 = arith.constant 0 : i32
    %dma_start3A_90 = tpu.memref_slice %arg5[%dma_start3A_88, %dma_start3A_89] : memref<10000x16xf32, #tpu.memory_space<hbm>> -> memref<10000x16xf32, #tpu.memory_space<hbm>>
    %dma_start3A_91 = tpu.memref_slice %arg20[%dma_start3A_80] : memref<4x!tpu.dma_semaphore, #tpu.memory_space<semaphore_mem>> -> memref<1x!tpu.dma_semaphore, #tpu.memory_space<semaphore_mem>>
    %dma_start3A_92 = tpu.memref_squeeze %dma_start3A_91 : memref<1x!tpu.dma_semaphore, #tpu.memory_space<semaphore_mem>> -> memref<!tpu.dma_semaphore, #tpu.memory_space<semaphore_mem>>
    tpu.enqueue_indirect_dma source(%dma_start3A_90 : memref<10000x16xf32, #tpu.memory_space<hbm>>) target(%dma_start3A_84 : memref<128x16xf32, #tpu.memory_space<vmem>>) offsets(%dma_start3A_87 : memref<128xi32, #tpu.memory_space<vmem>>) semaphore(%dma_start3A_92 : memref<!tpu.dma_semaphore, #tpu.memory_space<semaphore_mem>>)
    %dma_start3A_93 = arith.constant 2 : i32
    %dma_start3A_94 = arith.constant 2 : i32
    %dma_start3A_95 = arith.constant 2 : i32
    %dma_start3A_96 = arith.constant 0 : i32
    %dma_start3A_97 = arith.constant 0 : i32
    %dma_start3A_98 = tpu.memref_slice %arg12[%dma_start3A_94, %dma_start3A_96, %dma_start3A_97] : memref<4x128x32xf32, #tpu.memory_space<vmem>> -> memref<1x128x32xf32, #tpu.memory_space<vmem>>
    %dma_start3A_99 = tpu.memref_squeeze %dma_start3A_98 : memref<1x128x32xf32, #tpu.memory_space<vmem>> -> memref<128x32xf32, #tpu.memory_space<vmem>>
    %dma_start3A_100 = arith.constant 0 : i32
    %dma_start3A_101 = tpu.memref_slice %arg10[%dma_start3A_93, %dma_start3A_100] : memref<79x128xi32, #tpu.memory_space<vmem>> -> memref<1x128xi32, #tpu.memory_space<vmem>>
    %dma_start3A_102 = tpu.memref_squeeze %dma_start3A_101 : memref<1x128xi32, #tpu.memory_space<vmem>> -> memref<128xi32, #tpu.memory_space<vmem>>
    %dma_start3A_103 = arith.constant 0 : i32
    %dma_start3A_104 = arith.constant 0 : i32
    %dma_start3A_105 = tpu.memref_slice %arg18[%dma_start3A_103, %dma_start3A_104] : memref<10000x32xf32, #tpu.memory_space<vmem_shared>> -> memref<10000x32xf32, #tpu.memory_space<vmem_shared>>
    %dma_start3A_106 = tpu.memref_slice %arg19[%dma_start3A_95] : memref<4x!tpu.dma_semaphore, #tpu.memory_space<semaphore_mem>> -> memref<1x!tpu.dma_semaphore, #tpu.memory_space<semaphore_mem>>
    %dma_start3A_107 = tpu.memref_squeeze %dma_start3A_106 : memref<1x!tpu.dma_semaphore, #tpu.memory_space<semaphore_mem>> -> memref<!tpu.dma_semaphore, #tpu.memory_space<semaphore_mem>>
    tpu.enqueue_indirect_dma source(%dma_start3A_105 : memref<10000x32xf32, #tpu.memory_space<vmem_shared>>) target(%dma_start3A_99 : memref<128x32xf32, #tpu.memory_space<vmem>>) offsets(%dma_start3A_102 : memref<128xi32, #tpu.memory_space<vmem>>) semaphore(%dma_start3A_107 : memref<!tpu.dma_semaphore, #tpu.memory_space<semaphore_mem>>)
    %dma_start3A_108 = arith.constant 2 : i32
    %dma_start3A_109 = arith.constant 2 : i32
    %dma_start3A_110 = arith.constant 2 : i32
    %dma_start3A_111 = arith.constant 0 : i32
    %dma_start3A_112 = arith.constant 0 : i32
    %dma_start3A_113 = tpu.memref_slice %arg13[%dma_start3A_109, %dma_start3A_111, %dma_start3A_112] : memref<4x128x16xf32, #tpu.memory_space<vmem>> -> memref<1x128x16xf32, #tpu.memory_space<vmem>>
    %dma_start3A_114 = tpu.memref_squeeze %dma_start3A_113 : memref<1x128x16xf32, #tpu.memory_space<vmem>> -> memref<128x16xf32, #tpu.memory_space<vmem>>
    %dma_start3A_115 = arith.constant 0 : i32
    %dma_start3A_116 = tpu.memref_slice %arg10[%dma_start3A_108, %dma_start3A_115] : memref<79x128xi32, #tpu.memory_space<vmem>> -> memref<1x128xi32, #tpu.memory_space<vmem>>
    %dma_start3A_117 = tpu.memref_squeeze %dma_start3A_116 : memref<1x128xi32, #tpu.memory_space<vmem>> -> memref<128xi32, #tpu.memory_space<vmem>>
    %dma_start3A_118 = arith.constant 0 : i32
    %dma_start3A_119 = arith.constant 0 : i32
    %dma_start3A_120 = tpu.memref_slice %arg5[%dma_start3A_118, %dma_start3A_119] : memref<10000x16xf32, #tpu.memory_space<hbm>> -> memref<10000x16xf32, #tpu.memory_space<hbm>>
    %dma_start3A_121 = tpu.memref_slice %arg20[%dma_start3A_110] : memref<4x!tpu.dma_semaphore, #tpu.memory_space<semaphore_mem>> -> memref<1x!tpu.dma_semaphore, #tpu.memory_space<semaphore_mem>>
    %dma_start3A_122 = tpu.memref_squeeze %dma_start3A_121 : memref<1x!tpu.dma_semaphore, #tpu.memory_space<semaphore_mem>> -> memref<!tpu.dma_semaphore, #tpu.memory_space<semaphore_mem>>
    tpu.enqueue_indirect_dma source(%dma_start3A_120 : memref<10000x16xf32, #tpu.memory_space<hbm>>) target(%dma_start3A_114 : memref<128x16xf32, #tpu.memory_space<vmem>>) offsets(%dma_start3A_117 : memref<128xi32, #tpu.memory_space<vmem>>) semaphore(%dma_start3A_122 : memref<!tpu.dma_semaphore, #tpu.memory_space<semaphore_mem>>)
    %while3A = arith.constant 0 : i32
    %while3A_123 = arith.constant 0 : i32
    %while3A_124 = arith.subi %select_n3A_10, %while3A_123 : i32
    %while3A_125 = arith.addi %while3A_123, %while3A_124 : i32
    %while3A_126 = arith.constant 1 : i32
    %while3A_127 = arith.divsi %while3A_124, %while3A_126 : i32
    %while3A_128 = arith.muli %while3A_127, %while3A_126 : i32
    %while3A_129 = arith.addi %while3A_123, %while3A_128 : i32
    %while3A_130 = arith.constant 1 : i32
    scf.for %while3A_146 = %while3A_123 to %while3A_129 step %while3A_130  : i32 {
      %rem3A = arith.constant 4 : i32
      %rem3A_147 = arith.remsi %while3A_146, %rem3A : i32
      %dma_wait3A = arith.constant 0 : i32
      %dma_wait3A_148 = arith.constant 0 : i32
      %dma_wait3A_149 = tpu.memref_slice %arg12[%rem3A_147, %dma_wait3A, %dma_wait3A_148] : memref<4x128x32xf32, #tpu.memory_space<vmem>> -> memref<1x128x32xf32, #tpu.memory_space<vmem>>
      %dma_wait3A_150 = tpu.memref_squeeze %dma_wait3A_149 : memref<1x128x32xf32, #tpu.memory_space<vmem>> -> memref<128x32xf32, #tpu.memory_space<vmem>>
      %dma_wait3A_151 = arith.constant 0 : i32
      %dma_wait3A_152 = tpu.memref_slice %arg10[%while3A_146, %dma_wait3A_151] : memref<79x128xi32, #tpu.memory_space<vmem>> -> memref<1x128xi32, #tpu.memory_space<vmem>>
      %dma_wait3A_153 = tpu.memref_squeeze %dma_wait3A_152 : memref<1x128xi32, #tpu.memory_space<vmem>> -> memref<128xi32, #tpu.memory_space<vmem>>
      %dma_wait3A_154 = arith.constant 0 : i32
      %dma_wait3A_155 = arith.constant 0 : i32
      %dma_wait3A_156 = tpu.memref_slice %arg18[%dma_wait3A_154, %dma_wait3A_155] : memref<10000x32xf32, #tpu.memory_space<vmem_shared>> -> memref<10000x32xf32, #tpu.memory_space<vmem_shared>>
      %dma_wait3A_157 = tpu.memref_slice %arg19[%rem3A_147] : memref<4x!tpu.dma_semaphore, #tpu.memory_space<semaphore_mem>> -> memref<1x!tpu.dma_semaphore, #tpu.memory_space<semaphore_mem>>
      %dma_wait3A_158 = tpu.memref_squeeze %dma_wait3A_157 : memref<1x!tpu.dma_semaphore, #tpu.memory_space<semaphore_mem>> -> memref<!tpu.dma_semaphore, #tpu.memory_space<semaphore_mem>>
      tpu.wait_indirect_dma semaphore(%dma_wait3A_158 : memref<!tpu.dma_semaphore, #tpu.memory_space<semaphore_mem>>) src(%dma_wait3A_156 : memref<10000x32xf32, #tpu.memory_space<vmem_shared>>) dst(%dma_wait3A_150 : memref<128x32xf32, #tpu.memory_space<vmem>>)
      %dma_start3A_159 = arith.constant 0 : i32
      %dma_start3A_160 = arith.constant 0 : i32
      %dma_start3A_161 = tpu.memref_slice %arg12[%rem3A_147, %dma_start3A_159, %dma_start3A_160] : memref<4x128x32xf32, #tpu.memory_space<vmem>> -> memref<1x128x32xf32, #tpu.memory_space<vmem>>
      %dma_start3A_162 = tpu.memref_squeeze %dma_start3A_161 : memref<1x128x32xf32, #tpu.memory_space<vmem>> -> memref<128x32xf32, #tpu.memory_space<vmem>>
      %dma_start3A_163 = arith.constant 0 : i32
      %dma_start3A_164 = tpu.memref_slice %arg11[%while3A_146, %dma_start3A_163] : memref<79x128xi32, #tpu.memory_space<vmem>> -> memref<1x128xi32, #tpu.memory_space<vmem>>
      %dma_start3A_165 = tpu.memref_squeeze %dma_start3A_164 : memref<1x128xi32, #tpu.memory_space<vmem>> -> memref<128xi32, #tpu.memory_space<vmem>>
      %dma_start3A_166 = arith.constant 0 : i32
      %dma_start3A_167 = arith.constant 0 : i32
      %dma_start3A_168 = tpu.memref_slice %arg16[%dma_start3A_166, %dma_start3A_167] : memref<10000x32xf32, #tpu.memory_space<vmem_shared>> -> memref<10000x32xf32, #tpu.memory_space<vmem_shared>>
      %dma_start3A_169 = tpu.memref_slice %arg21[%rem3A_147] : memref<4x!tpu.dma_semaphore, #tpu.memory_space<semaphore_mem>> -> memref<1x!tpu.dma_semaphore, #tpu.memory_space<semaphore_mem>>
      %dma_start3A_170 = tpu.memref_squeeze %dma_start3A_169 : memref<1x!tpu.dma_semaphore, #tpu.memory_space<semaphore_mem>> -> memref<!tpu.dma_semaphore, #tpu.memory_space<semaphore_mem>>
      tpu.enqueue_indirect_dma source(%dma_start3A_162 : memref<128x32xf32, #tpu.memory_space<vmem>>) target(%dma_start3A_168 : memref<10000x32xf32, #tpu.memory_space<vmem_shared>>) offsets(%dma_start3A_165 : memref<128xi32, #tpu.memory_space<vmem>>) semaphore(%dma_start3A_170 : memref<!tpu.dma_semaphore, #tpu.memory_space<semaphore_mem>>) {add = true}
      %dma_wait3A_171 = arith.constant 0 : i32
      %dma_wait3A_172 = arith.constant 0 : i32
      %dma_wait3A_173 = tpu.memref_slice %arg13[%rem3A_147, %dma_wait3A_171, %dma_wait3A_172] : memref<4x128x16xf32, #tpu.memory_space<vmem>> -> memref<1x128x16xf32, #tpu.memory_space<vmem>>
      %dma_wait3A_174 = tpu.memref_squeeze %dma_wait3A_173 : memref<1x128x16xf32, #tpu.memory_space<vmem>> -> memref<128x16xf32, #tpu.memory_space<vmem>>
      %dma_wait3A_175 = arith.constant 0 : i32
      %dma_wait3A_176 = tpu.memref_slice %arg10[%while3A_146, %dma_wait3A_175] : memref<79x128xi32, #tpu.memory_space<vmem>> -> memref<1x128xi32, #tpu.memory_space<vmem>>
      %dma_wait3A_177 = tpu.memref_squeeze %dma_wait3A_176 : memref<1x128xi32, #tpu.memory_space<vmem>> -> memref<128xi32, #tpu.memory_space<vmem>>
      %dma_wait3A_178 = arith.constant 0 : i32
      %dma_wait3A_179 = arith.constant 0 : i32
      %dma_wait3A_180 = tpu.memref_slice %arg5[%dma_wait3A_178, %dma_wait3A_179] : memref<10000x16xf32, #tpu.memory_space<hbm>> -> memref<10000x16xf32, #tpu.memory_space<hbm>>
      %dma_wait3A_181 = tpu.memref_slice %arg20[%rem3A_147] : memref<4x!tpu.dma_semaphore, #tpu.memory_space<semaphore_mem>> -> memref<1x!tpu.dma_semaphore, #tpu.memory_space<semaphore_mem>>
      %dma_wait3A_182 = tpu.memref_squeeze %dma_wait3A_181 : memref<1x!tpu.dma_semaphore, #tpu.memory_space<semaphore_mem>> -> memref<!tpu.dma_semaphore, #tpu.memory_space<semaphore_mem>>
      tpu.wait_indirect_dma semaphore(%dma_wait3A_182 : memref<!tpu.dma_semaphore, #tpu.memory_space<semaphore_mem>>) src(%dma_wait3A_180 : memref<10000x16xf32, #tpu.memory_space<hbm>>) dst(%dma_wait3A_174 : memref<128x16xf32, #tpu.memory_space<vmem>>)
      %dma_start3A_183 = arith.constant 0 : i32
      %dma_start3A_184 = arith.constant 0 : i32
      %dma_start3A_185 = tpu.memref_slice %arg13[%rem3A_147, %dma_start3A_183, %dma_start3A_184] : memref<4x128x16xf32, #tpu.memory_space<vmem>> -> memref<1x128x16xf32, #tpu.memory_space<vmem>>
      %dma_start3A_186 = tpu.memref_squeeze %dma_start3A_185 : memref<1x128x16xf32, #tpu.memory_space<vmem>> -> memref<128x16xf32, #tpu.memory_space<vmem>>
      %dma_start3A_187 = arith.constant 0 : i32
      %dma_start3A_188 = tpu.memref_slice %arg11[%while3A_146, %dma_start3A_187] : memref<79x128xi32, #tpu.memory_space<vmem>> -> memref<1x128xi32, #tpu.memory_space<vmem>>
      %dma_start3A_189 = tpu.memref_squeeze %dma_start3A_188 : memref<1x128xi32, #tpu.memory_space<vmem>> -> memref<128xi32, #tpu.memory_space<vmem>>
      %dma_start3A_190 = arith.constant 0 : i32
      %dma_start3A_191 = arith.constant 0 : i32
      %dma_start3A_192 = tpu.memref_slice %arg17[%dma_start3A_190, %dma_start3A_191] : memref<10000x16xf32, #tpu.memory_space<vmem_shared>> -> memref<10000x16xf32, #tpu.memory_space<vmem_shared>>
      %dma_start3A_193 = tpu.memref_slice %arg22[%rem3A_147] : memref<4x!tpu.dma_semaphore, #tpu.memory_space<semaphore_mem>> -> memref<1x!tpu.dma_semaphore, #tpu.memory_space<semaphore_mem>>
      %dma_start3A_194 = tpu.memref_squeeze %dma_start3A_193 : memref<1x!tpu.dma_semaphore, #tpu.memory_space<semaphore_mem>> -> memref<!tpu.dma_semaphore, #tpu.memory_space<semaphore_mem>>
      tpu.enqueue_indirect_dma source(%dma_start3A_186 : memref<128x16xf32, #tpu.memory_space<vmem>>) target(%dma_start3A_192 : memref<10000x16xf32, #tpu.memory_space<vmem_shared>>) offsets(%dma_start3A_189 : memref<128xi32, #tpu.memory_space<vmem>>) semaphore(%dma_start3A_194 : memref<!tpu.dma_semaphore, #tpu.memory_space<semaphore_mem>>) {add = true}
      %add3A_195 = arith.constant 4 : i32
      %add3A_196 = arith.addi %while3A_146, %add3A_195 : i32
      %sub3A = arith.constant 1 : i32
      %sub3A_197 = arith.subi %add3A_196, %sub3A : i32
      %lt3A_198 = arith.cmpi slt, %sub3A_197, %select_n3A_10 : i32
      %convert_element_type3A_199 = arith.extui %lt3A_198 : i1 to i32
      %cond3A_200 = arith.constant 0 : i32
      %cond3A_201 = arith.cmpi ne, %convert_element_type3A_199, %cond3A_200 : i32
      scf.if %cond3A_201 {
        %rem3A_202 = arith.constant 4 : i32
        %rem3A_203 = arith.remsi %sub3A_197, %rem3A_202 : i32
        %ge3A = arith.constant 1 : i32
        %ge3A_204 = arith.cmpi sge, %while3A_146, %ge3A : i32
        %convert_element_type3A_205 = arith.extui %ge3A_204 : i1 to i32
        %cond3A_206 = arith.constant 0 : i32
        %cond3A_207 = arith.cmpi ne, %convert_element_type3A_205, %cond3A_206 : i32
        scf.if %cond3A_207 {
          %sub3A_232 = arith.constant 1 : i32
          %sub3A_233 = arith.subi %while3A_146, %sub3A_232 : i32
          %dma_wait3A_234 = arith.constant 0 : i32
          %dma_wait3A_235 = arith.constant 0 : i32
          %dma_wait3A_236 = tpu.memref_slice %arg12[%rem3A_203, %dma_wait3A_234, %dma_wait3A_235] : memref<4x128x32xf32, #tpu.memory_space<vmem>> -> memref<1x128x32xf32, #tpu.memory_space<vmem>>
          %dma_wait3A_237 = tpu.memref_squeeze %dma_wait3A_236 : memref<1x128x32xf32, #tpu.memory_space<vmem>> -> memref<128x32xf32, #tpu.memory_space<vmem>>
          %dma_wait3A_238 = arith.constant 0 : i32
          %dma_wait3A_239 = tpu.memref_slice %arg11[%sub3A_233, %dma_wait3A_238] : memref<79x128xi32, #tpu.memory_space<vmem>> -> memref<1x128xi32, #tpu.memory_space<vmem>>
          %dma_wait3A_240 = tpu.memref_squeeze %dma_wait3A_239 : memref<1x128xi32, #tpu.memory_space<vmem>> -> memref<128xi32, #tpu.memory_space<vmem>>
          %dma_wait3A_241 = arith.constant 0 : i32
          %dma_wait3A_242 = arith.constant 0 : i32
          %dma_wait3A_243 = tpu.memref_slice %arg16[%dma_wait3A_241, %dma_wait3A_242] : memref<10000x32xf32, #tpu.memory_space<vmem_shared>> -> memref<10000x32xf32, #tpu.memory_space<vmem_shared>>
          %dma_wait3A_244 = tpu.memref_slice %arg21[%rem3A_203] : memref<4x!tpu.dma_semaphore, #tpu.memory_space<semaphore_mem>> -> memref<1x!tpu.dma_semaphore, #tpu.memory_space<semaphore_mem>>
          %dma_wait3A_245 = tpu.memref_squeeze %dma_wait3A_244 : memref<1x!tpu.dma_semaphore, #tpu.memory_space<semaphore_mem>> -> memref<!tpu.dma_semaphore, #tpu.memory_space<semaphore_mem>>
          tpu.wait_indirect_dma semaphore(%dma_wait3A_245 : memref<!tpu.dma_semaphore, #tpu.memory_space<semaphore_mem>>) src(%dma_wait3A_237 : memref<128x32xf32, #tpu.memory_space<vmem>>) dst(%dma_wait3A_243 : memref<10000x32xf32, #tpu.memory_space<vmem_shared>>)
          %sub3A_246 = arith.constant 1 : i32
          %sub3A_247 = arith.subi %while3A_146, %sub3A_246 : i32
          %dma_wait3A_248 = arith.constant 0 : i32
          %dma_wait3A_249 = arith.constant 0 : i32
          %dma_wait3A_250 = tpu.memref_slice %arg13[%rem3A_203, %dma_wait3A_248, %dma_wait3A_249] : memref<4x128x16xf32, #tpu.memory_space<vmem>> -> memref<1x128x16xf32, #tpu.memory_space<vmem>>
          %dma_wait3A_251 = tpu.memref_squeeze %dma_wait3A_250 : memref<1x128x16xf32, #tpu.memory_space<vmem>> -> memref<128x16xf32, #tpu.memory_space<vmem>>
          %dma_wait3A_252 = arith.constant 0 : i32
          %dma_wait3A_253 = tpu.memref_slice %arg11[%sub3A_247, %dma_wait3A_252] : memref<79x128xi32, #tpu.memory_space<vmem>> -> memref<1x128xi32, #tpu.memory_space<vmem>>
          %dma_wait3A_254 = tpu.memref_squeeze %dma_wait3A_253 : memref<1x128xi32, #tpu.memory_space<vmem>> -> memref<128xi32, #tpu.memory_space<vmem>>
          %dma_wait3A_255 = arith.constant 0 : i32
          %dma_wait3A_256 = arith.constant 0 : i32
          %dma_wait3A_257 = tpu.memref_slice %arg17[%dma_wait3A_255, %dma_wait3A_256] : memref<10000x16xf32, #tpu.memory_space<vmem_shared>> -> memref<10000x16xf32, #tpu.memory_space<vmem_shared>>
          %dma_wait3A_258 = tpu.memref_slice %arg22[%rem3A_203] : memref<4x!tpu.dma_semaphore, #tpu.memory_space<semaphore_mem>> -> memref<1x!tpu.dma_semaphore, #tpu.memory_space<semaphore_mem>>
          %dma_wait3A_259 = tpu.memref_squeeze %dma_wait3A_258 : memref<1x!tpu.dma_semaphore, #tpu.memory_space<semaphore_mem>> -> memref<!tpu.dma_semaphore, #tpu.memory_space<semaphore_mem>>
          tpu.wait_indirect_dma semaphore(%dma_wait3A_259 : memref<!tpu.dma_semaphore, #tpu.memory_space<semaphore_mem>>) src(%dma_wait3A_251 : memref<128x16xf32, #tpu.memory_space<vmem>>) dst(%dma_wait3A_257 : memref<10000x16xf32, #tpu.memory_space<vmem_shared>>)
        } else {
        }
        %dma_start3A_208 = arith.constant 0 : i32
        %dma_start3A_209 = arith.constant 0 : i32
        %dma_start3A_210 = tpu.memref_slice %arg12[%rem3A_203, %dma_start3A_208, %dma_start3A_209] : memref<4x128x32xf32, #tpu.memory_space<vmem>> -> memref<1x128x32xf32, #tpu.memory_space<vmem>>
        %dma_start3A_211 = tpu.memref_squeeze %dma_start3A_210 : memref<1x128x32xf32, #tpu.memory_space<vmem>> -> memref<128x32xf32, #tpu.memory_space<vmem>>
        %dma_start3A_212 = arith.constant 0 : i32
        %dma_start3A_213 = tpu.memref_slice %arg10[%sub3A_197, %dma_start3A_212] : memref<79x128xi32, #tpu.memory_space<vmem>> -> memref<1x128xi32, #tpu.memory_space<vmem>>
        %dma_start3A_214 = tpu.memref_squeeze %dma_start3A_213 : memref<1x128xi32, #tpu.memory_space<vmem>> -> memref<128xi32, #tpu.memory_space<vmem>>
        %dma_start3A_215 = arith.constant 0 : i32
        %dma_start3A_216 = arith.constant 0 : i32
        %dma_start3A_217 = tpu.memref_slice %arg18[%dma_start3A_215, %dma_start3A_216] : memref<10000x32xf32, #tpu.memory_space<vmem_shared>> -> memref<10000x32xf32, #tpu.memory_space<vmem_shared>>
        %dma_start3A_218 = tpu.memref_slice %arg19[%rem3A_203] : memref<4x!tpu.dma_semaphore, #tpu.memory_space<semaphore_mem>> -> memref<1x!tpu.dma_semaphore, #tpu.memory_space<semaphore_mem>>
        %dma_start3A_219 = tpu.memref_squeeze %dma_start3A_218 : memref<1x!tpu.dma_semaphore, #tpu.memory_space<semaphore_mem>> -> memref<!tpu.dma_semaphore, #tpu.memory_space<semaphore_mem>>
        tpu.enqueue_indirect_dma source(%dma_start3A_217 : memref<10000x32xf32, #tpu.memory_space<vmem_shared>>) target(%dma_start3A_211 : memref<128x32xf32, #tpu.memory_space<vmem>>) offsets(%dma_start3A_214 : memref<128xi32, #tpu.memory_space<vmem>>) semaphore(%dma_start3A_219 : memref<!tpu.dma_semaphore, #tpu.memory_space<semaphore_mem>>)
        %dma_start3A_220 = arith.constant 0 : i32
        %dma_start3A_221 = arith.constant 0 : i32
        %dma_start3A_222 = tpu.memref_slice %arg13[%rem3A_203, %dma_start3A_220, %dma_start3A_221] : memref<4x128x16xf32, #tpu.memory_space<vmem>> -> memref<1x128x16xf32, #tpu.memory_space<vmem>>
        %dma_start3A_223 = tpu.memref_squeeze %dma_start3A_222 : memref<1x128x16xf32, #tpu.memory_space<vmem>> -> memref<128x16xf32, #tpu.memory_space<vmem>>
        %dma_start3A_224 = arith.constant 0 : i32
        %dma_start3A_225 = tpu.memref_slice %arg10[%sub3A_197, %dma_start3A_224] : memref<79x128xi32, #tpu.memory_space<vmem>> -> memref<1x128xi32, #tpu.memory_space<vmem>>
        %dma_start3A_226 = tpu.memref_squeeze %dma_start3A_225 : memref<1x128xi32, #tpu.memory_space<vmem>> -> memref<128xi32, #tpu.memory_space<vmem>>
        %dma_start3A_227 = arith.constant 0 : i32
        %dma_start3A_228 = arith.constant 0 : i32
        %dma_start3A_229 = tpu.memref_slice %arg5[%dma_start3A_227, %dma_start3A_228] : memref<10000x16xf32, #tpu.memory_space<hbm>> -> memref<10000x16xf32, #tpu.memory_space<hbm>>
        %dma_start3A_230 = tpu.memref_slice %arg20[%rem3A_203] : memref<4x!tpu.dma_semaphore, #tpu.memory_space<semaphore_mem>> -> memref<1x!tpu.dma_semaphore, #tpu.memory_space<semaphore_mem>>
        %dma_start3A_231 = tpu.memref_squeeze %dma_start3A_230 : memref<1x!tpu.dma_semaphore, #tpu.memory_space<semaphore_mem>> -> memref<!tpu.dma_semaphore, #tpu.memory_space<semaphore_mem>>
        tpu.enqueue_indirect_dma source(%dma_start3A_229 : memref<10000x16xf32, #tpu.memory_space<hbm>>) target(%dma_start3A_223 : memref<128x16xf32, #tpu.memory_space<vmem>>) offsets(%dma_start3A_226 : memref<128xi32, #tpu.memory_space<vmem>>) semaphore(%dma_start3A_231 : memref<!tpu.dma_semaphore, #tpu.memory_space<semaphore_mem>>)
      } else {
      }
    }
    %while3A_131 = arith.constant 1 : i32
    scf.for %while3A_146 = %while3A_129 to %while3A_125 step %while3A_131  : i32 {
      %rem3A = arith.constant 4 : i32
      %rem3A_147 = arith.remsi %while3A_146, %rem3A : i32
      %dma_wait3A = arith.constant 0 : i32
      %dma_wait3A_148 = arith.constant 0 : i32
      %dma_wait3A_149 = tpu.memref_slice %arg12[%rem3A_147, %dma_wait3A, %dma_wait3A_148] : memref<4x128x32xf32, #tpu.memory_space<vmem>> -> memref<1x128x32xf32, #tpu.memory_space<vmem>>
      %dma_wait3A_150 = tpu.memref_squeeze %dma_wait3A_149 : memref<1x128x32xf32, #tpu.memory_space<vmem>> -> memref<128x32xf32, #tpu.memory_space<vmem>>
      %dma_wait3A_151 = arith.constant 0 : i32
      %dma_wait3A_152 = tpu.memref_slice %arg10[%while3A_146, %dma_wait3A_151] : memref<79x128xi32, #tpu.memory_space<vmem>> -> memref<1x128xi32, #tpu.memory_space<vmem>>
      %dma_wait3A_153 = tpu.memref_squeeze %dma_wait3A_152 : memref<1x128xi32, #tpu.memory_space<vmem>> -> memref<128xi32, #tpu.memory_space<vmem>>
      %dma_wait3A_154 = arith.constant 0 : i32
      %dma_wait3A_155 = arith.constant 0 : i32
      %dma_wait3A_156 = tpu.memref_slice %arg18[%dma_wait3A_154, %dma_wait3A_155] : memref<10000x32xf32, #tpu.memory_space<vmem_shared>> -> memref<10000x32xf32, #tpu.memory_space<vmem_shared>>
      %dma_wait3A_157 = tpu.memref_slice %arg19[%rem3A_147] : memref<4x!tpu.dma_semaphore, #tpu.memory_space<semaphore_mem>> -> memref<1x!tpu.dma_semaphore, #tpu.memory_space<semaphore_mem>>
      %dma_wait3A_158 = tpu.memref_squeeze %dma_wait3A_157 : memref<1x!tpu.dma_semaphore, #tpu.memory_space<semaphore_mem>> -> memref<!tpu.dma_semaphore, #tpu.memory_space<semaphore_mem>>
      tpu.wait_indirect_dma semaphore(%dma_wait3A_158 : memref<!tpu.dma_semaphore, #tpu.memory_space<semaphore_mem>>) src(%dma_wait3A_156 : memref<10000x32xf32, #tpu.memory_space<vmem_shared>>) dst(%dma_wait3A_150 : memref<128x32xf32, #tpu.memory_space<vmem>>)
      %dma_start3A_159 = arith.constant 0 : i32
      %dma_start3A_160 = arith.constant 0 : i32
      %dma_start3A_161 = tpu.memref_slice %arg12[%rem3A_147, %dma_start3A_159, %dma_start3A_160] : memref<4x128x32xf32, #tpu.memory_space<vmem>> -> memref<1x128x32xf32, #tpu.memory_space<vmem>>
      %dma_start3A_162 = tpu.memref_squeeze %dma_start3A_161 : memref<1x128x32xf32, #tpu.memory_space<vmem>> -> memref<128x32xf32, #tpu.memory_space<vmem>>
      %dma_start3A_163 = arith.constant 0 : i32
      %dma_start3A_164 = tpu.memref_slice %arg11[%while3A_146, %dma_start3A_163] : memref<79x128xi32, #tpu.memory_space<vmem>> -> memref<1x128xi32, #tpu.memory_space<vmem>>
      %dma_start3A_165 = tpu.memref_squeeze %dma_start3A_164 : memref<1x128xi32, #tpu.memory_space<vmem>> -> memref<128xi32, #tpu.memory_space<vmem>>
      %dma_start3A_166 = arith.constant 0 : i32
      %dma_start3A_167 = arith.constant 0 : i32
      %dma_start3A_168 = tpu.memref_slice %arg16[%dma_start3A_166, %dma_start3A_167] : memref<10000x32xf32, #tpu.memory_space<vmem_shared>> -> memref<10000x32xf32, #tpu.memory_space<vmem_shared>>
      %dma_start3A_169 = tpu.memref_slice %arg21[%rem3A_147] : memref<4x!tpu.dma_semaphore, #tpu.memory_space<semaphore_mem>> -> memref<1x!tpu.dma_semaphore, #tpu.memory_space<semaphore_mem>>
      %dma_start3A_170 = tpu.memref_squeeze %dma_start3A_169 : memref<1x!tpu.dma_semaphore, #tpu.memory_space<semaphore_mem>> -> memref<!tpu.dma_semaphore, #tpu.memory_space<semaphore_mem>>
      tpu.enqueue_indirect_dma source(%dma_start3A_162 : memref<128x32xf32, #tpu.memory_space<vmem>>) target(%dma_start3A_168 : memref<10000x32xf32, #tpu.memory_space<vmem_shared>>) offsets(%dma_start3A_165 : memref<128xi32, #tpu.memory_space<vmem>>) semaphore(%dma_start3A_170 : memref<!tpu.dma_semaphore, #tpu.memory_space<semaphore_mem>>) {add = true}
      %dma_wait3A_171 = arith.constant 0 : i32
      %dma_wait3A_172 = arith.constant 0 : i32
      %dma_wait3A_173 = tpu.memref_slice %arg13[%rem3A_147, %dma_wait3A_171, %dma_wait3A_172] : memref<4x128x16xf32, #tpu.memory_space<vmem>> -> memref<1x128x16xf32, #tpu.memory_space<vmem>>
      %dma_wait3A_174 = tpu.memref_squeeze %dma_wait3A_173 : memref<1x128x16xf32, #tpu.memory_space<vmem>> -> memref<128x16xf32, #tpu.memory_space<vmem>>
      %dma_wait3A_175 = arith.constant 0 : i32
      %dma_wait3A_176 = tpu.memref_slice %arg10[%while3A_146, %dma_wait3A_175] : memref<79x128xi32, #tpu.memory_space<vmem>> -> memref<1x128xi32, #tpu.memory_space<vmem>>
      %dma_wait3A_177 = tpu.memref_squeeze %dma_wait3A_176 : memref<1x128xi32, #tpu.memory_space<vmem>> -> memref<128xi32, #tpu.memory_space<vmem>>
      %dma_wait3A_178 = arith.constant 0 : i32
      %dma_wait3A_179 = arith.constant 0 : i32
      %dma_wait3A_180 = tpu.memref_slice %arg5[%dma_wait3A_178, %dma_wait3A_179] : memref<10000x16xf32, #tpu.memory_space<hbm>> -> memref<10000x16xf32, #tpu.memory_space<hbm>>
      %dma_wait3A_181 = tpu.memref_slice %arg20[%rem3A_147] : memref<4x!tpu.dma_semaphore, #tpu.memory_space<semaphore_mem>> -> memref<1x!tpu.dma_semaphore, #tpu.memory_space<semaphore_mem>>
      %dma_wait3A_182 = tpu.memref_squeeze %dma_wait3A_181 : memref<1x!tpu.dma_semaphore, #tpu.memory_space<semaphore_mem>> -> memref<!tpu.dma_semaphore, #tpu.memory_space<semaphore_mem>>
      tpu.wait_indirect_dma semaphore(%dma_wait3A_182 : memref<!tpu.dma_semaphore, #tpu.memory_space<semaphore_mem>>) src(%dma_wait3A_180 : memref<10000x16xf32, #tpu.memory_space<hbm>>) dst(%dma_wait3A_174 : memref<128x16xf32, #tpu.memory_space<vmem>>)
      %dma_start3A_183 = arith.constant 0 : i32
      %dma_start3A_184 = arith.constant 0 : i32
      %dma_start3A_185 = tpu.memref_slice %arg13[%rem3A_147, %dma_start3A_183, %dma_start3A_184] : memref<4x128x16xf32, #tpu.memory_space<vmem>> -> memref<1x128x16xf32, #tpu.memory_space<vmem>>
      %dma_start3A_186 = tpu.memref_squeeze %dma_start3A_185 : memref<1x128x16xf32, #tpu.memory_space<vmem>> -> memref<128x16xf32, #tpu.memory_space<vmem>>
      %dma_start3A_187 = arith.constant 0 : i32
      %dma_start3A_188 = tpu.memref_slice %arg11[%while3A_146, %dma_start3A_187] : memref<79x128xi32, #tpu.memory_space<vmem>> -> memref<1x128xi32, #tpu.memory_space<vmem>>
      %dma_start3A_189 = tpu.memref_squeeze %dma_start3A_188 : memref<1x128xi32, #tpu.memory_space<vmem>> -> memref<128xi32, #tpu.memory_space<vmem>>
      %dma_start3A_190 = arith.constant 0 : i32
      %dma_start3A_191 = arith.constant 0 : i32
      %dma_start3A_192 = tpu.memref_slice %arg17[%dma_start3A_190, %dma_start3A_191] : memref<10000x16xf32, #tpu.memory_space<vmem_shared>> -> memref<10000x16xf32, #tpu.memory_space<vmem_shared>>
      %dma_start3A_193 = tpu.memref_slice %arg22[%rem3A_147] : memref<4x!tpu.dma_semaphore, #tpu.memory_space<semaphore_mem>> -> memref<1x!tpu.dma_semaphore, #tpu.memory_space<semaphore_mem>>
      %dma_start3A_194 = tpu.memref_squeeze %dma_start3A_193 : memref<1x!tpu.dma_semaphore, #tpu.memory_space<semaphore_mem>> -> memref<!tpu.dma_semaphore, #tpu.memory_space<semaphore_mem>>
      tpu.enqueue_indirect_dma source(%dma_start3A_186 : memref<128x16xf32, #tpu.memory_space<vmem>>) target(%dma_start3A_192 : memref<10000x16xf32, #tpu.memory_space<vmem_shared>>) offsets(%dma_start3A_189 : memref<128xi32, #tpu.memory_space<vmem>>) semaphore(%dma_start3A_194 : memref<!tpu.dma_semaphore, #tpu.memory_space<semaphore_mem>>) {add = true}
      %add3A_195 = arith.constant 4 : i32
      %add3A_196 = arith.addi %while3A_146, %add3A_195 : i32
      %sub3A = arith.constant 1 : i32
      %sub3A_197 = arith.subi %add3A_196, %sub3A : i32
      %lt3A_198 = arith.cmpi slt, %sub3A_197, %select_n3A_10 : i32
      %convert_element_type3A_199 = arith.extui %lt3A_198 : i1 to i32
      %cond3A_200 = arith.constant 0 : i32
      %cond3A_201 = arith.cmpi ne, %convert_element_type3A_199, %cond3A_200 : i32
      scf.if %cond3A_201 {
        %rem3A_202 = arith.constant 4 : i32
        %rem3A_203 = arith.remsi %sub3A_197, %rem3A_202 : i32
        %ge3A = arith.constant 1 : i32
        %ge3A_204 = arith.cmpi sge, %while3A_146, %ge3A : i32
        %convert_element_type3A_205 = arith.extui %ge3A_204 : i1 to i32
        %cond3A_206 = arith.constant 0 : i32
        %cond3A_207 = arith.cmpi ne, %convert_element_type3A_205, %cond3A_206 : i32
        scf.if %cond3A_207 {
          %sub3A_232 = arith.constant 1 : i32
          %sub3A_233 = arith.subi %while3A_146, %sub3A_232 : i32
          %dma_wait3A_234 = arith.constant 0 : i32
          %dma_wait3A_235 = arith.constant 0 : i32
          %dma_wait3A_236 = tpu.memref_slice %arg12[%rem3A_203, %dma_wait3A_234, %dma_wait3A_235] : memref<4x128x32xf32, #tpu.memory_space<vmem>> -> memref<1x128x32xf32, #tpu.memory_space<vmem>>
          %dma_wait3A_237 = tpu.memref_squeeze %dma_wait3A_236 : memref<1x128x32xf32, #tpu.memory_space<vmem>> -> memref<128x32xf32, #tpu.memory_space<vmem>>
          %dma_wait3A_238 = arith.constant 0 : i32
          %dma_wait3A_239 = tpu.memref_slice %arg11[%sub3A_233, %dma_wait3A_238] : memref<79x128xi32, #tpu.memory_space<vmem>> -> memref<1x128xi32, #tpu.memory_space<vmem>>
          %dma_wait3A_240 = tpu.memref_squeeze %dma_wait3A_239 : memref<1x128xi32, #tpu.memory_space<vmem>> -> memref<128xi32, #tpu.memory_space<vmem>>
          %dma_wait3A_241 = arith.constant 0 : i32
          %dma_wait3A_242 = arith.constant 0 : i32
          %dma_wait3A_243 = tpu.memref_slice %arg16[%dma_wait3A_241, %dma_wait3A_242] : memref<10000x32xf32, #tpu.memory_space<vmem_shared>> -> memref<10000x32xf32, #tpu.memory_space<vmem_shared>>
          %dma_wait3A_244 = tpu.memref_slice %arg21[%rem3A_203] : memref<4x!tpu.dma_semaphore, #tpu.memory_space<semaphore_mem>> -> memref<1x!tpu.dma_semaphore, #tpu.memory_space<semaphore_mem>>
          %dma_wait3A_245 = tpu.memref_squeeze %dma_wait3A_244 : memref<1x!tpu.dma_semaphore, #tpu.memory_space<semaphore_mem>> -> memref<!tpu.dma_semaphore, #tpu.memory_space<semaphore_mem>>
          tpu.wait_indirect_dma semaphore(%dma_wait3A_245 : memref<!tpu.dma_semaphore, #tpu.memory_space<semaphore_mem>>) src(%dma_wait3A_237 : memref<128x32xf32, #tpu.memory_space<vmem>>) dst(%dma_wait3A_243 : memref<10000x32xf32, #tpu.memory_space<vmem_shared>>)
          %sub3A_246 = arith.constant 1 : i32
          %sub3A_247 = arith.subi %while3A_146, %sub3A_246 : i32
          %dma_wait3A_248 = arith.constant 0 : i32
          %dma_wait3A_249 = arith.constant 0 : i32
          %dma_wait3A_250 = tpu.memref_slice %arg13[%rem3A_203, %dma_wait3A_248, %dma_wait3A_249] : memref<4x128x16xf32, #tpu.memory_space<vmem>> -> memref<1x128x16xf32, #tpu.memory_space<vmem>>
          %dma_wait3A_251 = tpu.memref_squeeze %dma_wait3A_250 : memref<1x128x16xf32, #tpu.memory_space<vmem>> -> memref<128x16xf32, #tpu.memory_space<vmem>>
          %dma_wait3A_252 = arith.constant 0 : i32
          %dma_wait3A_253 = tpu.memref_slice %arg11[%sub3A_247, %dma_wait3A_252] : memref<79x128xi32, #tpu.memory_space<vmem>> -> memref<1x128xi32, #tpu.memory_space<vmem>>
          %dma_wait3A_254 = tpu.memref_squeeze %dma_wait3A_253 : memref<1x128xi32, #tpu.memory_space<vmem>> -> memref<128xi32, #tpu.memory_space<vmem>>
          %dma_wait3A_255 = arith.constant 0 : i32
          %dma_wait3A_256 = arith.constant 0 : i32
          %dma_wait3A_257 = tpu.memref_slice %arg17[%dma_wait3A_255, %dma_wait3A_256] : memref<10000x16xf32, #tpu.memory_space<vmem_shared>> -> memref<10000x16xf32, #tpu.memory_space<vmem_shared>>
          %dma_wait3A_258 = tpu.memref_slice %arg22[%rem3A_203] : memref<4x!tpu.dma_semaphore, #tpu.memory_space<semaphore_mem>> -> memref<1x!tpu.dma_semaphore, #tpu.memory_space<semaphore_mem>>
          %dma_wait3A_259 = tpu.memref_squeeze %dma_wait3A_258 : memref<1x!tpu.dma_semaphore, #tpu.memory_space<semaphore_mem>> -> memref<!tpu.dma_semaphore, #tpu.memory_space<semaphore_mem>>
          tpu.wait_indirect_dma semaphore(%dma_wait3A_259 : memref<!tpu.dma_semaphore, #tpu.memory_space<semaphore_mem>>) src(%dma_wait3A_251 : memref<128x16xf32, #tpu.memory_space<vmem>>) dst(%dma_wait3A_257 : memref<10000x16xf32, #tpu.memory_space<vmem_shared>>)
        } else {
        }
        %dma_start3A_208 = arith.constant 0 : i32
        %dma_start3A_209 = arith.constant 0 : i32
        %dma_start3A_210 = tpu.memref_slice %arg12[%rem3A_203, %dma_start3A_208, %dma_start3A_209] : memref<4x128x32xf32, #tpu.memory_space<vmem>> -> memref<1x128x32xf32, #tpu.memory_space<vmem>>
        %dma_start3A_211 = tpu.memref_squeeze %dma_start3A_210 : memref<1x128x32xf32, #tpu.memory_space<vmem>> -> memref<128x32xf32, #tpu.memory_space<vmem>>
        %dma_start3A_212 = arith.constant 0 : i32
        %dma_start3A_213 = tpu.memref_slice %arg10[%sub3A_197, %dma_start3A_212] : memref<79x128xi32, #tpu.memory_space<vmem>> -> memref<1x128xi32, #tpu.memory_space<vmem>>
        %dma_start3A_214 = tpu.memref_squeeze %dma_start3A_213 : memref<1x128xi32, #tpu.memory_space<vmem>> -> memref<128xi32, #tpu.memory_space<vmem>>
        %dma_start3A_215 = arith.constant 0 : i32
        %dma_start3A_216 = arith.constant 0 : i32
        %dma_start3A_217 = tpu.memref_slice %arg18[%dma_start3A_215, %dma_start3A_216] : memref<10000x32xf32, #tpu.memory_space<vmem_shared>> -> memref<10000x32xf32, #tpu.memory_space<vmem_shared>>
        %dma_start3A_218 = tpu.memref_slice %arg19[%rem3A_203] : memref<4x!tpu.dma_semaphore, #tpu.memory_space<semaphore_mem>> -> memref<1x!tpu.dma_semaphore, #tpu.memory_space<semaphore_mem>>
        %dma_start3A_219 = tpu.memref_squeeze %dma_start3A_218 : memref<1x!tpu.dma_semaphore, #tpu.memory_space<semaphore_mem>> -> memref<!tpu.dma_semaphore, #tpu.memory_space<semaphore_mem>>
        tpu.enqueue_indirect_dma source(%dma_start3A_217 : memref<10000x32xf32, #tpu.memory_space<vmem_shared>>) target(%dma_start3A_211 : memref<128x32xf32, #tpu.memory_space<vmem>>) offsets(%dma_start3A_214 : memref<128xi32, #tpu.memory_space<vmem>>) semaphore(%dma_start3A_219 : memref<!tpu.dma_semaphore, #tpu.memory_space<semaphore_mem>>)
        %dma_start3A_220 = arith.constant 0 : i32
        %dma_start3A_221 = arith.constant 0 : i32
        %dma_start3A_222 = tpu.memref_slice %arg13[%rem3A_203, %dma_start3A_220, %dma_start3A_221] : memref<4x128x16xf32, #tpu.memory_space<vmem>> -> memref<1x128x16xf32, #tpu.memory_space<vmem>>
        %dma_start3A_223 = tpu.memref_squeeze %dma_start3A_222 : memref<1x128x16xf32, #tpu.memory_space<vmem>> -> memref<128x16xf32, #tpu.memory_space<vmem>>
        %dma_start3A_224 = arith.constant 0 : i32
        %dma_start3A_225 = tpu.memref_slice %arg10[%sub3A_197, %dma_start3A_224] : memref<79x128xi32, #tpu.memory_space<vmem>> -> memref<1x128xi32, #tpu.memory_space<vmem>>
        %dma_start3A_226 = tpu.memref_squeeze %dma_start3A_225 : memref<1x128xi32, #tpu.memory_space<vmem>> -> memref<128xi32, #tpu.memory_space<vmem>>
        %dma_start3A_227 = arith.constant 0 : i32
        %dma_start3A_228 = arith.constant 0 : i32
        %dma_start3A_229 = tpu.memref_slice %arg5[%dma_start3A_227, %dma_start3A_228] : memref<10000x16xf32, #tpu.memory_space<hbm>> -> memref<10000x16xf32, #tpu.memory_space<hbm>>
        %dma_start3A_230 = tpu.memref_slice %arg20[%rem3A_203] : memref<4x!tpu.dma_semaphore, #tpu.memory_space<semaphore_mem>> -> memref<1x!tpu.dma_semaphore, #tpu.memory_space<semaphore_mem>>
        %dma_start3A_231 = tpu.memref_squeeze %dma_start3A_230 : memref<1x!tpu.dma_semaphore, #tpu.memory_space<semaphore_mem>> -> memref<!tpu.dma_semaphore, #tpu.memory_space<semaphore_mem>>
        tpu.enqueue_indirect_dma source(%dma_start3A_229 : memref<10000x16xf32, #tpu.memory_space<hbm>>) target(%dma_start3A_223 : memref<128x16xf32, #tpu.memory_space<vmem>>) offsets(%dma_start3A_226 : memref<128xi32, #tpu.memory_space<vmem>>) semaphore(%dma_start3A_231 : memref<!tpu.dma_semaphore, #tpu.memory_space<semaphore_mem>>)
      } else {
      }
    }
    %scan3A = arith.constant 0 : i32
    %scan3A_132 = arith.constant 0 : i32
    %scan3A_133 = arith.constant 4 : i32
    %scan3A_134 = arith.addi %scan3A_132, %scan3A_133 : i32
    %scan3A_135 = arith.constant 1 : i32
    scf.for %scan3A_146 = %scan3A_132 to %scan3A_134 step %scan3A_135  : i32 {
      %sub3A = arith.constant 4 : i32
      %sub3A_147 = arith.subi %select_n3A_10, %sub3A : i32
      %add3A_148 = arith.addi %sub3A_147, %scan3A_146 : i32
      %rem3A = arith.constant 4 : i32
      %rem3A_149 = arith.remsi %add3A_148, %rem3A : i32
      %dma_wait3A = arith.constant 0 : i32
      %dma_wait3A_150 = arith.constant 0 : i32
      %dma_wait3A_151 = tpu.memref_slice %arg12[%rem3A_149, %dma_wait3A, %dma_wait3A_150] : memref<4x128x32xf32, #tpu.memory_space<vmem>> -> memref<1x128x32xf32, #tpu.memory_space<vmem>>
      %dma_wait3A_152 = tpu.memref_squeeze %dma_wait3A_151 : memref<1x128x32xf32, #tpu.memory_space<vmem>> -> memref<128x32xf32, #tpu.memory_space<vmem>>
      %dma_wait3A_153 = arith.constant 0 : i32
      %dma_wait3A_154 = tpu.memref_slice %arg11[%add3A_148, %dma_wait3A_153] : memref<79x128xi32, #tpu.memory_space<vmem>> -> memref<1x128xi32, #tpu.memory_space<vmem>>
      %dma_wait3A_155 = tpu.memref_squeeze %dma_wait3A_154 : memref<1x128xi32, #tpu.memory_space<vmem>> -> memref<128xi32, #tpu.memory_space<vmem>>
      %dma_wait3A_156 = arith.constant 0 : i32
      %dma_wait3A_157 = arith.constant 0 : i32
      %dma_wait3A_158 = tpu.memref_slice %arg16[%dma_wait3A_156, %dma_wait3A_157] : memref<10000x32xf32, #tpu.memory_space<vmem_shared>> -> memref<10000x32xf32, #tpu.memory_space<vmem_shared>>
      %dma_wait3A_159 = tpu.memref_slice %arg21[%rem3A_149] : memref<4x!tpu.dma_semaphore, #tpu.memory_space<semaphore_mem>> -> memref<1x!tpu.dma_semaphore, #tpu.memory_space<semaphore_mem>>
      %dma_wait3A_160 = tpu.memref_squeeze %dma_wait3A_159 : memref<1x!tpu.dma_semaphore, #tpu.memory_space<semaphore_mem>> -> memref<!tpu.dma_semaphore, #tpu.memory_space<semaphore_mem>>
      tpu.wait_indirect_dma semaphore(%dma_wait3A_160 : memref<!tpu.dma_semaphore, #tpu.memory_space<semaphore_mem>>) src(%dma_wait3A_152 : memref<128x32xf32, #tpu.memory_space<vmem>>) dst(%dma_wait3A_158 : memref<10000x32xf32, #tpu.memory_space<vmem_shared>>)
      %dma_wait3A_161 = arith.constant 0 : i32
      %dma_wait3A_162 = arith.constant 0 : i32
      %dma_wait3A_163 = tpu.memref_slice %arg13[%rem3A_149, %dma_wait3A_161, %dma_wait3A_162] : memref<4x128x16xf32, #tpu.memory_space<vmem>> -> memref<1x128x16xf32, #tpu.memory_space<vmem>>
      %dma_wait3A_164 = tpu.memref_squeeze %dma_wait3A_163 : memref<1x128x16xf32, #tpu.memory_space<vmem>> -> memref<128x16xf32, #tpu.memory_space<vmem>>
      %dma_wait3A_165 = arith.constant 0 : i32
      %dma_wait3A_166 = tpu.memref_slice %arg11[%add3A_148, %dma_wait3A_165] : memref<79x128xi32, #tpu.memory_space<vmem>> -> memref<1x128xi32, #tpu.memory_space<vmem>>
      %dma_wait3A_167 = tpu.memref_squeeze %dma_wait3A_166 : memref<1x128xi32, #tpu.memory_space<vmem>> -> memref<128xi32, #tpu.memory_space<vmem>>
      %dma_wait3A_168 = arith.constant 0 : i32
      %dma_wait3A_169 = arith.constant 0 : i32
      %dma_wait3A_170 = tpu.memref_slice %arg17[%dma_wait3A_168, %dma_wait3A_169] : memref<10000x16xf32, #tpu.memory_space<vmem_shared>> -> memref<10000x16xf32, #tpu.memory_space<vmem_shared>>
      %dma_wait3A_171 = tpu.memref_slice %arg22[%rem3A_149] : memref<4x!tpu.dma_semaphore, #tpu.memory_space<semaphore_mem>> -> memref<1x!tpu.dma_semaphore, #tpu.memory_space<semaphore_mem>>
      %dma_wait3A_172 = tpu.memref_squeeze %dma_wait3A_171 : memref<1x!tpu.dma_semaphore, #tpu.memory_space<semaphore_mem>> -> memref<!tpu.dma_semaphore, #tpu.memory_space<semaphore_mem>>
      tpu.wait_indirect_dma semaphore(%dma_wait3A_172 : memref<!tpu.dma_semaphore, #tpu.memory_space<semaphore_mem>>) src(%dma_wait3A_164 : memref<128x16xf32, #tpu.memory_space<vmem>>) dst(%dma_wait3A_170 : memref<10000x16xf32, #tpu.memory_space<vmem_shared>>)
    }
    %scan3A_136 = arith.constant 4 : i32
    %barrier3A_137 = arith.constant 0 : index
    tpu.barrier barrier_id(%barrier3A_137)
    %mul3A_138 = arith.constant 625 : i32
    %mul3A_139 = arith.muli %arg1, %mul3A_138 : i32
    "tpu.region"() ({
      %run_scoped3A = tpu.sem_alloc : memref<!tpu.dma_semaphore, #tpu.memory_space<semaphore_mem>>
      %dma_start3A_146 = arith.constant 0 : i32
      %dma_start3A_147 = tpu.memref_slice %arg16[%mul3A_139, %dma_start3A_146] : memref<10000x32xf32, #tpu.memory_space<vmem_shared>> -> memref<625x32xf32, #tpu.memory_space<vmem_shared>>
      %dma_start3A_148 = arith.constant 0 : i32
      %dma_start3A_149 = tpu.memref_slice %arg16[%mul3A_139, %dma_start3A_148] : memref<10000x32xf32, #tpu.memory_space<vmem_shared>> -> memref<625x32xf32, #tpu.memory_space<vmem_shared>>
      tpu.enqueue_dma source(%dma_start3A_149 : memref<625x32xf32, #tpu.memory_space<vmem_shared>>) target(%arg14 : memref<625x32xf32, #tpu.memory_space<vmem>>) target_semaphore(%run_scoped3A : memref<!tpu.dma_semaphore, #tpu.memory_space<semaphore_mem>>)
      %dma_wait3A = arith.constant 0 : i32
      %dma_wait3A_150 = tpu.memref_slice %arg16[%mul3A_139, %dma_wait3A] : memref<10000x32xf32, #tpu.memory_space<vmem_shared>> -> memref<625x32xf32, #tpu.memory_space<vmem_shared>>
      %dma_wait3A_151 = arith.constant 0 : i32
      %dma_wait3A_152 = tpu.memref_slice %arg16[%mul3A_139, %dma_wait3A_151] : memref<10000x32xf32, #tpu.memory_space<vmem_shared>> -> memref<625x32xf32, #tpu.memory_space<vmem_shared>>
      tpu.wait_dma2 semaphore(%run_scoped3A : memref<!tpu.dma_semaphore, #tpu.memory_space<semaphore_mem>>) src(%dma_wait3A_152 : memref<625x32xf32, #tpu.memory_space<vmem_shared>>) dst(%arg14 : memref<625x32xf32, #tpu.memory_space<vmem>>)
      tpu.yield
    }) : () -> ()
    %mul3A_140 = arith.constant 625 : i32
    %mul3A_141 = arith.muli %arg1, %mul3A_140 : i32
    "tpu.region"() ({
      %run_scoped3A = tpu.sem_alloc : memref<!tpu.dma_semaphore, #tpu.memory_space<semaphore_mem>>
      %dma_start3A_146 = arith.constant 0 : i32
      %dma_start3A_147 = tpu.memref_slice %arg8[%arg0, %mul3A_141, %dma_start3A_146] : memref<2x10000x32xf32, #tpu.memory_space<hbm>> -> memref<1x625x32xf32, #tpu.memory_space<hbm>>
      %dma_start3A_148 = tpu.memref_squeeze %dma_start3A_147 : memref<1x625x32xf32, #tpu.memory_space<hbm>> -> memref<625x32xf32, #tpu.memory_space<hbm>>
      %dma_start3A_149 = arith.constant 0 : i32
      %dma_start3A_150 = tpu.memref_slice %arg8[%arg0, %mul3A_141, %dma_start3A_149] : memref<2x10000x32xf32, #tpu.memory_space<hbm>> -> memref<1x625x32xf32, #tpu.memory_space<hbm>>
      %dma_start3A_151 = tpu.memref_squeeze %dma_start3A_150 : memref<1x625x32xf32, #tpu.memory_space<hbm>> -> memref<625x32xf32, #tpu.memory_space<hbm>>
      tpu.enqueue_dma source(%arg14 : memref<625x32xf32, #tpu.memory_space<vmem>>) target(%dma_start3A_151 : memref<625x32xf32, #tpu.memory_space<hbm>>) target_semaphore(%run_scoped3A : memref<!tpu.dma_semaphore, #tpu.memory_space<semaphore_mem>>)
      %dma_wait3A = arith.constant 0 : i32
      %dma_wait3A_152 = tpu.memref_slice %arg8[%arg0, %mul3A_141, %dma_wait3A] : memref<2x10000x32xf32, #tpu.memory_space<hbm>> -> memref<1x625x32xf32, #tpu.memory_space<hbm>>
      %dma_wait3A_153 = tpu.memref_squeeze %dma_wait3A_152 : memref<1x625x32xf32, #tpu.memory_space<hbm>> -> memref<625x32xf32, #tpu.memory_space<hbm>>
      %dma_wait3A_154 = arith.constant 0 : i32
      %dma_wait3A_155 = tpu.memref_slice %arg8[%arg0, %mul3A_141, %dma_wait3A_154] : memref<2x10000x32xf32, #tpu.memory_space<hbm>> -> memref<1x625x32xf32, #tpu.memory_space<hbm>>
      %dma_wait3A_156 = tpu.memref_squeeze %dma_wait3A_155 : memref<1x625x32xf32, #tpu.memory_space<hbm>> -> memref<625x32xf32, #tpu.memory_space<hbm>>
      tpu.wait_dma2 semaphore(%run_scoped3A : memref<!tpu.dma_semaphore, #tpu.memory_space<semaphore_mem>>) src(%arg14 : memref<625x32xf32, #tpu.memory_space<vmem>>) dst(%dma_wait3A_156 : memref<625x32xf32, #tpu.memory_space<hbm>>)
      tpu.yield
    }) : () -> ()
    %mul3A_142 = arith.constant 625 : i32
    %mul3A_143 = arith.muli %arg1, %mul3A_142 : i32
    "tpu.region"() ({
      %run_scoped3A = tpu.sem_alloc : memref<!tpu.dma_semaphore, #tpu.memory_space<semaphore_mem>>
      %dma_start3A_146 = arith.constant 0 : i32
      %dma_start3A_147 = tpu.memref_slice %arg17[%mul3A_143, %dma_start3A_146] : memref<10000x16xf32, #tpu.memory_space<vmem_shared>> -> memref<625x16xf32, #tpu.memory_space<vmem_shared>>
      %dma_start3A_148 = arith.constant 0 : i32
      %dma_start3A_149 = tpu.memref_slice %arg17[%mul3A_143, %dma_start3A_148] : memref<10000x16xf32, #tpu.memory_space<vmem_shared>> -> memref<625x16xf32, #tpu.memory_space<vmem_shared>>
      tpu.enqueue_dma source(%dma_start3A_149 : memref<625x16xf32, #tpu.memory_space<vmem_shared>>) target(%arg15 : memref<625x16xf32, #tpu.memory_space<vmem>>) target_semaphore(%run_scoped3A : memref<!tpu.dma_semaphore, #tpu.memory_space<semaphore_mem>>)
      %dma_wait3A = arith.constant 0 : i32
      %dma_wait3A_150 = tpu.memref_slice %arg17[%mul3A_143, %dma_wait3A] : memref<10000x16xf32, #tpu.memory_space<vmem_shared>> -> memref<625x16xf32, #tpu.memory_space<vmem_shared>>
      %dma_wait3A_151 = arith.constant 0 : i32
      %dma_wait3A_152 = tpu.memref_slice %arg17[%mul3A_143, %dma_wait3A_151] : memref<10000x16xf32, #tpu.memory_space<vmem_shared>> -> memref<625x16xf32, #tpu.memory_space<vmem_shared>>
      tpu.wait_dma2 semaphore(%run_scoped3A : memref<!tpu.dma_semaphore, #tpu.memory_space<semaphore_mem>>) src(%dma_wait3A_152 : memref<625x16xf32, #tpu.memory_space<vmem_shared>>) dst(%arg15 : memref<625x16xf32, #tpu.memory_space<vmem>>)
      tpu.yield
    }) : () -> ()
    %mul3A_144 = arith.constant 625 : i32
    %mul3A_145 = arith.muli %arg1, %mul3A_144 : i32
    "tpu.region"() ({
      %run_scoped3A = tpu.sem_alloc : memref<!tpu.dma_semaphore, #tpu.memory_space<semaphore_mem>>
      %dma_start3A_146 = arith.constant 0 : i32
      %dma_start3A_147 = tpu.memref_slice %arg9[%arg0, %mul3A_145, %dma_start3A_146] : memref<2x10000x16xf32, #tpu.memory_space<hbm>> -> memref<1x625x16xf32, #tpu.memory_space<hbm>>
      %dma_start3A_148 = tpu.memref_squeeze %dma_start3A_147 : memref<1x625x16xf32, #tpu.memory_space<hbm>> -> memref<625x16xf32, #tpu.memory_space<hbm>>
      %dma_start3A_149 = arith.constant 0 : i32
      %dma_start3A_150 = tpu.memref_slice %arg9[%arg0, %mul3A_145, %dma_start3A_149] : memref<2x10000x16xf32, #tpu.memory_space<hbm>> -> memref<1x625x16xf32, #tpu.memory_space<hbm>>
      %dma_start3A_151 = tpu.memref_squeeze %dma_start3A_150 : memref<1x625x16xf32, #tpu.memory_space<hbm>> -> memref<625x16xf32, #tpu.memory_space<hbm>>
      tpu.enqueue_dma source(%arg15 : memref<625x16xf32, #tpu.memory_space<vmem>>) target(%dma_start3A_151 : memref<625x16xf32, #tpu.memory_space<hbm>>) target_semaphore(%run_scoped3A : memref<!tpu.dma_semaphore, #tpu.memory_space<semaphore_mem>>)
      %dma_wait3A = arith.constant 0 : i32
      %dma_wait3A_152 = tpu.memref_slice %arg9[%arg0, %mul3A_145, %dma_wait3A] : memref<2x10000x16xf32, #tpu.memory_space<hbm>> -> memref<1x625x16xf32, #tpu.memory_space<hbm>>
      %dma_wait3A_153 = tpu.memref_squeeze %dma_wait3A_152 : memref<1x625x16xf32, #tpu.memory_space<hbm>> -> memref<625x16xf32, #tpu.memory_space<hbm>>
      %dma_wait3A_154 = arith.constant 0 : i32
      %dma_wait3A_155 = tpu.memref_slice %arg9[%arg0, %mul3A_145, %dma_wait3A_154] : memref<2x10000x16xf32, #tpu.memory_space<hbm>> -> memref<1x625x16xf32, #tpu.memory_space<hbm>>
      %dma_wait3A_156 = tpu.memref_squeeze %dma_wait3A_155 : memref<1x625x16xf32, #tpu.memory_space<hbm>> -> memref<625x16xf32, #tpu.memory_space<hbm>>
      tpu.wait_dma2 semaphore(%run_scoped3A : memref<!tpu.dma_semaphore, #tpu.memory_space<semaphore_mem>>) src(%arg15 : memref<625x16xf32, #tpu.memory_space<vmem>>) dst(%dma_wait3A_156 : memref<625x16xf32, #tpu.memory_space<hbm>>)
      tpu.yield
    }) : () -> ()
    return
  }
}

module attributes {stable_mosaic.version = 14 : i64} {
  func.func @body(%arg0: memref<2x10000x8xf32, #tpu.memory_space<vmem>>, %arg1: memref<10000x128xf32, #tpu.memory_space<vmem>>, %arg2: memref<128x16xf32, #tpu.memory_space<vmem>>, %arg3: memref<10000x16xf32, #tpu.memory_space<vmem>>, %arg4: memref<10000x1xf32, #tpu.memory_space<vmem>>) attributes {dimension_semantics = [], scalar_prefetch = 0 : i64, scratch_operands = 0 : i64, tpu.core_type = #tpu.core_type<tc>} {
    %get3A = arith.constant 0 : index
    %get3A_0 = arith.constant 0 : index
    %get3A_1 = arith.constant 0 : index
    %get3A_2 = vector.load %arg0[%get3A, %get3A_0, %get3A_1] : memref<2x10000x8xf32, #tpu.memory_space<vmem>>, vector<1x10000x8xf32>
    %get3A_3 = vector.shape_cast %get3A_2 : vector<1x10000x8xf32> to vector<10000x8xf32>
    %get3A_4 = arith.constant 1 : index
    %get3A_5 = arith.constant 0 : index
    %get3A_6 = arith.constant 0 : index
    %get3A_7 = vector.load %arg0[%get3A_4, %get3A_5, %get3A_6] : memref<2x10000x8xf32, #tpu.memory_space<vmem>>, vector<1x10000x8xf32>
    %get3A_8 = vector.shape_cast %get3A_7 : vector<1x10000x8xf32> to vector<10000x8xf32>
    %add3A = arith.addf %get3A_3, %get3A_8 : vector<10000x8xf32>
    %slice3A = vector.extract_strided_slice %add3A {offsets = [0, 0], sizes = [10000, 1], strides = [1, 1]} : vector<10000x8xf32> to vector<10000x1xf32>
    %add3A_9 = arith.constant 1.000000e+00 : f32
    %add3A_10 = vector.broadcast %add3A_9 : f32 to vector<10000x1xf32>
    %add3A_11 = arith.addf %slice3A, %add3A_10 : vector<10000x1xf32>
    %rsqrt3A = math.rsqrt %add3A_11 : vector<10000x1xf32>
    %swap3A = arith.constant 0 : index
    %swap3A_12 = arith.constant 0 : index
    %swap3A_13 = vector.load %arg4[%swap3A, %swap3A_12] : memref<10000x1xf32, #tpu.memory_space<vmem>>, vector<10000x1xf32>
    tpu.vector_store %arg4[%swap3A, %swap3A_12], %rsqrt3A {strides = array<i32>} : memref<10000x1xf32, #tpu.memory_space<vmem>>, vector<10000x1xf32>,
    %get3A_14 = arith.constant 0 : index
    %get3A_15 = arith.constant 0 : index
    %get3A_16 = vector.load %arg1[%get3A_14, %get3A_15] : memref<10000x128xf32, #tpu.memory_space<vmem>>, vector<10000x128xf32>
    %get3A_17 = arith.constant 0 : index
    %get3A_18 = arith.constant 0 : index
    %get3A_19 = vector.load %arg2[%get3A_17, %get3A_18] : memref<128x16xf32, #tpu.memory_space<vmem>>, vector<128x16xf32>
    %dot_general3A = arith.constant dense<0.000000e+00> : vector<10000x16xf32>
    %dot_general3A_20 = tpu.matmul %get3A_16, %get3A_19, %dot_general3A {dimension_numbers = #tpu.dot_dimension_numbers<[1], [0], [0], [1], [0, 0, 1, 1], [], []>, transpose_lhs_hint = false} : vector<10000x128xf32>, vector<128x16xf32>, vector<10000x16xf32> -> vector<10000x16xf32>
    %mul3A = vector.broadcast %rsqrt3A : vector<10000x1xf32> to vector<10000x16xf32>
    %mul3A_21 = arith.mulf %dot_general3A_20, %mul3A : vector<10000x16xf32>
    %swap3A_22 = arith.constant 0 : index
    %swap3A_23 = arith.constant 0 : index
    %swap3A_24 = vector.load %arg3[%swap3A_22, %swap3A_23] : memref<10000x16xf32, #tpu.memory_space<vmem>>, vector<10000x16xf32>
    tpu.vector_store %arg3[%swap3A_22, %swap3A_23], %mul3A_21 {strides = array<i32>} : memref<10000x16xf32, #tpu.memory_space<vmem>>, vector<10000x16xf32>,
    return
  }
}

module attributes {stable_mosaic.version = 14 : i64} {
  func.func @body(%arg0: memref<2x10000x16xf32, #tpu.memory_space<vmem>>, %arg1: memref<10000x1xf32, #tpu.memory_space<vmem>>, %arg2: memref<1x16xf32, #tpu.memory_space<vmem>>, %arg3: memref<16x32xf32, #tpu.memory_space<vmem>>, %arg4: memref<10000x32xf32, #tpu.memory_space<vmem>>) attributes {dimension_semantics = [], scalar_prefetch = 0 : i64, scratch_operands = 0 : i64, tpu.core_type = #tpu.core_type<tc>} {
    %get3A = arith.constant 0 : index
    %get3A_0 = arith.constant 0 : index
    %get3A_1 = arith.constant 0 : index
    %get3A_2 = vector.load %arg0[%get3A, %get3A_0, %get3A_1] : memref<2x10000x16xf32, #tpu.memory_space<vmem>>, vector<1x10000x16xf32>
    %get3A_3 = vector.shape_cast %get3A_2 : vector<1x10000x16xf32> to vector<10000x16xf32>
    %get3A_4 = arith.constant 1 : index
    %get3A_5 = arith.constant 0 : index
    %get3A_6 = arith.constant 0 : index
    %get3A_7 = vector.load %arg0[%get3A_4, %get3A_5, %get3A_6] : memref<2x10000x16xf32, #tpu.memory_space<vmem>>, vector<1x10000x16xf32>
    %get3A_8 = vector.shape_cast %get3A_7 : vector<1x10000x16xf32> to vector<10000x16xf32>
    %add3A = arith.addf %get3A_3, %get3A_8 : vector<10000x16xf32>
    %get3A_9 = arith.constant 0 : index
    %get3A_10 = arith.constant 0 : index
    %get3A_11 = vector.load %arg1[%get3A_9, %get3A_10] : memref<10000x1xf32, #tpu.memory_space<vmem>>, vector<10000x1xf32>
    %mul3A = vector.broadcast %get3A_11 : vector<10000x1xf32> to vector<10000x16xf32>
    %mul3A_12 = arith.mulf %mul3A, %add3A : vector<10000x16xf32>
    %get3A_13 = arith.constant 0 : index
    %get3A_14 = arith.constant 0 : index
    %get3A_15 = vector.load %arg2[%get3A_13, %get3A_14] : memref<1x16xf32, #tpu.memory_space<vmem>>, vector<1x16xf32>
    %add3A_16 = vector.broadcast %get3A_15 : vector<1x16xf32> to vector<10000x16xf32>
    %add3A_17 = arith.addf %mul3A_12, %add3A_16 : vector<10000x16xf32>
    %gt3A = arith.constant 0.000000e+00 : f32
    %gt3A_18 = vector.broadcast %gt3A : f32 to vector<10000x16xf32>
    %gt3A_19 = arith.cmpf ogt, %add3A_17, %gt3A_18 : vector<10000x16xf32>
    %exp3A = math.exp %add3A_17 : vector<10000x16xf32>
    %sub3A = arith.constant 1.000000e+00 : f32
    %sub3A_20 = vector.broadcast %sub3A : f32 to vector<10000x16xf32>
    %sub3A_21 = arith.subf %exp3A, %sub3A_20 : vector<10000x16xf32>
    %mul3A_22 = arith.constant 1.67326319 : f32
    %mul3A_23 = vector.broadcast %mul3A_22 : f32 to vector<10000x16xf32>
    %mul3A_24 = arith.mulf %mul3A_23, %sub3A_21 : vector<10000x16xf32>
    %select_n3A = arith.select %gt3A_19, %add3A_17, %mul3A_24 : vector<10000x16xi1>, vector<10000x16xf32>
    %mul3A_25 = arith.constant 1.05070102 : f32
    %mul3A_26 = vector.broadcast %mul3A_25 : f32 to vector<10000x16xf32>
    %mul3A_27 = arith.mulf %mul3A_26, %select_n3A : vector<10000x16xf32>
    %get3A_28 = arith.constant 0 : index
    %get3A_29 = arith.constant 0 : index
    %get3A_30 = vector.load %arg3[%get3A_28, %get3A_29] : memref<16x32xf32, #tpu.memory_space<vmem>>, vector<16x32xf32>
    %dot_general3A = arith.constant dense<0.000000e+00> : vector<10000x32xf32>
    %dot_general3A_31 = tpu.matmul %mul3A_27, %get3A_30, %dot_general3A {dimension_numbers = #tpu.dot_dimension_numbers<[1], [0], [0], [1], [0, 0, 1, 1], [], []>, transpose_lhs_hint = false} : vector<10000x16xf32>, vector<16x32xf32>, vector<10000x32xf32> -> vector<10000x32xf32>
    %get3A_32 = arith.constant 0 : index
    %get3A_33 = arith.constant 0 : index
    %get3A_34 = vector.load %arg1[%get3A_32, %get3A_33] : memref<10000x1xf32, #tpu.memory_space<vmem>>, vector<10000x1xf32>
    %mul3A_35 = vector.broadcast %get3A_34 : vector<10000x1xf32> to vector<10000x32xf32>
    %mul3A_36 = arith.mulf %dot_general3A_31, %mul3A_35 : vector<10000x32xf32>
    %swap3A = arith.constant 0 : index
    %swap3A_37 = arith.constant 0 : index
    %swap3A_38 = vector.load %arg4[%swap3A, %swap3A_37] : memref<10000x32xf32, #tpu.memory_space<vmem>>, vector<10000x32xf32>
    tpu.vector_store %arg4[%swap3A, %swap3A_37], %mul3A_36 {strides = array<i32>} : memref<10000x32xf32, #tpu.memory_space<vmem>>, vector<10000x32xf32>,
    return
  }
}

module attributes {stable_mosaic.version = 14 : i64} {
  func.func @body(%arg0: memref<2x10000x32xf32, #tpu.memory_space<vmem>>, %arg1: memref<10000x1xf32, #tpu.memory_space<vmem>>, %arg2: memref<1x32xf32, #tpu.memory_space<vmem>>, %arg3: memref<32x32xf32, #tpu.memory_space<vmem>>, %arg4: memref<10000x32xf32, #tpu.memory_space<vmem>>) attributes {dimension_semantics = [], scalar_prefetch = 0 : i64, scratch_operands = 0 : i64, tpu.core_type = #tpu.core_type<tc>} {
    %get3A = arith.constant 0 : index
    %get3A_0 = arith.constant 0 : index
    %get3A_1 = arith.constant 0 : index
    %get3A_2 = vector.load %arg0[%get3A, %get3A_0, %get3A_1] : memref<2x10000x32xf32, #tpu.memory_space<vmem>>, vector<1x10000x32xf32>
    %get3A_3 = vector.shape_cast %get3A_2 : vector<1x10000x32xf32> to vector<10000x32xf32>
    %get3A_4 = arith.constant 1 : index
    %get3A_5 = arith.constant 0 : index
    %get3A_6 = arith.constant 0 : index
    %get3A_7 = vector.load %arg0[%get3A_4, %get3A_5, %get3A_6] : memref<2x10000x32xf32, #tpu.memory_space<vmem>>, vector<1x10000x32xf32>
    %get3A_8 = vector.shape_cast %get3A_7 : vector<1x10000x32xf32> to vector<10000x32xf32>
    %add3A = arith.addf %get3A_3, %get3A_8 : vector<10000x32xf32>
    %get3A_9 = arith.constant 0 : index
    %get3A_10 = arith.constant 0 : index
    %get3A_11 = vector.load %arg1[%get3A_9, %get3A_10] : memref<10000x1xf32, #tpu.memory_space<vmem>>, vector<10000x1xf32>
    %mul3A = vector.broadcast %get3A_11 : vector<10000x1xf32> to vector<10000x32xf32>
    %mul3A_12 = arith.mulf %mul3A, %add3A : vector<10000x32xf32>
    %get3A_13 = arith.constant 0 : index
    %get3A_14 = arith.constant 0 : index
    %get3A_15 = vector.load %arg2[%get3A_13, %get3A_14] : memref<1x32xf32, #tpu.memory_space<vmem>>, vector<1x32xf32>
    %add3A_16 = vector.broadcast %get3A_15 : vector<1x32xf32> to vector<10000x32xf32>
    %add3A_17 = arith.addf %mul3A_12, %add3A_16 : vector<10000x32xf32>
    %gt3A = arith.constant 0.000000e+00 : f32
    %gt3A_18 = vector.broadcast %gt3A : f32 to vector<10000x32xf32>
    %gt3A_19 = arith.cmpf ogt, %add3A_17, %gt3A_18 : vector<10000x32xf32>
    %exp3A = math.exp %add3A_17 : vector<10000x32xf32>
    %sub3A = arith.constant 1.000000e+00 : f32
    %sub3A_20 = vector.broadcast %sub3A : f32 to vector<10000x32xf32>
    %sub3A_21 = arith.subf %exp3A, %sub3A_20 : vector<10000x32xf32>
    %mul3A_22 = arith.constant 1.67326319 : f32
    %mul3A_23 = vector.broadcast %mul3A_22 : f32 to vector<10000x32xf32>
    %mul3A_24 = arith.mulf %mul3A_23, %sub3A_21 : vector<10000x32xf32>
    %select_n3A = arith.select %gt3A_19, %add3A_17, %mul3A_24 : vector<10000x32xi1>, vector<10000x32xf32>
    %mul3A_25 = arith.constant 1.05070102 : f32
    %mul3A_26 = vector.broadcast %mul3A_25 : f32 to vector<10000x32xf32>
    %mul3A_27 = arith.mulf %mul3A_26, %select_n3A : vector<10000x32xf32>
    %get3A_28 = arith.constant 0 : index
    %get3A_29 = arith.constant 0 : index
    %get3A_30 = vector.load %arg3[%get3A_28, %get3A_29] : memref<32x32xf32, #tpu.memory_space<vmem>>, vector<32x32xf32>
    %dot_general3A = arith.constant dense<0.000000e+00> : vector<10000x32xf32>
    %dot_general3A_31 = tpu.matmul %mul3A_27, %get3A_30, %dot_general3A {dimension_numbers = #tpu.dot_dimension_numbers<[1], [0], [0], [1], [0, 0, 1, 1], [], []>, transpose_lhs_hint = false} : vector<10000x32xf32>, vector<32x32xf32>, vector<10000x32xf32> -> vector<10000x32xf32>
    %get3A_32 = arith.constant 0 : index
    %get3A_33 = arith.constant 0 : index
    %get3A_34 = vector.load %arg1[%get3A_32, %get3A_33] : memref<10000x1xf32, #tpu.memory_space<vmem>>, vector<10000x1xf32>
    %mul3A_35 = vector.broadcast %get3A_34 : vector<10000x1xf32> to vector<10000x32xf32>
    %mul3A_36 = arith.mulf %dot_general3A_31, %mul3A_35 : vector<10000x32xf32>
    %swap3A = arith.constant 0 : index
    %swap3A_37 = arith.constant 0 : index
    %swap3A_38 = vector.load %arg4[%swap3A, %swap3A_37] : memref<10000x32xf32, #tpu.memory_space<vmem>>, vector<10000x32xf32>
    tpu.vector_store %arg4[%swap3A, %swap3A_37], %mul3A_36 {strides = array<i32>} : memref<10000x32xf32, #tpu.memory_space<vmem>>, vector<10000x32xf32>,
    return
  }
}

module attributes {stable_mosaic.version = 14 : i64} {
  func.func @body(%arg0: memref<2x10000x32xf32, #tpu.memory_space<vmem>>, %arg1: memref<10000x1xf32, #tpu.memory_space<vmem>>, %arg2: memref<1x32xf32, #tpu.memory_space<vmem>>, %arg3: memref<32x48xf32, #tpu.memory_space<vmem>>, %arg4: memref<10000x32xf32, #tpu.memory_space<vmem>>, %arg5: memref<10000x16xf32, #tpu.memory_space<vmem>>) attributes {dimension_semantics = [], scalar_prefetch = 0 : i64, scratch_operands = 0 : i64, tpu.core_type = #tpu.core_type<tc>} {
    %get3A = arith.constant 0 : index
    %get3A_0 = arith.constant 0 : index
    %get3A_1 = arith.constant 0 : index
    %get3A_2 = vector.load %arg0[%get3A, %get3A_0, %get3A_1] : memref<2x10000x32xf32, #tpu.memory_space<vmem>>, vector<1x10000x32xf32>
    %get3A_3 = vector.shape_cast %get3A_2 : vector<1x10000x32xf32> to vector<10000x32xf32>
    %get3A_4 = arith.constant 1 : index
    %get3A_5 = arith.constant 0 : index
    %get3A_6 = arith.constant 0 : index
    %get3A_7 = vector.load %arg0[%get3A_4, %get3A_5, %get3A_6] : memref<2x10000x32xf32, #tpu.memory_space<vmem>>, vector<1x10000x32xf32>
    %get3A_8 = vector.shape_cast %get3A_7 : vector<1x10000x32xf32> to vector<10000x32xf32>
    %add3A = arith.addf %get3A_3, %get3A_8 : vector<10000x32xf32>
    %get3A_9 = arith.constant 0 : index
    %get3A_10 = arith.constant 0 : index
    %get3A_11 = vector.load %arg1[%get3A_9, %get3A_10] : memref<10000x1xf32, #tpu.memory_space<vmem>>, vector<10000x1xf32>
    %mul3A = vector.broadcast %get3A_11 : vector<10000x1xf32> to vector<10000x32xf32>
    %mul3A_12 = arith.mulf %mul3A, %add3A : vector<10000x32xf32>
    %get3A_13 = arith.constant 0 : index
    %get3A_14 = arith.constant 0 : index
    %get3A_15 = vector.load %arg2[%get3A_13, %get3A_14] : memref<1x32xf32, #tpu.memory_space<vmem>>, vector<1x32xf32>
    %add3A_16 = vector.broadcast %get3A_15 : vector<1x32xf32> to vector<10000x32xf32>
    %add3A_17 = arith.addf %mul3A_12, %add3A_16 : vector<10000x32xf32>
    %gt3A = arith.constant 0.000000e+00 : f32
    %gt3A_18 = vector.broadcast %gt3A : f32 to vector<10000x32xf32>
    %gt3A_19 = arith.cmpf ogt, %add3A_17, %gt3A_18 : vector<10000x32xf32>
    %exp3A = math.exp %add3A_17 : vector<10000x32xf32>
    %sub3A = arith.constant 1.000000e+00 : f32
    %sub3A_20 = vector.broadcast %sub3A : f32 to vector<10000x32xf32>
    %sub3A_21 = arith.subf %exp3A, %sub3A_20 : vector<10000x32xf32>
    %mul3A_22 = arith.constant 1.67326319 : f32
    %mul3A_23 = vector.broadcast %mul3A_22 : f32 to vector<10000x32xf32>
    %mul3A_24 = arith.mulf %mul3A_23, %sub3A_21 : vector<10000x32xf32>
    %select_n3A = arith.select %gt3A_19, %add3A_17, %mul3A_24 : vector<10000x32xi1>, vector<10000x32xf32>
    %mul3A_25 = arith.constant 1.05070102 : f32
    %mul3A_26 = vector.broadcast %mul3A_25 : f32 to vector<10000x32xf32>
    %mul3A_27 = arith.mulf %mul3A_26, %select_n3A : vector<10000x32xf32>
    %get3A_28 = arith.constant 0 : index
    %get3A_29 = arith.constant 0 : index
    %get3A_30 = vector.load %arg3[%get3A_28, %get3A_29] : memref<32x48xf32, #tpu.memory_space<vmem>>, vector<32x48xf32>
    %dot_general3A = arith.constant dense<0.000000e+00> : vector<10000x48xf32>
    %dot_general3A_31 = tpu.matmul %mul3A_27, %get3A_30, %dot_general3A {dimension_numbers = #tpu.dot_dimension_numbers<[1], [0], [0], [1], [0, 0, 1, 1], [], []>, transpose_lhs_hint = false} : vector<10000x32xf32>, vector<32x48xf32>, vector<10000x48xf32> -> vector<10000x48xf32>
    %get3A_32 = arith.constant 0 : index
    %get3A_33 = arith.constant 0 : index
    %get3A_34 = vector.load %arg1[%get3A_32, %get3A_33] : memref<10000x1xf32, #tpu.memory_space<vmem>>, vector<10000x1xf32>
    %mul3A_35 = vector.broadcast %get3A_34 : vector<10000x1xf32> to vector<10000x48xf32>
    %mul3A_36 = arith.mulf %dot_general3A_31, %mul3A_35 : vector<10000x48xf32>
    %slice3A = vector.extract_strided_slice %mul3A_36 {offsets = [0, 0], sizes = [10000, 32], strides = [1, 1]} : vector<10000x48xf32> to vector<10000x32xf32>
    %swap3A = arith.constant 0 : index
    %swap3A_37 = arith.constant 0 : index
    %swap3A_38 = vector.load %arg4[%swap3A, %swap3A_37] : memref<10000x32xf32, #tpu.memory_space<vmem>>, vector<10000x32xf32>
    tpu.vector_store %arg4[%swap3A, %swap3A_37], %slice3A {strides = array<i32>} : memref<10000x32xf32, #tpu.memory_space<vmem>>, vector<10000x32xf32>,
    %slice3A_39 = vector.extract_strided_slice %mul3A_36 {offsets = [0, 32], sizes = [10000, 16], strides = [1, 1]} : vector<10000x48xf32> to vector<10000x16xf32>
    %swap3A_40 = arith.constant 0 : index
    %swap3A_41 = arith.constant 0 : index
    %swap3A_42 = vector.load %arg5[%swap3A_40, %swap3A_41] : memref<10000x16xf32, #tpu.memory_space<vmem>>, vector<10000x16xf32>
    tpu.vector_store %arg5[%swap3A_40, %swap3A_41], %slice3A_39 {strides = array<i32>} : memref<10000x16xf32, #tpu.memory_space<vmem>>, vector<10000x16xf32>,
    return
  }
}

module attributes {stable_mosaic.version = 14 : i64} {
  func.func @body(%arg0: memref<2x10000x32xf32, #tpu.memory_space<vmem>>, %arg1: memref<2x10000x16xf32, #tpu.memory_space<vmem>>, %arg2: memref<10000x1xf32, #tpu.memory_space<vmem>>, %arg3: memref<1x48xf32, #tpu.memory_space<vmem>>, %arg4: memref<10000x36xf32, #tpu.memory_space<vmem>>) attributes {dimension_semantics = [], scalar_prefetch = 0 : i64, scratch_operands = 0 : i64, tpu.core_type = #tpu.core_type<tc>} {
    %get3A = arith.constant 0 : index
    %get3A_0 = arith.constant 0 : index
    %get3A_1 = arith.constant 0 : index
    %get3A_2 = vector.load %arg0[%get3A, %get3A_0, %get3A_1] : memref<2x10000x32xf32, #tpu.memory_space<vmem>>, vector<1x10000x32xf32>
    %get3A_3 = vector.shape_cast %get3A_2 : vector<1x10000x32xf32> to vector<10000x32xf32>
    %get3A_4 = arith.constant 1 : index
    %get3A_5 = arith.constant 0 : index
    %get3A_6 = arith.constant 0 : index
    %get3A_7 = vector.load %arg0[%get3A_4, %get3A_5, %get3A_6] : memref<2x10000x32xf32, #tpu.memory_space<vmem>>, vector<1x10000x32xf32>
    %get3A_8 = vector.shape_cast %get3A_7 : vector<1x10000x32xf32> to vector<10000x32xf32>
    %add3A = arith.addf %get3A_3, %get3A_8 : vector<10000x32xf32>
    %get3A_9 = arith.constant 0 : index
    %get3A_10 = arith.constant 0 : index
    %get3A_11 = arith.constant 0 : index
    %get3A_12 = vector.load %arg1[%get3A_9, %get3A_10, %get3A_11] : memref<2x10000x16xf32, #tpu.memory_space<vmem>>, vector<1x10000x16xf32>
    %get3A_13 = vector.shape_cast %get3A_12 : vector<1x10000x16xf32> to vector<10000x16xf32>
    %get3A_14 = arith.constant 1 : index
    %get3A_15 = arith.constant 0 : index
    %get3A_16 = arith.constant 0 : index
    %get3A_17 = vector.load %arg1[%get3A_14, %get3A_15, %get3A_16] : memref<2x10000x16xf32, #tpu.memory_space<vmem>>, vector<1x10000x16xf32>
    %get3A_18 = vector.shape_cast %get3A_17 : vector<1x10000x16xf32> to vector<10000x16xf32>
    %add3A_19 = arith.addf %get3A_13, %get3A_18 : vector<10000x16xf32>
    %concatenate3A = tpu.concatenate %add3A, %add3A_19 in 1 : vector<10000x32xf32>, vector<10000x16xf32> -> vector<10000x48xf32>
    %get3A_20 = arith.constant 0 : index
    %get3A_21 = arith.constant 0 : index
    %get3A_22 = vector.load %arg2[%get3A_20, %get3A_21] : memref<10000x1xf32, #tpu.memory_space<vmem>>, vector<10000x1xf32>
    %mul3A = vector.broadcast %get3A_22 : vector<10000x1xf32> to vector<10000x48xf32>
    %mul3A_23 = arith.mulf %mul3A, %concatenate3A : vector<10000x48xf32>
    %get3A_24 = arith.constant 0 : index
    %get3A_25 = arith.constant 0 : index
    %get3A_26 = vector.load %arg3[%get3A_24, %get3A_25] : memref<1x48xf32, #tpu.memory_space<vmem>>, vector<1x48xf32>
    %add3A_27 = vector.broadcast %get3A_26 : vector<1x48xf32> to vector<10000x48xf32>
    %add3A_28 = arith.addf %mul3A_23, %add3A_27 : vector<10000x48xf32>
    %gt3A = arith.constant 0.000000e+00 : f32
    %gt3A_29 = vector.broadcast %gt3A : f32 to vector<10000x48xf32>
    %gt3A_30 = arith.cmpf ogt, %add3A_28, %gt3A_29 : vector<10000x48xf32>
    %exp3A = math.exp %add3A_28 : vector<10000x48xf32>
    %sub3A = arith.constant 1.000000e+00 : f32
    %sub3A_31 = vector.broadcast %sub3A : f32 to vector<10000x48xf32>
    %sub3A_32 = arith.subf %exp3A, %sub3A_31 : vector<10000x48xf32>
    %mul3A_33 = arith.constant 1.67326319 : f32
    %mul3A_34 = vector.broadcast %mul3A_33 : f32 to vector<10000x48xf32>
    %mul3A_35 = arith.mulf %mul3A_34, %sub3A_32 : vector<10000x48xf32>
    %select_n3A = arith.select %gt3A_30, %add3A_28, %mul3A_35 : vector<10000x48xi1>, vector<10000x48xf32>
    %mul3A_36 = arith.constant 1.05070102 : f32
    %mul3A_37 = vector.broadcast %mul3A_36 : f32 to vector<10000x48xf32>
    %mul3A_38 = arith.mulf %mul3A_37, %select_n3A : vector<10000x48xf32>
    %slice3A = vector.extract_strided_slice %mul3A_38 {offsets = [0, 0], sizes = [10000, 36], strides = [1, 1]} : vector<10000x48xf32> to vector<10000x36xf32>
    %swap3A = arith.constant 0 : index
    %swap3A_39 = arith.constant 0 : index
    %swap3A_40 = vector.load %arg4[%swap3A, %swap3A_39] : memref<10000x36xf32, #tpu.memory_space<vmem>>, vector<10000x36xf32>
    tpu.vector_store %arg4[%swap3A, %swap3A_39], %slice3A {strides = array<i32>} : memref<10000x36xf32, #tpu.memory_space<vmem>>, vector<10000x36xf32>,
    return
  }
}

</mosaic_0001>

<sc_bundles>
// kernel: kernel.12.cloned.1.call-start
scs
__scs_entry_jumppad:
0x0: {  	(pc) =	sbr.rel $0x88, $3  }
0x1: {  	(tag) =	ssettag $0x0;
	lr =	simm.s32 $0x1  }
0x2: {  	[smem:$0x3F97] =	sst lr;
	_ =	strace $0xD0000000  }
0x3: {  	_ = 	snop  }
0x4: {  	_ = 	snop  }
0x5: {  	_ = 	snop  }
0x6: {  	_ = 	snop  }
0x7: {  	_ = 	snop  }
__scs_overlays_trampoline_lowered:
0x8: {  	[smem:$0x3FA6] =	sst s0  }
0x9: {  	[smem:$0x3FA7] =	sst s1  }
0xa: {  	[smem:$0x3FA8] =	sst s2  }
0xb: {  	[smem:$0x3FA9] =	sst s3  }
0xc: {  	[smem:$0x3FAA] =	sst s4  }
0xd: {  	[smem:$0x3FAB] =	sst s5  }
0xe: {  	[smem:$0x3FAC] =	sst s6  }
0xf: {  	[smem:$0x3FAD] =	sst s7  }
0x10: {  	[smem:$0x3FAE] =	sst s8  }
0x11: {  	[smem:$0x3FAF] =	sst s9;
	s0 =	simm.s32 @!p0 $0x0  }
0x12: {  	s1 =	sld [smem:$0x3F95];
	s0 =	simm.s32 @p0 $0x1  }
0x13: {  	[smem:$0x3FB0] =	sst s0;
	s0 =	simm.s32 @!p1 $0x0  }
0x14: {  	s2 =	sld [smem:$0x3F94];
	s0 =	simm.s32 @p1 $0x1  }
0x15: {  	[smem:$0x3FB1] =	sst s0;
	s0 =	simm.s32 @!p2 $0x0  }
0x16: {  	s3 =	sld [smem:$0x3FDB];
	s0 =	simm.s32 @p2 $0x1  }
0x17: {  	s4 =	simm.s32 $0x1BF5;
	[smem:$0x3FB3] =	sst s0  }
0x18: {  	s0 =	sld [smem:$0x3F96];
	_ =	swait.ge [sflag:s4], $0x0  }
0x19: {  	s7 =	sld [smem:$0x3F97]  }
0x1a: {  	s8 =	sadd.s32 $0xFFFFE003, lr  }
0x1b: {  	s9 =	sadd.s32 $0xFFFFFEF7, lr;
	s5 =	simm.s32 $0xFFFFFFFF;
	p2 =	slt.u32 s8, $0xFFFFF086  }
0x1c: {  	p1 =	slt.u32 s9, $0xF7A;
	s5 =	simm.s32 @!p2 $0x0  }
0x1d: {  	s5 =	simm.s32 @p1 $0x1;
	p0 =	seq.s32 s7, s2  }
0x1e: {  	s7 =	smul.u32 @!p0 $0xF7A, s2;
	p2 =	seq.s32 @!p0 s5, $0x0  }
0x1f: {  	s9 =	smul.u32 $0xF7A, s1;
	s8 =	simm.s32 @!p0 $0x1BF5;
	p2 =	por !p2, p0  }
0x20: {  	[sflag:s8] =	ssyncset.s32 @!p0 $0xFFFFF086;
	s6 =	sadd.s32 @!p0 s3, s7;
	s7 =	simm.s32 @!p0 $0x108  }
0x21: {  	s3 =	sadd.s32 s3, s9;
	s6 =	sadd.s32 @!p0 $0x88, s6;
	s7 =	simm.s32 @p2 $0x1082  }
0x22: {  	[simem:s7], [sflag:s8] =	dma.local @!p0 [hbm:s6], $0xF7A  }
0x23: {  	s9 =	sor.u32 $0xD0000000, s2;
	s6 =	simm.s32 $0x108;
	_ =	swait.ge @!p0 [sflag:s8], $0x0  }
0x24: {  	s3 =	sadd.s32 $0x88, s3;
	s6 =	simm.s32 @!p1 $0x1082;
	[sflag:s4] =	ssyncset.s32 $0xFFFFF086  }
0x25: {  	[simem:s6], [sflag:s4] =	dma.local [hbm:s3], $0xF7A  }
0x26: {  	[smem:$0x3F97] =	sst s1;
	(tag) =	ssettag s2;
	_ =	strace s9  }
0x27: {  	s1 =	sld [smem:$0x3FA7]  }
0x28: {  	s2 =	sld [smem:$0x3FA8]  }
0x29: {  	s4 =	sld [smem:$0x3FAA]  }
0x2a: {  	p0 =	seq.s32 s5, $0x0;
	s5 =	sld [smem:$0x3FAB]  }
0x2b: {  	s6 =	sld [smem:$0x3FAC]  }
0x2c: {  	s7 =	sld [smem:$0x3FAD]  }
0x2d: {  	s3 =	simm.s32 $0x108;
	s8 =	sld [smem:$0x3FAE]  }
0x2e: {  	s3 =	simm.s32 @!p0 $0x1082;
	s9 =	sld [smem:$0x3FAF]  }
0x2f: {  	lr =	sadd.s32 s0, s3;
	s0 =	sld [smem:$0x3FA6]  }
0x30: {  	s3 =	sld [smem:$0x3FA9]  }
0x31: {  	[smem:$0x3FB2] =	sst s10  }
0x32: {  	s10 =	sld [smem:$0x3FB0];
	_ =	sdelay $0x3  }
0x33: {  	p0 =	seq.s32 s10, $0x1;
	s10 =	sld [smem:$0x3FB2];
	_ =	sdelay $0x3  }
0x34: {  	[smem:$0x3FB2] =	sst s10  }
0x35: {  	s10 =	sld [smem:$0x3FB1];
	_ =	sdelay $0x3  }
0x36: {  	p1 =	seq.s32 s10, $0x1;
	s10 =	sld [smem:$0x3FB2];
	_ =	sdelay $0x3  }
0x37: {  	[smem:$0x3FB2] =	sst s10  }
0x38: {  	s10 =	sld [smem:$0x3FB3]  }
0x39: {  	_ = 	snop;
	(pc) =	sbr.ind lr, $3  }
0x3a: {  	_ = 	snop  }
0x3b: {  	_ = 	snop  }
0x3c: {  	p2 =	seq.s32 s10, $0x1;
	s10 =	sld [smem:$0x3FB2]  }
0x3d: {  	_ =	shalt  }
0x3e: {  	_ =	shalt  }
0x3f: {  	_ =	shalt  }
0x40: {  	_ =	shalt  }
0x41: {  	_ =	shalt  }
0x42: {  	_ =	shalt  }
0x43: {  	_ =	shalt  }
0x44: {  	_ =	shalt  }
0x45: {  	_ =	shalt  }
0x46: {  	_ =	shalt  }
0x47: {  	_ =	shalt  }
0x48: {  	_ =	shalt  }
0x49: {  	_ =	shalt  }
0x4a: {  	_ =	shalt  }
0x4b: {  	_ =	shalt  }
0x4c: {  	_ =	shalt  }
0x4d: {  	_ =	shalt  }
0x4e: {  	_ =	shalt  }
0x4f: {  	_ =	shalt  }
0x50: {  	_ =	shalt  }
0x51: {  	_ =	shalt  }
0x52: {  	_ =	shalt  }
0x53: {  	_ =	shalt  }
0x54: {  	_ =	shalt  }
0x55: {  	_ =	shalt  }
0x56: {  	_ =	shalt  }
0x57: {  	_ =	shalt  }
0x58: {  	_ =	shalt  }
0x59: {  	_ =	shalt  }
0x5a: {  	_ =	shalt  }
0x5b: {  	_ =	shalt  }
0x5c: {  	_ =	shalt  }
0x5d: {  	_ =	shalt  }
0x5e: {  	_ =	shalt  }
0x5f: {  	_ =	shalt  }
0x60: {  	_ =	shalt  }
0x61: {  	_ =	shalt  }
0x62: {  	_ =	shalt  }
0x63: {  	_ =	shalt  }
0x64: {  	_ =	shalt  }
0x65: {  	_ =	shalt  }
0x66: {  	_ =	shalt  }
0x67: {  	_ =	shalt  }
0x68: {  	_ =	shalt  }
0x69: {  	_ =	shalt  }
0x6a: {  	_ =	shalt  }
0x6b: {  	_ =	shalt  }
0x6c: {  	_ =	shalt  }
0x6d: {  	_ =	shalt  }
0x6e: {  	_ =	shalt  }
0x6f: {  	_ =	shalt  }
0x70: {  	_ =	shalt  }
0x71: {  	_ =	shalt  }
0x72: {  	_ =	shalt  }
0x73: {  	_ =	shalt  }
0x74: {  	_ =	shalt  }
0x75: {  	_ =	shalt  }
0x76: {  	_ =	shalt  }
0x77: {  	_ =	shalt  }
0x78: {  	_ =	shalt  }
0x79: {  	_ =	shalt  }
0x7a: {  	_ =	shalt  }
0x7b: {  	_ =	shalt  }
0x7c: {  	_ =	shalt  }
0x7d: {  	_ =	shalt  }
0x7e: {  	_ =	shalt  }
0x7f: {  	_ =	shalt  }
0x80: {  	_ =	shalt  }
0x81: {  	_ =	shalt  }
0x82: {  	_ =	shalt  }
0x83: {  	_ =	shalt  }
0x84: {  	_ =	shalt  }
0x85: {  	_ =	shalt  }
0x86: {  	_ =	shalt  }
0x87: {  	_ =	shalt  }
.Lfunc_end0:
.L_simem_size_0:
called_computation_lowered:
.L_overlay_start_0:
0x88: {  	s2 =	sld [smem:$0x3FD9]  }
0x89: {  	s3 =	sld [smem:$0x3FFE];
	_ =	sdelay $0x1  }
0x8a: {  	s1 =	srdreg.scid  }
0x8b: {  	s0 =	sand.u32 $0x1, s1  }
0x8c: {  	s17 =	sshll.u32 s0, $0xA;
	s2 =	sadd.s32 s3, s2  }
0x8d: {  	s2 =	sadd.s32 s2, s17  }
0x8e: {  	[smem:$0x3FBE] =	sst s2  }
0x8f: {  	_ = 	snop  }
0x90: {  	s2 =	sld [smem:$0x3FD0];
	(tm) =	ssettm $0x1  }
0x91: {  	s18 =	sld [smem:$0x3FFB];
	_ =	sdelay $0x3  }
0x92: {  	_ =	strace s18  }
0x93: {  	s3 =	sld [smem:$0x3FFC];
	_ =	sdelay $0x3  }
0x94: {  	_ =	strace s3  }
0x95: {  	s3 =	sld [smem:$0x3FFD];
	_ =	sdelay $0x3  }
0x96: {  	_ =	strace s3  }
0x97: {  	_ =	strace $0x8FFFFFFF  }
0x98: {  	s19 =	sld [smem:$0x3FDB];
	_ =	sdelay $0x1  }
0x99: {  	s4 =	simm.s32 $_scs_section_size  }
0x9a: {  	s5 =	simm.s32 $_size__tile_overlayer_lowered;
	s6 =	simm.s32 $_tile_overlayer_lowered  }
0x9b: {  	s22 =	simm.s32 $0x1BFF;
	s21 =	sshll.u32 s6, $0x1;
	s3 =	sadd.s32 s4, s19  }
0x9c: {  	s7 =	simm.s32 $0x0;
	s20 =	sshll.u32 s5, $0x1;
	s5 =	sadd.s32 s21, s3  }
0x9d: {  	[timem:s7], [sflag:s22] =	dma.local [hbm:s5], s20  }
0x9e: {  	_ =	swait.ge [sflag:s22], s20  }
0x9f: {  	s4 =	ssub.s32 $0x0, s20;
	[sflag:s22] =	ssyncset.done $0x0  }
0xa0: {  	[sflag:s22] =	ssyncadd.s32 s4;
	_ =	sdelay $0x1  }
0xa1: {  	s23 =	simm.s32 $0x1B8B  }
0xa2: {  	_ =	swait.ge [sflag:s23], $0x1  }
0xa3: {  	[sflag:s23] =	ssyncset.done $0x0  }
0xa4: {  	s25 =	simm.s32 $0x1B8E;
	s24 =	sld [smem:$0x3FFE];
	[sflag:s23] =	ssyncadd.s32 $0xFFFFFFFF  }
0xa5: {  	s26 =	simm.s32 $execute0_lowered;
	[smem:$0x3FD2] =	sst s25  }
0xa6: {  	s5 =	sshll.u32 s26, $0x1;
	_ =	strace $0x80000046;
	[dreg:$0x1] =	wrdreg $0xFFFFFFFF  }
0xa7: {  	s28 =	simm.s32 $_size_execute0_lowered;
	s3 =	sadd.s32 s3, s5;
	[dreg:$0x0] =	wrdreg $0x0  }
0xa8: {  	s5 =	sshll.u32 s28, $0x1;
	[dreg:$0x2] =	wrdreg s3  }
0xa9: {  	[dreg:$0x3] =	wrdreg s5  }
0xaa: {  	[dreg:$0x4] =	wrdreg $0xC0  }
0xab: {  	_ =	task [dreg:s7], $0x5FFFF  }
0xac: {  	[dreg:$0x1] =	wrdreg $0xFFFFFFFF  }
0xad: {  	[dreg:$0x0] =	wrdreg $0x60  }
0xae: {  	[dreg:$0x2] =	wrdreg s2  }
0xaf: {  	[dreg:$0x3] =	wrdreg s24  }
0xb0: {  	[dreg:$0x4] =	wrdreg $0x3F080  }
0xb1: {  	[dreg:$0x5] =	wrdreg $0x9  }
0xb2: {  	_ =	task.clear_ibuf [dreg:s7], $0x6FFFF;
	_ =	strace $0x90000046  }
0xb3: {  	s29 =	simm.s32 $0x9;
	_ =	strace $0x80000048  }
0xb4: {  	_ =	swait.ge [sflag:s29], $0x1  }
0xb5: {  	[sflag:s29] =	ssyncadd.s32 $0xFFFFFFFF  }
0xb6: {  	_ =	strace $0x90000048  }
0xb7: {  	_ =	sfence  }
0xb8: {  	s30 =	sld [smem:$0x0];
	_ =	sdelay $0x2  }
0xb9: {  	s31 =	sshll.u32 s1, $0xD;
	s1 =	sshrl.u32 s1, $0x2  }
0xba: {  	s3 =	sand.u32 $0x4000, s31;
	s1 =	sadd.s32 s1, s30  }
0xbb: {  	s0 =	sor.u32 s3, s0;
	s1 =	sshll.u32 s1, $0x11  }
0xbc: {  	s0 =	sor.u32 s1, s0  }
0xbd: {  	s0 =	sadd.s32 $0x8F2B, s0  }
0xbe: {  	[sflag:s0] =	ssyncadd.remote.s32 $0x1  }
0xbf: {  	_ =	sfence.sel $0xFFFF  }
0xc0: {  	[dreg:$0x0] =	wrdreg $0xFFFFFFFF;
	(pc) =	sbr.abs _section_cstart, $3  }
0xc1: {  	[dreg:$0x1] =	wrdreg $0xFFFFFFFF  }
0xc2: {  	_ =	task.clear_ibuf [dreg:s7], $0x2FFFF;
	_ =	strace $0x9FFFFFFF  }
0xc3: {  	(tm) =	ssettm $0x7FFFFFFF  }
tec
execute0_lowered:
.L_overlay_start_1:
0x0: {  	(tag) =	ssettag $0x1  }
0x1: {  	s8 =	rddreg [dreg:$0x0]  }
0x2: {  	s6 =	rddreg [dreg:$0x1]  }
0x3: {  	s2 =	rddreg [dreg:$0x2]  }
0x4: {  	s0 =	rddreg [dreg:$0x3];
	s3 =	simm.s32 $0x0;
	s4 =	srdreg.scid  }
0x5: {  	s1 =	stileid.u32;
	s14 =	simm.s32 $0x80;
	s15 =	simm.s32 $0x0  }
0x6: {  	[smem:$0x7FF] =	sst s3;
	s7 =	sand.u32 $0x1, s4;
	s9 =	smul.u32 $0x1388, s1  }
0x7: {  	s4 =	sadd.s32 $0xCC00, s6;
	s5 =	sadd.s32 $0xCE00, s6;
	s10 =	smul.u32 $0x13880, s7  }
0x8: {  	_ =	strace $0x80000047;
	s11 =	sshll.u32 s7, $0x4;
	s7 =	ssub.s32 $0x2, s7  }
0x9: {  	s11 =	sor.u32 s1, s11;
	s12 =	sshrl.u32 s7, $0x1;
	s10 =	sadd.s32 s9, s10  }
0xa: {  	s13 =	smul.u32 $0x4E, s11;
	s12 =	ssub.s32 s7, s12;
	s30 =	smin.u32 s11, $0x4  }
0xb: {  	p0 =	slt.u32 s11, $0x4;
	s7 =	sadd.s32 s9, s2;
	s10 =	sshrl.u32 s10, $0x3  }
0xc: {  	s10 =	sadd.s32 s10, s6;
	s6 =	simm.s32 $0x4F;
	s13 =	sadd.s32 s30, s13  }
0xd: {  	s6 =	simm.s32 @!p0 $0x4E;
	s31 =	sshll.u32 s13, $0x4;
	s9 =	sadd.s32 $0xD200, s10  }
0xe: {  	s10 =	smax.u32 s12, $0x1;
	p0 =	sgt.u32 s11, $0x3;
	s11 =	simm.s32 $0x2B80  }
0xf: {  	s12 =	simm.s32 $0x1;
	s13 =	simm.s32 $0x2780;
	s8 =	sadd.s32 s8, s31  }
.LBB2_1:
0x10: {  	[tilespmem:s11], [sflag:$0x1] =	stream.linear.gather [hbm4b:s5+s3], $0x1388, $0x38;
	[tilespmem:$0x5290] =	vst v63  }
0x11: {  	_ =	swait.ge [sflag:s12], $0x1388  }
0x12: {  	[sflag:s12] =	ssyncset.done $0x0  }
0x13: {  	[sflag:s12] =	ssyncadd.s32 $0xFFFFEC78  }
0x14: {  	[spmem:s7] =	stream.linear.scatter [tilespmem:s11], [sflag:$0x1], $0x1388, $0x38;
	[tilespmem:$0x5290] =	vst v63  }
0x15: {  	_ =	swait.ge [sflag:s12], $0x1388  }
0x16: {  	[sflag:s12] =	ssyncset.done $0x0  }
0x17: {  	[sflag:s12] =	ssyncadd.s32 $0xFFFFEC78  }
0x18: {  	[tilespmem:s13], [sflag:$0x1] =	stream.linear.gather [hbm4b:s4+s3], $0x400, $0x38;
	[tilespmem:$0x5290] =	vst v63  }
0x19: {  	_ =	swait.ge [sflag:s12], $0x400  }
0x1a: {  	[sflag:s12] =	ssyncset.done $0x0  }
0x1b: {  	s16 =	simm.s32 @p0 $0x0;
	[sflag:s12] =	ssyncadd.s32 $0xFFFFFC00  }
0x1c: {  	[tilespmem:s16], [sflag:$0x1] =	stream.linear.gather @p0 [hbm4b:s8+s16], $0x2700, $0x38;
	[tilespmem:$0x5290] =	vst v63  }
0x1d: {  	s16 =	simm.s32 @p0 $0x1  }
0x1e: {  	_ =	swait.ge @p0 [sflag:s16], $0x2700  }
0x1f: {  	[sflag:s16] =	ssyncset.done @p0 $0x0  }
0x20: {  	[sflag:s16] =	ssyncadd.s32 @p0 $0xFFFFD900;
	s16 =	simm.s32 @!p0 $0x0  }
0x21: {  	[tilespmem:s16], [sflag:$0x1] =	stream.linear.gather @!p0 [hbm4b:s8+s16], $0x2780, $0x38;
	[tilespmem:$0x5290] =	vst v63  }
0x22: {  	s16 =	simm.s32 @!p0 $0x1  }
0x23: {  	_ =	swait.ge @!p0 [sflag:s16], $0x2780  }
0x24: {  	p1 =	sne.s32 s6, $0x1;
	[sflag:s16] =	ssyncset.done @!p0 $0x0  }
.Ltmp0:
0x25: {  	[sflag:s16] =	ssyncadd.s32 @!p0 $0xFFFFD880;
	(pc) =	sbr.rel @!p1 .LBB2_3-.Ltmp0, $4  }
0x26: {  	[bflag:$0x0] =	sbarrier.arrive $0xFFFF  }
0x27: {  	[spmem:s2] =	stream.indirect.scatter.add.f32 [tilespmem:s13], [sflag:$0x1], $0x8, s3, s14, $0xb8;
	[tilespmem:$0x5290] =	vst v63  }
0x28: {  	_ =	swait.ge [sflag:s12], $0x400  }
0x29: {  	s17 =	simm.s32 $0x0;
	s16 =	sadd.s32 $0xFFFFFFFF, s6;
	[sflag:s12] =	ssyncset.done $0x0  }
.LBB2_2:
0x2a: {  	p1 =	sne.s32 s16, $0x1;
	[sflag:s12] =	ssyncadd.s32 $0xFFFFFC00;
	s17 =	sadd.s32 $0x80, s17  }
.Ltmp1:
0x2b: {  	s16 =	sadd.s32 $0xFFFFFFFF, s16;
	(pc) =	sbr.rel @p1 .LBB2_2-.Ltmp1, $4  }
0x2c: {  	_ = 	snop  }
0x2d: {  	[spmem:s2] =	stream.indirect.scatter.add.f32 [tilespmem:s13], [sflag:$0x1], $0x8, s17, s14, $0xb8;
	[tilespmem:$0x5290] =	vst v63  }
0x2e: {  	_ =	swait.ge [sflag:s12], $0x400  }
0x2f: {  	[sflag:s12] =	ssyncset.done $0x0  }
.LBB2_3:
0x30: {  	[sflag:s12] =	ssyncadd.s32 $0xFFFFFC00  }
0x31: {  	[bflag:$0x0] =	sbarrier.arrive $0xFFFF  }
0x32: {  	[tilespmem:s11], [sflag:$0x1] =	stream.linear.gather [spmem:s7], $0x1388, $0x38;
	[tilespmem:$0x5290] =	vst v63  }
0x33: {  	s15 =	sadd.s32 $0x1, s15;
	_ =	swait.ge [sflag:s12], $0x1388  }
0x34: {  	p1 =	sne.s32 s15, s10;
	[sflag:s12] =	ssyncset.done $0x0  }
.Ltmp2:
0x35: {  	[sflag:s12] =	ssyncadd.s32 $0xFFFFEC78;
	(pc) =	sbr.rel @p1 .LBB2_1-.Ltmp2, $4  }
0x36: {  	[hbm4b:s9+s3] =	stream.linear.scatter [tilespmem:s11], [sflag:$0x1], $0x1388, $0x38;
	[tilespmem:$0x5290] =	vst v63  }
0x37: {  	_ =	swait.ge [sflag:s12], $0x1388  }
0x38: {  	[sflag:s12] =	ssyncset.done $0x0  }
0x39: {  	[sflag:s12] =	ssyncadd.s32 $0xFFFFEC78  }
0x3a: {  	_ =	sfence.sel $0x180000  }
0x3b: {  	[bflag:$0x0] =	sbarrier.arrive $0xFFFF  }
0x3c: {  	p0 =	sne.s32 s1, $0x0;
	_ =	strace $0x90000047  }
0x3d: {  	s0 =	sadd.s32 @!p0 $0x100000, s0;
	[bflag:$0x2] =	sbarrier.arrive $0xFFFF  }
0x3e: {  	[sflag:s0] =	ssyncadd.tile.s32 @!p0 $0x1;
	_ =	shalt  }
.Lfunc_end2:
_tile_overlayer_lowered:
.L_overlay_start_2:
0x3f: {  	(tag) =	ssettag $0x2  }
0x40: {  	s0 =	rddreg [dreg:$0x0];
	s2 =	stileid.u32  }
0x41: {  	s1 =	rddreg [dreg:$0x1];
	p0 =	sne.s32 s2, $0x0  }
0x42: {  	s3 =	rddreg [dreg:$0x2];
	[bflag:$0x3] =	sbarrier.arrive $0xFFFF;
	s2 =	simm.s32 @!p0 $0x1C01  }
0x43: {  	[timem:s3], [sflag:s2] =	dma.local @!p0 [hbm:s0], s1  }
0x44: {  	s0 =	simm.s32 @!p0 $0x1  }
0x45: {  	_ =	swait.ge @!p0 [sflag:s0], s1  }
0x46: {  	s1 =	ssub.s32 @!p0 $0x0, s1;
	[sflag:s0] =	ssyncset.done @!p0 $0x0  }
0x47: {  	[sflag:s0] =	ssyncadd.s32 @!p0 s1  }
0x48: {  	[bflag:$0x3] =	sbarrier.arrive $0xFFFF  }
0x49: {  	_ =	shalt  }

// kernel: kernel.15.cloned.1.call-start
scs
__scs_entry_jumppad:
0x0: {  	(pc) =	sbr.rel $0x88, $3  }
0x1: {  	(tag) =	ssettag $0x0;
	lr =	simm.s32 $0x1  }
0x2: {  	[smem:$0x3F97] =	sst lr;
	_ =	strace $0xD0000000  }
0x3: {  	_ = 	snop  }
0x4: {  	_ = 	snop  }
0x5: {  	_ = 	snop  }
0x6: {  	_ = 	snop  }
0x7: {  	_ = 	snop  }
__scs_overlays_trampoline_lowered:
0x8: {  	[smem:$0x3FA6] =	sst s0  }
0x9: {  	[smem:$0x3FA7] =	sst s1  }
0xa: {  	[smem:$0x3FA8] =	sst s2  }
0xb: {  	[smem:$0x3FA9] =	sst s3  }
0xc: {  	[smem:$0x3FAA] =	sst s4  }
0xd: {  	[smem:$0x3FAB] =	sst s5  }
0xe: {  	[smem:$0x3FAC] =	sst s6  }
0xf: {  	[smem:$0x3FAD] =	sst s7  }
0x10: {  	[smem:$0x3FAE] =	sst s8  }
0x11: {  	[smem:$0x3FAF] =	sst s9;
	s0 =	simm.s32 @!p0 $0x0  }
0x12: {  	s1 =	sld [smem:$0x3F95];
	s0 =	simm.s32 @p0 $0x1  }
0x13: {  	[smem:$0x3FB0] =	sst s0;
	s0 =	simm.s32 @!p1 $0x0  }
0x14: {  	s2 =	sld [smem:$0x3F94];
	s0 =	simm.s32 @p1 $0x1  }
0x15: {  	[smem:$0x3FB1] =	sst s0;
	s0 =	simm.s32 @!p2 $0x0  }
0x16: {  	s3 =	sld [smem:$0x3FDB];
	s0 =	simm.s32 @p2 $0x1  }
0x17: {  	s4 =	simm.s32 $0x1BF5;
	[smem:$0x3FB3] =	sst s0  }
0x18: {  	s0 =	sld [smem:$0x3F96];
	_ =	swait.ge [sflag:s4], $0x0  }
0x19: {  	s7 =	sld [smem:$0x3F97]  }
0x1a: {  	s8 =	sadd.s32 $0xFFFFE003, lr  }
0x1b: {  	s9 =	sadd.s32 $0xFFFFFEF7, lr;
	s5 =	simm.s32 $0xFFFFFFFF;
	p2 =	slt.u32 s8, $0xFFFFF086  }
0x1c: {  	p1 =	slt.u32 s9, $0xF7A;
	s5 =	simm.s32 @!p2 $0x0  }
0x1d: {  	s5 =	simm.s32 @p1 $0x1;
	p0 =	seq.s32 s7, s2  }
0x1e: {  	s7 =	smul.u32 @!p0 $0xF7A, s2;
	p2 =	seq.s32 @!p0 s5, $0x0  }
0x1f: {  	s9 =	smul.u32 $0xF7A, s1;
	s8 =	simm.s32 @!p0 $0x1BF5;
	p2 =	por !p2, p0  }
0x20: {  	[sflag:s8] =	ssyncset.s32 @!p0 $0xFFFFF086;
	s6 =	sadd.s32 @!p0 s3, s7;
	s7 =	simm.s32 @!p0 $0x108  }
0x21: {  	s3 =	sadd.s32 s3, s9;
	s6 =	sadd.s32 @!p0 $0x88, s6;
	s7 =	simm.s32 @p2 $0x1082  }
0x22: {  	[simem:s7], [sflag:s8] =	dma.local @!p0 [hbm:s6], $0xF7A  }
0x23: {  	s9 =	sor.u32 $0xD0000000, s2;
	s6 =	simm.s32 $0x108;
	_ =	swait.ge @!p0 [sflag:s8], $0x0  }
0x24: {  	s3 =	sadd.s32 $0x88, s3;
	s6 =	simm.s32 @!p1 $0x1082;
	[sflag:s4] =	ssyncset.s32 $0xFFFFF086  }
0x25: {  	[simem:s6], [sflag:s4] =	dma.local [hbm:s3], $0xF7A  }
0x26: {  	[smem:$0x3F97] =	sst s1;
	(tag) =	ssettag s2;
	_ =	strace s9  }
0x27: {  	s1 =	sld [smem:$0x3FA7]  }
0x28: {  	s2 =	sld [smem:$0x3FA8]  }
0x29: {  	s4 =	sld [smem:$0x3FAA]  }
0x2a: {  	p0 =	seq.s32 s5, $0x0;
	s5 =	sld [smem:$0x3FAB]  }
0x2b: {  	s6 =	sld [smem:$0x3FAC]  }
0x2c: {  	s7 =	sld [smem:$0x3FAD]  }
0x2d: {  	s3 =	simm.s32 $0x108;
	s8 =	sld [smem:$0x3FAE]  }
0x2e: {  	s3 =	simm.s32 @!p0 $0x1082;
	s9 =	sld [smem:$0x3FAF]  }
0x2f: {  	lr =	sadd.s32 s0, s3;
	s0 =	sld [smem:$0x3FA6]  }
0x30: {  	s3 =	sld [smem:$0x3FA9]  }
0x31: {  	[smem:$0x3FB2] =	sst s10  }
0x32: {  	s10 =	sld [smem:$0x3FB0];
	_ =	sdelay $0x3  }
0x33: {  	p0 =	seq.s32 s10, $0x1;
	s10 =	sld [smem:$0x3FB2];
	_ =	sdelay $0x3  }
0x34: {  	[smem:$0x3FB2] =	sst s10  }
0x35: {  	s10 =	sld [smem:$0x3FB1];
	_ =	sdelay $0x3  }
0x36: {  	p1 =	seq.s32 s10, $0x1;
	s10 =	sld [smem:$0x3FB2];
	_ =	sdelay $0x3  }
0x37: {  	[smem:$0x3FB2] =	sst s10  }
0x38: {  	s10 =	sld [smem:$0x3FB3]  }
0x39: {  	_ = 	snop;
	(pc) =	sbr.ind lr, $3  }
0x3a: {  	_ = 	snop  }
0x3b: {  	_ = 	snop  }
0x3c: {  	p2 =	seq.s32 s10, $0x1;
	s10 =	sld [smem:$0x3FB2]  }
0x3d: {  	_ =	shalt  }
0x3e: {  	_ =	shalt  }
0x3f: {  	_ =	shalt  }
0x40: {  	_ =	shalt  }
0x41: {  	_ =	shalt  }
0x42: {  	_ =	shalt  }
0x43: {  	_ =	shalt  }
0x44: {  	_ =	shalt  }
0x45: {  	_ =	shalt  }
0x46: {  	_ =	shalt  }
0x47: {  	_ =	shalt  }
0x48: {  	_ =	shalt  }
0x49: {  	_ =	shalt  }
0x4a: {  	_ =	shalt  }
0x4b: {  	_ =	shalt  }
0x4c: {  	_ =	shalt  }
0x4d: {  	_ =	shalt  }
0x4e: {  	_ =	shalt  }
0x4f: {  	_ =	shalt  }
0x50: {  	_ =	shalt  }
0x51: {  	_ =	shalt  }
0x52: {  	_ =	shalt  }
0x53: {  	_ =	shalt  }
0x54: {  	_ =	shalt  }
0x55: {  	_ =	shalt  }
0x56: {  	_ =	shalt  }
0x57: {  	_ =	shalt  }
0x58: {  	_ =	shalt  }
0x59: {  	_ =	shalt  }
0x5a: {  	_ =	shalt  }
0x5b: {  	_ =	shalt  }
0x5c: {  	_ =	shalt  }
0x5d: {  	_ =	shalt  }
0x5e: {  	_ =	shalt  }
0x5f: {  	_ =	shalt  }
0x60: {  	_ =	shalt  }
0x61: {  	_ =	shalt  }
0x62: {  	_ =	shalt  }
0x63: {  	_ =	shalt  }
0x64: {  	_ =	shalt  }
0x65: {  	_ =	shalt  }
0x66: {  	_ =	shalt  }
0x67: {  	_ =	shalt  }
0x68: {  	_ =	shalt  }
0x69: {  	_ =	shalt  }
0x6a: {  	_ =	shalt  }
0x6b: {  	_ =	shalt  }
0x6c: {  	_ =	shalt  }
0x6d: {  	_ =	shalt  }
0x6e: {  	_ =	shalt  }
0x6f: {  	_ =	shalt  }
0x70: {  	_ =	shalt  }
0x71: {  	_ =	shalt  }
0x72: {  	_ =	shalt  }
0x73: {  	_ =	shalt  }
0x74: {  	_ =	shalt  }
0x75: {  	_ =	shalt  }
0x76: {  	_ =	shalt  }
0x77: {  	_ =	shalt  }
0x78: {  	_ =	shalt  }
0x79: {  	_ =	shalt  }
0x7a: {  	_ =	shalt  }
0x7b: {  	_ =	shalt  }
0x7c: {  	_ =	shalt  }
0x7d: {  	_ =	shalt  }
0x7e: {  	_ =	shalt  }
0x7f: {  	_ =	shalt  }
0x80: {  	_ =	shalt  }
0x81: {  	_ =	shalt  }
0x82: {  	_ =	shalt  }
0x83: {  	_ =	shalt  }
0x84: {  	_ =	shalt  }
0x85: {  	_ =	shalt  }
0x86: {  	_ =	shalt  }
0x87: {  	_ =	shalt  }
.Lfunc_end0:
.L_simem_size_0:
called_computation.1_lowered:
.L_overlay_start_0:
0x88: {  	s2 =	sld [smem:$0x3FD9]  }
0x89: {  	s3 =	sld [smem:$0x3FFE];
	_ =	sdelay $0x1  }
0x8a: {  	s1 =	srdreg.scid  }
0x8b: {  	s0 =	sand.u32 $0x1, s1  }
0x8c: {  	s17 =	sshll.u32 s0, $0xA;
	s2 =	sadd.s32 s3, s2  }
0x8d: {  	s2 =	sadd.s32 s2, s17  }
0x8e: {  	[smem:$0x3FBE] =	sst s2  }
0x8f: {  	_ = 	snop  }
0x90: {  	s2 =	sld [smem:$0x3FD0];
	(tm) =	ssettm $0x1  }
0x91: {  	s18 =	sld [smem:$0x3FFB];
	_ =	sdelay $0x3  }
0x92: {  	_ =	strace s18  }
0x93: {  	s3 =	sld [smem:$0x3FFC];
	_ =	sdelay $0x3  }
0x94: {  	_ =	strace s3  }
0x95: {  	s3 =	sld [smem:$0x3FFD];
	_ =	sdelay $0x3  }
0x96: {  	_ =	strace s3  }
0x97: {  	_ =	strace $0x8FFFFFFF  }
0x98: {  	s19 =	sld [smem:$0x3FDB];
	_ =	sdelay $0x1  }
0x99: {  	s4 =	simm.s32 $_scs_section_size  }
0x9a: {  	s5 =	simm.s32 $_size__tile_overlayer_lowered;
	s6 =	simm.s32 $_tile_overlayer_lowered  }
0x9b: {  	s22 =	simm.s32 $0x1BFF;
	s21 =	sshll.u32 s6, $0x1;
	s3 =	sadd.s32 s4, s19  }
0x9c: {  	s7 =	simm.s32 $0x0;
	s20 =	sshll.u32 s5, $0x1;
	s5 =	sadd.s32 s21, s3  }
0x9d: {  	[timem:s7], [sflag:s22] =	dma.local [hbm:s5], s20  }
0x9e: {  	_ =	swait.ge [sflag:s22], s20  }
0x9f: {  	s4 =	ssub.s32 $0x0, s20;
	[sflag:s22] =	ssyncset.done $0x0  }
0xa0: {  	[sflag:s22] =	ssyncadd.s32 s4;
	_ =	sdelay $0x1  }
0xa1: {  	s23 =	simm.s32 $0x1B8B  }
0xa2: {  	_ =	swait.ge [sflag:s23], $0x1  }
0xa3: {  	[sflag:s23] =	ssyncset.done $0x0  }
0xa4: {  	s25 =	simm.s32 $0x1B8E;
	s24 =	sld [smem:$0x3FFE];
	[sflag:s23] =	ssyncadd.s32 $0xFFFFFFFF  }
0xa5: {  	s26 =	simm.s32 $execute0_lowered;
	[smem:$0x3FD2] =	sst s25  }
0xa6: {  	s5 =	sshll.u32 s26, $0x1;
	_ =	strace $0x80000049;
	[dreg:$0x1] =	wrdreg $0xFFFFFFFF  }
0xa7: {  	s28 =	simm.s32 $_size_execute0_lowered;
	s3 =	sadd.s32 s3, s5;
	[dreg:$0x0] =	wrdreg $0x0  }
0xa8: {  	s5 =	sshll.u32 s28, $0x1;
	[dreg:$0x2] =	wrdreg s3  }
0xa9: {  	[dreg:$0x3] =	wrdreg s5  }
0xaa: {  	[dreg:$0x4] =	wrdreg $0xC0  }
0xab: {  	_ =	task [dreg:s7], $0x5FFFF  }
0xac: {  	[dreg:$0x1] =	wrdreg $0xFFFFFFFF  }
0xad: {  	[dreg:$0x0] =	wrdreg $0x60  }
0xae: {  	[dreg:$0x2] =	wrdreg s24  }
0xaf: {  	[dreg:$0x3] =	wrdreg s2  }
0xb0: {  	[dreg:$0x4] =	wrdreg $0xDD200  }
0xb1: {  	[dreg:$0x5] =	wrdreg $0xB6100  }
0xb2: {  	[dreg:$0x6] =	wrdreg $0x9  }
0xb3: {  	_ =	task.clear_ibuf [dreg:s7], $0x7FFFF;
	_ =	strace $0x90000049  }
0xb4: {  	s29 =	simm.s32 $0x9;
	_ =	strace $0x8000004B  }
0xb5: {  	_ =	swait.ge [sflag:s29], $0x1  }
0xb6: {  	[sflag:s29] =	ssyncadd.s32 $0xFFFFFFFF  }
0xb7: {  	_ =	strace $0x9000004B  }
0xb8: {  	_ =	sfence  }
0xb9: {  	s30 =	sld [smem:$0x0];
	_ =	sdelay $0x2  }
0xba: {  	s31 =	sshll.u32 s1, $0xD;
	s1 =	sshrl.u32 s1, $0x2  }
0xbb: {  	s3 =	sand.u32 $0x4000, s31;
	s1 =	sadd.s32 s1, s30  }
0xbc: {  	s0 =	sor.u32 s3, s0;
	s1 =	sshll.u32 s1, $0x11  }
0xbd: {  	s0 =	sor.u32 s1, s0  }
0xbe: {  	s0 =	sadd.s32 $0x8F2B, s0  }
0xbf: {  	[sflag:s0] =	ssyncadd.remote.s32 $0x1  }
0xc0: {  	_ =	sfence.sel $0xFFFF  }
0xc1: {  	[dreg:$0x0] =	wrdreg $0xFFFFFFFF;
	(pc) =	sbr.abs _section_cstart, $3  }
0xc2: {  	[dreg:$0x1] =	wrdreg $0xFFFFFFFF  }
0xc3: {  	_ =	task.clear_ibuf [dreg:s7], $0x2FFFF;
	_ =	strace $0x9FFFFFFF  }
0xc4: {  	(tm) =	ssettm $0x7FFFFFFF  }
0xc5: {  	_ =	shalt  }
tec
execute0_lowered:
.L_overlay_start_1:
0x0: {  	(tag) =	ssettag $0x1  }
0x1: {  	s0 =	rddreg [dreg:$0x0]  }
0x2: {  	s1 =	rddreg [dreg:$0x1]  }
0x3: {  	s2 =	rddreg [dreg:$0x2]  }
0x4: {  	s3 =	rddreg [dreg:$0x3]  }
0x5: {  	s10 =	stileid.u32;
	s5 =	srdreg.scid;
	s4 =	simm.s32 $0x4E  }
0x6: {  	s26 =	simm.s32 $0x0;
	s31 =	simm.s32 $0x0;
	p1 =	sgt.u32 s10, $0x3  }
0x7: {  	s6 =	smul.u32 $0x9C, s10;
	s7 =	sand.u32 $0x1, s5;
	s8 =	smin.u32 s10, $0x4  }
0x8: {  	s13 =	smul.u32 $0x2710, s10;
	[smem:$0x7FF] =	sst s26;
	s16 =	sadd.s32 $0x11C00, s0  }
0x9: {  	s4 =	simm.s32 @!p1 $0x4F;
	p0 =	seq.s32 s7, $0x1;
	s14 =	smul.u32 $0x27100, s7  }
0xa: {  	_ =	strace $0x8000004A;
	s12 =	ssub.s32 $0x2, s7;
	[dreg:$0x5] =	wrdreg s16  }
0xb: {  	p2 =	seq.s32 s7, $0x0;
	s9 =	smov.u32 s4;
	s6 =	sadd.s32 s8, s6  }
0xc: {  	s11 =	sshrl.u32 s13, $0x3;
	s17 =	sshrl.u32 s12, $0x1;
	s4 =	simm.s32 @p0 $0x4E  }
0xd: {  	s19 =	sadd.s32 s13, s2;
	p1 =	por p1, p0;
	s9 =	simm.s32 @!p0 $0x0  }
0xe: {  	s11 =	sadd.s32 s11, s0;
	[dreg:$0x7] =	wrdreg s19;
	s20 =	sand.u32 $0x7, s4  }
0xf: {  	s21 =	sadd.s32 $0x1, s4;
	s23 =	sand.u32 $0x1, s4;
	s25 =	sand.u32 $0x3, s4  }
0x10: {  	s28 =	sadd.s32 $0x5, s4;
	s29 =	sadd.s32 $0x6, s4;
	s6 =	sadd.s32 s9, s6  }
0x11: {  	s9 =	sadd.s32 s13, s14;
	s14 =	ssub.s32 s12, s17;
	s18 =	sadd.s32 $0xCC00, s11  }
0x12: {  	s17 =	sadd.s32 $0x9, s23;
	s19 =	sadd.s32 $0x9, s25;
	s23 =	simm.s32 $0x8F00  }
0x13: {  	s25 =	simm.s32 $0x80;
	s6 =	sshll.u32 s6, $0x4;
	s9 =	sshrl.u32 s9, $0x3  }
0x14: {  	[dreg:$0x6] =	wrdreg s18;
	s22 =	smax.u32 s14, $0x1;
	s15 =	sadd.s32 s6, s0  }
0x15: {  	s0 =	sadd.s32 s9, s0;
	s9 =	sadd.s32 s13, s3;
	s11 =	sadd.s32 s1, s6  }
0x16: {  	s13 =	sadd.s32 $0x9, s20;
	[dreg:$0x9] =	wrdreg s22;
	s1 =	sand.u32 $0x5, s29  }
0x17: {  	s10 =	sadd.s32 $0x2E00, s15;
	s0 =	sadd.s32 $0x12200, s0;
	s15 =	sadd.s32 $0xFFFFFFFF, s4  }
0x18: {  	[dreg:$0x8] =	wrdreg s0;
	s0 =	sand.u32 $0x7, s21;
	s24 =	sand.u32 $0x3, s15  }
0x19: {  	s30 =	sand.u32 $0x7, s15;
	s21 =	sadd.s32 $0x9, s1;
	s1 =	simm.s32 $0x1  }
0x1a: {  	s16 =	sadd.s32 $0x9, s0;
	s18 =	sadd.s32 $0x9, s24;
	s0 =	sand.u32 $0x7, s28  }
0x1b: {  	s22 =	sadd.s32 $0x9, s30;
	s24 =	simm.s32 $0x11;
	s20 =	sadd.s32 $0x9, s0  }
.LBB2_1:
0x1c: {  	s0 =	rddreg [dreg:$0x6]  }
0x1d: {  	[tilespmem:s23], [sflag:$0x11] =	stream.linear.gather [hbm4b:s0+s26], $0x2710, $0x38;
	[tilespmem:$0x10430] =	vst v63  }
0x1e: {  	_ =	swait.ge [sflag:s24], $0x2710  }
0x1f: {  	[sflag:s24] =	ssyncset.done $0x0  }
0x20: {  	s7 =	rddreg [dreg:$0x7];
	[sflag:s24] =	ssyncadd.s32 $0xFFFFD8F0  }
0x21: {  	[spmem:s7] =	stream.linear.scatter [tilespmem:s23], [sflag:$0x11], $0x2710, $0x38;
	[tilespmem:$0x10430] =	vst v63  }
0x22: {  	_ =	swait.ge [sflag:s24], $0x2710  }
0x23: {  	[sflag:s24] =	ssyncset.done $0x0  }
0x24: {  	s0 =	simm.s32 @!p0 $0x8F00;
	[sflag:s24] =	ssyncadd.s32 $0xFFFFD8F0  }
0x25: {  	[spmem:s9] =	stream.linear.scatter @!p0 [tilespmem:s0], [sflag:$0x11], $0x2710, $0x38;
	[tilespmem:$0x10430] =	vst v63  }
0x26: {  	s0 =	simm.s32 @!p0 $0x11  }
0x27: {  	_ =	swait.ge @!p0 [sflag:s0], $0x2710  }
0x28: {  	s6 =	simm.s32 @!p2 $0x8F00;
	[sflag:s0] =	ssyncset.done @!p0 $0x0  }
0x29: {  	s5 =	rddreg [dreg:$0x5];
	[sflag:s0] =	ssyncadd.s32 @!p0 $0xFFFFD8F0;
	s0 =	simm.s32 @!p2 $0x0  }
0x2a: {  	[tilespmem:s6], [sflag:$0x11] =	stream.linear.gather @!p2 [hbm4b:s5+s0], $0x2710, $0x38;
	[tilespmem:$0x10430] =	vst v63  }
0x2b: {  	s0 =	simm.s32 @!p2 $0x11  }
0x2c: {  	_ =	swait.ge @!p2 [sflag:s0], $0x2710  }
0x2d: {  	[sflag:s0] =	ssyncset.done @!p2 $0x0  }
0x2e: {  	[sflag:s0] =	ssyncadd.s32 @!p2 $0xFFFFD8F0  }
0x2f: {  	[spmem:s9] =	stream.linear.scatter @!p2 [tilespmem:s6], [sflag:$0x11], $0x2710, $0x38;
	[tilespmem:$0x10430] =	vst v63  }
0x30: {  	_ =	swait.ge @!p2 [sflag:s0], $0x2710  }
0x31: {  	[sflag:s0] =	ssyncset.done @!p2 $0x0  }
0x32: {  	s6 =	simm.s32 @p1 $0x11;
	[sflag:s0] =	ssyncadd.s32 @!p2 $0xFFFFD8F0;
	s0 =	simm.s32 @p1 $0x0  }
0x33: {  	[tilespmem:s0], [sflag:$0x11] =	stream.linear.gather @p1 [hbm4b:s10+s0], $0x2700, $0x38;
	[tilespmem:$0x10430] =	vst v63  }
0x34: {  	_ =	swait.ge @p1 [sflag:s6], $0x2700  }
0x35: {  	[sflag:s6] =	ssyncset.done @p1 $0x0  }
0x36: {  	s7 =	simm.s32 @p1 $0x2780;
	[sflag:s6] =	ssyncadd.s32 @p1 $0xFFFFD900  }
0x37: {  	[tilespmem:s7], [sflag:$0x11] =	stream.linear.gather @p1 [hbm4b:s11+s0], $0x2700, $0x38;
	[tilespmem:$0x10430] =	vst v63  }
0x38: {  	_ =	swait.ge @p1 [sflag:s6], $0x2700  }
0x39: {  	[sflag:s6] =	ssyncset.done @p1 $0x0  }
0x3a: {  	s0 =	simm.s32 @!p1 $0x0;
	[sflag:s6] =	ssyncadd.s32 @p1 $0xFFFFD900;
	s6 =	simm.s32 @!p1 $0x11  }
0x3b: {  	[tilespmem:s0], [sflag:$0x11] =	stream.linear.gather @!p1 [hbm4b:s10+s0], $0x2780, $0x38;
	[tilespmem:$0x10430] =	vst v63  }
0x3c: {  	_ =	swait.ge @!p1 [sflag:s6], $0x2780  }
0x3d: {  	[sflag:s6] =	ssyncset.done @!p1 $0x0  }
0x3e: {  	s7 =	simm.s32 @!p1 $0x2780;
	[sflag:s6] =	ssyncadd.s32 @!p1 $0xFFFFD880  }
0x3f: {  	[tilespmem:s7], [sflag:$0x11] =	stream.linear.gather @!p1 [hbm4b:s11+s0], $0x2780, $0x38;
	[tilespmem:$0x10430] =	vst v63  }
0x40: {  	_ =	swait.ge @!p1 [sflag:s6], $0x2780  }
0x41: {  	[sflag:s6] =	ssyncset.done @!p1 $0x0  }
0x42: {  	[sflag:s6] =	ssyncadd.s32 @!p1 $0xFFFFD880  }
0x43: {  	s0 =	simm.s32 $0x4F00;
	[bflag:$0x0] =	sbarrier.arrive $0xFFFF  }
0x44: {  	[tilespmem:s0], [sflag:$0x1] =	stream.indirect.gather [spmem:s2], $0x10, s26, s25, $0xb8;
	[tilespmem:$0x10430] =	vst v63  }
0x45: {  	s8 =	simm.s32 $0x5700  }
0x46: {  	[tilespmem:s8], [sflag:$0x2] =	stream.indirect.gather [spmem:s2], $0x10, s25, s25, $0xb8;
	[tilespmem:$0x10430] =	vst v63  }
0x47: {  	s12 =	simm.s32 $0x100;
	s14 =	simm.s32 $0x5F00  }
0x48: {  	[tilespmem:s14], [sflag:$0x3] =	stream.indirect.gather [spmem:s2], $0x10, s12, s25, $0xb8;
	[tilespmem:$0x10430] =	vst v63  }
0x49: {  	s28 =	simm.s32 $0x180;
	s29 =	simm.s32 $0x6700  }
0x4a: {  	[tilespmem:s29], [sflag:$0x4] =	stream.indirect.gather [spmem:s2], $0x10, s28, s25, $0xb8;
	[tilespmem:$0x10430] =	vst v63  }
0x4b: {  	s7 =	simm.s32 $0x200;
	s8 =	simm.s32 $0x6F00  }
0x4c: {  	[tilespmem:s8], [sflag:$0x5] =	stream.indirect.gather [spmem:s2], $0x10, s7, s25, $0xb8;
	[tilespmem:$0x10430] =	vst v63  }
0x4d: {  	s12 =	simm.s32 $0x280;
	s14 =	simm.s32 $0x7700  }
0x4e: {  	[tilespmem:s14], [sflag:$0x6] =	stream.indirect.gather [spmem:s2], $0x10, s12, s25, $0xb8;
	[tilespmem:$0x10430] =	vst v63  }
0x4f: {  	s28 =	simm.s32 $0x300;
	s29 =	simm.s32 $0x7F00  }
0x50: {  	[tilespmem:s29], [sflag:$0x7] =	stream.indirect.gather [spmem:s2], $0x10, s28, s25, $0xb8;
	[tilespmem:$0x10430] =	vst v63  }
0x51: {  	p3 =	sle.u32 s4, $0x8;
	_ =	swait.ge [sflag:s1], $0x800  }
0x52: {  	p5 =	sne.s32 s15, $0x1;
	s6 =	simm.s32 $0x8;
	[sflag:s1] =	ssyncset.done $0x0  }
0x53: {  	s7 =	simm.s32 $0x2780;
	s14 =	simm.s32 $0x1;
	[sflag:s1] =	ssyncadd.s32 $0xFFFFF800  }
0x54: {  	[spmem:s3] =	stream.indirect.scatter.add.f32 [tilespmem:s0], [sflag:$0x9], $0x10, s7, s25, $0xb8;
	[tilespmem:$0x10430] =	vst v63  }
0x55: {  	p4 =	por $0x0, $0x0;
	s6 =	sand.u32 @!p3 $0x7, s6;
	s0 =	sand.u32 $0x7, s14  }
0x56: {  	s8 =	simm.s32 $0x380;
	s12 =	simm.s32 $0x8700;
	s28 =	sadd.s32 $0x1, s0  }
0x57: {  	[tilespmem:s12], [sflag:$0x8] =	stream.indirect.gather [spmem:s2], $0x10, s8, s25, $0xb8;
	[tilespmem:$0x10430] =	vst v63  }
0x58: {  	s30 =	sadd.s32 @!p3 $0x9, s6;
	s29 =	simm.s32 $0x2800;
	_ =	swait.ge [sflag:s28], $0x800  }
.Ltmp0:
0x59: {  	s8 =	sshll.u32 s0, $0xB;
	[sflag:s28] =	ssyncset.done $0x0;
	(pc) =	sbr.rel @!p5 .LBB2_2-.Ltmp0, $4  }
0x5a: {  	s0 =	sadd.s32 $0x9, s0;
	s8 =	sadd.s32 $0x4F00, s8;
	[sflag:s28] =	ssyncadd.s32 $0xFFFFF800  }
0x5b: {  	[spmem:s3] =	stream.indirect.scatter.add.f32 [tilespmem:s8], [sflag:s0], $0x10, s29, s25, $0xb8;
	[tilespmem:$0x10430] =	vst v63  }
0x5c: {  	s7 =	sshll.u32 @!p3 s6, $0xB;
	s6 =	sadd.s32 @!p3 $0x1, s6;
	_ =	swait.ge @!p3 [sflag:s30], $0x800  }
0x5d: {  	s0 =	simm.s32 $0x400;
	s8 =	sadd.s32 @!p3 $0x4F00, s7;
	[sflag:s30] =	ssyncset.done @!p3 $0x0  }
0x5e: {  	s28 =	simm.s32 $0x2  }
0x5f: {  	s29 =	simm.s32 $0x2880;
	[sflag:s30] =	ssyncadd.s32 @!p3 $0xFFFFF800;
	s30 =	simm.s32 @!p3 $0x80  }
0x60: {  	p5 =	sne.s32 s15, $0x2;
	p4 =	por $0x1, $0x1;
	s7 =	sand.u32 $0x7, s28  }
0x61: {  	[tilespmem:s8], [sflag:s6] =	stream.indirect.gather @!p3 [spmem:s2], $0x10, s0, s30, $0xb8;
	[tilespmem:$0x10430] =	vst v63  }
0x62: {  	s6 =	simm.s32 $0x9;
	p3 =	sle.u32 s4, $0x9;
	s14 =	sadd.s32 $0x1, s7  }
0x63: {  	s12 =	sshll.u32 s7, $0xB;
	s7 =	sadd.s32 $0x9, s7;
	_ =	swait.ge [sflag:s14], $0x800  }
.Ltmp1:
0x64: {  	s6 =	sand.u32 @!p3 $0x7, s6;
	[sflag:s14] =	ssyncset.done $0x0;
	(pc) =	sbr.rel @!p5 .LBB2_4-.Ltmp1, $4  }
0x65: {  	s26 =	sadd.s32 $0x4F00, s12;
	s30 =	sadd.s32 @!p3 $0x9, s6;
	[sflag:s14] =	ssyncadd.s32 $0xFFFFF800  }
0x66: {  	[spmem:s3] =	stream.indirect.scatter.add.f32 [tilespmem:s26], [sflag:s7], $0x10, s29, s25, $0xb8;
	[tilespmem:$0x10430] =	vst v63  }
0x67: {  	s7 =	sshll.u32 @!p3 s6, $0xB;
	s6 =	sadd.s32 @!p3 $0x1, s6;
	_ =	swait.ge @!p3 [sflag:s30], $0x800  }
0x68: {  	s8 =	sadd.s32 @!p3 $0x4F00, s7;
	s7 =	simm.s32 $0x400;
	[sflag:s30] =	ssyncset.done @!p3 $0x0  }
.LBB2_5:
0x69: {  	s12 =	smov.u32 s28;
	s28 =	sadd.s32 $0x1, s28  }
0x6a: {  	s29 =	sadd.s32 $0x80, s29;
	s7 =	sadd.s32 $0x80, s7;
	s14 =	sand.u32 $0x7, s28  }
0x6b: {  	[sflag:s30] =	ssyncadd.s32 @!p3 $0xFFFFF800;
	s30 =	simm.s32 @!p3 $0x80;
	s12 =	sadd.s32 $0x8, s12  }
0x6c: {  	p5 =	sne.s32 s15, s28;
	s26 =	sshll.u32 s14, $0xB;
	s5 =	sadd.s32 $0x1, s14  }
0x6d: {  	[tilespmem:s8], [sflag:s6] =	stream.indirect.gather @!p3 [spmem:s2], $0x10, s7, s30, $0xb8;
	[tilespmem:$0x10430] =	vst v63  }
0x6e: {  	s6 =	sadd.s32 $0x9, s14;
	p3 =	sge.u32 s12, s4;
	_ =	swait.ge [sflag:s5], $0x800  }
.Ltmp2:
0x6f: {  	s8 =	sand.u32 @!p3 $0x7, s12;
	[sflag:s5] =	ssyncset.done $0x0;
	(pc) =	sbr.rel @p5 .LBB2_5-.Ltmp2, $4  }
0x70: {  	s12 =	sadd.s32 $0x4F00, s26;
	s30 =	sadd.s32 @!p3 $0x9, s8;
	[sflag:s5] =	ssyncadd.s32 $0xFFFFF800  }
0x71: {  	[spmem:s3] =	stream.indirect.scatter.add.f32 [tilespmem:s12], [sflag:s6], $0x10, s29, s25, $0xb8;
	[tilespmem:$0x10430] =	vst v63  }
0x72: {  	s5 =	sshll.u32 @!p3 s8, $0xB;
	s6 =	sadd.s32 @!p3 $0x1, s8;
	_ =	swait.ge @!p3 [sflag:s30], $0x800  }
0x73: {  	s8 =	sadd.s32 @!p3 $0x4F00, s5;
	[sflag:s30] =	ssyncset.done @!p3 $0x0  }
0x74: {  	s26 =	simm.s32 $0x0  }
.LBB2_7:
0x75: {  	s5 =	sadd.s32 @p4 $0x80, s7  }
0x76: {  	[sflag:s30] =	ssyncadd.s32 @!p3 $0xFFFFF800;
	s7 =	simm.s32 @!p3 $0x80;
	s0 =	smov.u32 @p4 s5  }
0x77: {  	[tilespmem:s8], [sflag:s6] =	stream.indirect.gather @!p3 [spmem:s2], $0x10, s0, s7, $0xb8;
	[tilespmem:$0x10430] =	vst v63  }
0x78: {  	_ =	swait.ge [sflag:s13], $0x800  }
0x79: {  	[sflag:s13] =	ssyncset.done $0x0  }
0x7a: {  	[sflag:s13] =	ssyncadd.s32 $0xFFFFF800  }
0x7b: {  	_ =	swait.ge [sflag:s16], $0x800  }
0x7c: {  	[sflag:s16] =	ssyncset.done $0x0  }
0x7d: {  	[sflag:s16] =	ssyncadd.s32 $0xFFFFF800  }
0x7e: {  	_ =	swait.ge [sflag:s17], $0x800  }
0x7f: {  	[sflag:s17] =	ssyncset.done $0x0  }
0x80: {  	[sflag:s17] =	ssyncadd.s32 $0xFFFFF800  }
0x81: {  	_ =	swait.ge [sflag:s18], $0x800  }
0x82: {  	[sflag:s18] =	ssyncset.done $0x0  }
0x83: {  	[sflag:s18] =	ssyncadd.s32 $0xFFFFF800  }
0x84: {  	_ =	swait.ge [sflag:s19], $0x800  }
0x85: {  	[sflag:s19] =	ssyncset.done $0x0  }
0x86: {  	[sflag:s19] =	ssyncadd.s32 $0xFFFFF800  }
0x87: {  	_ =	swait.ge [sflag:s20], $0x800  }
0x88: {  	[sflag:s20] =	ssyncset.done $0x0  }
0x89: {  	[sflag:s20] =	ssyncadd.s32 $0xFFFFF800  }
0x8a: {  	_ =	swait.ge [sflag:s21], $0x800  }
0x8b: {  	[sflag:s21] =	ssyncset.done $0x0  }
0x8c: {  	[sflag:s21] =	ssyncadd.s32 $0xFFFFF800  }
0x8d: {  	_ =	swait.ge [sflag:s22], $0x800  }
0x8e: {  	[sflag:s22] =	ssyncset.done $0x0  }
0x8f: {  	[sflag:s22] =	ssyncadd.s32 $0xFFFFF800  }
0x90: {  	[bflag:$0x0] =	sbarrier.arrive $0xFFFF  }
0x91: {  	[tilespmem:s23], [sflag:$0x11] =	stream.linear.gather [spmem:s9], $0x2710, $0x38;
	[tilespmem:$0x10430] =	vst v63  }
0x92: {  	_ =	swait.ge [sflag:s24], $0x2710  }
0x93: {  	[sflag:s24] =	ssyncset.done $0x0  }
0x94: {  	s29 =	rddreg [dreg:$0x8];
	[sflag:s24] =	ssyncadd.s32 $0xFFFFD8F0  }
0x95: {  	[hbm4b:s29+s26] =	stream.linear.scatter [tilespmem:s23], [sflag:$0x11], $0x2710, $0x38;
	[tilespmem:$0x10430] =	vst v63  }
0x96: {  	_ =	swait.ge [sflag:s24], $0x2710  }
0x97: {  	s31 =	sadd.s32 $0x1, s31;
	s30 =	rddreg [dreg:$0x9]  }
0x98: {  	p3 =	sne.s32 s31, s30  }
.Ltmp3:
0x99: {  	_ = 	snop;
	(pc) =	sbr.rel @p3 .LBB2_1-.Ltmp3, $4  }
.Ltmp4:
0x9a: {  	_ = 	snop;
	(pc) =	sbr.rel @!p3 .LBB2_8-.Ltmp4, $4  }
0x9b: {  	_ = 	snop  }
0x9c: {  	[sflag:s24] =	ssyncset.done $0x0  }
0x9d: {  	[sflag:s24] =	ssyncadd.s32 $0xFFFFD8F0  }
0x9e: {  	_ = 	snop  }
.LBB2_2:
.Ltmp5:
0x9f: {  	(pc) =	sbr.rel .LBB2_7-.Ltmp5, $2  }
0xa0: {  	_ =	sdelay $0x2  }
0xa1: {  	s7 =	simm.s32 $0x400  }
.LBB2_4:
.Ltmp6:
0xa2: {  	(pc) =	sbr.rel .LBB2_7-.Ltmp6, $2  }
0xa3: {  	_ =	sdelay $0x2  }
0xa4: {  	s7 =	simm.s32 $0x400;
	s26 =	simm.s32 $0x0  }
.LBB2_8:
0xa5: {  	_ =	sfence.sel $0x180000  }
0xa6: {  	[bflag:$0x0] =	sbarrier.arrive $0xFFFF  }
0xa7: {  	_ =	strace $0x9000004A  }
0xa8: {  	s0 =	stileid.u32;
	[bflag:$0x2] =	sbarrier.arrive $0xFFFF  }
0xa9: {  	p0 =	sne.s32 s0, $0x0;
	s0 =	rddreg [dreg:$0x4]  }
0xaa: {  	s0 =	sadd.s32 @!p0 $0x100000, s0  }
0xab: {  	[sflag:s0] =	ssyncadd.tile.s32 @!p0 $0x1;
	_ =	shalt  }
.Lfunc_end2:
_tile_overlayer_lowered:
.L_overlay_start_2:
0xac: {  	(tag) =	ssettag $0x2  }
0xad: {  	s0 =	rddreg [dreg:$0x0];
	s2 =	stileid.u32  }
0xae: {  	s1 =	rddreg [dreg:$0x1];
	p0 =	sne.s32 s2, $0x0  }
0xaf: {  	s3 =	rddreg [dreg:$0x2];
	[bflag:$0x3] =	sbarrier.arrive $0xFFFF;
	s2 =	simm.s32 @!p0 $0x1C11  }
0xb0: {  	[timem:s3], [sflag:s2] =	dma.local @!p0 [hbm:s0], s1  }
0xb1: {  	s0 =	simm.s32 @!p0 $0x11  }
0xb2: {  	_ =	swait.ge @!p0 [sflag:s0], s1  }
0xb3: {  	s1 =	ssub.s32 @!p0 $0x0, s1;
	[sflag:s0] =	ssyncset.done @!p0 $0x0  }
0xb4: {  	[sflag:s0] =	ssyncadd.s32 @!p0 s1  }
0xb5: {  	[bflag:$0x3] =	sbarrier.arrive $0xFFFF  }
0xb6: {  	_ =	shalt  }

// kernel: kernel.18.cloned.1.call-start
scs
__scs_entry_jumppad:
0x0: {  	(pc) =	sbr.rel $0x88, $3  }
0x1: {  	(tag) =	ssettag $0x0;
	lr =	simm.s32 $0x1  }
0x2: {  	[smem:$0x3F97] =	sst lr;
	_ =	strace $0xD0000000  }
0x3: {  	_ = 	snop  }
0x4: {  	_ = 	snop  }
0x5: {  	_ = 	snop  }
0x6: {  	_ = 	snop  }
0x7: {  	_ = 	snop  }
__scs_overlays_trampoline_lowered:
0x8: {  	[smem:$0x3FA6] =	sst s0  }
0x9: {  	[smem:$0x3FA7] =	sst s1  }
0xa: {  	[smem:$0x3FA8] =	sst s2  }
0xb: {  	[smem:$0x3FA9] =	sst s3  }
0xc: {  	[smem:$0x3FAA] =	sst s4  }
0xd: {  	[smem:$0x3FAB] =	sst s5  }
0xe: {  	[smem:$0x3FAC] =	sst s6  }
0xf: {  	[smem:$0x3FAD] =	sst s7  }
0x10: {  	[smem:$0x3FAE] =	sst s8  }
0x11: {  	[smem:$0x3FAF] =	sst s9;
	s0 =	simm.s32 @!p0 $0x0  }
0x12: {  	s1 =	sld [smem:$0x3F95];
	s0 =	simm.s32 @p0 $0x1  }
0x13: {  	[smem:$0x3FB0] =	sst s0;
	s0 =	simm.s32 @!p1 $0x0  }
0x14: {  	s2 =	sld [smem:$0x3F94];
	s0 =	simm.s32 @p1 $0x1  }
0x15: {  	[smem:$0x3FB1] =	sst s0;
	s0 =	simm.s32 @!p2 $0x0  }
0x16: {  	s3 =	sld [smem:$0x3FDB];
	s0 =	simm.s32 @p2 $0x1  }
0x17: {  	s4 =	simm.s32 $0x1BF5;
	[smem:$0x3FB3] =	sst s0  }
0x18: {  	s0 =	sld [smem:$0x3F96];
	_ =	swait.ge [sflag:s4], $0x0  }
0x19: {  	s7 =	sld [smem:$0x3F97]  }
0x1a: {  	s8 =	sadd.s32 $0xFFFFE003, lr  }
0x1b: {  	s9 =	sadd.s32 $0xFFFFFEF7, lr;
	s5 =	simm.s32 $0xFFFFFFFF;
	p2 =	slt.u32 s8, $0xFFFFF086  }
0x1c: {  	p1 =	slt.u32 s9, $0xF7A;
	s5 =	simm.s32 @!p2 $0x0  }
0x1d: {  	s5 =	simm.s32 @p1 $0x1;
	p0 =	seq.s32 s7, s2  }
0x1e: {  	s7 =	smul.u32 @!p0 $0xF7A, s2;
	p2 =	seq.s32 @!p0 s5, $0x0  }
0x1f: {  	s9 =	smul.u32 $0xF7A, s1;
	s8 =	simm.s32 @!p0 $0x1BF5;
	p2 =	por !p2, p0  }
0x20: {  	[sflag:s8] =	ssyncset.s32 @!p0 $0xFFFFF086;
	s6 =	sadd.s32 @!p0 s3, s7;
	s7 =	simm.s32 @!p0 $0x108  }
0x21: {  	s3 =	sadd.s32 s3, s9;
	s6 =	sadd.s32 @!p0 $0x88, s6;
	s7 =	simm.s32 @p2 $0x1082  }
0x22: {  	[simem:s7], [sflag:s8] =	dma.local @!p0 [hbm:s6], $0xF7A  }
0x23: {  	s9 =	sor.u32 $0xD0000000, s2;
	s6 =	simm.s32 $0x108;
	_ =	swait.ge @!p0 [sflag:s8], $0x0  }
0x24: {  	s3 =	sadd.s32 $0x88, s3;
	s6 =	simm.s32 @!p1 $0x1082;
	[sflag:s4] =	ssyncset.s32 $0xFFFFF086  }
0x25: {  	[simem:s6], [sflag:s4] =	dma.local [hbm:s3], $0xF7A  }
0x26: {  	[smem:$0x3F97] =	sst s1;
	(tag) =	ssettag s2;
	_ =	strace s9  }
0x27: {  	s1 =	sld [smem:$0x3FA7]  }
0x28: {  	s2 =	sld [smem:$0x3FA8]  }
0x29: {  	s4 =	sld [smem:$0x3FAA]  }
0x2a: {  	p0 =	seq.s32 s5, $0x0;
	s5 =	sld [smem:$0x3FAB]  }
0x2b: {  	s6 =	sld [smem:$0x3FAC]  }
0x2c: {  	s7 =	sld [smem:$0x3FAD]  }
0x2d: {  	s3 =	simm.s32 $0x108;
	s8 =	sld [smem:$0x3FAE]  }
0x2e: {  	s3 =	simm.s32 @!p0 $0x1082;
	s9 =	sld [smem:$0x3FAF]  }
0x2f: {  	lr =	sadd.s32 s0, s3;
	s0 =	sld [smem:$0x3FA6]  }
0x30: {  	s3 =	sld [smem:$0x3FA9]  }
0x31: {  	[smem:$0x3FB2] =	sst s10  }
0x32: {  	s10 =	sld [smem:$0x3FB0];
	_ =	sdelay $0x3  }
0x33: {  	p0 =	seq.s32 s10, $0x1;
	s10 =	sld [smem:$0x3FB2];
	_ =	sdelay $0x3  }
0x34: {  	[smem:$0x3FB2] =	sst s10  }
0x35: {  	s10 =	sld [smem:$0x3FB1];
	_ =	sdelay $0x3  }
0x36: {  	p1 =	seq.s32 s10, $0x1;
	s10 =	sld [smem:$0x3FB2];
	_ =	sdelay $0x3  }
0x37: {  	[smem:$0x3FB2] =	sst s10  }
0x38: {  	s10 =	sld [smem:$0x3FB3]  }
0x39: {  	_ = 	snop;
	(pc) =	sbr.ind lr, $3  }
0x3a: {  	_ = 	snop  }
0x3b: {  	_ = 	snop  }
0x3c: {  	p2 =	seq.s32 s10, $0x1;
	s10 =	sld [smem:$0x3FB2]  }
0x3d: {  	_ =	shalt  }
0x3e: {  	_ =	shalt  }
0x3f: {  	_ =	shalt  }
0x40: {  	_ =	shalt  }
0x41: {  	_ =	shalt  }
0x42: {  	_ =	shalt  }
0x43: {  	_ =	shalt  }
0x44: {  	_ =	shalt  }
0x45: {  	_ =	shalt  }
0x46: {  	_ =	shalt  }
0x47: {  	_ =	shalt  }
0x48: {  	_ =	shalt  }
0x49: {  	_ =	shalt  }
0x4a: {  	_ =	shalt  }
0x4b: {  	_ =	shalt  }
0x4c: {  	_ =	shalt  }
0x4d: {  	_ =	shalt  }
0x4e: {  	_ =	shalt  }
0x4f: {  	_ =	shalt  }
0x50: {  	_ =	shalt  }
0x51: {  	_ =	shalt  }
0x52: {  	_ =	shalt  }
0x53: {  	_ =	shalt  }
0x54: {  	_ =	shalt  }
0x55: {  	_ =	shalt  }
0x56: {  	_ =	shalt  }
0x57: {  	_ =	shalt  }
0x58: {  	_ =	shalt  }
0x59: {  	_ =	shalt  }
0x5a: {  	_ =	shalt  }
0x5b: {  	_ =	shalt  }
0x5c: {  	_ =	shalt  }
0x5d: {  	_ =	shalt  }
0x5e: {  	_ =	shalt  }
0x5f: {  	_ =	shalt  }
0x60: {  	_ =	shalt  }
0x61: {  	_ =	shalt  }
0x62: {  	_ =	shalt  }
0x63: {  	_ =	shalt  }
0x64: {  	_ =	shalt  }
0x65: {  	_ =	shalt  }
0x66: {  	_ =	shalt  }
0x67: {  	_ =	shalt  }
0x68: {  	_ =	shalt  }
0x69: {  	_ =	shalt  }
0x6a: {  	_ =	shalt  }
0x6b: {  	_ =	shalt  }
0x6c: {  	_ =	shalt  }
0x6d: {  	_ =	shalt  }
0x6e: {  	_ =	shalt  }
0x6f: {  	_ =	shalt  }
0x70: {  	_ =	shalt  }
0x71: {  	_ =	shalt  }
0x72: {  	_ =	shalt  }
0x73: {  	_ =	shalt  }
0x74: {  	_ =	shalt  }
0x75: {  	_ =	shalt  }
0x76: {  	_ =	shalt  }
0x77: {  	_ =	shalt  }
0x78: {  	_ =	shalt  }
0x79: {  	_ =	shalt  }
0x7a: {  	_ =	shalt  }
0x7b: {  	_ =	shalt  }
0x7c: {  	_ =	shalt  }
0x7d: {  	_ =	shalt  }
0x7e: {  	_ =	shalt  }
0x7f: {  	_ =	shalt  }
0x80: {  	_ =	shalt  }
0x81: {  	_ =	shalt  }
0x82: {  	_ =	shalt  }
0x83: {  	_ =	shalt  }
0x84: {  	_ =	shalt  }
0x85: {  	_ =	shalt  }
0x86: {  	_ =	shalt  }
0x87: {  	_ =	shalt  }
.Lfunc_end0:
.L_simem_size_0:
called_computation.2_lowered:
.L_overlay_start_0:
0x88: {  	s2 =	sld [smem:$0x3FD9]  }
0x89: {  	s3 =	sld [smem:$0x3FFE];
	_ =	sdelay $0x1  }
0x8a: {  	s1 =	srdreg.scid  }
0x8b: {  	s0 =	sand.u32 $0x1, s1  }
0x8c: {  	s17 =	sshll.u32 s0, $0xA;
	s2 =	sadd.s32 s3, s2  }
0x8d: {  	s2 =	sadd.s32 s2, s17  }
0x8e: {  	[smem:$0x3FBE] =	sst s2  }
0x8f: {  	_ = 	snop  }
0x90: {  	s2 =	sld [smem:$0x3FD0];
	(tm) =	ssettm $0x1  }
0x91: {  	s18 =	sld [smem:$0x3FFB];
	_ =	sdelay $0x3  }
0x92: {  	_ =	strace s18  }
0x93: {  	s3 =	sld [smem:$0x3FFC];
	_ =	sdelay $0x3  }
0x94: {  	_ =	strace s3  }
0x95: {  	s3 =	sld [smem:$0x3FFD];
	_ =	sdelay $0x3  }
0x96: {  	_ =	strace s3  }
0x97: {  	_ =	strace $0x8FFFFFFF  }
0x98: {  	s19 =	sld [smem:$0x3FDB];
	_ =	sdelay $0x1  }
0x99: {  	s4 =	simm.s32 $_scs_section_size  }
0x9a: {  	s5 =	simm.s32 $_size__tile_overlayer_lowered;
	s6 =	simm.s32 $_tile_overlayer_lowered  }
0x9b: {  	s22 =	simm.s32 $0x1BFF;
	s21 =	sshll.u32 s6, $0x1;
	s3 =	sadd.s32 s4, s19  }
0x9c: {  	s7 =	simm.s32 $0x0;
	s20 =	sshll.u32 s5, $0x1;
	s5 =	sadd.s32 s21, s3  }
0x9d: {  	[timem:s7], [sflag:s22] =	dma.local [hbm:s5], s20  }
0x9e: {  	_ =	swait.ge [sflag:s22], s20  }
0x9f: {  	s4 =	ssub.s32 $0x0, s20;
	[sflag:s22] =	ssyncset.done $0x0  }
0xa0: {  	[sflag:s22] =	ssyncadd.s32 s4;
	_ =	sdelay $0x1  }
0xa1: {  	s23 =	simm.s32 $0x1B8B  }
0xa2: {  	_ =	swait.ge [sflag:s23], $0x1  }
0xa3: {  	[sflag:s23] =	ssyncset.done $0x0  }
0xa4: {  	s25 =	simm.s32 $0x1B8E;
	s24 =	sld [smem:$0x3FFE];
	[sflag:s23] =	ssyncadd.s32 $0xFFFFFFFF  }
0xa5: {  	s26 =	simm.s32 $execute0_lowered;
	[smem:$0x3FD2] =	sst s25  }
0xa6: {  	s5 =	sshll.u32 s26, $0x1;
	_ =	strace $0x8000004C;
	[dreg:$0x1] =	wrdreg $0xFFFFFFFF  }
0xa7: {  	s28 =	simm.s32 $_size_execute0_lowered;
	s3 =	sadd.s32 s3, s5;
	[dreg:$0x0] =	wrdreg $0x0  }
0xa8: {  	s5 =	sshll.u32 s28, $0x1;
	[dreg:$0x2] =	wrdreg s3  }
0xa9: {  	[dreg:$0x3] =	wrdreg s5  }
0xaa: {  	[dreg:$0x4] =	wrdreg $0xC0  }
0xab: {  	_ =	task [dreg:s7], $0x5FFFF  }
0xac: {  	[dreg:$0x1] =	wrdreg $0xFFFFFFFF  }
0xad: {  	[dreg:$0x0] =	wrdreg $0x60  }
0xae: {  	[dreg:$0x2] =	wrdreg s24  }
0xaf: {  	[dreg:$0x3] =	wrdreg s2  }
0xb0: {  	[dreg:$0x4] =	wrdreg $0x16B400  }
0xb1: {  	[dreg:$0x5] =	wrdreg $0x11D200  }
0xb2: {  	[dreg:$0x6] =	wrdreg $0x9  }
0xb3: {  	_ =	task.clear_ibuf [dreg:s7], $0x7FFFF;
	_ =	strace $0x9000004C  }
0xb4: {  	s29 =	simm.s32 $0x9;
	_ =	strace $0x8000004E  }
0xb5: {  	_ =	swait.ge [sflag:s29], $0x1  }
0xb6: {  	[sflag:s29] =	ssyncadd.s32 $0xFFFFFFFF  }
0xb7: {  	_ =	strace $0x9000004E  }
0xb8: {  	_ =	sfence  }
0xb9: {  	s30 =	sld [smem:$0x0];
	_ =	sdelay $0x2  }
0xba: {  	s31 =	sshll.u32 s1, $0xD;
	s1 =	sshrl.u32 s1, $0x2  }
0xbb: {  	s3 =	sand.u32 $0x4000, s31;
	s1 =	sadd.s32 s1, s30  }
0xbc: {  	s0 =	sor.u32 s3, s0;
	s1 =	sshll.u32 s1, $0x11  }
0xbd: {  	s0 =	sor.u32 s1, s0  }
0xbe: {  	s0 =	sadd.s32 $0x8F2B, s0  }
0xbf: {  	[sflag:s0] =	ssyncadd.remote.s32 $0x1  }
0xc0: {  	_ =	sfence.sel $0xFFFF  }
0xc1: {  	[dreg:$0x0] =	wrdreg $0xFFFFFFFF;
	(pc) =	sbr.abs _section_cstart, $3  }
0xc2: {  	[dreg:$0x1] =	wrdreg $0xFFFFFFFF  }
0xc3: {  	_ =	task.clear_ibuf [dreg:s7], $0x2FFFF;
	_ =	strace $0x9FFFFFFF  }
0xc4: {  	(tm) =	ssettm $0x7FFFFFFF  }
0xc5: {  	_ =	shalt  }
tec
execute0_lowered:
.L_overlay_start_1:
0x0: {  	(tag) =	ssettag $0x1  }
0x1: {  	s0 =	rddreg [dreg:$0x0]  }
0x2: {  	s1 =	rddreg [dreg:$0x1]  }
0x3: {  	s2 =	rddreg [dreg:$0x2]  }
0x4: {  	s3 =	rddreg [dreg:$0x3]  }
0x5: {  	s10 =	stileid.u32;
	s5 =	srdreg.scid;
	s4 =	simm.s32 $0x4E  }
0x6: {  	s26 =	simm.s32 $0x0;
	s31 =	simm.s32 $0x0;
	p1 =	sgt.u32 s10, $0x3  }
0x7: {  	s6 =	smul.u32 $0x9C, s10;
	s7 =	sand.u32 $0x1, s5;
	s8 =	smin.u32 s10, $0x4  }
0x8: {  	s13 =	smul.u32 $0x4E20, s10;
	[smem:$0x7FF] =	sst s26;
	s16 =	sadd.s32 $0xCC00, s0  }
0x9: {  	s4 =	simm.s32 @!p1 $0x4F;
	p0 =	seq.s32 s7, $0x1;
	s14 =	smul.u32 $0x4E200, s7  }
0xa: {  	_ =	strace $0x8000004D;
	s12 =	ssub.s32 $0x2, s7;
	[dreg:$0x5] =	wrdreg s16  }
0xb: {  	p2 =	seq.s32 s7, $0x0;
	s9 =	smov.u32 s4;
	s6 =	sadd.s32 s8, s6  }
0xc: {  	s11 =	sshrl.u32 s13, $0x3;
	s17 =	sshrl.u32 s12, $0x1;
	s4 =	simm.s32 @p0 $0x4E  }
0xd: {  	s19 =	sadd.s32 s13, s2;
	p1 =	por p1, p0;
	s9 =	simm.s32 @!p0 $0x0  }
0xe: {  	s11 =	sadd.s32 s11, s0;
	[dreg:$0x7] =	wrdreg s19;
	s20 =	sand.u32 $0x7, s4  }
0xf: {  	s21 =	sadd.s32 $0x1, s4;
	s23 =	sand.u32 $0x1, s4;
	s25 =	sand.u32 $0x3, s4  }
0x10: {  	s28 =	sadd.s32 $0x5, s4;
	s29 =	sadd.s32 $0x6, s4;
	s6 =	sadd.s32 s9, s6  }
0x11: {  	s9 =	sadd.s32 s13, s14;
	s14 =	ssub.s32 s12, s17;
	s18 =	sadd.s32 $0x12200, s11  }
0x12: {  	s17 =	sadd.s32 $0x9, s23;
	s19 =	sadd.s32 $0x9, s25;
	s23 =	simm.s32 $0xCF00  }
0x13: {  	s25 =	simm.s32 $0x80;
	s6 =	sshll.u32 s6, $0x4;
	s9 =	sshrl.u32 s9, $0x3  }
0x14: {  	[dreg:$0x6] =	wrdreg s18;
	s22 =	smax.u32 s14, $0x1;
	s15 =	sadd.s32 s6, s0  }
0x15: {  	s0 =	sadd.s32 s9, s0;
	s9 =	sadd.s32 s13, s3;
	s11 =	sadd.s32 s1, s6  }
0x16: {  	s13 =	sadd.s32 $0x9, s20;
	[dreg:$0x9] =	wrdreg s22;
	s1 =	sand.u32 $0x5, s29  }
0x17: {  	s10 =	sadd.s32 $0x2E00, s15;
	s0 =	sadd.s32 $0x1C000, s0;
	s15 =	sadd.s32 $0xFFFFFFFF, s4  }
0x18: {  	[dreg:$0x8] =	wrdreg s0;
	s0 =	sand.u32 $0x7, s21;
	s24 =	sand.u32 $0x3, s15  }
0x19: {  	s30 =	sand.u32 $0x7, s15;
	s21 =	sadd.s32 $0x9, s1;
	s1 =	simm.s32 $0x1  }
0x1a: {  	s16 =	sadd.s32 $0x9, s0;
	s18 =	sadd.s32 $0x9, s24;
	s0 =	sand.u32 $0x7, s28  }
0x1b: {  	s22 =	sadd.s32 $0x9, s30;
	s24 =	simm.s32 $0x11;
	s20 =	sadd.s32 $0x9, s0  }
.LBB2_1:
0x1c: {  	s0 =	rddreg [dreg:$0x6]  }
0x1d: {  	[tilespmem:s23], [sflag:$0x11] =	stream.linear.gather [hbm4b:s0+s26], $0x4E20, $0x38;
	[tilespmem:$0x1B960] =	vst v63  }
0x1e: {  	_ =	swait.ge [sflag:s24], $0x4E20  }
0x1f: {  	[sflag:s24] =	ssyncset.done $0x0  }
0x20: {  	s7 =	rddreg [dreg:$0x7];
	[sflag:s24] =	ssyncadd.s32 $0xFFFFB1E0  }
0x21: {  	[spmem:s7] =	stream.linear.scatter [tilespmem:s23], [sflag:$0x11], $0x4E20, $0x38;
	[tilespmem:$0x1B960] =	vst v63  }
0x22: {  	_ =	swait.ge [sflag:s24], $0x4E20  }
0x23: {  	[sflag:s24] =	ssyncset.done $0x0  }
0x24: {  	s0 =	simm.s32 @!p0 $0xCF00;
	[sflag:s24] =	ssyncadd.s32 $0xFFFFB1E0  }
0x25: {  	[spmem:s9] =	stream.linear.scatter @!p0 [tilespmem:s0], [sflag:$0x11], $0x4E20, $0x38;
	[tilespmem:$0x1B960] =	vst v63  }
0x26: {  	s0 =	simm.s32 @!p0 $0x11  }
0x27: {  	_ =	swait.ge @!p0 [sflag:s0], $0x4E20  }
0x28: {  	s6 =	simm.s32 @!p2 $0xCF00;
	[sflag:s0] =	ssyncset.done @!p0 $0x0  }
0x29: {  	s5 =	rddreg [dreg:$0x5];
	[sflag:s0] =	ssyncadd.s32 @!p0 $0xFFFFB1E0;
	s0 =	simm.s32 @!p2 $0x0  }
0x2a: {  	[tilespmem:s6], [sflag:$0x11] =	stream.linear.gather @!p2 [hbm4b:s5+s0], $0x4E20, $0x38;
	[tilespmem:$0x1B960] =	vst v63  }
0x2b: {  	s0 =	simm.s32 @!p2 $0x11  }
0x2c: {  	_ =	swait.ge @!p2 [sflag:s0], $0x4E20  }
0x2d: {  	[sflag:s0] =	ssyncset.done @!p2 $0x0  }
0x2e: {  	[sflag:s0] =	ssyncadd.s32 @!p2 $0xFFFFB1E0  }
0x2f: {  	[spmem:s9] =	stream.linear.scatter @!p2 [tilespmem:s6], [sflag:$0x11], $0x4E20, $0x38;
	[tilespmem:$0x1B960] =	vst v63  }
0x30: {  	_ =	swait.ge @!p2 [sflag:s0], $0x4E20  }
0x31: {  	[sflag:s0] =	ssyncset.done @!p2 $0x0  }
0x32: {  	s6 =	simm.s32 @p1 $0x11;
	[sflag:s0] =	ssyncadd.s32 @!p2 $0xFFFFB1E0;
	s0 =	simm.s32 @p1 $0x0  }
0x33: {  	[tilespmem:s0], [sflag:$0x11] =	stream.linear.gather @p1 [hbm4b:s10+s0], $0x2700, $0x38;
	[tilespmem:$0x1B960] =	vst v63  }
0x34: {  	_ =	swait.ge @p1 [sflag:s6], $0x2700  }
0x35: {  	[sflag:s6] =	ssyncset.done @p1 $0x0  }
0x36: {  	s7 =	simm.s32 @p1 $0x2780;
	[sflag:s6] =	ssyncadd.s32 @p1 $0xFFFFD900  }
0x37: {  	[tilespmem:s7], [sflag:$0x11] =	stream.linear.gather @p1 [hbm4b:s11+s0], $0x2700, $0x38;
	[tilespmem:$0x1B960] =	vst v63  }
0x38: {  	_ =	swait.ge @p1 [sflag:s6], $0x2700  }
0x39: {  	[sflag:s6] =	ssyncset.done @p1 $0x0  }
0x3a: {  	s0 =	simm.s32 @!p1 $0x0;
	[sflag:s6] =	ssyncadd.s32 @p1 $0xFFFFD900;
	s6 =	simm.s32 @!p1 $0x11  }
0x3b: {  	[tilespmem:s0], [sflag:$0x11] =	stream.linear.gather @!p1 [hbm4b:s10+s0], $0x2780, $0x38;
	[tilespmem:$0x1B960] =	vst v63  }
0x3c: {  	_ =	swait.ge @!p1 [sflag:s6], $0x2780  }
0x3d: {  	[sflag:s6] =	ssyncset.done @!p1 $0x0  }
0x3e: {  	s7 =	simm.s32 @!p1 $0x2780;
	[sflag:s6] =	ssyncadd.s32 @!p1 $0xFFFFD880  }
0x3f: {  	[tilespmem:s7], [sflag:$0x11] =	stream.linear.gather @!p1 [hbm4b:s11+s0], $0x2780, $0x38;
	[tilespmem:$0x1B960] =	vst v63  }
0x40: {  	_ =	swait.ge @!p1 [sflag:s6], $0x2780  }
0x41: {  	[sflag:s6] =	ssyncset.done @!p1 $0x0  }
0x42: {  	[sflag:s6] =	ssyncadd.s32 @!p1 $0xFFFFD880  }
0x43: {  	s0 =	simm.s32 $0x4F00;
	[bflag:$0x0] =	sbarrier.arrive $0xFFFF  }
0x44: {  	[tilespmem:s0], [sflag:$0x1] =	stream.indirect.gather [spmem:s2], $0x20, s26, s25, $0xb8;
	[tilespmem:$0x1B960] =	vst v63  }
0x45: {  	s8 =	simm.s32 $0x5F00  }
0x46: {  	[tilespmem:s8], [sflag:$0x2] =	stream.indirect.gather [spmem:s2], $0x20, s25, s25, $0xb8;
	[tilespmem:$0x1B960] =	vst v63  }
0x47: {  	s12 =	simm.s32 $0x100;
	s14 =	simm.s32 $0x6F00  }
0x48: {  	[tilespmem:s14], [sflag:$0x3] =	stream.indirect.gather [spmem:s2], $0x20, s12, s25, $0xb8;
	[tilespmem:$0x1B960] =	vst v63  }
0x49: {  	s28 =	simm.s32 $0x180;
	s29 =	simm.s32 $0x7F00  }
0x4a: {  	[tilespmem:s29], [sflag:$0x4] =	stream.indirect.gather [spmem:s2], $0x20, s28, s25, $0xb8;
	[tilespmem:$0x1B960] =	vst v63  }
0x4b: {  	s7 =	simm.s32 $0x200;
	s8 =	simm.s32 $0x8F00  }
0x4c: {  	[tilespmem:s8], [sflag:$0x5] =	stream.indirect.gather [spmem:s2], $0x20, s7, s25, $0xb8;
	[tilespmem:$0x1B960] =	vst v63  }
0x4d: {  	s12 =	simm.s32 $0x280;
	s14 =	simm.s32 $0x9F00  }
0x4e: {  	[tilespmem:s14], [sflag:$0x6] =	stream.indirect.gather [spmem:s2], $0x20, s12, s25, $0xb8;
	[tilespmem:$0x1B960] =	vst v63  }
0x4f: {  	s28 =	simm.s32 $0x300;
	s29 =	simm.s32 $0xAF00  }
0x50: {  	[tilespmem:s29], [sflag:$0x7] =	stream.indirect.gather [spmem:s2], $0x20, s28, s25, $0xb8;
	[tilespmem:$0x1B960] =	vst v63  }
0x51: {  	p3 =	sle.u32 s4, $0x8;
	_ =	swait.ge [sflag:s1], $0x1000  }
0x52: {  	p5 =	sne.s32 s15, $0x1;
	s6 =	simm.s32 $0x8;
	[sflag:s1] =	ssyncset.done $0x0  }
0x53: {  	s7 =	simm.s32 $0x2780;
	s14 =	simm.s32 $0x1;
	[sflag:s1] =	ssyncadd.s32 $0xFFFFF000  }
0x54: {  	[spmem:s3] =	stream.indirect.scatter.add.f32 [tilespmem:s0], [sflag:$0x9], $0x20, s7, s25, $0xb8;
	[tilespmem:$0x1B960] =	vst v63  }
0x55: {  	p4 =	por $0x0, $0x0;
	s6 =	sand.u32 @!p3 $0x7, s6;
	s0 =	sand.u32 $0x7, s14  }
0x56: {  	s8 =	simm.s32 $0x380;
	s12 =	simm.s32 $0xBF00;
	s28 =	sadd.s32 $0x1, s0  }
0x57: {  	[tilespmem:s12], [sflag:$0x8] =	stream.indirect.gather [spmem:s2], $0x20, s8, s25, $0xb8;
	[tilespmem:$0x1B960] =	vst v63  }
0x58: {  	s30 =	sadd.s32 @!p3 $0x9, s6;
	s29 =	simm.s32 $0x2800;
	_ =	swait.ge [sflag:s28], $0x1000  }
.Ltmp0:
0x59: {  	s8 =	sshll.u32 s0, $0xC;
	[sflag:s28] =	ssyncset.done $0x0;
	(pc) =	sbr.rel @!p5 .LBB2_2-.Ltmp0, $4  }
0x5a: {  	s0 =	sadd.s32 $0x9, s0;
	s8 =	sadd.s32 $0x4F00, s8;
	[sflag:s28] =	ssyncadd.s32 $0xFFFFF000  }
0x5b: {  	[spmem:s3] =	stream.indirect.scatter.add.f32 [tilespmem:s8], [sflag:s0], $0x20, s29, s25, $0xb8;
	[tilespmem:$0x1B960] =	vst v63  }
0x5c: {  	s7 =	sshll.u32 @!p3 s6, $0xC;
	s6 =	sadd.s32 @!p3 $0x1, s6;
	_ =	swait.ge @!p3 [sflag:s30], $0x1000  }
0x5d: {  	s0 =	simm.s32 $0x400;
	s8 =	sadd.s32 @!p3 $0x4F00, s7;
	[sflag:s30] =	ssyncset.done @!p3 $0x0  }
0x5e: {  	s28 =	simm.s32 $0x2  }
0x5f: {  	s29 =	simm.s32 $0x2880;
	[sflag:s30] =	ssyncadd.s32 @!p3 $0xFFFFF000;
	s30 =	simm.s32 @!p3 $0x80  }
0x60: {  	p5 =	sne.s32 s15, $0x2;
	p4 =	por $0x1, $0x1;
	s7 =	sand.u32 $0x7, s28  }
0x61: {  	[tilespmem:s8], [sflag:s6] =	stream.indirect.gather @!p3 [spmem:s2], $0x20, s0, s30, $0xb8;
	[tilespmem:$0x1B960] =	vst v63  }
0x62: {  	s6 =	simm.s32 $0x9;
	p3 =	sle.u32 s4, $0x9;
	s14 =	sadd.s32 $0x1, s7  }
0x63: {  	s12 =	sshll.u32 s7, $0xC;
	s7 =	sadd.s32 $0x9, s7;
	_ =	swait.ge [sflag:s14], $0x1000  }
.Ltmp1:
0x64: {  	s6 =	sand.u32 @!p3 $0x7, s6;
	[sflag:s14] =	ssyncset.done $0x0;
	(pc) =	sbr.rel @!p5 .LBB2_4-.Ltmp1, $4  }
0x65: {  	s26 =	sadd.s32 $0x4F00, s12;
	s30 =	sadd.s32 @!p3 $0x9, s6;
	[sflag:s14] =	ssyncadd.s32 $0xFFFFF000  }
0x66: {  	[spmem:s3] =	stream.indirect.scatter.add.f32 [tilespmem:s26], [sflag:s7], $0x20, s29, s25, $0xb8;
	[tilespmem:$0x1B960] =	vst v63  }
0x67: {  	s7 =	sshll.u32 @!p3 s6, $0xC;
	s6 =	sadd.s32 @!p3 $0x1, s6;
	_ =	swait.ge @!p3 [sflag:s30], $0x1000  }
0x68: {  	s8 =	sadd.s32 @!p3 $0x4F00, s7;
	s7 =	simm.s32 $0x400;
	[sflag:s30] =	ssyncset.done @!p3 $0x0  }
.LBB2_5:
0x69: {  	s12 =	smov.u32 s28;
	s28 =	sadd.s32 $0x1, s28  }
0x6a: {  	s29 =	sadd.s32 $0x80, s29;
	s7 =	sadd.s32 $0x80, s7;
	s14 =	sand.u32 $0x7, s28  }
0x6b: {  	[sflag:s30] =	ssyncadd.s32 @!p3 $0xFFFFF000;
	s30 =	simm.s32 @!p3 $0x80;
	s12 =	sadd.s32 $0x8, s12  }
0x6c: {  	p5 =	sne.s32 s15, s28;
	s26 =	sshll.u32 s14, $0xC;
	s5 =	sadd.s32 $0x1, s14  }
0x6d: {  	[tilespmem:s8], [sflag:s6] =	stream.indirect.gather @!p3 [spmem:s2], $0x20, s7, s30, $0xb8;
	[tilespmem:$0x1B960] =	vst v63  }
0x6e: {  	s6 =	sadd.s32 $0x9, s14;
	p3 =	sge.u32 s12, s4;
	_ =	swait.ge [sflag:s5], $0x1000  }
.Ltmp2:
0x6f: {  	s8 =	sand.u32 @!p3 $0x7, s12;
	[sflag:s5] =	ssyncset.done $0x0;
	(pc) =	sbr.rel @p5 .LBB2_5-.Ltmp2, $4  }
0x70: {  	s12 =	sadd.s32 $0x4F00, s26;
	s30 =	sadd.s32 @!p3 $0x9, s8;
	[sflag:s5] =	ssyncadd.s32 $0xFFFFF000  }
0x71: {  	[spmem:s3] =	stream.indirect.scatter.add.f32 [tilespmem:s12], [sflag:s6], $0x20, s29, s25, $0xb8;
	[tilespmem:$0x1B960] =	vst v63  }
0x72: {  	s5 =	sshll.u32 @!p3 s8, $0xC;
	s6 =	sadd.s32 @!p3 $0x1, s8;
	_ =	swait.ge @!p3 [sflag:s30], $0x1000  }
0x73: {  	s8 =	sadd.s32 @!p3 $0x4F00, s5;
	[sflag:s30] =	ssyncset.done @!p3 $0x0  }
0x74: {  	s26 =	simm.s32 $0x0  }
.LBB2_7:
0x75: {  	s5 =	sadd.s32 @p4 $0x80, s7  }
0x76: {  	[sflag:s30] =	ssyncadd.s32 @!p3 $0xFFFFF000;
	s7 =	simm.s32 @!p3 $0x80;
	s0 =	smov.u32 @p4 s5  }
0x77: {  	[tilespmem:s8], [sflag:s6] =	stream.indirect.gather @!p3 [spmem:s2], $0x20, s0, s7, $0xb8;
	[tilespmem:$0x1B960] =	vst v63  }
0x78: {  	_ =	swait.ge [sflag:s13], $0x1000  }
0x79: {  	[sflag:s13] =	ssyncset.done $0x0  }
0x7a: {  	[sflag:s13] =	ssyncadd.s32 $0xFFFFF000  }
0x7b: {  	_ =	swait.ge [sflag:s16], $0x1000  }
0x7c: {  	[sflag:s16] =	ssyncset.done $0x0  }
0x7d: {  	[sflag:s16] =	ssyncadd.s32 $0xFFFFF000  }
0x7e: {  	_ =	swait.ge [sflag:s17], $0x1000  }
0x7f: {  	[sflag:s17] =	ssyncset.done $0x0  }
0x80: {  	[sflag:s17] =	ssyncadd.s32 $0xFFFFF000  }
0x81: {  	_ =	swait.ge [sflag:s18], $0x1000  }
0x82: {  	[sflag:s18] =	ssyncset.done $0x0  }
0x83: {  	[sflag:s18] =	ssyncadd.s32 $0xFFFFF000  }
0x84: {  	_ =	swait.ge [sflag:s19], $0x1000  }
0x85: {  	[sflag:s19] =	ssyncset.done $0x0  }
0x86: {  	[sflag:s19] =	ssyncadd.s32 $0xFFFFF000  }
0x87: {  	_ =	swait.ge [sflag:s20], $0x1000  }
0x88: {  	[sflag:s20] =	ssyncset.done $0x0  }
0x89: {  	[sflag:s20] =	ssyncadd.s32 $0xFFFFF000  }
0x8a: {  	_ =	swait.ge [sflag:s21], $0x1000  }
0x8b: {  	[sflag:s21] =	ssyncset.done $0x0  }
0x8c: {  	[sflag:s21] =	ssyncadd.s32 $0xFFFFF000  }
0x8d: {  	_ =	swait.ge [sflag:s22], $0x1000  }
0x8e: {  	[sflag:s22] =	ssyncset.done $0x0  }
0x8f: {  	[sflag:s22] =	ssyncadd.s32 $0xFFFFF000  }
0x90: {  	[bflag:$0x0] =	sbarrier.arrive $0xFFFF  }
0x91: {  	[tilespmem:s23], [sflag:$0x11] =	stream.linear.gather [spmem:s9], $0x4E20, $0x38;
	[tilespmem:$0x1B960] =	vst v63  }
0x92: {  	_ =	swait.ge [sflag:s24], $0x4E20  }
0x93: {  	[sflag:s24] =	ssyncset.done $0x0  }
0x94: {  	s29 =	rddreg [dreg:$0x8];
	[sflag:s24] =	ssyncadd.s32 $0xFFFFB1E0  }
0x95: {  	[hbm4b:s29+s26] =	stream.linear.scatter [tilespmem:s23], [sflag:$0x11], $0x4E20, $0x38;
	[tilespmem:$0x1B960] =	vst v63  }
0x96: {  	_ =	swait.ge [sflag:s24], $0x4E20  }
0x97: {  	s31 =	sadd.s32 $0x1, s31;
	s30 =	rddreg [dreg:$0x9]  }
0x98: {  	p3 =	sne.s32 s31, s30  }
.Ltmp3:
0x99: {  	_ = 	snop;
	(pc) =	sbr.rel @p3 .LBB2_1-.Ltmp3, $4  }
.Ltmp4:
0x9a: {  	_ = 	snop;
	(pc) =	sbr.rel @!p3 .LBB2_8-.Ltmp4, $4  }
0x9b: {  	_ = 	snop  }
0x9c: {  	[sflag:s24] =	ssyncset.done $0x0  }
0x9d: {  	[sflag:s24] =	ssyncadd.s32 $0xFFFFB1E0  }
0x9e: {  	_ = 	snop  }
.LBB2_2:
.Ltmp5:
0x9f: {  	(pc) =	sbr.rel .LBB2_7-.Ltmp5, $2  }
0xa0: {  	_ =	sdelay $0x2  }
0xa1: {  	s7 =	simm.s32 $0x400  }
.LBB2_4:
.Ltmp6:
0xa2: {  	(pc) =	sbr.rel .LBB2_7-.Ltmp6, $2  }
0xa3: {  	_ =	sdelay $0x2  }
0xa4: {  	s7 =	simm.s32 $0x400;
	s26 =	simm.s32 $0x0  }
.LBB2_8:
0xa5: {  	_ =	sfence.sel $0x180000  }
0xa6: {  	[bflag:$0x0] =	sbarrier.arrive $0xFFFF  }
0xa7: {  	_ =	strace $0x9000004D  }
0xa8: {  	s0 =	stileid.u32;
	[bflag:$0x2] =	sbarrier.arrive $0xFFFF  }
0xa9: {  	p0 =	sne.s32 s0, $0x0;
	s0 =	rddreg [dreg:$0x4]  }
0xaa: {  	s0 =	sadd.s32 @!p0 $0x100000, s0  }
0xab: {  	[sflag:s0] =	ssyncadd.tile.s32 @!p0 $0x1;
	_ =	shalt  }
.Lfunc_end2:
_tile_overlayer_lowered:
.L_overlay_start_2:
0xac: {  	(tag) =	ssettag $0x2  }
0xad: {  	s0 =	rddreg [dreg:$0x0];
	s2 =	stileid.u32  }
0xae: {  	s1 =	rddreg [dreg:$0x1];
	p0 =	sne.s32 s2, $0x0  }
0xaf: {  	s3 =	rddreg [dreg:$0x2];
	[bflag:$0x3] =	sbarrier.arrive $0xFFFF;
	s2 =	simm.s32 @!p0 $0x1C11  }
0xb0: {  	[timem:s3], [sflag:s2] =	dma.local @!p0 [hbm:s0], s1  }
0xb1: {  	s0 =	simm.s32 @!p0 $0x11  }
0xb2: {  	_ =	swait.ge @!p0 [sflag:s0], s1  }
0xb3: {  	s1 =	ssub.s32 @!p0 $0x0, s1;
	[sflag:s0] =	ssyncset.done @!p0 $0x0  }
0xb4: {  	[sflag:s0] =	ssyncadd.s32 @!p0 s1  }
0xb5: {  	[bflag:$0x3] =	sbarrier.arrive $0xFFFF  }
0xb6: {  	_ =	shalt  }

// kernel: kernel.21.cloned.1.call-start
scs
__scs_entry_jumppad:
0x0: {  	(pc) =	sbr.rel $0x88, $3  }
0x1: {  	(tag) =	ssettag $0x0;
	lr =	simm.s32 $0x1  }
0x2: {  	[smem:$0x3F97] =	sst lr;
	_ =	strace $0xD0000000  }
0x3: {  	_ = 	snop  }
0x4: {  	_ = 	snop  }
0x5: {  	_ = 	snop  }
0x6: {  	_ = 	snop  }
0x7: {  	_ = 	snop  }
__scs_overlays_trampoline_lowered:
0x8: {  	[smem:$0x3FA6] =	sst s0  }
0x9: {  	[smem:$0x3FA7] =	sst s1  }
0xa: {  	[smem:$0x3FA8] =	sst s2  }
0xb: {  	[smem:$0x3FA9] =	sst s3  }
0xc: {  	[smem:$0x3FAA] =	sst s4  }
0xd: {  	[smem:$0x3FAB] =	sst s5  }
0xe: {  	[smem:$0x3FAC] =	sst s6  }
0xf: {  	[smem:$0x3FAD] =	sst s7  }
0x10: {  	[smem:$0x3FAE] =	sst s8  }
0x11: {  	[smem:$0x3FAF] =	sst s9;
	s0 =	simm.s32 @!p0 $0x0  }
0x12: {  	s1 =	sld [smem:$0x3F95];
	s0 =	simm.s32 @p0 $0x1  }
0x13: {  	[smem:$0x3FB0] =	sst s0;
	s0 =	simm.s32 @!p1 $0x0  }
0x14: {  	s2 =	sld [smem:$0x3F94];
	s0 =	simm.s32 @p1 $0x1  }
0x15: {  	[smem:$0x3FB1] =	sst s0;
	s0 =	simm.s32 @!p2 $0x0  }
0x16: {  	s3 =	sld [smem:$0x3FDB];
	s0 =	simm.s32 @p2 $0x1  }
0x17: {  	s4 =	simm.s32 $0x1BF5;
	[smem:$0x3FB3] =	sst s0  }
0x18: {  	s0 =	sld [smem:$0x3F96];
	_ =	swait.ge [sflag:s4], $0x0  }
0x19: {  	s7 =	sld [smem:$0x3F97]  }
0x1a: {  	s8 =	sadd.s32 $0xFFFFE003, lr  }
0x1b: {  	s9 =	sadd.s32 $0xFFFFFEF7, lr;
	s5 =	simm.s32 $0xFFFFFFFF;
	p2 =	slt.u32 s8, $0xFFFFF086  }
0x1c: {  	p1 =	slt.u32 s9, $0xF7A;
	s5 =	simm.s32 @!p2 $0x0  }
0x1d: {  	s5 =	simm.s32 @p1 $0x1;
	p0 =	seq.s32 s7, s2  }
0x1e: {  	s7 =	smul.u32 @!p0 $0xF7A, s2;
	p2 =	seq.s32 @!p0 s5, $0x0  }
0x1f: {  	s9 =	smul.u32 $0xF7A, s1;
	s8 =	simm.s32 @!p0 $0x1BF5;
	p2 =	por !p2, p0  }
0x20: {  	[sflag:s8] =	ssyncset.s32 @!p0 $0xFFFFF086;
	s6 =	sadd.s32 @!p0 s3, s7;
	s7 =	simm.s32 @!p0 $0x108  }
0x21: {  	s3 =	sadd.s32 s3, s9;
	s6 =	sadd.s32 @!p0 $0x88, s6;
	s7 =	simm.s32 @p2 $0x1082  }
0x22: {  	[simem:s7], [sflag:s8] =	dma.local @!p0 [hbm:s6], $0xF7A  }
0x23: {  	s9 =	sor.u32 $0xD0000000, s2;
	s6 =	simm.s32 $0x108;
	_ =	swait.ge @!p0 [sflag:s8], $0x0  }
0x24: {  	s3 =	sadd.s32 $0x88, s3;
	s6 =	simm.s32 @!p1 $0x1082;
	[sflag:s4] =	ssyncset.s32 $0xFFFFF086  }
0x25: {  	[simem:s6], [sflag:s4] =	dma.local [hbm:s3], $0xF7A  }
0x26: {  	[smem:$0x3F97] =	sst s1;
	(tag) =	ssettag s2;
	_ =	strace s9  }
0x27: {  	s1 =	sld [smem:$0x3FA7]  }
0x28: {  	s2 =	sld [smem:$0x3FA8]  }
0x29: {  	s4 =	sld [smem:$0x3FAA]  }
0x2a: {  	p0 =	seq.s32 s5, $0x0;
	s5 =	sld [smem:$0x3FAB]  }
0x2b: {  	s6 =	sld [smem:$0x3FAC]  }
0x2c: {  	s7 =	sld [smem:$0x3FAD]  }
0x2d: {  	s3 =	simm.s32 $0x108;
	s8 =	sld [smem:$0x3FAE]  }
0x2e: {  	s3 =	simm.s32 @!p0 $0x1082;
	s9 =	sld [smem:$0x3FAF]  }
0x2f: {  	lr =	sadd.s32 s0, s3;
	s0 =	sld [smem:$0x3FA6]  }
0x30: {  	s3 =	sld [smem:$0x3FA9]  }
0x31: {  	[smem:$0x3FB2] =	sst s10  }
0x32: {  	s10 =	sld [smem:$0x3FB0];
	_ =	sdelay $0x3  }
0x33: {  	p0 =	seq.s32 s10, $0x1;
	s10 =	sld [smem:$0x3FB2];
	_ =	sdelay $0x3  }
0x34: {  	[smem:$0x3FB2] =	sst s10  }
0x35: {  	s10 =	sld [smem:$0x3FB1];
	_ =	sdelay $0x3  }
0x36: {  	p1 =	seq.s32 s10, $0x1;
	s10 =	sld [smem:$0x3FB2];
	_ =	sdelay $0x3  }
0x37: {  	[smem:$0x3FB2] =	sst s10  }
0x38: {  	s10 =	sld [smem:$0x3FB3]  }
0x39: {  	_ = 	snop;
	(pc) =	sbr.ind lr, $3  }
0x3a: {  	_ = 	snop  }
0x3b: {  	_ = 	snop  }
0x3c: {  	p2 =	seq.s32 s10, $0x1;
	s10 =	sld [smem:$0x3FB2]  }
0x3d: {  	_ =	shalt  }
0x3e: {  	_ =	shalt  }
0x3f: {  	_ =	shalt  }
0x40: {  	_ =	shalt  }
0x41: {  	_ =	shalt  }
0x42: {  	_ =	shalt  }
0x43: {  	_ =	shalt  }
0x44: {  	_ =	shalt  }
0x45: {  	_ =	shalt  }
0x46: {  	_ =	shalt  }
0x47: {  	_ =	shalt  }
0x48: {  	_ =	shalt  }
0x49: {  	_ =	shalt  }
0x4a: {  	_ =	shalt  }
0x4b: {  	_ =	shalt  }
0x4c: {  	_ =	shalt  }
0x4d: {  	_ =	shalt  }
0x4e: {  	_ =	shalt  }
0x4f: {  	_ =	shalt  }
0x50: {  	_ =	shalt  }
0x51: {  	_ =	shalt  }
0x52: {  	_ =	shalt  }
0x53: {  	_ =	shalt  }
0x54: {  	_ =	shalt  }
0x55: {  	_ =	shalt  }
0x56: {  	_ =	shalt  }
0x57: {  	_ =	shalt  }
0x58: {  	_ =	shalt  }
0x59: {  	_ =	shalt  }
0x5a: {  	_ =	shalt  }
0x5b: {  	_ =	shalt  }
0x5c: {  	_ =	shalt  }
0x5d: {  	_ =	shalt  }
0x5e: {  	_ =	shalt  }
0x5f: {  	_ =	shalt  }
0x60: {  	_ =	shalt  }
0x61: {  	_ =	shalt  }
0x62: {  	_ =	shalt  }
0x63: {  	_ =	shalt  }
0x64: {  	_ =	shalt  }
0x65: {  	_ =	shalt  }
0x66: {  	_ =	shalt  }
0x67: {  	_ =	shalt  }
0x68: {  	_ =	shalt  }
0x69: {  	_ =	shalt  }
0x6a: {  	_ =	shalt  }
0x6b: {  	_ =	shalt  }
0x6c: {  	_ =	shalt  }
0x6d: {  	_ =	shalt  }
0x6e: {  	_ =	shalt  }
0x6f: {  	_ =	shalt  }
0x70: {  	_ =	shalt  }
0x71: {  	_ =	shalt  }
0x72: {  	_ =	shalt  }
0x73: {  	_ =	shalt  }
0x74: {  	_ =	shalt  }
0x75: {  	_ =	shalt  }
0x76: {  	_ =	shalt  }
0x77: {  	_ =	shalt  }
0x78: {  	_ =	shalt  }
0x79: {  	_ =	shalt  }
0x7a: {  	_ =	shalt  }
0x7b: {  	_ =	shalt  }
0x7c: {  	_ =	shalt  }
0x7d: {  	_ =	shalt  }
0x7e: {  	_ =	shalt  }
0x7f: {  	_ =	shalt  }
0x80: {  	_ =	shalt  }
0x81: {  	_ =	shalt  }
0x82: {  	_ =	shalt  }
0x83: {  	_ =	shalt  }
0x84: {  	_ =	shalt  }
0x85: {  	_ =	shalt  }
0x86: {  	_ =	shalt  }
0x87: {  	_ =	shalt  }
.Lfunc_end0:
.L_simem_size_0:
called_computation.3_lowered:
.L_overlay_start_0:
0x88: {  	s2 =	sld [smem:$0x3FD9]  }
0x89: {  	s3 =	sld [smem:$0x3FFE];
	_ =	sdelay $0x1  }
0x8a: {  	s1 =	srdreg.scid  }
0x8b: {  	s0 =	sand.u32 $0x1, s1  }
0x8c: {  	s17 =	sshll.u32 s0, $0xA;
	s2 =	sadd.s32 s3, s2  }
0x8d: {  	s2 =	sadd.s32 s2, s17  }
0x8e: {  	[smem:$0x3FBE] =	sst s2  }
0x8f: {  	_ = 	snop  }
0x90: {  	s2 =	sld [smem:$0x3FD0];
	(tm) =	ssettm $0x1  }
0x91: {  	s18 =	sld [smem:$0x3FFB];
	_ =	sdelay $0x3  }
0x92: {  	_ =	strace s18  }
0x93: {  	s3 =	sld [smem:$0x3FFC];
	_ =	sdelay $0x3  }
0x94: {  	_ =	strace s3  }
0x95: {  	s3 =	sld [smem:$0x3FFD];
	_ =	sdelay $0x3  }
0x96: {  	_ =	strace s3  }
0x97: {  	_ =	strace $0x8FFFFFFF  }
0x98: {  	s19 =	sld [smem:$0x3FDB];
	_ =	sdelay $0x1  }
0x99: {  	s4 =	simm.s32 $_scs_section_size  }
0x9a: {  	s5 =	simm.s32 $_size__tile_overlayer_lowered;
	s6 =	simm.s32 $_tile_overlayer_lowered  }
0x9b: {  	s22 =	simm.s32 $0x1BFF;
	s21 =	sshll.u32 s6, $0x1;
	s3 =	sadd.s32 s4, s19  }
0x9c: {  	s7 =	simm.s32 $0x0;
	s20 =	sshll.u32 s5, $0x1;
	s5 =	sadd.s32 s21, s3  }
0x9d: {  	[timem:s7], [sflag:s22] =	dma.local [hbm:s5], s20  }
0x9e: {  	_ =	swait.ge [sflag:s22], s20  }
0x9f: {  	s4 =	ssub.s32 $0x0, s20;
	[sflag:s22] =	ssyncset.done $0x0  }
0xa0: {  	[sflag:s22] =	ssyncadd.s32 s4;
	_ =	sdelay $0x1  }
0xa1: {  	s23 =	simm.s32 $0x1B8B  }
0xa2: {  	_ =	swait.ge [sflag:s23], $0x1  }
0xa3: {  	[sflag:s23] =	ssyncset.done $0x0  }
0xa4: {  	s25 =	simm.s32 $0x1B8E;
	s24 =	sld [smem:$0x3FFE];
	[sflag:s23] =	ssyncadd.s32 $0xFFFFFFFF  }
0xa5: {  	s26 =	simm.s32 $execute0_lowered;
	[smem:$0x3FD2] =	sst s25  }
0xa6: {  	s5 =	sshll.u32 s26, $0x1;
	_ =	strace $0x8000004F;
	[dreg:$0x1] =	wrdreg $0xFFFFFFFF  }
0xa7: {  	s28 =	simm.s32 $_size_execute0_lowered;
	s3 =	sadd.s32 s3, s5;
	[dreg:$0x0] =	wrdreg $0x0  }
0xa8: {  	s5 =	sshll.u32 s28, $0x1;
	[dreg:$0x2] =	wrdreg s3  }
0xa9: {  	[dreg:$0x3] =	wrdreg s5  }
0xaa: {  	[dreg:$0x4] =	wrdreg $0xC0  }
0xab: {  	_ =	task [dreg:s7], $0x5FFFF  }
0xac: {  	[dreg:$0x1] =	wrdreg $0xFFFFFFFF  }
0xad: {  	[dreg:$0x0] =	wrdreg $0x60  }
0xae: {  	[dreg:$0x2] =	wrdreg s24  }
0xaf: {  	[dreg:$0x3] =	wrdreg s2  }
0xb0: {  	[dreg:$0x4] =	wrdreg $0x16B400  }
0xb1: {  	[dreg:$0x5] =	wrdreg $0x11D200  }
0xb2: {  	[dreg:$0x6] =	wrdreg $0x9  }
0xb3: {  	_ =	task.clear_ibuf [dreg:s7], $0x7FFFF;
	_ =	strace $0x9000004F  }
0xb4: {  	s29 =	simm.s32 $0x9;
	_ =	strace $0x80000051  }
0xb5: {  	_ =	swait.ge [sflag:s29], $0x1  }
0xb6: {  	[sflag:s29] =	ssyncadd.s32 $0xFFFFFFFF  }
0xb7: {  	_ =	strace $0x90000051  }
0xb8: {  	_ =	sfence  }
0xb9: {  	s30 =	sld [smem:$0x0];
	_ =	sdelay $0x2  }
0xba: {  	s31 =	sshll.u32 s1, $0xD;
	s1 =	sshrl.u32 s1, $0x2  }
0xbb: {  	s3 =	sand.u32 $0x4000, s31;
	s1 =	sadd.s32 s1, s30  }
0xbc: {  	s0 =	sor.u32 s3, s0;
	s1 =	sshll.u32 s1, $0x11  }
0xbd: {  	s0 =	sor.u32 s1, s0  }
0xbe: {  	s0 =	sadd.s32 $0x8F2B, s0  }
0xbf: {  	[sflag:s0] =	ssyncadd.remote.s32 $0x1  }
0xc0: {  	_ =	sfence.sel $0xFFFF  }
0xc1: {  	[dreg:$0x0] =	wrdreg $0xFFFFFFFF;
	(pc) =	sbr.abs _section_cstart, $3  }
0xc2: {  	[dreg:$0x1] =	wrdreg $0xFFFFFFFF  }
0xc3: {  	_ =	task.clear_ibuf [dreg:s7], $0x2FFFF;
	_ =	strace $0x9FFFFFFF  }
0xc4: {  	(tm) =	ssettm $0x7FFFFFFF  }
0xc5: {  	_ =	shalt  }
tec
execute0_lowered:
.L_overlay_start_1:
0x0: {  	(tag) =	ssettag $0x1  }
0x1: {  	s0 =	rddreg [dreg:$0x0]  }
0x2: {  	s1 =	rddreg [dreg:$0x1]  }
0x3: {  	s2 =	rddreg [dreg:$0x2]  }
0x4: {  	s3 =	rddreg [dreg:$0x3]  }
0x5: {  	s10 =	stileid.u32;
	s5 =	srdreg.scid;
	s4 =	simm.s32 $0x4E  }
0x6: {  	s26 =	simm.s32 $0x0;
	s31 =	simm.s32 $0x0;
	p1 =	sgt.u32 s10, $0x3  }
0x7: {  	s6 =	smul.u32 $0x9C, s10;
	s7 =	sand.u32 $0x1, s5;
	s8 =	smin.u32 s10, $0x4  }
0x8: {  	s13 =	smul.u32 $0x4E20, s10;
	[smem:$0x7FF] =	sst s26;
	s16 =	sadd.s32 $0xCC00, s0  }
0x9: {  	s4 =	simm.s32 @!p1 $0x4F;
	p0 =	seq.s32 s7, $0x1;
	s14 =	smul.u32 $0x4E200, s7  }
0xa: {  	_ =	strace $0x80000050;
	s12 =	ssub.s32 $0x2, s7;
	[dreg:$0x5] =	wrdreg s16  }
0xb: {  	p2 =	seq.s32 s7, $0x0;
	s9 =	smov.u32 s4;
	s6 =	sadd.s32 s8, s6  }
0xc: {  	s11 =	sshrl.u32 s13, $0x3;
	s17 =	sshrl.u32 s12, $0x1;
	s4 =	simm.s32 @p0 $0x4E  }
0xd: {  	s19 =	sadd.s32 s13, s2;
	p1 =	por p1, p0;
	s9 =	simm.s32 @!p0 $0x0  }
0xe: {  	s11 =	sadd.s32 s11, s0;
	[dreg:$0x7] =	wrdreg s19;
	s20 =	sand.u32 $0x7, s4  }
0xf: {  	s21 =	sadd.s32 $0x1, s4;
	s23 =	sand.u32 $0x1, s4;
	s25 =	sand.u32 $0x3, s4  }
0x10: {  	s28 =	sadd.s32 $0x5, s4;
	s29 =	sadd.s32 $0x6, s4;
	s6 =	sadd.s32 s9, s6  }
0x11: {  	s9 =	sadd.s32 s13, s14;
	s14 =	ssub.s32 s12, s17;
	s18 =	sadd.s32 $0x12200, s11  }
0x12: {  	s17 =	sadd.s32 $0x9, s23;
	s19 =	sadd.s32 $0x9, s25;
	s23 =	simm.s32 $0xCF00  }
0x13: {  	s25 =	simm.s32 $0x80;
	s6 =	sshll.u32 s6, $0x4;
	s9 =	sshrl.u32 s9, $0x3  }
0x14: {  	[dreg:$0x6] =	wrdreg s18;
	s22 =	smax.u32 s14, $0x1;
	s15 =	sadd.s32 s6, s0  }
0x15: {  	s0 =	sadd.s32 s9, s0;
	s9 =	sadd.s32 s13, s3;
	s11 =	sadd.s32 s1, s6  }
0x16: {  	s13 =	sadd.s32 $0x9, s20;
	[dreg:$0x9] =	wrdreg s22;
	s1 =	sand.u32 $0x5, s29  }
0x17: {  	s10 =	sadd.s32 $0x2E00, s15;
	s0 =	sadd.s32 $0x1C000, s0;
	s15 =	sadd.s32 $0xFFFFFFFF, s4  }
0x18: {  	[dreg:$0x8] =	wrdreg s0;
	s0 =	sand.u32 $0x7, s21;
	s24 =	sand.u32 $0x3, s15  }
0x19: {  	s30 =	sand.u32 $0x7, s15;
	s21 =	sadd.s32 $0x9, s1;
	s1 =	simm.s32 $0x1  }
0x1a: {  	s16 =	sadd.s32 $0x9, s0;
	s18 =	sadd.s32 $0x9, s24;
	s0 =	sand.u32 $0x7, s28  }
0x1b: {  	s22 =	sadd.s32 $0x9, s30;
	s24 =	simm.s32 $0x11;
	s20 =	sadd.s32 $0x9, s0  }
.LBB2_1:
0x1c: {  	s0 =	rddreg [dreg:$0x6]  }
0x1d: {  	[tilespmem:s23], [sflag:$0x11] =	stream.linear.gather [hbm4b:s0+s26], $0x4E20, $0x38;
	[tilespmem:$0x1B960] =	vst v63  }
0x1e: {  	_ =	swait.ge [sflag:s24], $0x4E20  }
0x1f: {  	[sflag:s24] =	ssyncset.done $0x0  }
0x20: {  	s7 =	rddreg [dreg:$0x7];
	[sflag:s24] =	ssyncadd.s32 $0xFFFFB1E0  }
0x21: {  	[spmem:s7] =	stream.linear.scatter [tilespmem:s23], [sflag:$0x11], $0x4E20, $0x38;
	[tilespmem:$0x1B960] =	vst v63  }
0x22: {  	_ =	swait.ge [sflag:s24], $0x4E20  }
0x23: {  	[sflag:s24] =	ssyncset.done $0x0  }
0x24: {  	s0 =	simm.s32 @!p0 $0xCF00;
	[sflag:s24] =	ssyncadd.s32 $0xFFFFB1E0  }
0x25: {  	[spmem:s9] =	stream.linear.scatter @!p0 [tilespmem:s0], [sflag:$0x11], $0x4E20, $0x38;
	[tilespmem:$0x1B960] =	vst v63  }
0x26: {  	s0 =	simm.s32 @!p0 $0x11  }
0x27: {  	_ =	swait.ge @!p0 [sflag:s0], $0x4E20  }
0x28: {  	s6 =	simm.s32 @!p2 $0xCF00;
	[sflag:s0] =	ssyncset.done @!p0 $0x0  }
0x29: {  	s5 =	rddreg [dreg:$0x5];
	[sflag:s0] =	ssyncadd.s32 @!p0 $0xFFFFB1E0;
	s0 =	simm.s32 @!p2 $0x0  }
0x2a: {  	[tilespmem:s6], [sflag:$0x11] =	stream.linear.gather @!p2 [hbm4b:s5+s0], $0x4E20, $0x38;
	[tilespmem:$0x1B960] =	vst v63  }
0x2b: {  	s0 =	simm.s32 @!p2 $0x11  }
0x2c: {  	_ =	swait.ge @!p2 [sflag:s0], $0x4E20  }
0x2d: {  	[sflag:s0] =	ssyncset.done @!p2 $0x0  }
0x2e: {  	[sflag:s0] =	ssyncadd.s32 @!p2 $0xFFFFB1E0  }
0x2f: {  	[spmem:s9] =	stream.linear.scatter @!p2 [tilespmem:s6], [sflag:$0x11], $0x4E20, $0x38;
	[tilespmem:$0x1B960] =	vst v63  }
0x30: {  	_ =	swait.ge @!p2 [sflag:s0], $0x4E20  }
0x31: {  	[sflag:s0] =	ssyncset.done @!p2 $0x0  }
0x32: {  	s6 =	simm.s32 @p1 $0x11;
	[sflag:s0] =	ssyncadd.s32 @!p2 $0xFFFFB1E0;
	s0 =	simm.s32 @p1 $0x0  }
0x33: {  	[tilespmem:s0], [sflag:$0x11] =	stream.linear.gather @p1 [hbm4b:s10+s0], $0x2700, $0x38;
	[tilespmem:$0x1B960] =	vst v63  }
0x34: {  	_ =	swait.ge @p1 [sflag:s6], $0x2700  }
0x35: {  	[sflag:s6] =	ssyncset.done @p1 $0x0  }
0x36: {  	s7 =	simm.s32 @p1 $0x2780;
	[sflag:s6] =	ssyncadd.s32 @p1 $0xFFFFD900  }
0x37: {  	[tilespmem:s7], [sflag:$0x11] =	stream.linear.gather @p1 [hbm4b:s11+s0], $0x2700, $0x38;
	[tilespmem:$0x1B960] =	vst v63  }
0x38: {  	_ =	swait.ge @p1 [sflag:s6], $0x2700  }
0x39: {  	[sflag:s6] =	ssyncset.done @p1 $0x0  }
0x3a: {  	s0 =	simm.s32 @!p1 $0x0;
	[sflag:s6] =	ssyncadd.s32 @p1 $0xFFFFD900;
	s6 =	simm.s32 @!p1 $0x11  }
0x3b: {  	[tilespmem:s0], [sflag:$0x11] =	stream.linear.gather @!p1 [hbm4b:s10+s0], $0x2780, $0x38;
	[tilespmem:$0x1B960] =	vst v63  }
0x3c: {  	_ =	swait.ge @!p1 [sflag:s6], $0x2780  }
0x3d: {  	[sflag:s6] =	ssyncset.done @!p1 $0x0  }
0x3e: {  	s7 =	simm.s32 @!p1 $0x2780;
	[sflag:s6] =	ssyncadd.s32 @!p1 $0xFFFFD880  }
0x3f: {  	[tilespmem:s7], [sflag:$0x11] =	stream.linear.gather @!p1 [hbm4b:s11+s0], $0x2780, $0x38;
	[tilespmem:$0x1B960] =	vst v63  }
0x40: {  	_ =	swait.ge @!p1 [sflag:s6], $0x2780  }
0x41: {  	[sflag:s6] =	ssyncset.done @!p1 $0x0  }
0x42: {  	[sflag:s6] =	ssyncadd.s32 @!p1 $0xFFFFD880  }
0x43: {  	s0 =	simm.s32 $0x4F00;
	[bflag:$0x0] =	sbarrier.arrive $0xFFFF  }
0x44: {  	[tilespmem:s0], [sflag:$0x1] =	stream.indirect.gather [spmem:s2], $0x20, s26, s25, $0xb8;
	[tilespmem:$0x1B960] =	vst v63  }
0x45: {  	s8 =	simm.s32 $0x5F00  }
0x46: {  	[tilespmem:s8], [sflag:$0x2] =	stream.indirect.gather [spmem:s2], $0x20, s25, s25, $0xb8;
	[tilespmem:$0x1B960] =	vst v63  }
0x47: {  	s12 =	simm.s32 $0x100;
	s14 =	simm.s32 $0x6F00  }
0x48: {  	[tilespmem:s14], [sflag:$0x3] =	stream.indirect.gather [spmem:s2], $0x20, s12, s25, $0xb8;
	[tilespmem:$0x1B960] =	vst v63  }
0x49: {  	s28 =	simm.s32 $0x180;
	s29 =	simm.s32 $0x7F00  }
0x4a: {  	[tilespmem:s29], [sflag:$0x4] =	stream.indirect.gather [spmem:s2], $0x20, s28, s25, $0xb8;
	[tilespmem:$0x1B960] =	vst v63  }
0x4b: {  	s7 =	simm.s32 $0x200;
	s8 =	simm.s32 $0x8F00  }
0x4c: {  	[tilespmem:s8], [sflag:$0x5] =	stream.indirect.gather [spmem:s2], $0x20, s7, s25, $0xb8;
	[tilespmem:$0x1B960] =	vst v63  }
0x4d: {  	s12 =	simm.s32 $0x280;
	s14 =	simm.s32 $0x9F00  }
0x4e: {  	[tilespmem:s14], [sflag:$0x6] =	stream.indirect.gather [spmem:s2], $0x20, s12, s25, $0xb8;
	[tilespmem:$0x1B960] =	vst v63  }
0x4f: {  	s28 =	simm.s32 $0x300;
	s29 =	simm.s32 $0xAF00  }
0x50: {  	[tilespmem:s29], [sflag:$0x7] =	stream.indirect.gather [spmem:s2], $0x20, s28, s25, $0xb8;
	[tilespmem:$0x1B960] =	vst v63  }
0x51: {  	p3 =	sle.u32 s4, $0x8;
	_ =	swait.ge [sflag:s1], $0x1000  }
0x52: {  	p5 =	sne.s32 s15, $0x1;
	s6 =	simm.s32 $0x8;
	[sflag:s1] =	ssyncset.done $0x0  }
0x53: {  	s7 =	simm.s32 $0x2780;
	s14 =	simm.s32 $0x1;
	[sflag:s1] =	ssyncadd.s32 $0xFFFFF000  }
0x54: {  	[spmem:s3] =	stream.indirect.scatter.add.f32 [tilespmem:s0], [sflag:$0x9], $0x20, s7, s25, $0xb8;
	[tilespmem:$0x1B960] =	vst v63  }
0x55: {  	p4 =	por $0x0, $0x0;
	s6 =	sand.u32 @!p3 $0x7, s6;
	s0 =	sand.u32 $0x7, s14  }
0x56: {  	s8 =	simm.s32 $0x380;
	s12 =	simm.s32 $0xBF00;
	s28 =	sadd.s32 $0x1, s0  }
0x57: {  	[tilespmem:s12], [sflag:$0x8] =	stream.indirect.gather [spmem:s2], $0x20, s8, s25, $0xb8;
	[tilespmem:$0x1B960] =	vst v63  }
0x58: {  	s30 =	sadd.s32 @!p3 $0x9, s6;
	s29 =	simm.s32 $0x2800;
	_ =	swait.ge [sflag:s28], $0x1000  }
.Ltmp0:
0x59: {  	s8 =	sshll.u32 s0, $0xC;
	[sflag:s28] =	ssyncset.done $0x0;
	(pc) =	sbr.rel @!p5 .LBB2_2-.Ltmp0, $4  }
0x5a: {  	s0 =	sadd.s32 $0x9, s0;
	s8 =	sadd.s32 $0x4F00, s8;
	[sflag:s28] =	ssyncadd.s32 $0xFFFFF000  }
0x5b: {  	[spmem:s3] =	stream.indirect.scatter.add.f32 [tilespmem:s8], [sflag:s0], $0x20, s29, s25, $0xb8;
	[tilespmem:$0x1B960] =	vst v63  }
0x5c: {  	s7 =	sshll.u32 @!p3 s6, $0xC;
	s6 =	sadd.s32 @!p3 $0x1, s6;
	_ =	swait.ge @!p3 [sflag:s30], $0x1000  }
0x5d: {  	s0 =	simm.s32 $0x400;
	s8 =	sadd.s32 @!p3 $0x4F00, s7;
	[sflag:s30] =	ssyncset.done @!p3 $0x0  }
0x5e: {  	s28 =	simm.s32 $0x2  }
0x5f: {  	s29 =	simm.s32 $0x2880;
	[sflag:s30] =	ssyncadd.s32 @!p3 $0xFFFFF000;
	s30 =	simm.s32 @!p3 $0x80  }
0x60: {  	p5 =	sne.s32 s15, $0x2;
	p4 =	por $0x1, $0x1;
	s7 =	sand.u32 $0x7, s28  }
0x61: {  	[tilespmem:s8], [sflag:s6] =	stream.indirect.gather @!p3 [spmem:s2], $0x20, s0, s30, $0xb8;
	[tilespmem:$0x1B960] =	vst v63  }
0x62: {  	s6 =	simm.s32 $0x9;
	p3 =	sle.u32 s4, $0x9;
	s14 =	sadd.s32 $0x1, s7  }
0x63: {  	s12 =	sshll.u32 s7, $0xC;
	s7 =	sadd.s32 $0x9, s7;
	_ =	swait.ge [sflag:s14], $0x1000  }
.Ltmp1:
0x64: {  	s6 =	sand.u32 @!p3 $0x7, s6;
	[sflag:s14] =	ssyncset.done $0x0;
	(pc) =	sbr.rel @!p5 .LBB2_4-.Ltmp1, $4  }
0x65: {  	s26 =	sadd.s32 $0x4F00, s12;
	s30 =	sadd.s32 @!p3 $0x9, s6;
	[sflag:s14] =	ssyncadd.s32 $0xFFFFF000  }
0x66: {  	[spmem:s3] =	stream.indirect.scatter.add.f32 [tilespmem:s26], [sflag:s7], $0x20, s29, s25, $0xb8;
	[tilespmem:$0x1B960] =	vst v63  }
0x67: {  	s7 =	sshll.u32 @!p3 s6, $0xC;
	s6 =	sadd.s32 @!p3 $0x1, s6;
	_ =	swait.ge @!p3 [sflag:s30], $0x1000  }
0x68: {  	s8 =	sadd.s32 @!p3 $0x4F00, s7;
	s7 =	simm.s32 $0x400;
	[sflag:s30] =	ssyncset.done @!p3 $0x0  }
.LBB2_5:
0x69: {  	s12 =	smov.u32 s28;
	s28 =	sadd.s32 $0x1, s28  }
0x6a: {  	s29 =	sadd.s32 $0x80, s29;
	s7 =	sadd.s32 $0x80, s7;
	s14 =	sand.u32 $0x7, s28  }
0x6b: {  	[sflag:s30] =	ssyncadd.s32 @!p3 $0xFFFFF000;
	s30 =	simm.s32 @!p3 $0x80;
	s12 =	sadd.s32 $0x8, s12  }
0x6c: {  	p5 =	sne.s32 s15, s28;
	s26 =	sshll.u32 s14, $0xC;
	s5 =	sadd.s32 $0x1, s14  }
0x6d: {  	[tilespmem:s8], [sflag:s6] =	stream.indirect.gather @!p3 [spmem:s2], $0x20, s7, s30, $0xb8;
	[tilespmem:$0x1B960] =	vst v63  }
0x6e: {  	s6 =	sadd.s32 $0x9, s14;
	p3 =	sge.u32 s12, s4;
	_ =	swait.ge [sflag:s5], $0x1000  }
.Ltmp2:
0x6f: {  	s8 =	sand.u32 @!p3 $0x7, s12;
	[sflag:s5] =	ssyncset.done $0x0;
	(pc) =	sbr.rel @p5 .LBB2_5-.Ltmp2, $4  }
0x70: {  	s12 =	sadd.s32 $0x4F00, s26;
	s30 =	sadd.s32 @!p3 $0x9, s8;
	[sflag:s5] =	ssyncadd.s32 $0xFFFFF000  }
0x71: {  	[spmem:s3] =	stream.indirect.scatter.add.f32 [tilespmem:s12], [sflag:s6], $0x20, s29, s25, $0xb8;
	[tilespmem:$0x1B960] =	vst v63  }
0x72: {  	s5 =	sshll.u32 @!p3 s8, $0xC;
	s6 =	sadd.s32 @!p3 $0x1, s8;
	_ =	swait.ge @!p3 [sflag:s30], $0x1000  }
0x73: {  	s8 =	sadd.s32 @!p3 $0x4F00, s5;
	[sflag:s30] =	ssyncset.done @!p3 $0x0  }
0x74: {  	s26 =	simm.s32 $0x0  }
.LBB2_7:
0x75: {  	s5 =	sadd.s32 @p4 $0x80, s7  }
0x76: {  	[sflag:s30] =	ssyncadd.s32 @!p3 $0xFFFFF000;
	s7 =	simm.s32 @!p3 $0x80;
	s0 =	smov.u32 @p4 s5  }
0x77: {  	[tilespmem:s8], [sflag:s6] =	stream.indirect.gather @!p3 [spmem:s2], $0x20, s0, s7, $0xb8;
	[tilespmem:$0x1B960] =	vst v63  }
0x78: {  	_ =	swait.ge [sflag:s13], $0x1000  }
0x79: {  	[sflag:s13] =	ssyncset.done $0x0  }
0x7a: {  	[sflag:s13] =	ssyncadd.s32 $0xFFFFF000  }
0x7b: {  	_ =	swait.ge [sflag:s16], $0x1000  }
0x7c: {  	[sflag:s16] =	ssyncset.done $0x0  }
0x7d: {  	[sflag:s16] =	ssyncadd.s32 $0xFFFFF000  }
0x7e: {  	_ =	swait.ge [sflag:s17], $0x1000  }
0x7f: {  	[sflag:s17] =	ssyncset.done $0x0  }
0x80: {  	[sflag:s17] =	ssyncadd.s32 $0xFFFFF000  }
0x81: {  	_ =	swait.ge [sflag:s18], $0x1000  }
0x82: {  	[sflag:s18] =	ssyncset.done $0x0  }
0x83: {  	[sflag:s18] =	ssyncadd.s32 $0xFFFFF000  }
0x84: {  	_ =	swait.ge [sflag:s19], $0x1000  }
0x85: {  	[sflag:s19] =	ssyncset.done $0x0  }
0x86: {  	[sflag:s19] =	ssyncadd.s32 $0xFFFFF000  }
0x87: {  	_ =	swait.ge [sflag:s20], $0x1000  }
0x88: {  	[sflag:s20] =	ssyncset.done $0x0  }
0x89: {  	[sflag:s20] =	ssyncadd.s32 $0xFFFFF000  }
0x8a: {  	_ =	swait.ge [sflag:s21], $0x1000  }
0x8b: {  	[sflag:s21] =	ssyncset.done $0x0  }
0x8c: {  	[sflag:s21] =	ssyncadd.s32 $0xFFFFF000  }
0x8d: {  	_ =	swait.ge [sflag:s22], $0x1000  }
0x8e: {  	[sflag:s22] =	ssyncset.done $0x0  }
0x8f: {  	[sflag:s22] =	ssyncadd.s32 $0xFFFFF000  }
0x90: {  	[bflag:$0x0] =	sbarrier.arrive $0xFFFF  }
0x91: {  	[tilespmem:s23], [sflag:$0x11] =	stream.linear.gather [spmem:s9], $0x4E20, $0x38;
	[tilespmem:$0x1B960] =	vst v63  }
0x92: {  	_ =	swait.ge [sflag:s24], $0x4E20  }
0x93: {  	[sflag:s24] =	ssyncset.done $0x0  }
0x94: {  	s29 =	rddreg [dreg:$0x8];
	[sflag:s24] =	ssyncadd.s32 $0xFFFFB1E0  }
0x95: {  	[hbm4b:s29+s26] =	stream.linear.scatter [tilespmem:s23], [sflag:$0x11], $0x4E20, $0x38;
	[tilespmem:$0x1B960] =	vst v63  }
0x96: {  	_ =	swait.ge [sflag:s24], $0x4E20  }
0x97: {  	s31 =	sadd.s32 $0x1, s31;
	s30 =	rddreg [dreg:$0x9]  }
0x98: {  	p3 =	sne.s32 s31, s30  }
.Ltmp3:
0x99: {  	_ = 	snop;
	(pc) =	sbr.rel @p3 .LBB2_1-.Ltmp3, $4  }
.Ltmp4:
0x9a: {  	_ = 	snop;
	(pc) =	sbr.rel @!p3 .LBB2_8-.Ltmp4, $4  }
0x9b: {  	_ = 	snop  }
0x9c: {  	[sflag:s24] =	ssyncset.done $0x0  }
0x9d: {  	[sflag:s24] =	ssyncadd.s32 $0xFFFFB1E0  }
0x9e: {  	_ = 	snop  }
.LBB2_2:
.Ltmp5:
0x9f: {  	(pc) =	sbr.rel .LBB2_7-.Ltmp5, $2  }
0xa0: {  	_ =	sdelay $0x2  }
0xa1: {  	s7 =	simm.s32 $0x400  }
.LBB2_4:
.Ltmp6:
0xa2: {  	(pc) =	sbr.rel .LBB2_7-.Ltmp6, $2  }
0xa3: {  	_ =	sdelay $0x2  }
0xa4: {  	s7 =	simm.s32 $0x400;
	s26 =	simm.s32 $0x0  }
.LBB2_8:
0xa5: {  	_ =	sfence.sel $0x180000  }
0xa6: {  	[bflag:$0x0] =	sbarrier.arrive $0xFFFF  }
0xa7: {  	_ =	strace $0x90000050  }
0xa8: {  	s0 =	stileid.u32;
	[bflag:$0x2] =	sbarrier.arrive $0xFFFF  }
0xa9: {  	p0 =	sne.s32 s0, $0x0;
	s0 =	rddreg [dreg:$0x4]  }
0xaa: {  	s0 =	sadd.s32 @!p0 $0x100000, s0  }
0xab: {  	[sflag:s0] =	ssyncadd.tile.s32 @!p0 $0x1;
	_ =	shalt  }
.Lfunc_end2:
_tile_overlayer_lowered:
.L_overlay_start_2:
0xac: {  	(tag) =	ssettag $0x2  }
0xad: {  	s0 =	rddreg [dreg:$0x0];
	s2 =	stileid.u32  }
0xae: {  	s1 =	rddreg [dreg:$0x1];
	p0 =	sne.s32 s2, $0x0  }
0xaf: {  	s3 =	rddreg [dreg:$0x2];
	[bflag:$0x3] =	sbarrier.arrive $0xFFFF;
	s2 =	simm.s32 @!p0 $0x1C11  }
0xb0: {  	[timem:s3], [sflag:s2] =	dma.local @!p0 [hbm:s0], s1  }
0xb1: {  	s0 =	simm.s32 @!p0 $0x11  }
0xb2: {  	_ =	swait.ge @!p0 [sflag:s0], s1  }
0xb3: {  	s1 =	ssub.s32 @!p0 $0x0, s1;
	[sflag:s0] =	ssyncset.done @!p0 $0x0  }
0xb4: {  	[sflag:s0] =	ssyncadd.s32 @!p0 s1  }
0xb5: {  	[bflag:$0x3] =	sbarrier.arrive $0xFFFF  }
0xb6: {  	_ =	shalt  }

// kernel: kernel.24.cloned.1.call-start
scs
__scs_entry_jumppad:
0x0: {  	(pc) =	sbr.rel $0x88, $3  }
0x1: {  	(tag) =	ssettag $0x0;
	lr =	simm.s32 $0x1  }
0x2: {  	[smem:$0x3F97] =	sst lr;
	_ =	strace $0xD0000000  }
0x3: {  	_ = 	snop  }
0x4: {  	_ = 	snop  }
0x5: {  	_ = 	snop  }
0x6: {  	_ = 	snop  }
0x7: {  	_ = 	snop  }
__scs_overlays_trampoline_lowered:
0x8: {  	[smem:$0x3FA6] =	sst s0  }
0x9: {  	[smem:$0x3FA7] =	sst s1  }
0xa: {  	[smem:$0x3FA8] =	sst s2  }
0xb: {  	[smem:$0x3FA9] =	sst s3  }
0xc: {  	[smem:$0x3FAA] =	sst s4  }
0xd: {  	[smem:$0x3FAB] =	sst s5  }
0xe: {  	[smem:$0x3FAC] =	sst s6  }
0xf: {  	[smem:$0x3FAD] =	sst s7  }
0x10: {  	[smem:$0x3FAE] =	sst s8  }
0x11: {  	[smem:$0x3FAF] =	sst s9;
	s0 =	simm.s32 @!p0 $0x0  }
0x12: {  	s1 =	sld [smem:$0x3F95];
	s0 =	simm.s32 @p0 $0x1  }
0x13: {  	[smem:$0x3FB0] =	sst s0;
	s0 =	simm.s32 @!p1 $0x0  }
0x14: {  	s2 =	sld [smem:$0x3F94];
	s0 =	simm.s32 @p1 $0x1  }
0x15: {  	[smem:$0x3FB1] =	sst s0;
	s0 =	simm.s32 @!p2 $0x0  }
0x16: {  	s3 =	sld [smem:$0x3FDB];
	s0 =	simm.s32 @p2 $0x1  }
0x17: {  	s4 =	simm.s32 $0x1BF5;
	[smem:$0x3FB3] =	sst s0  }
0x18: {  	s0 =	sld [smem:$0x3F96];
	_ =	swait.ge [sflag:s4], $0x0  }
0x19: {  	s7 =	sld [smem:$0x3F97]  }
0x1a: {  	s8 =	sadd.s32 $0xFFFFE003, lr  }
0x1b: {  	s9 =	sadd.s32 $0xFFFFFEF7, lr;
	s5 =	simm.s32 $0xFFFFFFFF;
	p2 =	slt.u32 s8, $0xFFFFF086  }
0x1c: {  	p1 =	slt.u32 s9, $0xF7A;
	s5 =	simm.s32 @!p2 $0x0  }
0x1d: {  	s5 =	simm.s32 @p1 $0x1;
	p0 =	seq.s32 s7, s2  }
0x1e: {  	s7 =	smul.u32 @!p0 $0xF7A, s2;
	p2 =	seq.s32 @!p0 s5, $0x0  }
0x1f: {  	s9 =	smul.u32 $0xF7A, s1;
	s8 =	simm.s32 @!p0 $0x1BF5;
	p2 =	por !p2, p0  }
0x20: {  	[sflag:s8] =	ssyncset.s32 @!p0 $0xFFFFF086;
	s6 =	sadd.s32 @!p0 s3, s7;
	s7 =	simm.s32 @!p0 $0x108  }
0x21: {  	s3 =	sadd.s32 s3, s9;
	s6 =	sadd.s32 @!p0 $0x88, s6;
	s7 =	simm.s32 @p2 $0x1082  }
0x22: {  	[simem:s7], [sflag:s8] =	dma.local @!p0 [hbm:s6], $0xF7A  }
0x23: {  	s9 =	sor.u32 $0xD0000000, s2;
	s6 =	simm.s32 $0x108;
	_ =	swait.ge @!p0 [sflag:s8], $0x0  }
0x24: {  	s3 =	sadd.s32 $0x88, s3;
	s6 =	simm.s32 @!p1 $0x1082;
	[sflag:s4] =	ssyncset.s32 $0xFFFFF086  }
0x25: {  	[simem:s6], [sflag:s4] =	dma.local [hbm:s3], $0xF7A  }
0x26: {  	[smem:$0x3F97] =	sst s1;
	(tag) =	ssettag s2;
	_ =	strace s9  }
0x27: {  	s1 =	sld [smem:$0x3FA7]  }
0x28: {  	s2 =	sld [smem:$0x3FA8]  }
0x29: {  	s4 =	sld [smem:$0x3FAA]  }
0x2a: {  	p0 =	seq.s32 s5, $0x0;
	s5 =	sld [smem:$0x3FAB]  }
0x2b: {  	s6 =	sld [smem:$0x3FAC]  }
0x2c: {  	s7 =	sld [smem:$0x3FAD]  }
0x2d: {  	s3 =	simm.s32 $0x108;
	s8 =	sld [smem:$0x3FAE]  }
0x2e: {  	s3 =	simm.s32 @!p0 $0x1082;
	s9 =	sld [smem:$0x3FAF]  }
0x2f: {  	lr =	sadd.s32 s0, s3;
	s0 =	sld [smem:$0x3FA6]  }
0x30: {  	s3 =	sld [smem:$0x3FA9]  }
0x31: {  	[smem:$0x3FB2] =	sst s10  }
0x32: {  	s10 =	sld [smem:$0x3FB0];
	_ =	sdelay $0x3  }
0x33: {  	p0 =	seq.s32 s10, $0x1;
	s10 =	sld [smem:$0x3FB2];
	_ =	sdelay $0x3  }
0x34: {  	[smem:$0x3FB2] =	sst s10  }
0x35: {  	s10 =	sld [smem:$0x3FB1];
	_ =	sdelay $0x3  }
0x36: {  	p1 =	seq.s32 s10, $0x1;
	s10 =	sld [smem:$0x3FB2];
	_ =	sdelay $0x3  }
0x37: {  	[smem:$0x3FB2] =	sst s10  }
0x38: {  	s10 =	sld [smem:$0x3FB3]  }
0x39: {  	_ = 	snop;
	(pc) =	sbr.ind lr, $3  }
0x3a: {  	_ = 	snop  }
0x3b: {  	_ = 	snop  }
0x3c: {  	p2 =	seq.s32 s10, $0x1;
	s10 =	sld [smem:$0x3FB2]  }
0x3d: {  	_ =	shalt  }
0x3e: {  	_ =	shalt  }
0x3f: {  	_ =	shalt  }
0x40: {  	_ =	shalt  }
0x41: {  	_ =	shalt  }
0x42: {  	_ =	shalt  }
0x43: {  	_ =	shalt  }
0x44: {  	_ =	shalt  }
0x45: {  	_ =	shalt  }
0x46: {  	_ =	shalt  }
0x47: {  	_ =	shalt  }
0x48: {  	_ =	shalt  }
0x49: {  	_ =	shalt  }
0x4a: {  	_ =	shalt  }
0x4b: {  	_ =	shalt  }
0x4c: {  	_ =	shalt  }
0x4d: {  	_ =	shalt  }
0x4e: {  	_ =	shalt  }
0x4f: {  	_ =	shalt  }
0x50: {  	_ =	shalt  }
0x51: {  	_ =	shalt  }
0x52: {  	_ =	shalt  }
0x53: {  	_ =	shalt  }
0x54: {  	_ =	shalt  }
0x55: {  	_ =	shalt  }
0x56: {  	_ =	shalt  }
0x57: {  	_ =	shalt  }
0x58: {  	_ =	shalt  }
0x59: {  	_ =	shalt  }
0x5a: {  	_ =	shalt  }
0x5b: {  	_ =	shalt  }
0x5c: {  	_ =	shalt  }
0x5d: {  	_ =	shalt  }
0x5e: {  	_ =	shalt  }
0x5f: {  	_ =	shalt  }
0x60: {  	_ =	shalt  }
0x61: {  	_ =	shalt  }
0x62: {  	_ =	shalt  }
0x63: {  	_ =	shalt  }
0x64: {  	_ =	shalt  }
0x65: {  	_ =	shalt  }
0x66: {  	_ =	shalt  }
0x67: {  	_ =	shalt  }
0x68: {  	_ =	shalt  }
0x69: {  	_ =	shalt  }
0x6a: {  	_ =	shalt  }
0x6b: {  	_ =	shalt  }
0x6c: {  	_ =	shalt  }
0x6d: {  	_ =	shalt  }
0x6e: {  	_ =	shalt  }
0x6f: {  	_ =	shalt  }
0x70: {  	_ =	shalt  }
0x71: {  	_ =	shalt  }
0x72: {  	_ =	shalt  }
0x73: {  	_ =	shalt  }
0x74: {  	_ =	shalt  }
0x75: {  	_ =	shalt  }
0x76: {  	_ =	shalt  }
0x77: {  	_ =	shalt  }
0x78: {  	_ =	shalt  }
0x79: {  	_ =	shalt  }
0x7a: {  	_ =	shalt  }
0x7b: {  	_ =	shalt  }
0x7c: {  	_ =	shalt  }
0x7d: {  	_ =	shalt  }
0x7e: {  	_ =	shalt  }
0x7f: {  	_ =	shalt  }
0x80: {  	_ =	shalt  }
0x81: {  	_ =	shalt  }
0x82: {  	_ =	shalt  }
0x83: {  	_ =	shalt  }
0x84: {  	_ =	shalt  }
0x85: {  	_ =	shalt  }
0x86: {  	_ =	shalt  }
0x87: {  	_ =	shalt  }
.Lfunc_end0:
.L_simem_size_0:
called_computation.4_lowered:
.L_overlay_start_0:
0x88: {  	s2 =	sld [smem:$0x3FD9]  }
0x89: {  	s3 =	sld [smem:$0x3FFE];
	_ =	sdelay $0x1  }
0x8a: {  	s1 =	srdreg.scid  }
0x8b: {  	s0 =	sand.u32 $0x1, s1  }
0x8c: {  	s17 =	sshll.u32 s0, $0xA;
	s2 =	sadd.s32 s3, s2  }
0x8d: {  	s2 =	sadd.s32 s2, s17  }
0x8e: {  	[smem:$0x3FBE] =	sst s2  }
0x8f: {  	_ = 	snop  }
0x90: {  	s2 =	sld [smem:$0x3FD0];
	(tm) =	ssettm $0x1  }
0x91: {  	s18 =	sld [smem:$0x3FFB];
	_ =	sdelay $0x3  }
0x92: {  	_ =	strace s18  }
0x93: {  	s3 =	sld [smem:$0x3FFC];
	_ =	sdelay $0x3  }
0x94: {  	_ =	strace s3  }
0x95: {  	s3 =	sld [smem:$0x3FFD];
	_ =	sdelay $0x3  }
0x96: {  	_ =	strace s3  }
0x97: {  	_ =	strace $0x8FFFFFFF  }
0x98: {  	s19 =	sld [smem:$0x3FDB];
	_ =	sdelay $0x1  }
0x99: {  	s4 =	simm.s32 $_scs_section_size  }
0x9a: {  	s5 =	simm.s32 $_size__tile_overlayer_lowered;
	s6 =	simm.s32 $_tile_overlayer_lowered  }
0x9b: {  	s22 =	simm.s32 $0x1BFF;
	s21 =	sshll.u32 s6, $0x1;
	s3 =	sadd.s32 s4, s19  }
0x9c: {  	s7 =	simm.s32 $0x0;
	s20 =	sshll.u32 s5, $0x1;
	s5 =	sadd.s32 s21, s3  }
0x9d: {  	[timem:s7], [sflag:s22] =	dma.local [hbm:s5], s20  }
0x9e: {  	_ =	swait.ge [sflag:s22], s20  }
0x9f: {  	s4 =	ssub.s32 $0x0, s20;
	[sflag:s22] =	ssyncset.done $0x0  }
0xa0: {  	[sflag:s22] =	ssyncadd.s32 s4;
	_ =	sdelay $0x1  }
0xa1: {  	s23 =	simm.s32 $0x1B8B  }
0xa2: {  	_ =	swait.ge [sflag:s23], $0x1  }
0xa3: {  	[sflag:s23] =	ssyncset.done $0x0  }
0xa4: {  	s25 =	simm.s32 $0x1B8E;
	s24 =	sld [smem:$0x3FFE];
	[sflag:s23] =	ssyncadd.s32 $0xFFFFFFFF  }
0xa5: {  	s26 =	simm.s32 $execute0_lowered;
	[smem:$0x3FD2] =	sst s25  }
0xa6: {  	s5 =	sshll.u32 s26, $0x1;
	_ =	strace $0x80000052;
	[dreg:$0x1] =	wrdreg $0xFFFFFFFF  }
0xa7: {  	s28 =	simm.s32 $_size_execute0_lowered;
	s3 =	sadd.s32 s3, s5;
	[dreg:$0x0] =	wrdreg $0x0  }
0xa8: {  	s5 =	sshll.u32 s28, $0x1;
	[dreg:$0x2] =	wrdreg s3  }
0xa9: {  	[dreg:$0x3] =	wrdreg s5  }
0xaa: {  	[dreg:$0x4] =	wrdreg $0xC0  }
0xab: {  	_ =	task [dreg:s7], $0x5FFFF  }
0xac: {  	[dreg:$0x1] =	wrdreg $0xFFFFFFFF  }
0xad: {  	[dreg:$0x0] =	wrdreg $0x60  }
0xae: {  	[dreg:$0x2] =	wrdreg s24  }
0xaf: {  	[dreg:$0x3] =	wrdreg s2  }
0xb0: {  	[dreg:$0x4] =	wrdreg $0x199600  }
0xb1: {  	[dreg:$0x5] =	wrdreg $0x124300  }
0xb2: {  	[dreg:$0x6] =	wrdreg $0x172500  }
0xb3: {  	[dreg:$0x7] =	wrdreg $0x9  }
0xb4: {  	_ =	task.clear_ibuf [dreg:s7], $0x8FFFF;
	_ =	strace $0x90000052  }
0xb5: {  	s29 =	simm.s32 $0x9;
	_ =	strace $0x80000054  }
0xb6: {  	_ =	swait.ge [sflag:s29], $0x1  }
0xb7: {  	[sflag:s29] =	ssyncadd.s32 $0xFFFFFFFF  }
0xb8: {  	_ =	strace $0x90000054  }
0xb9: {  	_ =	sfence  }
0xba: {  	s30 =	sld [smem:$0x0];
	_ =	sdelay $0x2  }
0xbb: {  	s31 =	sshll.u32 s1, $0xD;
	s1 =	sshrl.u32 s1, $0x2  }
0xbc: {  	s3 =	sand.u32 $0x4000, s31;
	s1 =	sadd.s32 s1, s30  }
0xbd: {  	s0 =	sor.u32 s3, s0;
	s1 =	sshll.u32 s1, $0x11  }
0xbe: {  	s0 =	sor.u32 s1, s0  }
0xbf: {  	s0 =	sadd.s32 $0x8F2B, s0  }
0xc0: {  	[sflag:s0] =	ssyncadd.remote.s32 $0x1  }
0xc1: {  	_ =	sfence.sel $0xFFFF  }
0xc2: {  	[dreg:$0x0] =	wrdreg $0xFFFFFFFF;
	(pc) =	sbr.abs _section_cstart, $3  }
0xc3: {  	[dreg:$0x1] =	wrdreg $0xFFFFFFFF  }
0xc4: {  	_ =	task.clear_ibuf [dreg:s7], $0x2FFFF;
	_ =	strace $0x9FFFFFFF  }
0xc5: {  	(tm) =	ssettm $0x7FFFFFFF  }
tec
execute0_lowered:
.L_overlay_start_1:
0x0: {  	(tag) =	ssettag $0x1  }
0x1: {  	s0 =	rddreg [dreg:$0x0]  }
0x2: {  	s4 =	rddreg [dreg:$0x1]  }
0x3: {  	s1 =	rddreg [dreg:$0x2]  }
0x4: {  	s2 =	rddreg [dreg:$0x3]  }
0x5: {  	s3 =	rddreg [dreg:$0x4];
	s18 =	stileid.u32  }
0x6: {  	s6 =	srdreg.scid;
	s5 =	simm.s32 $0x4E;
	s7 =	smul.u32 $0x9C, s18  }
0x7: {  	p1 =	sgt.u32 s18, $0x3;
	s8 =	sand.u32 $0x1, s6;
	s31 =	smul.u32 $0x4E20, s18  }
0x8: {  	s9 =	smin.u32 s18, $0x4;
	s6 =	simm.s32 $0x0;
	s14 =	smul.u32 $0x2710, s18  }
0x9: {  	s16 =	sadd.s32 $0xCC00, s0;
	s20 =	sadd.s32 $0x11C00, s0;
	s23 =	smul.u32 $0x9C40, s18  }
0xa: {  	s5 =	simm.s32 @!p1 $0x4F;
	p0 =	seq.s32 s8, $0x1;
	s11 =	smul.u32 $0x4E200, s8  }
0xb: {  	[smem:$0x7FF] =	sst s6;
	s15 =	smul.u32 $0x27100, s8;
	s21 =	ssub.s32 $0x2, s8  }
0xc: {  	p2 =	seq.s32 s8, $0x0;
	s10 =	smov.u32 s5;
	s7 =	sadd.s32 s9, s7  }
0xd: {  	_ =	strace $0x80000053;
	s19 =	sshrl.u32 s31, $0x3;
	[dreg:$0x6] =	wrdreg s16  }
0xe: {  	[dreg:$0x7] =	wrdreg s20;
	s17 =	sshrl.u32 s21, $0x1;
	s5 =	simm.s32 @p0 $0x4E  }
0xf: {  	s24 =	sadd.s32 s31, s1;
	s25 =	sshrl.u32 s14, $0x3;
	s16 =	sshrl.u32 s23, $0x2  }
0x10: {  	p1 =	por p1, p0;
	s10 =	simm.s32 @!p0 $0x0;
	s12 =	sadd.s32 s19, s0  }
0x11: {  	s11 =	sadd.s32 s31, s11;
	s15 =	sadd.s32 s14, s15;
	s22 =	ssub.s32 s21, s17  }
0x12: {  	[dreg:$0x9] =	wrdreg s24;
	s14 =	sadd.s32 s14, s3;
	s26 =	sadd.s32 s16, s3  }
0x13: {  	s16 =	sand.u32 $0x3, s5;
	s17 =	sadd.s32 $0x1, s5;
	s21 =	sand.u32 $0x1, s5  }
0x14: {  	s24 =	sadd.s32 $0xFFFFFFFF, s5;
	s7 =	sadd.s32 s10, s7;
	s11 =	sshrl.u32 s11, $0x3  }
0x15: {  	s15 =	sshrl.u32 s15, $0x3;
	s12 =	sadd.s32 $0x12200, s12;
	[dreg:$0xb] =	wrdreg s26  }
0x16: {  	s20 =	sadd.s32 $0x9, s16;
	s18 =	sand.u32 $0x3, s17;
	s19 =	smax.u32 s22, $0x1  }
0x17: {  	s22 =	sadd.s32 $0xD, s16;
	s26 =	sadd.s32 $0x9, s21;
	s28 =	sadd.s32 $0xD, s21  }
0x18: {  	s21 =	simm.s32 $0x0;
	s10 =	sshll.u32 s7, $0x4;
	s7 =	sadd.s32 $0x1C000, s0  }
0x19: {  	s11 =	sadd.s32 s11, s0;
	[dreg:$0x8] =	wrdreg s12;
	s12 =	sadd.s32 s31, s2  }
0x1a: {  	[dreg:$0x10] =	wrdreg s19;
	s23 =	sadd.s32 $0x9, s18;
	s9 =	sadd.s32 s7, s25  }
0x1b: {  	s13 =	sadd.s32 s10, s0;
	s4 =	sadd.s32 s4, s10;
	[dreg:$0xa] =	wrdreg s9  }
0x1c: {  	s0 =	sadd.s32 s15, s0;
	s31 =	sadd.s32 $0x2E00, s13;
	[dreg:$0xd] =	wrdreg s4  }
0x1d: {  	s25 =	sadd.s32 $0xD, s18;
	s13 =	sadd.s32 $0x21000, s11;
	[dreg:$0xc] =	wrdreg s31  }
0x1e: {  	s0 =	sadd.s32 $0x34A00, s0;
	s9 =	simm.s32 $0xAF00;
	[dreg:$0xe] =	wrdreg s13  }
0x1f: {  	s4 =	simm.s32 $0x11;
	[dreg:$0xf] =	wrdreg s0;
	s31 =	sand.u32 $0x3, s24  }
0x20: {  	s0 =	simm.s32 $0x80;
	s29 =	sadd.s32 $0x9, s31;
	s30 =	sadd.s32 $0xD, s31  }
.LBB2_1:
0x21: {  	s8 =	rddreg [dreg:$0x8]  }
0x22: {  	[tilespmem:s9], [sflag:$0x11] =	stream.linear.gather [hbm4b:s8+s6], $0x4E20, $0x38;
	[tilespmem:$0x1E780] =	vst v63  }
0x23: {  	_ =	swait.ge [sflag:s4], $0x4E20  }
0x24: {  	[sflag:s4] =	ssyncset.done $0x0  }
0x25: {  	s18 =	rddreg [dreg:$0x9];
	[sflag:s4] =	ssyncadd.s32 $0xFFFFB1E0  }
0x26: {  	[spmem:s18] =	stream.linear.scatter [tilespmem:s9], [sflag:$0x11], $0x4E20, $0x38;
	[tilespmem:$0x1E780] =	vst v63  }
0x27: {  	_ =	swait.ge [sflag:s4], $0x4E20  }
0x28: {  	[sflag:s4] =	ssyncset.done $0x0  }
0x29: {  	s8 =	simm.s32 @!p0 $0xAF00;
	[sflag:s4] =	ssyncadd.s32 $0xFFFFB1E0  }
0x2a: {  	[spmem:s12] =	stream.linear.scatter @!p0 [tilespmem:s8], [sflag:$0x11], $0x4E20, $0x38;
	[tilespmem:$0x1E780] =	vst v63  }
0x2b: {  	s8 =	simm.s32 @!p0 $0x11  }
0x2c: {  	_ =	swait.ge @!p0 [sflag:s8], $0x4E20  }
0x2d: {  	s10 =	simm.s32 @!p0 $0xFD20;
	[sflag:s8] =	ssyncset.done @!p0 $0x0  }
0x2e: {  	s9 =	simm.s32 @!p0 $0x0;
	s11 =	rddreg [dreg:$0xa];
	[sflag:s8] =	ssyncadd.s32 @!p0 $0xFFFFB1E0  }
0x2f: {  	[tilespmem:s10], [sflag:$0x11] =	stream.linear.gather @!p0 [hbm4b:s11+s9], $0x2710, $0x38;
	[tilespmem:$0x1E780] =	vst v63  }
0x30: {  	_ =	swait.ge @!p0 [sflag:s8], $0x2710  }
0x31: {  	[sflag:s8] =	ssyncset.done @!p0 $0x0  }
0x32: {  	[sflag:s8] =	ssyncadd.s32 @!p0 $0xFFFFD8F0  }
0x33: {  	[spmem:s14] =	stream.linear.scatter @!p0 [tilespmem:s10], [sflag:$0x11], $0x2710, $0x38;
	[tilespmem:$0x1E780] =	vst v63  }
0x34: {  	_ =	swait.ge @!p0 [sflag:s8], $0x2710  }
0x35: {  	s9 =	simm.s32 @!p2 $0xAF00;
	[sflag:s8] =	ssyncset.done @!p0 $0x0  }
0x36: {  	s10 =	rddreg [dreg:$0x6];
	[sflag:s8] =	ssyncadd.s32 @!p0 $0xFFFFD8F0;
	s8 =	simm.s32 @!p2 $0x0  }
0x37: {  	[tilespmem:s9], [sflag:$0x11] =	stream.linear.gather @!p2 [hbm4b:s10+s8], $0x4E20, $0x38;
	[tilespmem:$0x1E780] =	vst v63  }
0x38: {  	s10 =	simm.s32 @!p2 $0x11  }
0x39: {  	_ =	swait.ge @!p2 [sflag:s10], $0x4E20  }
0x3a: {  	[sflag:s10] =	ssyncset.done @!p2 $0x0  }
0x3b: {  	[sflag:s10] =	ssyncadd.s32 @!p2 $0xFFFFB1E0  }
0x3c: {  	[spmem:s12] =	stream.linear.scatter @!p2 [tilespmem:s9], [sflag:$0x11], $0x4E20, $0x38;
	[tilespmem:$0x1E780] =	vst v63  }
0x3d: {  	_ =	swait.ge @!p2 [sflag:s10], $0x4E20  }
0x3e: {  	[sflag:s10] =	ssyncset.done @!p2 $0x0  }
0x3f: {  	s9 =	simm.s32 @!p2 $0xFD20;
	s11 =	rddreg [dreg:$0x7];
	[sflag:s10] =	ssyncadd.s32 @!p2 $0xFFFFB1E0  }
0x40: {  	[tilespmem:s9], [sflag:$0x11] =	stream.linear.gather @!p2 [hbm4b:s11+s8], $0x2710, $0x38;
	[tilespmem:$0x1E780] =	vst v63  }
0x41: {  	_ =	swait.ge @!p2 [sflag:s10], $0x2710  }
0x42: {  	[sflag:s10] =	ssyncset.done @!p2 $0x0  }
0x43: {  	s8 =	rddreg [dreg:$0xb];
	[sflag:s10] =	ssyncadd.s32 @!p2 $0xFFFFD8F0  }
0x44: {  	[spmem:s8] =	stream.linear.scatter @!p2 [tilespmem:s9], [sflag:$0x11], $0x2710, $0x38;
	[tilespmem:$0x1E780] =	vst v63  }
0x45: {  	_ =	swait.ge @!p2 [sflag:s10], $0x2710  }
0x46: {  	s8 =	simm.s32 @p1 $0x0;
	[sflag:s10] =	ssyncset.done @!p2 $0x0  }
0x47: {  	s9 =	simm.s32 @p1 $0x11;
	s11 =	rddreg [dreg:$0xc];
	[sflag:s10] =	ssyncadd.s32 @!p2 $0xFFFFD8F0  }
0x48: {  	[tilespmem:s8], [sflag:$0x11] =	stream.linear.gather @p1 [hbm4b:s11+s8], $0x2700, $0x38;
	[tilespmem:$0x1E780] =	vst v63  }
0x49: {  	_ =	swait.ge @p1 [sflag:s9], $0x2700  }
0x4a: {  	[sflag:s9] =	ssyncset.done @p1 $0x0  }
0x4b: {  	s10 =	simm.s32 @p1 $0x2780;
	s13 =	rddreg [dreg:$0xd];
	[sflag:s9] =	ssyncadd.s32 @p1 $0xFFFFD900  }
0x4c: {  	[tilespmem:s10], [sflag:$0x11] =	stream.linear.gather @p1 [hbm4b:s13+s8], $0x2700, $0x38;
	[tilespmem:$0x1E780] =	vst v63  }
0x4d: {  	_ =	swait.ge @p1 [sflag:s9], $0x2700  }
0x4e: {  	[sflag:s9] =	ssyncset.done @p1 $0x0  }
0x4f: {  	s8 =	simm.s32 @!p1 $0x0;
	[sflag:s9] =	ssyncadd.s32 @p1 $0xFFFFD900;
	s9 =	simm.s32 @!p1 $0x11  }
0x50: {  	[tilespmem:s8], [sflag:$0x11] =	stream.linear.gather @!p1 [hbm4b:s11+s8], $0x2780, $0x38;
	[tilespmem:$0x1E780] =	vst v63  }
0x51: {  	_ =	swait.ge @!p1 [sflag:s9], $0x2780  }
0x52: {  	[sflag:s9] =	ssyncset.done @!p1 $0x0  }
0x53: {  	s10 =	simm.s32 @!p1 $0x2780;
	[sflag:s9] =	ssyncadd.s32 @!p1 $0xFFFFD880  }
0x54: {  	[tilespmem:s10], [sflag:$0x11] =	stream.linear.gather @!p1 [hbm4b:s13+s8], $0x2780, $0x38;
	[tilespmem:$0x1E780] =	vst v63  }
0x55: {  	_ =	swait.ge @!p1 [sflag:s9], $0x2780  }
0x56: {  	[sflag:s9] =	ssyncset.done @!p1 $0x0  }
0x57: {  	[sflag:s9] =	ssyncadd.s32 @!p1 $0xFFFFD880  }
0x58: {  	s19 =	simm.s32 $0x4F00;
	[bflag:$0x0] =	sbarrier.arrive $0xFFFF  }
0x59: {  	[tilespmem:s19], [sflag:$0x1] =	stream.indirect.gather [spmem:s1], $0x20, s6, s0, $0xb8;
	[tilespmem:$0x1E780] =	vst v63  }
0x5a: {  	s9 =	simm.s32 $0x8F00  }
0x5b: {  	[tilespmem:s9], [sflag:$0x5] =	stream.indirect.gather [hbm4b:s7+s0], $0x10, s6, s0, $0xb8;
	[tilespmem:$0x1E780] =	vst v63  }
0x5c: {  	s11 =	simm.s32 $0x5F00  }
0x5d: {  	[tilespmem:s11], [sflag:$0x2] =	stream.indirect.gather [spmem:s1], $0x20, s0, s0, $0xb8;
	[tilespmem:$0x1E780] =	vst v63  }
0x5e: {  	s13 =	simm.s32 $0x9700  }
0x5f: {  	[tilespmem:s13], [sflag:$0x6] =	stream.indirect.gather [hbm4b:s7+s0], $0x10, s0, s0, $0xb8;
	[tilespmem:$0x1E780] =	vst v63  }
0x60: {  	s31 =	smov.u32 s14;
	s15 =	simm.s32 $0x6F00;
	s14 =	simm.s32 $0x100  }
0x61: {  	[tilespmem:s15], [sflag:$0x3] =	stream.indirect.gather [spmem:s1], $0x20, s14, s0, $0xb8;
	[tilespmem:$0x1E780] =	vst v63  }
0x62: {  	s16 =	simm.s32 $0x9F00;
	s17 =	simm.s32 $0x1  }
0x63: {  	[tilespmem:s16], [sflag:$0x7] =	stream.indirect.gather [hbm4b:s7+s0], $0x10, s14, s0, $0xb8;
	[tilespmem:$0x1E780] =	vst v63  }
0x64: {  	_ =	swait.ge [sflag:s17], $0x1000  }
0x65: {  	[sflag:s17] =	ssyncset.done $0x0  }
0x66: {  	s18 =	simm.s32 $0x2780;
	[sflag:s17] =	ssyncadd.s32 $0xFFFFF000  }
0x67: {  	[spmem:s2] =	stream.indirect.scatter.add.f32 [tilespmem:s19], [sflag:$0x9], $0x20, s18, s0, $0xb8;
	[tilespmem:$0x1E780] =	vst v63  }
0x68: {  	s19 =	simm.s32 $0x5  }
0x69: {  	_ =	swait.ge [sflag:s19], $0x800  }
0x6a: {  	[sflag:s19] =	ssyncset.done $0x0  }
0x6b: {  	s8 =	simm.s32 $0x1;
	[sflag:s19] =	ssyncadd.s32 $0xFFFFF800  }
0x6c: {  	[spmem:s3] =	stream.indirect.scatter.add.f32 [tilespmem:s9], [sflag:$0xD], $0x10, s18, s0, $0xb8;
	[tilespmem:$0x1E780] =	vst v63  }
0x6d: {  	s10 =	simm.s32 $0x180;
	s11 =	simm.s32 $0x7F00;
	s14 =	sand.u32 $0x3, s8  }
0x6e: {  	[tilespmem:s11], [sflag:$0x4] =	stream.indirect.gather [spmem:s1], $0x20, s10, s0, $0xb8;
	[tilespmem:$0x1E780] =	vst v63  }
0x6f: {  	s13 =	simm.s32 $0xA700;
	s16 =	sadd.s32 $0x1, s14  }
0x70: {  	[tilespmem:s13], [sflag:$0x8] =	stream.indirect.gather [hbm4b:s7+s0], $0x10, s10, s0, $0xb8;
	[tilespmem:$0x1E780] =	vst v63  }
0x71: {  	p3 =	sle.u32 s5, $0x4;
	s15 =	sadd.s32 $0x5, s14;
	_ =	swait.ge [sflag:s16], $0x1000  }
0x72: {  	s17 =	sshll.u32 s14, $0xC;
	s9 =	simm.s32 $0x2800;
	[sflag:s16] =	ssyncset.done $0x0  }
0x73: {  	s18 =	sadd.s32 $0x9, s14;
	s13 =	sor.u32 $0x4F00, s17;
	[sflag:s16] =	ssyncadd.s32 $0xFFFFF000  }
0x74: {  	[spmem:s2] =	stream.indirect.scatter.add.f32 [tilespmem:s13], [sflag:s18], $0x20, s9, s0, $0xb8;
	[tilespmem:$0x1E780] =	vst v63  }
0x75: {  	p4 =	sne.s32 s24, $0x1;
	s19 =	sshll.u32 s14, $0xB;
	_ =	swait.ge [sflag:s15], $0x800  }
0x76: {  	s11 =	sadd.s32 $0x8F00, s19;
	s13 =	simm.s32 $0x4;
	[sflag:s15] =	ssyncset.done $0x0  }
0x77: {  	s10 =	sadd.s32 $0xD, s14;
	s14 =	sand.u32 @!p3 $0x3, s13;
	[sflag:s15] =	ssyncadd.s32 $0xFFFFF800  }
0x78: {  	[spmem:s3] =	stream.indirect.scatter.add.f32 [tilespmem:s11], [sflag:s10], $0x10, s9, s0, $0xb8;
	[tilespmem:$0x1E780] =	vst v63  }
.Ltmp0:
0x79: {  	s11 =	sadd.s32 @!p3 $0x9, s14;
	(pc) =	sbr.rel @!p4 .LBB2_3-.Ltmp0, $4  }
0x7a: {  	s13 =	sadd.s32 @!p3 $0x1, s14;
	s19 =	sshll.u32 @!p3 s14, $0xB;
	_ =	swait.ge @!p3 [sflag:s11], $0x1000  }
0x7b: {  	s15 =	sshll.u32 @!p3 s14, $0xC;
	s19 =	sadd.s32 @!p3 $0x8F00, s19;
	[sflag:s11] =	ssyncset.done @!p3 $0x0  }
0x7c: {  	s18 =	sor.u32 @!p3 $0x4F00, s15;
	s15 =	sadd.s32 @!p3 $0xD, s14;
	[sflag:s11] =	ssyncadd.s32 @!p3 $0xFFFFF000  }
0x7d: {  	s10 =	simm.s32 $0x200;
	s11 =	sadd.s32 @!p3 $0x5, s14;
	_ =	swait.ge @!p3 [sflag:s15], $0x800  }
.LBB2_2:
0x7e: {  	[sflag:s15] =	ssyncset.done @!p3 $0x0;
	s14 =	smov.u32 s8;
	s8 =	sadd.s32 $0x1, s8  }
0x7f: {  	s16 =	sand.u32 $0x3, s8;
	[sflag:s15] =	ssyncadd.s32 @!p3 $0xFFFFF800;
	s15 =	simm.s32 @!p3 $0x80  }
0x80: {  	[tilespmem:s18], [sflag:s13] =	stream.indirect.gather @!p3 [spmem:s1], $0x20, s10, s15, $0xb8;
	[tilespmem:$0x1E780] =	vst v63  }
0x81: {  	s13 =	sshll.u32 s16, $0xC;
	s18 =	sadd.s32 $0x1, s16;
	s17 =	sshll.u32 s16, $0xB  }
0x82: {  	[tilespmem:s19], [sflag:s11] =	stream.indirect.gather @!p3 [hbm4b:s7+s15], $0x10, s10, s15, $0xb8;
	[tilespmem:$0x1E780] =	vst v63  }
0x83: {  	s9 =	sadd.s32 $0x80, s9;
	p4 =	sne.s32 s24, s8;
	_ =	swait.ge [sflag:s18], $0x1000  }
0x84: {  	s11 =	sadd.s32 $0x5, s16;
	[sflag:s18] =	ssyncset.done $0x0  }
0x85: {  	s13 =	sor.u32 $0x4F00, s13;
	s15 =	sadd.s32 $0x9, s16;
	[sflag:s18] =	ssyncadd.s32 $0xFFFFF000  }
0x86: {  	[spmem:s2] =	stream.indirect.scatter.add.f32 [tilespmem:s13], [sflag:s15], $0x20, s9, s0, $0xb8;
	[tilespmem:$0x1E780] =	vst v63  }
0x87: {  	s13 =	sadd.s32 $0x4, s14  }
0x88: {  	_ =	swait.ge [sflag:s11], $0x800;
	p3 =	sge.u32 s13, s5  }
0x89: {  	s14 =	sadd.s32 $0xD, s16;
	[sflag:s11] =	ssyncset.done $0x0;
	s16 =	sand.u32 @!p3 $0x3, s13  }
0x8a: {  	s15 =	sadd.s32 $0x8F00, s17;
	[sflag:s11] =	ssyncadd.s32 $0xFFFFF800;
	s11 =	sshll.u32 @!p3 s16, $0xC  }
0x8b: {  	[spmem:s3] =	stream.indirect.scatter.add.f32 [tilespmem:s15], [sflag:s14], $0x10, s9, s0, $0xb8;
	[tilespmem:$0x1E780] =	vst v63  }
.Ltmp1:
0x8c: {  	s13 =	sadd.s32 @!p3 $0x1, s16;
	s14 =	sadd.s32 @!p3 $0x9, s16;
	(pc) =	sbr.rel @p4 .LBB2_2-.Ltmp1, $4  }
0x8d: {  	s18 =	sor.u32 @!p3 $0x4F00, s11;
	s11 =	sshll.u32 @!p3 s16, $0xB;
	_ =	swait.ge @!p3 [sflag:s14], $0x1000  }
0x8e: {  	s19 =	sadd.s32 @!p3 $0x8F00, s11;
	s11 =	sadd.s32 @!p3 $0x5, s16;
	[sflag:s14] =	ssyncset.done @!p3 $0x0  }
0x8f: {  	s10 =	sadd.s32 $0x80, s10;
	s15 =	sadd.s32 @!p3 $0xD, s16;
	[sflag:s14] =	ssyncadd.s32 @!p3 $0xFFFFF000  }
0x90: {  	_ =	swait.ge @!p3 [sflag:s15], $0x800  }
.LBB2_3:
0x91: {  	[sflag:s15] =	ssyncset.done @!p3 $0x0  }
0x92: {  	s8 =	simm.s32 @!p3 $0x80;
	[sflag:s15] =	ssyncadd.s32 @!p3 $0xFFFFF800  }
0x93: {  	[tilespmem:s18], [sflag:s13] =	stream.indirect.gather @!p3 [spmem:s1], $0x20, s10, s8, $0xb8;
	[tilespmem:$0x1E780] =	vst v63  }
0x94: {  	_ = 	snop  }
0x95: {  	[tilespmem:s19], [sflag:s11] =	stream.indirect.gather @!p3 [hbm4b:s7+s8], $0x10, s10, s8, $0xb8;
	[tilespmem:$0x1E780] =	vst v63  }
0x96: {  	_ =	swait.ge [sflag:s20], $0x1000  }
0x97: {  	[sflag:s20] =	ssyncset.done $0x0  }
0x98: {  	[sflag:s20] =	ssyncadd.s32 $0xFFFFF000  }
0x99: {  	_ =	swait.ge [sflag:s22], $0x800  }
0x9a: {  	[sflag:s22] =	ssyncset.done $0x0  }
0x9b: {  	[sflag:s22] =	ssyncadd.s32 $0xFFFFF800  }
0x9c: {  	_ =	swait.ge [sflag:s23], $0x1000  }
0x9d: {  	[sflag:s23] =	ssyncset.done $0x0  }
0x9e: {  	[sflag:s23] =	ssyncadd.s32 $0xFFFFF000  }
0x9f: {  	_ =	swait.ge [sflag:s25], $0x800  }
0xa0: {  	[sflag:s25] =	ssyncset.done $0x0  }
0xa1: {  	[sflag:s25] =	ssyncadd.s32 $0xFFFFF800  }
0xa2: {  	_ =	swait.ge [sflag:s26], $0x1000  }
0xa3: {  	[sflag:s26] =	ssyncset.done $0x0  }
0xa4: {  	[sflag:s26] =	ssyncadd.s32 $0xFFFFF000  }
0xa5: {  	_ =	swait.ge [sflag:s28], $0x800  }
0xa6: {  	[sflag:s28] =	ssyncset.done $0x0  }
0xa7: {  	[sflag:s28] =	ssyncadd.s32 $0xFFFFF800  }
0xa8: {  	_ =	swait.ge [sflag:s29], $0x1000  }
0xa9: {  	[sflag:s29] =	ssyncset.done $0x0  }
0xaa: {  	[sflag:s29] =	ssyncadd.s32 $0xFFFFF000  }
0xab: {  	_ =	swait.ge [sflag:s30], $0x800  }
0xac: {  	[sflag:s30] =	ssyncset.done $0x0  }
0xad: {  	[sflag:s30] =	ssyncadd.s32 $0xFFFFF800  }
0xae: {  	s9 =	simm.s32 $0xAF00;
	[bflag:$0x0] =	sbarrier.arrive $0xFFFF  }
0xaf: {  	[tilespmem:s9], [sflag:$0x11] =	stream.linear.gather [spmem:s12], $0x4E20, $0x38;
	[tilespmem:$0x1E780] =	vst v63  }
0xb0: {  	_ =	swait.ge [sflag:s4], $0x4E20  }
0xb1: {  	[sflag:s4] =	ssyncset.done $0x0  }
0xb2: {  	s17 =	rddreg [dreg:$0xe];
	[sflag:s4] =	ssyncadd.s32 $0xFFFFB1E0  }
0xb3: {  	[hbm4b:s17+s6] =	stream.linear.scatter [tilespmem:s9], [sflag:$0x11], $0x4E20, $0x38;
	[tilespmem:$0x1E780] =	vst v63  }
0xb4: {  	_ =	swait.ge [sflag:s4], $0x4E20  }
0xb5: {  	[sflag:s4] =	ssyncset.done $0x0  }
0xb6: {  	s18 =	simm.s32 $0xFD20;
	[sflag:s4] =	ssyncadd.s32 $0xFFFFB1E0  }
0xb7: {  	[tilespmem:s18], [sflag:$0x11] =	stream.linear.gather [spmem:s31], $0x2710, $0x38;
	[tilespmem:$0x1E780] =	vst v63  }
0xb8: {  	_ =	swait.ge [sflag:s4], $0x2710  }
0xb9: {  	[sflag:s4] =	ssyncset.done $0x0  }
0xba: {  	s19 =	rddreg [dreg:$0xf];
	[sflag:s4] =	ssyncadd.s32 $0xFFFFD8F0  }
0xbb: {  	[hbm4b:s19+s6] =	stream.linear.scatter [tilespmem:s18], [sflag:$0x11], $0x2710, $0x38;
	[tilespmem:$0x1E780] =	vst v63  }
0xbc: {  	_ =	swait.ge [sflag:s4], $0x2710  }
0xbd: {  	s14 =	smov.u32 s31;
	s21 =	sadd.s32 $0x1, s21;
	s31 =	rddreg [dreg:$0x10]  }
0xbe: {  	p3 =	sne.s32 s21, s31  }
.Ltmp2:
0xbf: {  	_ = 	snop;
	(pc) =	sbr.rel @p3 .LBB2_1-.Ltmp2, $3  }
0xc0: {  	_ =	sdelay $0x1  }
0xc1: {  	[sflag:s4] =	ssyncset.done $0x0  }
0xc2: {  	[sflag:s4] =	ssyncadd.s32 $0xFFFFD8F0  }
0xc3: {  	_ =	sfence.sel $0x180000  }
0xc4: {  	[bflag:$0x0] =	sbarrier.arrive $0xFFFF  }
0xc5: {  	_ =	strace $0x90000053  }
0xc6: {  	s0 =	stileid.u32;
	[bflag:$0x2] =	sbarrier.arrive $0xFFFF  }
0xc7: {  	p0 =	sne.s32 s0, $0x0;
	s0 =	rddreg [dreg:$0x5]  }
0xc8: {  	s0 =	sadd.s32 @!p0 $0x100000, s0  }
0xc9: {  	[sflag:s0] =	ssyncadd.tile.s32 @!p0 $0x1;
	_ =	shalt  }
.Lfunc_end2:
_tile_overlayer_lowered:
.L_overlay_start_2:
0xca: {  	(tag) =	ssettag $0x2  }
0xcb: {  	s0 =	rddreg [dreg:$0x0];
	s2 =	stileid.u32  }
0xcc: {  	s1 =	rddreg [dreg:$0x1];
	p0 =	sne.s32 s2, $0x0  }
0xcd: {  	s3 =	rddreg [dreg:$0x2];
	[bflag:$0x3] =	sbarrier.arrive $0xFFFF;
	s2 =	simm.s32 @!p0 $0x1C11  }
0xce: {  	[timem:s3], [sflag:s2] =	dma.local @!p0 [hbm:s0], s1  }
0xcf: {  	s0 =	simm.s32 @!p0 $0x11  }
0xd0: {  	_ =	swait.ge @!p0 [sflag:s0], s1  }
0xd1: {  	s1 =	ssub.s32 @!p0 $0x0, s1;
	[sflag:s0] =	ssyncset.done @!p0 $0x0  }
0xd2: {  	[sflag:s0] =	ssyncadd.s32 @!p0 s1  }
0xd3: {  	[bflag:$0x3] =	sbarrier.arrive $0xFFFF  }
0xd4: {  	_ =	shalt  }

</sc_bundles>
